<compile_context>
chip_gen: v7x
topology: tpu7x:2x2x1
jax: 0.10.2.dev20260603
libtpu: 0.0.44.dev20260713+nightly
codegen_flags: <defaults>
</compile_context>

<pallas_src>
import functools

import jax
import jax.numpy as jnp
from jax import lax
from jax.experimental import pallas as pl
from jax.experimental.pallas import tpu as pltpu
from jax.experimental.pallas import tpu_sc as plsc

_R = 64
_K = 32
_L = 16
_NC = 2
_NS = 16
_NW = _NC * _NS


def _mm_body_dual(x_ref, w_ref, full_ref, chunk_ref):
    acts = jnp.dot(x_ref[...], w_ref[...].T,
                   preferred_element_type=jnp.float32)
    full_ref[...] = acts
    chunk_ref[...] = acts


def _mm_body_dual_alias(acts_prev_ref, x_ref, w_ref, full_ref, chunk_ref):
    del acts_prev_ref
    _mm_body_dual(x_ref, w_ref, full_ref, chunk_ref)


def _matmul_chunk(x2, w, acts_prev, row_start, chunk_rows, block_rows):
    n, d = x2.shape
    blocks_per_chunk = chunk_rows // block_rows
    base = row_start // block_rows
    out_shape = (
        jax.ShapeDtypeStruct((n, _R), jnp.float32),
        jax.ShapeDtypeStruct((chunk_rows, _R), jnp.float32),
    )
    out_specs = (
        pl.BlockSpec((block_rows, _R), lambda i: (i + base, 0)),
        pl.BlockSpec((block_rows, _R), lambda i: (i, 0)),
    )
    in_specs = [
        pl.BlockSpec((block_rows, d), lambda i: (i + base, 0)),
        pl.BlockSpec((_R, d), lambda i: (0, 0)),
    ]
    if acts_prev is None:
        return pl.pallas_call(
            _mm_body_dual,
            grid=(blocks_per_chunk,),
            in_specs=in_specs,
            out_specs=out_specs,
            out_shape=out_shape,
        )(x2, w)
    return pl.pallas_call(
        _mm_body_dual_alias,
        grid=(blocks_per_chunk,),
        in_specs=[pl.BlockSpec(memory_space=pl.ANY)] + in_specs,
        out_specs=out_specs,
        out_shape=out_shape,
        input_output_aliases={0: 0},
    )(acts_prev, x2, w)



def _merge16(ka, va, kb, vb):
    rkb = lax.rev(kb, (0,))
    rvb = lax.rev(vb, (0,))
    m = ka >= rkb
    hk = jnp.where(m, ka, rkb)
    hv = jnp.where(m, va, rvb)
    lk = jnp.where(m, rkb, ka)
    lv = jnp.where(m, rvb, va)
    hk, hv = plsc.sort_key_val(hk, hv, descending=True)
    lk, lv = plsc.sort_key_val(lk, lv, descending=True)
    return hk, hv, lk, lv


def _topk_row(k0, k1, k2, k3, iota):
    qs = []
    for q, kq in enumerate((k0, k1, k2, k3)):
        sk, sv = plsc.sort_key_val(kq, iota + (q * _L), descending=True)
        qs.append((sk, sv))
    ahk, ahv, alk, alv = _merge16(qs[0][0], qs[0][1], qs[1][0], qs[1][1])
    bhk, bhv, blk, blv = _merge16(qs[2][0], qs[2][1], qs[3][0], qs[3][1])
    rb0 = lax.rev(blk, (0,))
    rv0 = lax.rev(blv, (0,))
    rb1 = lax.rev(bhk, (0,))
    rv1 = lax.rev(bhv, (0,))
    m0 = ahk >= rb0
    h0k = jnp.where(m0, ahk, rb0)
    h0v = jnp.where(m0, ahv, rv0)
    m1 = alk >= rb1
    h1k = jnp.where(m1, alk, rb1)
    h1v = jnp.where(m1, alv, rv1)
    mm = h0k >= h1k
    hhk = jnp.where(mm, h0k, h1k)
    hhv = jnp.where(mm, h0v, h1v)
    hlk = jnp.where(mm, h1k, h0k)
    hlv = jnp.where(mm, h1v, h0v)
    hhk, hhv = plsc.sort_key_val(hhk, hhv, descending=True)
    hlk, hlv = plsc.sort_key_val(hlk, hlv, descending=True)
    return hhk, hhv, hlk, hlv


def _topk_body(acts_hbm, idx_hbm, val_hbm, acts_v, idx_v, val_v,
               rows_w, out_col0):
    wid = lax.axis_index("s") * _NC + lax.axis_index("c")
    pltpu.sync_copy(acts_hbm.at[pl.ds(wid * rows_w, rows_w)], acts_v)
    iota = lax.broadcasted_iota(jnp.int32, (_L,), 0)

    def body2(r):
        k0 = acts_v[r, pl.ds(0, _L)]
        k1 = acts_v[r, pl.ds(_L, _L)]
        k2 = acts_v[r, pl.ds(2 * _L, _L)]
        k3 = acts_v[r, pl.ds(3 * _L, _L)]
        hhk, hhv, hlk, hlv = _topk_row(k0, k1, k2, k3, iota)
        rcol = jnp.zeros((_L,), jnp.int32) + r
        plsc.store_scatter(val_v, [iota, rcol], hhk)
        plsc.store_scatter(val_v, [iota + _L, rcol], hlk)
        plsc.store_scatter(idx_v, [iota, rcol], hhv)
        plsc.store_scatter(idx_v, [iota + _L, rcol], hlv)

    plsc.parallel_loop(0, rows_w, 1, unroll=4, carry=None)(body2)
    col = out_col0 + wid * rows_w
    pltpu.sync_copy(idx_v, idx_hbm.at[:, pl.ds(col, rows_w)])
    pltpu.sync_copy(val_v, val_hbm.at[:, pl.ds(col, rows_w)])
    return wid


def _sc_topk_chunk(acts, idx_ref, val_ref, col0):
    n_rows = acts.shape[0]
    rows_w = n_rows // _NW
    mesh = plsc.VectorSubcoreMesh(core_axis_name="c", subcore_axis_name="s",
                                  num_cores=_NC, num_subcores=_NS)

    @functools.partial(
        pl.kernel,
        out_type=(),
        mesh=mesh,
        scratch_types=[
            pltpu.VMEM((rows_w, _R), jnp.float32),
            pltpu.VMEM((_K, rows_w), jnp.int32),
            pltpu.VMEM((_K, rows_w), jnp.float32),
        ],
        compiler_params=pltpu.CompilerParams(needs_layout_passes=False),
    )
    def k(acts_hbm, idx_hbm, val_hbm, acts_v, idx_v, val_v):
        _topk_body(acts_hbm, idx_hbm, val_hbm, acts_v, idx_v, val_v,
                   rows_w, col0)

    return k(acts, idx_ref, val_ref)



_CHUNK_ROWS = (4096, 4096, 4096, 4096)
_BLOCK_ROWS = 1024


@jax.jit
def kernel(x, W_A):
    b, s, d = x.shape
    n = b * s
    x2 = x.reshape(n, d)
    idx_ref = jax.new_ref(jnp.zeros((_K, n), jnp.int32))
    val_ref = jax.new_ref(jnp.zeros((_K, n), jnp.float32))
    acts = None
    row = 0
    for chunk in _CHUNK_ROWS:
        acts, acts_c = _matmul_chunk(x2, W_A, acts, row, chunk, _BLOCK_ROWS)
        _sc_topk_chunk(acts_c, idx_ref, val_ref, row)
        row += chunk
    idx_t = jax.freeze(idx_ref)
    val_t = jax.freeze(val_ref)
    return idx_t.T, val_t.T, acts.reshape(b, s, _R)

# --- scband reference (transcript-rebuilt; emitter-appended) ---
"""Pipeline reference for scband-lo-rato-saewrapper-72679436583595 (READ-ONLY COPY).

The authoritative reference and input builder live on the scoring server;
editing this copy changes nothing except your own understanding.
"""

import jax, jax.numpy as jnp
import numpy as np

K = 32
R = 64
D_MODEL = 4096

def setup_inputs(seed: int = 0) -> dict:
    key = jax.random.key(seed)
    k1, k2 = jax.random.split(key)
    x = jax.random.normal(k1, (4, 4096, D_MODEL), dtype=jnp.float32)
    # lora_A weight of nn.Linear(d_model, r): shape [r, d_model], no bias (standard LoRA)
    W_A = jax.random.normal(k2, (R, D_MODEL), dtype=jnp.float32) * 0.02
    return {"x": x, "W_A": W_A}

def reference(x, W_A):
    # encode: low_rank_acts = lora_A(x)  -> [B, S, r]
    low_rank_acts = jnp.einsum('bsd,rd->bsr', x, W_A)
    B, S, _ = x.shape
    flat = low_rank_acts.reshape(B * S, -1)
    kk = min(K, R)
    topk_values, topk_indices = jax.lax.top_k(flat, kk)
    # raw_activations = lora_A(x) (recomputed in the torch module)
    raw_activations = jnp.einsum('bsd,rd->bsr', x, W_A)
    return (topk_indices, topk_values, raw_activations)

if __name__ == "__main__":
    import jax
    _d = setup_inputs()
    print(jax.jit(kernel)(*tuple(_d.values())))

</pallas_src>

<mosaic_0001>
#map = affine_map<(d0, d1) -> (0, 0)>
module attributes {stable_mosaic.version = 14 : i64} {
  func.func @new_body(%arg0: i32, %arg1: i32, %arg2: memref<4096x64xf32, #tpu.memory_space<hbm>>, %arg3: memref<32x16384xi32, #tpu.memory_space<hbm>>, %arg4: memref<32x16384xf32, #tpu.memory_space<hbm>>, %arg5: memref<32x16384xi32, #tpu.memory_space<hbm>>, %arg6: memref<32x16384xf32, #tpu.memory_space<hbm>>, %arg7: memref<128x64xf32, #tpu.memory_space<vmem>>, %arg8: memref<32x128xi32, #tpu.memory_space<vmem>>, %arg9: memref<32x128xf32, #tpu.memory_space<vmem>>) attributes {dimension_semantics = [#tpu.dimension_semantics<core_parallel>, #tpu.dimension_semantics<subcore_parallel>], iteration_bounds = array<i64: 2, 16>, scalar_prefetch = 0 : i64, scratch_operands = 3 : i64, tpu.core_type = #tpu.core_type<sc_vector_subcore>, window_params = [{transform_indices = #map}, {transform_indices = #map}, {transform_indices = #map}, {transform_indices = #map}, {transform_indices = #map}]} {
    %mul3A = arith.constant 2 : i32
    %mul3A_0 = arith.muli %arg1, %mul3A : i32
    %add3A = arith.addi %mul3A_0, %arg0 : i32
    %mul3A_1 = arith.constant 128 : i32
    %mul3A_2 = arith.muli %add3A, %mul3A_1 : i32
    "tpu.region"() ({
      %run_scoped3A = tpu.sem_alloc : memref<!tpu.dma_semaphore, #tpu.memory_space<semaphore_mem>>
      %dma_start3A = arith.constant 0 : i32
      %dma_start3A_9 = tpu.memref_slice %arg2[%mul3A_2, %dma_start3A] : memref<4096x64xf32, #tpu.memory_space<hbm>> -> memref<128x64xf32, #tpu.memory_space<hbm>>
      %dma_start3A_10 = arith.constant 0 : i32
      %dma_start3A_11 = tpu.memref_slice %arg2[%mul3A_2, %dma_start3A_10] : memref<4096x64xf32, #tpu.memory_space<hbm>> -> memref<128x64xf32, #tpu.memory_space<hbm>>
      tpu.enqueue_dma source(%dma_start3A_11 : memref<128x64xf32, #tpu.memory_space<hbm>>) target(%arg7 : memref<128x64xf32, #tpu.memory_space<vmem>>) target_semaphore(%run_scoped3A : memref<!tpu.dma_semaphore, #tpu.memory_space<semaphore_mem>>)
      %dma_wait3A = arith.constant 0 : i32
      %dma_wait3A_12 = tpu.memref_slice %arg2[%mul3A_2, %dma_wait3A] : memref<4096x64xf32, #tpu.memory_space<hbm>> -> memref<128x64xf32, #tpu.memory_space<hbm>>
      %dma_wait3A_13 = arith.constant 0 : i32
      %dma_wait3A_14 = tpu.memref_slice %arg2[%mul3A_2, %dma_wait3A_13] : memref<4096x64xf32, #tpu.memory_space<hbm>> -> memref<128x64xf32, #tpu.memory_space<hbm>>
      tpu.wait_dma2 semaphore(%run_scoped3A : memref<!tpu.dma_semaphore, #tpu.memory_space<semaphore_mem>>) src(%dma_wait3A_14 : memref<128x64xf32, #tpu.memory_space<hbm>>) dst(%arg7 : memref<128x64xf32, #tpu.memory_space<vmem>>)
      tpu.yield
    }) : () -> ()
    %iota3A = tpu.iota {dimensions = array<i32: 0>} : vector<16xi32>
    %parallel_loop3A = arith.constant 0 : i32
    %parallel_loop3A_3 = arith.constant 128 : i32
    %parallel_loop3A_4 = arith.constant 1 : i32
    scf.for %parallel_loop3A_9 = %parallel_loop3A to %parallel_loop3A_3 step %parallel_loop3A_4  : i32 {
      %parallel_loop3A_10 = arith.index_cast %parallel_loop3A_9 : i32 to index
      %parallel_loop3A_11 = arith.constant 0 : index
      %parallel_loop3A_12 = tpu.vector_load %arg7[%parallel_loop3A_10, %parallel_loop3A_11] {strides = array<i32>} : memref<128x64xf32, #tpu.memory_space<vmem>>, vector<16xf32>,
      %parallel_loop3A_13 = arith.index_cast %parallel_loop3A_9 : i32 to index
      %parallel_loop3A_14 = arith.constant 16 : index
      %parallel_loop3A_15 = tpu.vector_load %arg7[%parallel_loop3A_13, %parallel_loop3A_14] {strides = array<i32>} : memref<128x64xf32, #tpu.memory_space<vmem>>, vector<16xf32>,
      %parallel_loop3A_16 = arith.index_cast %parallel_loop3A_9 : i32 to index
      %parallel_loop3A_17 = arith.constant 32 : index
      %parallel_loop3A_18 = tpu.vector_load %arg7[%parallel_loop3A_16, %parallel_loop3A_17] {strides = array<i32>} : memref<128x64xf32, #tpu.memory_space<vmem>>, vector<16xf32>,
      %parallel_loop3A_19 = arith.index_cast %parallel_loop3A_9 : i32 to index
      %parallel_loop3A_20 = arith.constant 48 : index
      %parallel_loop3A_21 = tpu.vector_load %arg7[%parallel_loop3A_19, %parallel_loop3A_20] {strides = array<i32>} : memref<128x64xf32, #tpu.memory_space<vmem>>, vector<16xf32>,
      %parallel_loop3A_22 = arith.constant 0 : i32
      %parallel_loop3A_23 = vector.broadcast %parallel_loop3A_22 : i32 to vector<16xi32>
      %parallel_loop3A_24 = arith.addi %iota3A, %parallel_loop3A_23 : vector<16xi32>
      %parallel_loop3A_25 = arith.constant dense<true> : vector<16xi1>
      %parallel_loop3A_26, %parallel_loop3A_27, %parallel_loop3A_28 = tpu.sort %parallel_loop3A_12, %parallel_loop3A_24 masked %parallel_loop3A_25 {descending = true} : (vector<16xf32>, vector<16xi32>, vector<16xi1>) -> (vector<16xi1>, vector<16xf32>, vector<16xi32>)
      %parallel_loop3A_29 = arith.constant 16 : i32
      %parallel_loop3A_30 = vector.broadcast %parallel_loop3A_29 : i32 to vector<16xi32>
      %parallel_loop3A_31 = arith.addi %iota3A, %parallel_loop3A_30 : vector<16xi32>
      %parallel_loop3A_32 = arith.constant dense<true> : vector<16xi1>
      %parallel_loop3A_33, %parallel_loop3A_34, %parallel_loop3A_35 = tpu.sort %parallel_loop3A_15, %parallel_loop3A_31 masked %parallel_loop3A_32 {descending = true} : (vector<16xf32>, vector<16xi32>, vector<16xi1>) -> (vector<16xi1>, vector<16xf32>, vector<16xi32>)
      %parallel_loop3A_36 = arith.constant 32 : i32
      %parallel_loop3A_37 = vector.broadcast %parallel_loop3A_36 : i32 to vector<16xi32>
      %parallel_loop3A_38 = arith.addi %iota3A, %parallel_loop3A_37 : vector<16xi32>
      %parallel_loop3A_39 = arith.constant dense<true> : vector<16xi1>
      %parallel_loop3A_40, %parallel_loop3A_41, %parallel_loop3A_42 = tpu.sort %parallel_loop3A_18, %parallel_loop3A_38 masked %parallel_loop3A_39 {descending = true} : (vector<16xf32>, vector<16xi32>, vector<16xi1>) -> (vector<16xi1>, vector<16xf32>, vector<16xi32>)
      %parallel_loop3A_43 = arith.constant 48 : i32
      %parallel_loop3A_44 = vector.broadcast %parallel_loop3A_43 : i32 to vector<16xi32>
      %parallel_loop3A_45 = arith.addi %iota3A, %parallel_loop3A_44 : vector<16xi32>
      %parallel_loop3A_46 = arith.constant dense<true> : vector<16xi1>
      %parallel_loop3A_47, %parallel_loop3A_48, %parallel_loop3A_49 = tpu.sort %parallel_loop3A_21, %parallel_loop3A_45 masked %parallel_loop3A_46 {descending = true} : (vector<16xf32>, vector<16xi32>, vector<16xi1>) -> (vector<16xi1>, vector<16xf32>, vector<16xi32>)
      %parallel_loop3A_50 = arith.constant 15 : i32
      %parallel_loop3A_51 = vector.broadcast %parallel_loop3A_50 : i32 to vector<16xi32>
      %parallel_loop3A_52 = tpu.iota {dimensions = array<i32: 0>} : vector<16xi32>
      %parallel_loop3A_53 = arith.subi %parallel_loop3A_51, %parallel_loop3A_52 : vector<16xi32>
      %parallel_loop3A_54 = tpu.dynamic_gather %parallel_loop3A_34[%parallel_loop3A_53] in [0] : vector<16xf32>, vector<16xi32> -> vector<16xf32>
      %parallel_loop3A_55 = arith.constant 15 : i32
      %parallel_loop3A_56 = vector.broadcast %parallel_loop3A_55 : i32 to vector<16xi32>
      %parallel_loop3A_57 = tpu.iota {dimensions = array<i32: 0>} : vector<16xi32>
      %parallel_loop3A_58 = arith.subi %parallel_loop3A_56, %parallel_loop3A_57 : vector<16xi32>
      %parallel_loop3A_59 = tpu.dynamic_gather %parallel_loop3A_35[%parallel_loop3A_58] in [0] : vector<16xi32>, vector<16xi32> -> vector<16xi32>
      %parallel_loop3A_60 = arith.cmpf oge, %parallel_loop3A_27, %parallel_loop3A_54 : vector<16xf32>
      %parallel_loop3A_61 = arith.select %parallel_loop3A_60, %parallel_loop3A_27, %parallel_loop3A_54 : vector<16xi1>, vector<16xf32>
      %parallel_loop3A_62 = arith.select %parallel_loop3A_60, %parallel_loop3A_28, %parallel_loop3A_59 : vector<16xi1>, vector<16xi32>
      %parallel_loop3A_63 = arith.select %parallel_loop3A_60, %parallel_loop3A_54, %parallel_loop3A_27 : vector<16xi1>, vector<16xf32>
      %parallel_loop3A_64 = arith.select %parallel_loop3A_60, %parallel_loop3A_59, %parallel_loop3A_28 : vector<16xi1>, vector<16xi32>
      %parallel_loop3A_65 = arith.constant dense<true> : vector<16xi1>
      %parallel_loop3A_66, %parallel_loop3A_67, %parallel_loop3A_68 = tpu.sort %parallel_loop3A_61, %parallel_loop3A_62 masked %parallel_loop3A_65 {descending = true} : (vector<16xf32>, vector<16xi32>, vector<16xi1>) -> (vector<16xi1>, vector<16xf32>, vector<16xi32>)
      %parallel_loop3A_69 = arith.constant dense<true> : vector<16xi1>
      %parallel_loop3A_70, %parallel_loop3A_71, %parallel_loop3A_72 = tpu.sort %parallel_loop3A_63, %parallel_loop3A_64 masked %parallel_loop3A_69 {descending = true} : (vector<16xf32>, vector<16xi32>, vector<16xi1>) -> (vector<16xi1>, vector<16xf32>, vector<16xi32>)
      %parallel_loop3A_73 = arith.constant 15 : i32
      %parallel_loop3A_74 = vector.broadcast %parallel_loop3A_73 : i32 to vector<16xi32>
      %parallel_loop3A_75 = tpu.iota {dimensions = array<i32: 0>} : vector<16xi32>
      %parallel_loop3A_76 = arith.subi %parallel_loop3A_74, %parallel_loop3A_75 : vector<16xi32>
      %parallel_loop3A_77 = tpu.dynamic_gather %parallel_loop3A_48[%parallel_loop3A_76] in [0] : vector<16xf32>, vector<16xi32> -> vector<16xf32>
      %parallel_loop3A_78 = arith.constant 15 : i32
      %parallel_loop3A_79 = vector.broadcast %parallel_loop3A_78 : i32 to vector<16xi32>
      %parallel_loop3A_80 = tpu.iota {dimensions = array<i32: 0>} : vector<16xi32>
      %parallel_loop3A_81 = arith.subi %parallel_loop3A_79, %parallel_loop3A_80 : vector<16xi32>
      %parallel_loop3A_82 = tpu.dynamic_gather %parallel_loop3A_49[%parallel_loop3A_81] in [0] : vector<16xi32>, vector<16xi32> -> vector<16xi32>
      %parallel_loop3A_83 = arith.cmpf oge, %parallel_loop3A_41, %parallel_loop3A_77 : vector<16xf32>
      %parallel_loop3A_84 = arith.select %parallel_loop3A_83, %parallel_loop3A_41, %parallel_loop3A_77 : vector<16xi1>, vector<16xf32>
      %parallel_loop3A_85 = arith.select %parallel_loop3A_83, %parallel_loop3A_42, %parallel_loop3A_82 : vector<16xi1>, vector<16xi32>
      %parallel_loop3A_86 = arith.select %parallel_loop3A_83, %parallel_loop3A_77, %parallel_loop3A_41 : vector<16xi1>, vector<16xf32>
      %parallel_loop3A_87 = arith.select %parallel_loop3A_83, %parallel_loop3A_82, %parallel_loop3A_42 : vector<16xi1>, vector<16xi32>
      %parallel_loop3A_88 = arith.constant dense<true> : vector<16xi1>
      %parallel_loop3A_89, %parallel_loop3A_90, %parallel_loop3A_91 = tpu.sort %parallel_loop3A_84, %parallel_loop3A_85 masked %parallel_loop3A_88 {descending = true} : (vector<16xf32>, vector<16xi32>, vector<16xi1>) -> (vector<16xi1>, vector<16xf32>, vector<16xi32>)
      %parallel_loop3A_92 = arith.constant dense<true> : vector<16xi1>
      %parallel_loop3A_93, %parallel_loop3A_94, %parallel_loop3A_95 = tpu.sort %parallel_loop3A_86, %parallel_loop3A_87 masked %parallel_loop3A_92 {descending = true} : (vector<16xf32>, vector<16xi32>, vector<16xi1>) -> (vector<16xi1>, vector<16xf32>, vector<16xi32>)
      %parallel_loop3A_96 = arith.constant 15 : i32
      %parallel_loop3A_97 = vector.broadcast %parallel_loop3A_96 : i32 to vector<16xi32>
      %parallel_loop3A_98 = tpu.iota {dimensions = array<i32: 0>} : vector<16xi32>
      %parallel_loop3A_99 = arith.subi %parallel_loop3A_97, %parallel_loop3A_98 : vector<16xi32>
      %parallel_loop3A_100 = tpu.dynamic_gather %parallel_loop3A_94[%parallel_loop3A_99] in [0] : vector<16xf32>, vector<16xi32> -> vector<16xf32>
      %parallel_loop3A_101 = arith.constant 15 : i32
      %parallel_loop3A_102 = vector.broadcast %parallel_loop3A_101 : i32 to vector<16xi32>
      %parallel_loop3A_103 = tpu.iota {dimensions = array<i32: 0>} : vector<16xi32>
      %parallel_loop3A_104 = arith.subi %parallel_loop3A_102, %parallel_loop3A_103 : vector<16xi32>
      %parallel_loop3A_105 = tpu.dynamic_gather %parallel_loop3A_95[%parallel_loop3A_104] in [0] : vector<16xi32>, vector<16xi32> -> vector<16xi32>
      %parallel_loop3A_106 = arith.constant 15 : i32
      %parallel_loop3A_107 = vector.broadcast %parallel_loop3A_106 : i32 to vector<16xi32>
      %parallel_loop3A_108 = tpu.iota {dimensions = array<i32: 0>} : vector<16xi32>
      %parallel_loop3A_109 = arith.subi %parallel_loop3A_107, %parallel_loop3A_108 : vector<16xi32>
      %parallel_loop3A_110 = tpu.dynamic_gather %parallel_loop3A_90[%parallel_loop3A_109] in [0] : vector<16xf32>, vector<16xi32> -> vector<16xf32>
      %parallel_loop3A_111 = arith.constant 15 : i32
      %parallel_loop3A_112 = vector.broadcast %parallel_loop3A_111 : i32 to vector<16xi32>
      %parallel_loop3A_113 = tpu.iota {dimensions = array<i32: 0>} : vector<16xi32>
      %parallel_loop3A_114 = arith.subi %parallel_loop3A_112, %parallel_loop3A_113 : vector<16xi32>
      %parallel_loop3A_115 = tpu.dynamic_gather %parallel_loop3A_91[%parallel_loop3A_114] in [0] : vector<16xi32>, vector<16xi32> -> vector<16xi32>
      %parallel_loop3A_116 = arith.cmpf oge, %parallel_loop3A_67, %parallel_loop3A_100 : vector<16xf32>
      %parallel_loop3A_117 = arith.select %parallel_loop3A_116, %parallel_loop3A_67, %parallel_loop3A_100 : vector<16xi1>, vector<16xf32>
      %parallel_loop3A_118 = arith.select %parallel_loop3A_116, %parallel_loop3A_68, %parallel_loop3A_105 : vector<16xi1>, vector<16xi32>
      %parallel_loop3A_119 = arith.cmpf oge, %parallel_loop3A_71, %parallel_loop3A_110 : vector<16xf32>
      %parallel_loop3A_120 = arith.select %parallel_loop3A_119, %parallel_loop3A_71, %parallel_loop3A_110 : vector<16xi1>, vector<16xf32>
      %parallel_loop3A_121 = arith.select %parallel_loop3A_119, %parallel_loop3A_72, %parallel_loop3A_115 : vector<16xi1>, vector<16xi32>
      %parallel_loop3A_122 = arith.cmpf oge, %parallel_loop3A_117, %parallel_loop3A_120 : vector<16xf32>
      %parallel_loop3A_123 = arith.select %parallel_loop3A_122, %parallel_loop3A_117, %parallel_loop3A_120 : vector<16xi1>, vector<16xf32>
      %parallel_loop3A_124 = arith.select %parallel_loop3A_122, %parallel_loop3A_118, %parallel_loop3A_121 : vector<16xi1>, vector<16xi32>
      %parallel_loop3A_125 = arith.select %parallel_loop3A_122, %parallel_loop3A_120, %parallel_loop3A_117 : vector<16xi1>, vector<16xf32>
      %parallel_loop3A_126 = arith.select %parallel_loop3A_122, %parallel_loop3A_121, %parallel_loop3A_118 : vector<16xi1>, vector<16xi32>
      %parallel_loop3A_127 = arith.constant dense<true> : vector<16xi1>
      %parallel_loop3A_128, %parallel_loop3A_129, %parallel_loop3A_130 = tpu.sort %parallel_loop3A_123, %parallel_loop3A_124 masked %parallel_loop3A_127 {descending = true} : (vector<16xf32>, vector<16xi32>, vector<16xi1>) -> (vector<16xi1>, vector<16xf32>, vector<16xi32>)
      %parallel_loop3A_131 = arith.constant dense<true> : vector<16xi1>
      %parallel_loop3A_132, %parallel_loop3A_133, %parallel_loop3A_134 = tpu.sort %parallel_loop3A_125, %parallel_loop3A_126 masked %parallel_loop3A_131 {descending = true} : (vector<16xf32>, vector<16xi32>, vector<16xi1>) -> (vector<16xi1>, vector<16xf32>, vector<16xi32>)
      %parallel_loop3A_135 = arith.constant 0 : i32
      %parallel_loop3A_136 = vector.broadcast %parallel_loop3A_135 : i32 to vector<16xi32>
      %parallel_loop3A_137 = vector.broadcast %parallel_loop3A_9 : i32 to vector<16xi32>
      %parallel_loop3A_138 = arith.addi %parallel_loop3A_136, %parallel_loop3A_137 : vector<16xi32>
      tpu.vector_store_idx %arg9[%iota3A, %parallel_loop3A_138], %parallel_loop3A_129 : memref<32x128xf32, #tpu.memory_space<vmem>>[vector<16xi32>, vector<16xi32>], vector<16xf32>,
      %parallel_loop3A_139 = arith.constant 16 : i32
      %parallel_loop3A_140 = vector.broadcast %parallel_loop3A_139 : i32 to vector<16xi32>
      %parallel_loop3A_141 = arith.addi %iota3A, %parallel_loop3A_140 : vector<16xi32>
      tpu.vector_store_idx %arg9[%parallel_loop3A_141, %parallel_loop3A_138], %parallel_loop3A_133 : memref<32x128xf32, #tpu.memory_space<vmem>>[vector<16xi32>, vector<16xi32>], vector<16xf32>,
      tpu.vector_store_idx %arg8[%iota3A, %parallel_loop3A_138], %parallel_loop3A_130 : memref<32x128xi32, #tpu.memory_space<vmem>>[vector<16xi32>, vector<16xi32>], vector<16xi32>,
      %parallel_loop3A_142 = arith.constant 16 : i32
      %parallel_loop3A_143 = vector.broadcast %parallel_loop3A_142 : i32 to vector<16xi32>
      %parallel_loop3A_144 = arith.addi %iota3A, %parallel_loop3A_143 : vector<16xi32>
      tpu.vector_store_idx %arg8[%parallel_loop3A_144, %parallel_loop3A_138], %parallel_loop3A_134 : memref<32x128xi32, #tpu.memory_space<vmem>>[vector<16xi32>, vector<16xi32>], vector<16xi32>,
    } {sc.loop_unroll_factor = 4 : i64, sc.parallel_access}
    %mul3A_5 = arith.constant 128 : i32
    %mul3A_6 = arith.muli %add3A, %mul3A_5 : i32
    %add3A_7 = arith.constant 4096 : i32
    %add3A_8 = arith.addi %add3A_7, %mul3A_6 : i32
    "tpu.region"() ({
      %run_scoped3A = tpu.sem_alloc : memref<!tpu.dma_semaphore, #tpu.memory_space<semaphore_mem>>
      %dma_start3A = arith.constant 0 : i32
      %dma_start3A_9 = tpu.memref_slice %arg3[%dma_start3A, %add3A_8] : memref<32x16384xi32, #tpu.memory_space<hbm>> -> memref<32x128xi32, #tpu.memory_space<hbm>>
      %dma_start3A_10 = arith.constant 0 : i32
      %dma_start3A_11 = tpu.memref_slice %arg3[%dma_start3A_10, %add3A_8] : memref<32x16384xi32, #tpu.memory_space<hbm>> -> memref<32x128xi32, #tpu.memory_space<hbm>>
      tpu.enqueue_dma source(%arg8 : memref<32x128xi32, #tpu.memory_space<vmem>>) target(%dma_start3A_11 : memref<32x128xi32, #tpu.memory_space<hbm>>) target_semaphore(%run_scoped3A : memref<!tpu.dma_semaphore, #tpu.memory_space<semaphore_mem>>)
      %dma_wait3A = arith.constant 0 : i32
      %dma_wait3A_12 = tpu.memref_slice %arg3[%dma_wait3A, %add3A_8] : memref<32x16384xi32, #tpu.memory_space<hbm>> -> memref<32x128xi32, #tpu.memory_space<hbm>>
      %dma_wait3A_13 = arith.constant 0 : i32
      %dma_wait3A_14 = tpu.memref_slice %arg3[%dma_wait3A_13, %add3A_8] : memref<32x16384xi32, #tpu.memory_space<hbm>> -> memref<32x128xi32, #tpu.memory_space<hbm>>
      tpu.wait_dma2 semaphore(%run_scoped3A : memref<!tpu.dma_semaphore, #tpu.memory_space<semaphore_mem>>) src(%arg8 : memref<32x128xi32, #tpu.memory_space<vmem>>) dst(%dma_wait3A_14 : memref<32x128xi32, #tpu.memory_space<hbm>>)
      tpu.yield
    }) : () -> ()
    "tpu.region"() ({
      %run_scoped3A = tpu.sem_alloc : memref<!tpu.dma_semaphore, #tpu.memory_space<semaphore_mem>>
      %dma_start3A = arith.constant 0 : i32
      %dma_start3A_9 = tpu.memref_slice %arg4[%dma_start3A, %add3A_8] : memref<32x16384xf32, #tpu.memory_space<hbm>> -> memref<32x128xf32, #tpu.memory_space<hbm>>
      %dma_start3A_10 = arith.constant 0 : i32
      %dma_start3A_11 = tpu.memref_slice %arg4[%dma_start3A_10, %add3A_8] : memref<32x16384xf32, #tpu.memory_space<hbm>> -> memref<32x128xf32, #tpu.memory_space<hbm>>
      tpu.enqueue_dma source(%arg9 : memref<32x128xf32, #tpu.memory_space<vmem>>) target(%dma_start3A_11 : memref<32x128xf32, #tpu.memory_space<hbm>>) target_semaphore(%run_scoped3A : memref<!tpu.dma_semaphore, #tpu.memory_space<semaphore_mem>>)
      %dma_wait3A = arith.constant 0 : i32
      %dma_wait3A_12 = tpu.memref_slice %arg4[%dma_wait3A, %add3A_8] : memref<32x16384xf32, #tpu.memory_space<hbm>> -> memref<32x128xf32, #tpu.memory_space<hbm>>
      %dma_wait3A_13 = arith.constant 0 : i32
      %dma_wait3A_14 = tpu.memref_slice %arg4[%dma_wait3A_13, %add3A_8] : memref<32x16384xf32, #tpu.memory_space<hbm>> -> memref<32x128xf32, #tpu.memory_space<hbm>>
      tpu.wait_dma2 semaphore(%run_scoped3A : memref<!tpu.dma_semaphore, #tpu.memory_space<semaphore_mem>>) src(%arg9 : memref<32x128xf32, #tpu.memory_space<vmem>>) dst(%dma_wait3A_14 : memref<32x128xf32, #tpu.memory_space<hbm>>)
      tpu.yield
    }) : () -> ()
    return
  }
}

#map = affine_map<(d0, d1) -> (0, 0)>
module attributes {stable_mosaic.version = 14 : i64} {
  func.func @new_body(%arg0: i32, %arg1: i32, %arg2: memref<4096x64xf32, #tpu.memory_space<hbm>>, %arg3: memref<32x16384xi32, #tpu.memory_space<hbm>>, %arg4: memref<32x16384xf32, #tpu.memory_space<hbm>>, %arg5: memref<32x16384xi32, #tpu.memory_space<hbm>>, %arg6: memref<32x16384xf32, #tpu.memory_space<hbm>>, %arg7: memref<128x64xf32, #tpu.memory_space<vmem>>, %arg8: memref<32x128xi32, #tpu.memory_space<vmem>>, %arg9: memref<32x128xf32, #tpu.memory_space<vmem>>) attributes {dimension_semantics = [#tpu.dimension_semantics<core_parallel>, #tpu.dimension_semantics<subcore_parallel>], iteration_bounds = array<i64: 2, 16>, scalar_prefetch = 0 : i64, scratch_operands = 3 : i64, tpu.core_type = #tpu.core_type<sc_vector_subcore>, window_params = [{transform_indices = #map}, {transform_indices = #map}, {transform_indices = #map}, {transform_indices = #map}, {transform_indices = #map}]} {
    %mul3A = arith.constant 2 : i32
    %mul3A_0 = arith.muli %arg1, %mul3A : i32
    %add3A = arith.addi %mul3A_0, %arg0 : i32
    %mul3A_1 = arith.constant 128 : i32
    %mul3A_2 = arith.muli %add3A, %mul3A_1 : i32
    "tpu.region"() ({
      %run_scoped3A = tpu.sem_alloc : memref<!tpu.dma_semaphore, #tpu.memory_space<semaphore_mem>>
      %dma_start3A = arith.constant 0 : i32
      %dma_start3A_9 = tpu.memref_slice %arg2[%mul3A_2, %dma_start3A] : memref<4096x64xf32, #tpu.memory_space<hbm>> -> memref<128x64xf32, #tpu.memory_space<hbm>>
      %dma_start3A_10 = arith.constant 0 : i32
      %dma_start3A_11 = tpu.memref_slice %arg2[%mul3A_2, %dma_start3A_10] : memref<4096x64xf32, #tpu.memory_space<hbm>> -> memref<128x64xf32, #tpu.memory_space<hbm>>
      tpu.enqueue_dma source(%dma_start3A_11 : memref<128x64xf32, #tpu.memory_space<hbm>>) target(%arg7 : memref<128x64xf32, #tpu.memory_space<vmem>>) target_semaphore(%run_scoped3A : memref<!tpu.dma_semaphore, #tpu.memory_space<semaphore_mem>>)
      %dma_wait3A = arith.constant 0 : i32
      %dma_wait3A_12 = tpu.memref_slice %arg2[%mul3A_2, %dma_wait3A] : memref<4096x64xf32, #tpu.memory_space<hbm>> -> memref<128x64xf32, #tpu.memory_space<hbm>>
      %dma_wait3A_13 = arith.constant 0 : i32
      %dma_wait3A_14 = tpu.memref_slice %arg2[%mul3A_2, %dma_wait3A_13] : memref<4096x64xf32, #tpu.memory_space<hbm>> -> memref<128x64xf32, #tpu.memory_space<hbm>>
      tpu.wait_dma2 semaphore(%run_scoped3A : memref<!tpu.dma_semaphore, #tpu.memory_space<semaphore_mem>>) src(%dma_wait3A_14 : memref<128x64xf32, #tpu.memory_space<hbm>>) dst(%arg7 : memref<128x64xf32, #tpu.memory_space<vmem>>)
      tpu.yield
    }) : () -> ()
    %iota3A = tpu.iota {dimensions = array<i32: 0>} : vector<16xi32>
    %parallel_loop3A = arith.constant 0 : i32
    %parallel_loop3A_3 = arith.constant 128 : i32
    %parallel_loop3A_4 = arith.constant 1 : i32
    scf.for %parallel_loop3A_9 = %parallel_loop3A to %parallel_loop3A_3 step %parallel_loop3A_4  : i32 {
      %parallel_loop3A_10 = arith.index_cast %parallel_loop3A_9 : i32 to index
      %parallel_loop3A_11 = arith.constant 0 : index
      %parallel_loop3A_12 = tpu.vector_load %arg7[%parallel_loop3A_10, %parallel_loop3A_11] {strides = array<i32>} : memref<128x64xf32, #tpu.memory_space<vmem>>, vector<16xf32>,
      %parallel_loop3A_13 = arith.index_cast %parallel_loop3A_9 : i32 to index
      %parallel_loop3A_14 = arith.constant 16 : index
      %parallel_loop3A_15 = tpu.vector_load %arg7[%parallel_loop3A_13, %parallel_loop3A_14] {strides = array<i32>} : memref<128x64xf32, #tpu.memory_space<vmem>>, vector<16xf32>,
      %parallel_loop3A_16 = arith.index_cast %parallel_loop3A_9 : i32 to index
      %parallel_loop3A_17 = arith.constant 32 : index
      %parallel_loop3A_18 = tpu.vector_load %arg7[%parallel_loop3A_16, %parallel_loop3A_17] {strides = array<i32>} : memref<128x64xf32, #tpu.memory_space<vmem>>, vector<16xf32>,
      %parallel_loop3A_19 = arith.index_cast %parallel_loop3A_9 : i32 to index
      %parallel_loop3A_20 = arith.constant 48 : index
      %parallel_loop3A_21 = tpu.vector_load %arg7[%parallel_loop3A_19, %parallel_loop3A_20] {strides = array<i32>} : memref<128x64xf32, #tpu.memory_space<vmem>>, vector<16xf32>,
      %parallel_loop3A_22 = arith.constant 0 : i32
      %parallel_loop3A_23 = vector.broadcast %parallel_loop3A_22 : i32 to vector<16xi32>
      %parallel_loop3A_24 = arith.addi %iota3A, %parallel_loop3A_23 : vector<16xi32>
      %parallel_loop3A_25 = arith.constant dense<true> : vector<16xi1>
      %parallel_loop3A_26, %parallel_loop3A_27, %parallel_loop3A_28 = tpu.sort %parallel_loop3A_12, %parallel_loop3A_24 masked %parallel_loop3A_25 {descending = true} : (vector<16xf32>, vector<16xi32>, vector<16xi1>) -> (vector<16xi1>, vector<16xf32>, vector<16xi32>)
      %parallel_loop3A_29 = arith.constant 16 : i32
      %parallel_loop3A_30 = vector.broadcast %parallel_loop3A_29 : i32 to vector<16xi32>
      %parallel_loop3A_31 = arith.addi %iota3A, %parallel_loop3A_30 : vector<16xi32>
      %parallel_loop3A_32 = arith.constant dense<true> : vector<16xi1>
      %parallel_loop3A_33, %parallel_loop3A_34, %parallel_loop3A_35 = tpu.sort %parallel_loop3A_15, %parallel_loop3A_31 masked %parallel_loop3A_32 {descending = true} : (vector<16xf32>, vector<16xi32>, vector<16xi1>) -> (vector<16xi1>, vector<16xf32>, vector<16xi32>)
      %parallel_loop3A_36 = arith.constant 32 : i32
      %parallel_loop3A_37 = vector.broadcast %parallel_loop3A_36 : i32 to vector<16xi32>
      %parallel_loop3A_38 = arith.addi %iota3A, %parallel_loop3A_37 : vector<16xi32>
      %parallel_loop3A_39 = arith.constant dense<true> : vector<16xi1>
      %parallel_loop3A_40, %parallel_loop3A_41, %parallel_loop3A_42 = tpu.sort %parallel_loop3A_18, %parallel_loop3A_38 masked %parallel_loop3A_39 {descending = true} : (vector<16xf32>, vector<16xi32>, vector<16xi1>) -> (vector<16xi1>, vector<16xf32>, vector<16xi32>)
      %parallel_loop3A_43 = arith.constant 48 : i32
      %parallel_loop3A_44 = vector.broadcast %parallel_loop3A_43 : i32 to vector<16xi32>
      %parallel_loop3A_45 = arith.addi %iota3A, %parallel_loop3A_44 : vector<16xi32>
      %parallel_loop3A_46 = arith.constant dense<true> : vector<16xi1>
      %parallel_loop3A_47, %parallel_loop3A_48, %parallel_loop3A_49 = tpu.sort %parallel_loop3A_21, %parallel_loop3A_45 masked %parallel_loop3A_46 {descending = true} : (vector<16xf32>, vector<16xi32>, vector<16xi1>) -> (vector<16xi1>, vector<16xf32>, vector<16xi32>)
      %parallel_loop3A_50 = arith.constant 15 : i32
      %parallel_loop3A_51 = vector.broadcast %parallel_loop3A_50 : i32 to vector<16xi32>
      %parallel_loop3A_52 = tpu.iota {dimensions = array<i32: 0>} : vector<16xi32>
      %parallel_loop3A_53 = arith.subi %parallel_loop3A_51, %parallel_loop3A_52 : vector<16xi32>
      %parallel_loop3A_54 = tpu.dynamic_gather %parallel_loop3A_34[%parallel_loop3A_53] in [0] : vector<16xf32>, vector<16xi32> -> vector<16xf32>
      %parallel_loop3A_55 = arith.constant 15 : i32
      %parallel_loop3A_56 = vector.broadcast %parallel_loop3A_55 : i32 to vector<16xi32>
      %parallel_loop3A_57 = tpu.iota {dimensions = array<i32: 0>} : vector<16xi32>
      %parallel_loop3A_58 = arith.subi %parallel_loop3A_56, %parallel_loop3A_57 : vector<16xi32>
      %parallel_loop3A_59 = tpu.dynamic_gather %parallel_loop3A_35[%parallel_loop3A_58] in [0] : vector<16xi32>, vector<16xi32> -> vector<16xi32>
      %parallel_loop3A_60 = arith.cmpf oge, %parallel_loop3A_27, %parallel_loop3A_54 : vector<16xf32>
      %parallel_loop3A_61 = arith.select %parallel_loop3A_60, %parallel_loop3A_27, %parallel_loop3A_54 : vector<16xi1>, vector<16xf32>
      %parallel_loop3A_62 = arith.select %parallel_loop3A_60, %parallel_loop3A_28, %parallel_loop3A_59 : vector<16xi1>, vector<16xi32>
      %parallel_loop3A_63 = arith.select %parallel_loop3A_60, %parallel_loop3A_54, %parallel_loop3A_27 : vector<16xi1>, vector<16xf32>
      %parallel_loop3A_64 = arith.select %parallel_loop3A_60, %parallel_loop3A_59, %parallel_loop3A_28 : vector<16xi1>, vector<16xi32>
      %parallel_loop3A_65 = arith.constant dense<true> : vector<16xi1>
      %parallel_loop3A_66, %parallel_loop3A_67, %parallel_loop3A_68 = tpu.sort %parallel_loop3A_61, %parallel_loop3A_62 masked %parallel_loop3A_65 {descending = true} : (vector<16xf32>, vector<16xi32>, vector<16xi1>) -> (vector<16xi1>, vector<16xf32>, vector<16xi32>)
      %parallel_loop3A_69 = arith.constant dense<true> : vector<16xi1>
      %parallel_loop3A_70, %parallel_loop3A_71, %parallel_loop3A_72 = tpu.sort %parallel_loop3A_63, %parallel_loop3A_64 masked %parallel_loop3A_69 {descending = true} : (vector<16xf32>, vector<16xi32>, vector<16xi1>) -> (vector<16xi1>, vector<16xf32>, vector<16xi32>)
      %parallel_loop3A_73 = arith.constant 15 : i32
      %parallel_loop3A_74 = vector.broadcast %parallel_loop3A_73 : i32 to vector<16xi32>
      %parallel_loop3A_75 = tpu.iota {dimensions = array<i32: 0>} : vector<16xi32>
      %parallel_loop3A_76 = arith.subi %parallel_loop3A_74, %parallel_loop3A_75 : vector<16xi32>
      %parallel_loop3A_77 = tpu.dynamic_gather %parallel_loop3A_48[%parallel_loop3A_76] in [0] : vector<16xf32>, vector<16xi32> -> vector<16xf32>
      %parallel_loop3A_78 = arith.constant 15 : i32
      %parallel_loop3A_79 = vector.broadcast %parallel_loop3A_78 : i32 to vector<16xi32>
      %parallel_loop3A_80 = tpu.iota {dimensions = array<i32: 0>} : vector<16xi32>
      %parallel_loop3A_81 = arith.subi %parallel_loop3A_79, %parallel_loop3A_80 : vector<16xi32>
      %parallel_loop3A_82 = tpu.dynamic_gather %parallel_loop3A_49[%parallel_loop3A_81] in [0] : vector<16xi32>, vector<16xi32> -> vector<16xi32>
      %parallel_loop3A_83 = arith.cmpf oge, %parallel_loop3A_41, %parallel_loop3A_77 : vector<16xf32>
      %parallel_loop3A_84 = arith.select %parallel_loop3A_83, %parallel_loop3A_41, %parallel_loop3A_77 : vector<16xi1>, vector<16xf32>
      %parallel_loop3A_85 = arith.select %parallel_loop3A_83, %parallel_loop3A_42, %parallel_loop3A_82 : vector<16xi1>, vector<16xi32>
      %parallel_loop3A_86 = arith.select %parallel_loop3A_83, %parallel_loop3A_77, %parallel_loop3A_41 : vector<16xi1>, vector<16xf32>
      %parallel_loop3A_87 = arith.select %parallel_loop3A_83, %parallel_loop3A_82, %parallel_loop3A_42 : vector<16xi1>, vector<16xi32>
      %parallel_loop3A_88 = arith.constant dense<true> : vector<16xi1>
      %parallel_loop3A_89, %parallel_loop3A_90, %parallel_loop3A_91 = tpu.sort %parallel_loop3A_84, %parallel_loop3A_85 masked %parallel_loop3A_88 {descending = true} : (vector<16xf32>, vector<16xi32>, vector<16xi1>) -> (vector<16xi1>, vector<16xf32>, vector<16xi32>)
      %parallel_loop3A_92 = arith.constant dense<true> : vector<16xi1>
      %parallel_loop3A_93, %parallel_loop3A_94, %parallel_loop3A_95 = tpu.sort %parallel_loop3A_86, %parallel_loop3A_87 masked %parallel_loop3A_92 {descending = true} : (vector<16xf32>, vector<16xi32>, vector<16xi1>) -> (vector<16xi1>, vector<16xf32>, vector<16xi32>)
      %parallel_loop3A_96 = arith.constant 15 : i32
      %parallel_loop3A_97 = vector.broadcast %parallel_loop3A_96 : i32 to vector<16xi32>
      %parallel_loop3A_98 = tpu.iota {dimensions = array<i32: 0>} : vector<16xi32>
      %parallel_loop3A_99 = arith.subi %parallel_loop3A_97, %parallel_loop3A_98 : vector<16xi32>
      %parallel_loop3A_100 = tpu.dynamic_gather %parallel_loop3A_94[%parallel_loop3A_99] in [0] : vector<16xf32>, vector<16xi32> -> vector<16xf32>
      %parallel_loop3A_101 = arith.constant 15 : i32
      %parallel_loop3A_102 = vector.broadcast %parallel_loop3A_101 : i32 to vector<16xi32>
      %parallel_loop3A_103 = tpu.iota {dimensions = array<i32: 0>} : vector<16xi32>
      %parallel_loop3A_104 = arith.subi %parallel_loop3A_102, %parallel_loop3A_103 : vector<16xi32>
      %parallel_loop3A_105 = tpu.dynamic_gather %parallel_loop3A_95[%parallel_loop3A_104] in [0] : vector<16xi32>, vector<16xi32> -> vector<16xi32>
      %parallel_loop3A_106 = arith.constant 15 : i32
      %parallel_loop3A_107 = vector.broadcast %parallel_loop3A_106 : i32 to vector<16xi32>
      %parallel_loop3A_108 = tpu.iota {dimensions = array<i32: 0>} : vector<16xi32>
      %parallel_loop3A_109 = arith.subi %parallel_loop3A_107, %parallel_loop3A_108 : vector<16xi32>
      %parallel_loop3A_110 = tpu.dynamic_gather %parallel_loop3A_90[%parallel_loop3A_109] in [0] : vector<16xf32>, vector<16xi32> -> vector<16xf32>
      %parallel_loop3A_111 = arith.constant 15 : i32
      %parallel_loop3A_112 = vector.broadcast %parallel_loop3A_111 : i32 to vector<16xi32>
      %parallel_loop3A_113 = tpu.iota {dimensions = array<i32: 0>} : vector<16xi32>
      %parallel_loop3A_114 = arith.subi %parallel_loop3A_112, %parallel_loop3A_113 : vector<16xi32>
      %parallel_loop3A_115 = tpu.dynamic_gather %parallel_loop3A_91[%parallel_loop3A_114] in [0] : vector<16xi32>, vector<16xi32> -> vector<16xi32>
      %parallel_loop3A_116 = arith.cmpf oge, %parallel_loop3A_67, %parallel_loop3A_100 : vector<16xf32>
      %parallel_loop3A_117 = arith.select %parallel_loop3A_116, %parallel_loop3A_67, %parallel_loop3A_100 : vector<16xi1>, vector<16xf32>
      %parallel_loop3A_118 = arith.select %parallel_loop3A_116, %parallel_loop3A_68, %parallel_loop3A_105 : vector<16xi1>, vector<16xi32>
      %parallel_loop3A_119 = arith.cmpf oge, %parallel_loop3A_71, %parallel_loop3A_110 : vector<16xf32>
      %parallel_loop3A_120 = arith.select %parallel_loop3A_119, %parallel_loop3A_71, %parallel_loop3A_110 : vector<16xi1>, vector<16xf32>
      %parallel_loop3A_121 = arith.select %parallel_loop3A_119, %parallel_loop3A_72, %parallel_loop3A_115 : vector<16xi1>, vector<16xi32>
      %parallel_loop3A_122 = arith.cmpf oge, %parallel_loop3A_117, %parallel_loop3A_120 : vector<16xf32>
      %parallel_loop3A_123 = arith.select %parallel_loop3A_122, %parallel_loop3A_117, %parallel_loop3A_120 : vector<16xi1>, vector<16xf32>
      %parallel_loop3A_124 = arith.select %parallel_loop3A_122, %parallel_loop3A_118, %parallel_loop3A_121 : vector<16xi1>, vector<16xi32>
      %parallel_loop3A_125 = arith.select %parallel_loop3A_122, %parallel_loop3A_120, %parallel_loop3A_117 : vector<16xi1>, vector<16xf32>
      %parallel_loop3A_126 = arith.select %parallel_loop3A_122, %parallel_loop3A_121, %parallel_loop3A_118 : vector<16xi1>, vector<16xi32>
      %parallel_loop3A_127 = arith.constant dense<true> : vector<16xi1>
      %parallel_loop3A_128, %parallel_loop3A_129, %parallel_loop3A_130 = tpu.sort %parallel_loop3A_123, %parallel_loop3A_124 masked %parallel_loop3A_127 {descending = true} : (vector<16xf32>, vector<16xi32>, vector<16xi1>) -> (vector<16xi1>, vector<16xf32>, vector<16xi32>)
      %parallel_loop3A_131 = arith.constant dense<true> : vector<16xi1>
      %parallel_loop3A_132, %parallel_loop3A_133, %parallel_loop3A_134 = tpu.sort %parallel_loop3A_125, %parallel_loop3A_126 masked %parallel_loop3A_131 {descending = true} : (vector<16xf32>, vector<16xi32>, vector<16xi1>) -> (vector<16xi1>, vector<16xf32>, vector<16xi32>)
      %parallel_loop3A_135 = arith.constant 0 : i32
      %parallel_loop3A_136 = vector.broadcast %parallel_loop3A_135 : i32 to vector<16xi32>
      %parallel_loop3A_137 = vector.broadcast %parallel_loop3A_9 : i32 to vector<16xi32>
      %parallel_loop3A_138 = arith.addi %parallel_loop3A_136, %parallel_loop3A_137 : vector<16xi32>
      tpu.vector_store_idx %arg9[%iota3A, %parallel_loop3A_138], %parallel_loop3A_129 : memref<32x128xf32, #tpu.memory_space<vmem>>[vector<16xi32>, vector<16xi32>], vector<16xf32>,
      %parallel_loop3A_139 = arith.constant 16 : i32
      %parallel_loop3A_140 = vector.broadcast %parallel_loop3A_139 : i32 to vector<16xi32>
      %parallel_loop3A_141 = arith.addi %iota3A, %parallel_loop3A_140 : vector<16xi32>
      tpu.vector_store_idx %arg9[%parallel_loop3A_141, %parallel_loop3A_138], %parallel_loop3A_133 : memref<32x128xf32, #tpu.memory_space<vmem>>[vector<16xi32>, vector<16xi32>], vector<16xf32>,
      tpu.vector_store_idx %arg8[%iota3A, %parallel_loop3A_138], %parallel_loop3A_130 : memref<32x128xi32, #tpu.memory_space<vmem>>[vector<16xi32>, vector<16xi32>], vector<16xi32>,
      %parallel_loop3A_142 = arith.constant 16 : i32
      %parallel_loop3A_143 = vector.broadcast %parallel_loop3A_142 : i32 to vector<16xi32>
      %parallel_loop3A_144 = arith.addi %iota3A, %parallel_loop3A_143 : vector<16xi32>
      tpu.vector_store_idx %arg8[%parallel_loop3A_144, %parallel_loop3A_138], %parallel_loop3A_134 : memref<32x128xi32, #tpu.memory_space<vmem>>[vector<16xi32>, vector<16xi32>], vector<16xi32>,
    } {sc.loop_unroll_factor = 4 : i64, sc.parallel_access}
    %mul3A_5 = arith.constant 128 : i32
    %mul3A_6 = arith.muli %add3A, %mul3A_5 : i32
    %add3A_7 = arith.constant 0 : i32
    %add3A_8 = arith.addi %add3A_7, %mul3A_6 : i32
    "tpu.region"() ({
      %run_scoped3A = tpu.sem_alloc : memref<!tpu.dma_semaphore, #tpu.memory_space<semaphore_mem>>
      %dma_start3A = arith.constant 0 : i32
      %dma_start3A_9 = tpu.memref_slice %arg3[%dma_start3A, %add3A_8] : memref<32x16384xi32, #tpu.memory_space<hbm>> -> memref<32x128xi32, #tpu.memory_space<hbm>>
      %dma_start3A_10 = arith.constant 0 : i32
      %dma_start3A_11 = tpu.memref_slice %arg3[%dma_start3A_10, %add3A_8] : memref<32x16384xi32, #tpu.memory_space<hbm>> -> memref<32x128xi32, #tpu.memory_space<hbm>>
      tpu.enqueue_dma source(%arg8 : memref<32x128xi32, #tpu.memory_space<vmem>>) target(%dma_start3A_11 : memref<32x128xi32, #tpu.memory_space<hbm>>) target_semaphore(%run_scoped3A : memref<!tpu.dma_semaphore, #tpu.memory_space<semaphore_mem>>)
      %dma_wait3A = arith.constant 0 : i32
      %dma_wait3A_12 = tpu.memref_slice %arg3[%dma_wait3A, %add3A_8] : memref<32x16384xi32, #tpu.memory_space<hbm>> -> memref<32x128xi32, #tpu.memory_space<hbm>>
      %dma_wait3A_13 = arith.constant 0 : i32
      %dma_wait3A_14 = tpu.memref_slice %arg3[%dma_wait3A_13, %add3A_8] : memref<32x16384xi32, #tpu.memory_space<hbm>> -> memref<32x128xi32, #tpu.memory_space<hbm>>
      tpu.wait_dma2 semaphore(%run_scoped3A : memref<!tpu.dma_semaphore, #tpu.memory_space<semaphore_mem>>) src(%arg8 : memref<32x128xi32, #tpu.memory_space<vmem>>) dst(%dma_wait3A_14 : memref<32x128xi32, #tpu.memory_space<hbm>>)
      tpu.yield
    }) : () -> ()
    "tpu.region"() ({
      %run_scoped3A = tpu.sem_alloc : memref<!tpu.dma_semaphore, #tpu.memory_space<semaphore_mem>>
      %dma_start3A = arith.constant 0 : i32
      %dma_start3A_9 = tpu.memref_slice %arg4[%dma_start3A, %add3A_8] : memref<32x16384xf32, #tpu.memory_space<hbm>> -> memref<32x128xf32, #tpu.memory_space<hbm>>
      %dma_start3A_10 = arith.constant 0 : i32
      %dma_start3A_11 = tpu.memref_slice %arg4[%dma_start3A_10, %add3A_8] : memref<32x16384xf32, #tpu.memory_space<hbm>> -> memref<32x128xf32, #tpu.memory_space<hbm>>
      tpu.enqueue_dma source(%arg9 : memref<32x128xf32, #tpu.memory_space<vmem>>) target(%dma_start3A_11 : memref<32x128xf32, #tpu.memory_space<hbm>>) target_semaphore(%run_scoped3A : memref<!tpu.dma_semaphore, #tpu.memory_space<semaphore_mem>>)
      %dma_wait3A = arith.constant 0 : i32
      %dma_wait3A_12 = tpu.memref_slice %arg4[%dma_wait3A, %add3A_8] : memref<32x16384xf32, #tpu.memory_space<hbm>> -> memref<32x128xf32, #tpu.memory_space<hbm>>
      %dma_wait3A_13 = arith.constant 0 : i32
      %dma_wait3A_14 = tpu.memref_slice %arg4[%dma_wait3A_13, %add3A_8] : memref<32x16384xf32, #tpu.memory_space<hbm>> -> memref<32x128xf32, #tpu.memory_space<hbm>>
      tpu.wait_dma2 semaphore(%run_scoped3A : memref<!tpu.dma_semaphore, #tpu.memory_space<semaphore_mem>>) src(%arg9 : memref<32x128xf32, #tpu.memory_space<vmem>>) dst(%dma_wait3A_14 : memref<32x128xf32, #tpu.memory_space<hbm>>)
      tpu.yield
    }) : () -> ()
    return
  }
}

#map = affine_map<(d0, d1) -> (0, 0)>
module attributes {stable_mosaic.version = 14 : i64} {
  func.func @new_body(%arg0: i32, %arg1: i32, %arg2: memref<4096x64xf32, #tpu.memory_space<hbm>>, %arg3: memref<32x16384xi32, #tpu.memory_space<hbm>>, %arg4: memref<32x16384xf32, #tpu.memory_space<hbm>>, %arg5: memref<32x16384xi32, #tpu.memory_space<hbm>>, %arg6: memref<32x16384xf32, #tpu.memory_space<hbm>>, %arg7: memref<128x64xf32, #tpu.memory_space<vmem>>, %arg8: memref<32x128xi32, #tpu.memory_space<vmem>>, %arg9: memref<32x128xf32, #tpu.memory_space<vmem>>) attributes {dimension_semantics = [#tpu.dimension_semantics<core_parallel>, #tpu.dimension_semantics<subcore_parallel>], iteration_bounds = array<i64: 2, 16>, scalar_prefetch = 0 : i64, scratch_operands = 3 : i64, tpu.core_type = #tpu.core_type<sc_vector_subcore>, window_params = [{transform_indices = #map}, {transform_indices = #map}, {transform_indices = #map}, {transform_indices = #map}, {transform_indices = #map}]} {
    %mul3A = arith.constant 2 : i32
    %mul3A_0 = arith.muli %arg1, %mul3A : i32
    %add3A = arith.addi %mul3A_0, %arg0 : i32
    %mul3A_1 = arith.constant 128 : i32
    %mul3A_2 = arith.muli %add3A, %mul3A_1 : i32
    "tpu.region"() ({
      %run_scoped3A = tpu.sem_alloc : memref<!tpu.dma_semaphore, #tpu.memory_space<semaphore_mem>>
      %dma_start3A = arith.constant 0 : i32
      %dma_start3A_9 = tpu.memref_slice %arg2[%mul3A_2, %dma_start3A] : memref<4096x64xf32, #tpu.memory_space<hbm>> -> memref<128x64xf32, #tpu.memory_space<hbm>>
      %dma_start3A_10 = arith.constant 0 : i32
      %dma_start3A_11 = tpu.memref_slice %arg2[%mul3A_2, %dma_start3A_10] : memref<4096x64xf32, #tpu.memory_space<hbm>> -> memref<128x64xf32, #tpu.memory_space<hbm>>
      tpu.enqueue_dma source(%dma_start3A_11 : memref<128x64xf32, #tpu.memory_space<hbm>>) target(%arg7 : memref<128x64xf32, #tpu.memory_space<vmem>>) target_semaphore(%run_scoped3A : memref<!tpu.dma_semaphore, #tpu.memory_space<semaphore_mem>>)
      %dma_wait3A = arith.constant 0 : i32
      %dma_wait3A_12 = tpu.memref_slice %arg2[%mul3A_2, %dma_wait3A] : memref<4096x64xf32, #tpu.memory_space<hbm>> -> memref<128x64xf32, #tpu.memory_space<hbm>>
      %dma_wait3A_13 = arith.constant 0 : i32
      %dma_wait3A_14 = tpu.memref_slice %arg2[%mul3A_2, %dma_wait3A_13] : memref<4096x64xf32, #tpu.memory_space<hbm>> -> memref<128x64xf32, #tpu.memory_space<hbm>>
      tpu.wait_dma2 semaphore(%run_scoped3A : memref<!tpu.dma_semaphore, #tpu.memory_space<semaphore_mem>>) src(%dma_wait3A_14 : memref<128x64xf32, #tpu.memory_space<hbm>>) dst(%arg7 : memref<128x64xf32, #tpu.memory_space<vmem>>)
      tpu.yield
    }) : () -> ()
    %iota3A = tpu.iota {dimensions = array<i32: 0>} : vector<16xi32>
    %parallel_loop3A = arith.constant 0 : i32
    %parallel_loop3A_3 = arith.constant 128 : i32
    %parallel_loop3A_4 = arith.constant 1 : i32
    scf.for %parallel_loop3A_9 = %parallel_loop3A to %parallel_loop3A_3 step %parallel_loop3A_4  : i32 {
      %parallel_loop3A_10 = arith.index_cast %parallel_loop3A_9 : i32 to index
      %parallel_loop3A_11 = arith.constant 0 : index
      %parallel_loop3A_12 = tpu.vector_load %arg7[%parallel_loop3A_10, %parallel_loop3A_11] {strides = array<i32>} : memref<128x64xf32, #tpu.memory_space<vmem>>, vector<16xf32>,
      %parallel_loop3A_13 = arith.index_cast %parallel_loop3A_9 : i32 to index
      %parallel_loop3A_14 = arith.constant 16 : index
      %parallel_loop3A_15 = tpu.vector_load %arg7[%parallel_loop3A_13, %parallel_loop3A_14] {strides = array<i32>} : memref<128x64xf32, #tpu.memory_space<vmem>>, vector<16xf32>,
      %parallel_loop3A_16 = arith.index_cast %parallel_loop3A_9 : i32 to index
      %parallel_loop3A_17 = arith.constant 32 : index
      %parallel_loop3A_18 = tpu.vector_load %arg7[%parallel_loop3A_16, %parallel_loop3A_17] {strides = array<i32>} : memref<128x64xf32, #tpu.memory_space<vmem>>, vector<16xf32>,
      %parallel_loop3A_19 = arith.index_cast %parallel_loop3A_9 : i32 to index
      %parallel_loop3A_20 = arith.constant 48 : index
      %parallel_loop3A_21 = tpu.vector_load %arg7[%parallel_loop3A_19, %parallel_loop3A_20] {strides = array<i32>} : memref<128x64xf32, #tpu.memory_space<vmem>>, vector<16xf32>,
      %parallel_loop3A_22 = arith.constant 0 : i32
      %parallel_loop3A_23 = vector.broadcast %parallel_loop3A_22 : i32 to vector<16xi32>
      %parallel_loop3A_24 = arith.addi %iota3A, %parallel_loop3A_23 : vector<16xi32>
      %parallel_loop3A_25 = arith.constant dense<true> : vector<16xi1>
      %parallel_loop3A_26, %parallel_loop3A_27, %parallel_loop3A_28 = tpu.sort %parallel_loop3A_12, %parallel_loop3A_24 masked %parallel_loop3A_25 {descending = true} : (vector<16xf32>, vector<16xi32>, vector<16xi1>) -> (vector<16xi1>, vector<16xf32>, vector<16xi32>)
      %parallel_loop3A_29 = arith.constant 16 : i32
      %parallel_loop3A_30 = vector.broadcast %parallel_loop3A_29 : i32 to vector<16xi32>
      %parallel_loop3A_31 = arith.addi %iota3A, %parallel_loop3A_30 : vector<16xi32>
      %parallel_loop3A_32 = arith.constant dense<true> : vector<16xi1>
      %parallel_loop3A_33, %parallel_loop3A_34, %parallel_loop3A_35 = tpu.sort %parallel_loop3A_15, %parallel_loop3A_31 masked %parallel_loop3A_32 {descending = true} : (vector<16xf32>, vector<16xi32>, vector<16xi1>) -> (vector<16xi1>, vector<16xf32>, vector<16xi32>)
      %parallel_loop3A_36 = arith.constant 32 : i32
      %parallel_loop3A_37 = vector.broadcast %parallel_loop3A_36 : i32 to vector<16xi32>
      %parallel_loop3A_38 = arith.addi %iota3A, %parallel_loop3A_37 : vector<16xi32>
      %parallel_loop3A_39 = arith.constant dense<true> : vector<16xi1>
      %parallel_loop3A_40, %parallel_loop3A_41, %parallel_loop3A_42 = tpu.sort %parallel_loop3A_18, %parallel_loop3A_38 masked %parallel_loop3A_39 {descending = true} : (vector<16xf32>, vector<16xi32>, vector<16xi1>) -> (vector<16xi1>, vector<16xf32>, vector<16xi32>)
      %parallel_loop3A_43 = arith.constant 48 : i32
      %parallel_loop3A_44 = vector.broadcast %parallel_loop3A_43 : i32 to vector<16xi32>
      %parallel_loop3A_45 = arith.addi %iota3A, %parallel_loop3A_44 : vector<16xi32>
      %parallel_loop3A_46 = arith.constant dense<true> : vector<16xi1>
      %parallel_loop3A_47, %parallel_loop3A_48, %parallel_loop3A_49 = tpu.sort %parallel_loop3A_21, %parallel_loop3A_45 masked %parallel_loop3A_46 {descending = true} : (vector<16xf32>, vector<16xi32>, vector<16xi1>) -> (vector<16xi1>, vector<16xf32>, vector<16xi32>)
      %parallel_loop3A_50 = arith.constant 15 : i32
      %parallel_loop3A_51 = vector.broadcast %parallel_loop3A_50 : i32 to vector<16xi32>
      %parallel_loop3A_52 = tpu.iota {dimensions = array<i32: 0>} : vector<16xi32>
      %parallel_loop3A_53 = arith.subi %parallel_loop3A_51, %parallel_loop3A_52 : vector<16xi32>
      %parallel_loop3A_54 = tpu.dynamic_gather %parallel_loop3A_34[%parallel_loop3A_53] in [0] : vector<16xf32>, vector<16xi32> -> vector<16xf32>
      %parallel_loop3A_55 = arith.constant 15 : i32
      %parallel_loop3A_56 = vector.broadcast %parallel_loop3A_55 : i32 to vector<16xi32>
      %parallel_loop3A_57 = tpu.iota {dimensions = array<i32: 0>} : vector<16xi32>
      %parallel_loop3A_58 = arith.subi %parallel_loop3A_56, %parallel_loop3A_57 : vector<16xi32>
      %parallel_loop3A_59 = tpu.dynamic_gather %parallel_loop3A_35[%parallel_loop3A_58] in [0] : vector<16xi32>, vector<16xi32> -> vector<16xi32>
      %parallel_loop3A_60 = arith.cmpf oge, %parallel_loop3A_27, %parallel_loop3A_54 : vector<16xf32>
      %parallel_loop3A_61 = arith.select %parallel_loop3A_60, %parallel_loop3A_27, %parallel_loop3A_54 : vector<16xi1>, vector<16xf32>
      %parallel_loop3A_62 = arith.select %parallel_loop3A_60, %parallel_loop3A_28, %parallel_loop3A_59 : vector<16xi1>, vector<16xi32>
      %parallel_loop3A_63 = arith.select %parallel_loop3A_60, %parallel_loop3A_54, %parallel_loop3A_27 : vector<16xi1>, vector<16xf32>
      %parallel_loop3A_64 = arith.select %parallel_loop3A_60, %parallel_loop3A_59, %parallel_loop3A_28 : vector<16xi1>, vector<16xi32>
      %parallel_loop3A_65 = arith.constant dense<true> : vector<16xi1>
      %parallel_loop3A_66, %parallel_loop3A_67, %parallel_loop3A_68 = tpu.sort %parallel_loop3A_61, %parallel_loop3A_62 masked %parallel_loop3A_65 {descending = true} : (vector<16xf32>, vector<16xi32>, vector<16xi1>) -> (vector<16xi1>, vector<16xf32>, vector<16xi32>)
      %parallel_loop3A_69 = arith.constant dense<true> : vector<16xi1>
      %parallel_loop3A_70, %parallel_loop3A_71, %parallel_loop3A_72 = tpu.sort %parallel_loop3A_63, %parallel_loop3A_64 masked %parallel_loop3A_69 {descending = true} : (vector<16xf32>, vector<16xi32>, vector<16xi1>) -> (vector<16xi1>, vector<16xf32>, vector<16xi32>)
      %parallel_loop3A_73 = arith.constant 15 : i32
      %parallel_loop3A_74 = vector.broadcast %parallel_loop3A_73 : i32 to vector<16xi32>
      %parallel_loop3A_75 = tpu.iota {dimensions = array<i32: 0>} : vector<16xi32>
      %parallel_loop3A_76 = arith.subi %parallel_loop3A_74, %parallel_loop3A_75 : vector<16xi32>
      %parallel_loop3A_77 = tpu.dynamic_gather %parallel_loop3A_48[%parallel_loop3A_76] in [0] : vector<16xf32>, vector<16xi32> -> vector<16xf32>
      %parallel_loop3A_78 = arith.constant 15 : i32
      %parallel_loop3A_79 = vector.broadcast %parallel_loop3A_78 : i32 to vector<16xi32>
      %parallel_loop3A_80 = tpu.iota {dimensions = array<i32: 0>} : vector<16xi32>
      %parallel_loop3A_81 = arith.subi %parallel_loop3A_79, %parallel_loop3A_80 : vector<16xi32>
      %parallel_loop3A_82 = tpu.dynamic_gather %parallel_loop3A_49[%parallel_loop3A_81] in [0] : vector<16xi32>, vector<16xi32> -> vector<16xi32>
      %parallel_loop3A_83 = arith.cmpf oge, %parallel_loop3A_41, %parallel_loop3A_77 : vector<16xf32>
      %parallel_loop3A_84 = arith.select %parallel_loop3A_83, %parallel_loop3A_41, %parallel_loop3A_77 : vector<16xi1>, vector<16xf32>
      %parallel_loop3A_85 = arith.select %parallel_loop3A_83, %parallel_loop3A_42, %parallel_loop3A_82 : vector<16xi1>, vector<16xi32>
      %parallel_loop3A_86 = arith.select %parallel_loop3A_83, %parallel_loop3A_77, %parallel_loop3A_41 : vector<16xi1>, vector<16xf32>
      %parallel_loop3A_87 = arith.select %parallel_loop3A_83, %parallel_loop3A_82, %parallel_loop3A_42 : vector<16xi1>, vector<16xi32>
      %parallel_loop3A_88 = arith.constant dense<true> : vector<16xi1>
      %parallel_loop3A_89, %parallel_loop3A_90, %parallel_loop3A_91 = tpu.sort %parallel_loop3A_84, %parallel_loop3A_85 masked %parallel_loop3A_88 {descending = true} : (vector<16xf32>, vector<16xi32>, vector<16xi1>) -> (vector<16xi1>, vector<16xf32>, vector<16xi32>)
      %parallel_loop3A_92 = arith.constant dense<true> : vector<16xi1>
      %parallel_loop3A_93, %parallel_loop3A_94, %parallel_loop3A_95 = tpu.sort %parallel_loop3A_86, %parallel_loop3A_87 masked %parallel_loop3A_92 {descending = true} : (vector<16xf32>, vector<16xi32>, vector<16xi1>) -> (vector<16xi1>, vector<16xf32>, vector<16xi32>)
      %parallel_loop3A_96 = arith.constant 15 : i32
      %parallel_loop3A_97 = vector.broadcast %parallel_loop3A_96 : i32 to vector<16xi32>
      %parallel_loop3A_98 = tpu.iota {dimensions = array<i32: 0>} : vector<16xi32>
      %parallel_loop3A_99 = arith.subi %parallel_loop3A_97, %parallel_loop3A_98 : vector<16xi32>
      %parallel_loop3A_100 = tpu.dynamic_gather %parallel_loop3A_94[%parallel_loop3A_99] in [0] : vector<16xf32>, vector<16xi32> -> vector<16xf32>
      %parallel_loop3A_101 = arith.constant 15 : i32
      %parallel_loop3A_102 = vector.broadcast %parallel_loop3A_101 : i32 to vector<16xi32>
      %parallel_loop3A_103 = tpu.iota {dimensions = array<i32: 0>} : vector<16xi32>
      %parallel_loop3A_104 = arith.subi %parallel_loop3A_102, %parallel_loop3A_103 : vector<16xi32>
      %parallel_loop3A_105 = tpu.dynamic_gather %parallel_loop3A_95[%parallel_loop3A_104] in [0] : vector<16xi32>, vector<16xi32> -> vector<16xi32>
      %parallel_loop3A_106 = arith.constant 15 : i32
      %parallel_loop3A_107 = vector.broadcast %parallel_loop3A_106 : i32 to vector<16xi32>
      %parallel_loop3A_108 = tpu.iota {dimensions = array<i32: 0>} : vector<16xi32>
      %parallel_loop3A_109 = arith.subi %parallel_loop3A_107, %parallel_loop3A_108 : vector<16xi32>
      %parallel_loop3A_110 = tpu.dynamic_gather %parallel_loop3A_90[%parallel_loop3A_109] in [0] : vector<16xf32>, vector<16xi32> -> vector<16xf32>
      %parallel_loop3A_111 = arith.constant 15 : i32
      %parallel_loop3A_112 = vector.broadcast %parallel_loop3A_111 : i32 to vector<16xi32>
      %parallel_loop3A_113 = tpu.iota {dimensions = array<i32: 0>} : vector<16xi32>
      %parallel_loop3A_114 = arith.subi %parallel_loop3A_112, %parallel_loop3A_113 : vector<16xi32>
      %parallel_loop3A_115 = tpu.dynamic_gather %parallel_loop3A_91[%parallel_loop3A_114] in [0] : vector<16xi32>, vector<16xi32> -> vector<16xi32>
      %parallel_loop3A_116 = arith.cmpf oge, %parallel_loop3A_67, %parallel_loop3A_100 : vector<16xf32>
      %parallel_loop3A_117 = arith.select %parallel_loop3A_116, %parallel_loop3A_67, %parallel_loop3A_100 : vector<16xi1>, vector<16xf32>
      %parallel_loop3A_118 = arith.select %parallel_loop3A_116, %parallel_loop3A_68, %parallel_loop3A_105 : vector<16xi1>, vector<16xi32>
      %parallel_loop3A_119 = arith.cmpf oge, %parallel_loop3A_71, %parallel_loop3A_110 : vector<16xf32>
      %parallel_loop3A_120 = arith.select %parallel_loop3A_119, %parallel_loop3A_71, %parallel_loop3A_110 : vector<16xi1>, vector<16xf32>
      %parallel_loop3A_121 = arith.select %parallel_loop3A_119, %parallel_loop3A_72, %parallel_loop3A_115 : vector<16xi1>, vector<16xi32>
      %parallel_loop3A_122 = arith.cmpf oge, %parallel_loop3A_117, %parallel_loop3A_120 : vector<16xf32>
      %parallel_loop3A_123 = arith.select %parallel_loop3A_122, %parallel_loop3A_117, %parallel_loop3A_120 : vector<16xi1>, vector<16xf32>
      %parallel_loop3A_124 = arith.select %parallel_loop3A_122, %parallel_loop3A_118, %parallel_loop3A_121 : vector<16xi1>, vector<16xi32>
      %parallel_loop3A_125 = arith.select %parallel_loop3A_122, %parallel_loop3A_120, %parallel_loop3A_117 : vector<16xi1>, vector<16xf32>
      %parallel_loop3A_126 = arith.select %parallel_loop3A_122, %parallel_loop3A_121, %parallel_loop3A_118 : vector<16xi1>, vector<16xi32>
      %parallel_loop3A_127 = arith.constant dense<true> : vector<16xi1>
      %parallel_loop3A_128, %parallel_loop3A_129, %parallel_loop3A_130 = tpu.sort %parallel_loop3A_123, %parallel_loop3A_124 masked %parallel_loop3A_127 {descending = true} : (vector<16xf32>, vector<16xi32>, vector<16xi1>) -> (vector<16xi1>, vector<16xf32>, vector<16xi32>)
      %parallel_loop3A_131 = arith.constant dense<true> : vector<16xi1>
      %parallel_loop3A_132, %parallel_loop3A_133, %parallel_loop3A_134 = tpu.sort %parallel_loop3A_125, %parallel_loop3A_126 masked %parallel_loop3A_131 {descending = true} : (vector<16xf32>, vector<16xi32>, vector<16xi1>) -> (vector<16xi1>, vector<16xf32>, vector<16xi32>)
      %parallel_loop3A_135 = arith.constant 0 : i32
      %parallel_loop3A_136 = vector.broadcast %parallel_loop3A_135 : i32 to vector<16xi32>
      %parallel_loop3A_137 = vector.broadcast %parallel_loop3A_9 : i32 to vector<16xi32>
      %parallel_loop3A_138 = arith.addi %parallel_loop3A_136, %parallel_loop3A_137 : vector<16xi32>
      tpu.vector_store_idx %arg9[%iota3A, %parallel_loop3A_138], %parallel_loop3A_129 : memref<32x128xf32, #tpu.memory_space<vmem>>[vector<16xi32>, vector<16xi32>], vector<16xf32>,
      %parallel_loop3A_139 = arith.constant 16 : i32
      %parallel_loop3A_140 = vector.broadcast %parallel_loop3A_139 : i32 to vector<16xi32>
      %parallel_loop3A_141 = arith.addi %iota3A, %parallel_loop3A_140 : vector<16xi32>
      tpu.vector_store_idx %arg9[%parallel_loop3A_141, %parallel_loop3A_138], %parallel_loop3A_133 : memref<32x128xf32, #tpu.memory_space<vmem>>[vector<16xi32>, vector<16xi32>], vector<16xf32>,
      tpu.vector_store_idx %arg8[%iota3A, %parallel_loop3A_138], %parallel_loop3A_130 : memref<32x128xi32, #tpu.memory_space<vmem>>[vector<16xi32>, vector<16xi32>], vector<16xi32>,
      %parallel_loop3A_142 = arith.constant 16 : i32
      %parallel_loop3A_143 = vector.broadcast %parallel_loop3A_142 : i32 to vector<16xi32>
      %parallel_loop3A_144 = arith.addi %iota3A, %parallel_loop3A_143 : vector<16xi32>
      tpu.vector_store_idx %arg8[%parallel_loop3A_144, %parallel_loop3A_138], %parallel_loop3A_134 : memref<32x128xi32, #tpu.memory_space<vmem>>[vector<16xi32>, vector<16xi32>], vector<16xi32>,
    } {sc.loop_unroll_factor = 4 : i64, sc.parallel_access}
    %mul3A_5 = arith.constant 128 : i32
    %mul3A_6 = arith.muli %add3A, %mul3A_5 : i32
    %add3A_7 = arith.constant 8192 : i32
    %add3A_8 = arith.addi %add3A_7, %mul3A_6 : i32
    "tpu.region"() ({
      %run_scoped3A = tpu.sem_alloc : memref<!tpu.dma_semaphore, #tpu.memory_space<semaphore_mem>>
      %dma_start3A = arith.constant 0 : i32
      %dma_start3A_9 = tpu.memref_slice %arg3[%dma_start3A, %add3A_8] : memref<32x16384xi32, #tpu.memory_space<hbm>> -> memref<32x128xi32, #tpu.memory_space<hbm>>
      %dma_start3A_10 = arith.constant 0 : i32
      %dma_start3A_11 = tpu.memref_slice %arg3[%dma_start3A_10, %add3A_8] : memref<32x16384xi32, #tpu.memory_space<hbm>> -> memref<32x128xi32, #tpu.memory_space<hbm>>
      tpu.enqueue_dma source(%arg8 : memref<32x128xi32, #tpu.memory_space<vmem>>) target(%dma_start3A_11 : memref<32x128xi32, #tpu.memory_space<hbm>>) target_semaphore(%run_scoped3A : memref<!tpu.dma_semaphore, #tpu.memory_space<semaphore_mem>>)
      %dma_wait3A = arith.constant 0 : i32
      %dma_wait3A_12 = tpu.memref_slice %arg3[%dma_wait3A, %add3A_8] : memref<32x16384xi32, #tpu.memory_space<hbm>> -> memref<32x128xi32, #tpu.memory_space<hbm>>
      %dma_wait3A_13 = arith.constant 0 : i32
      %dma_wait3A_14 = tpu.memref_slice %arg3[%dma_wait3A_13, %add3A_8] : memref<32x16384xi32, #tpu.memory_space<hbm>> -> memref<32x128xi32, #tpu.memory_space<hbm>>
      tpu.wait_dma2 semaphore(%run_scoped3A : memref<!tpu.dma_semaphore, #tpu.memory_space<semaphore_mem>>) src(%arg8 : memref<32x128xi32, #tpu.memory_space<vmem>>) dst(%dma_wait3A_14 : memref<32x128xi32, #tpu.memory_space<hbm>>)
      tpu.yield
    }) : () -> ()
    "tpu.region"() ({
      %run_scoped3A = tpu.sem_alloc : memref<!tpu.dma_semaphore, #tpu.memory_space<semaphore_mem>>
      %dma_start3A = arith.constant 0 : i32
      %dma_start3A_9 = tpu.memref_slice %arg4[%dma_start3A, %add3A_8] : memref<32x16384xf32, #tpu.memory_space<hbm>> -> memref<32x128xf32, #tpu.memory_space<hbm>>
      %dma_start3A_10 = arith.constant 0 : i32
      %dma_start3A_11 = tpu.memref_slice %arg4[%dma_start3A_10, %add3A_8] : memref<32x16384xf32, #tpu.memory_space<hbm>> -> memref<32x128xf32, #tpu.memory_space<hbm>>
      tpu.enqueue_dma source(%arg9 : memref<32x128xf32, #tpu.memory_space<vmem>>) target(%dma_start3A_11 : memref<32x128xf32, #tpu.memory_space<hbm>>) target_semaphore(%run_scoped3A : memref<!tpu.dma_semaphore, #tpu.memory_space<semaphore_mem>>)
      %dma_wait3A = arith.constant 0 : i32
      %dma_wait3A_12 = tpu.memref_slice %arg4[%dma_wait3A, %add3A_8] : memref<32x16384xf32, #tpu.memory_space<hbm>> -> memref<32x128xf32, #tpu.memory_space<hbm>>
      %dma_wait3A_13 = arith.constant 0 : i32
      %dma_wait3A_14 = tpu.memref_slice %arg4[%dma_wait3A_13, %add3A_8] : memref<32x16384xf32, #tpu.memory_space<hbm>> -> memref<32x128xf32, #tpu.memory_space<hbm>>
      tpu.wait_dma2 semaphore(%run_scoped3A : memref<!tpu.dma_semaphore, #tpu.memory_space<semaphore_mem>>) src(%arg9 : memref<32x128xf32, #tpu.memory_space<vmem>>) dst(%dma_wait3A_14 : memref<32x128xf32, #tpu.memory_space<hbm>>)
      tpu.yield
    }) : () -> ()
    return
  }
}

#map = affine_map<(d0, d1) -> (0, 0)>
module attributes {stable_mosaic.version = 14 : i64} {
  func.func @new_body(%arg0: i32, %arg1: i32, %arg2: memref<4096x64xf32, #tpu.memory_space<hbm>>, %arg3: memref<32x16384xi32, #tpu.memory_space<hbm>>, %arg4: memref<32x16384xf32, #tpu.memory_space<hbm>>, %arg5: memref<32x16384xi32, #tpu.memory_space<hbm>>, %arg6: memref<32x16384xf32, #tpu.memory_space<hbm>>, %arg7: memref<128x64xf32, #tpu.memory_space<vmem>>, %arg8: memref<32x128xi32, #tpu.memory_space<vmem>>, %arg9: memref<32x128xf32, #tpu.memory_space<vmem>>) attributes {dimension_semantics = [#tpu.dimension_semantics<core_parallel>, #tpu.dimension_semantics<subcore_parallel>], iteration_bounds = array<i64: 2, 16>, scalar_prefetch = 0 : i64, scratch_operands = 3 : i64, tpu.core_type = #tpu.core_type<sc_vector_subcore>, window_params = [{transform_indices = #map}, {transform_indices = #map}, {transform_indices = #map}, {transform_indices = #map}, {transform_indices = #map}]} {
    %mul3A = arith.constant 2 : i32
    %mul3A_0 = arith.muli %arg1, %mul3A : i32
    %add3A = arith.addi %mul3A_0, %arg0 : i32
    %mul3A_1 = arith.constant 128 : i32
    %mul3A_2 = arith.muli %add3A, %mul3A_1 : i32
    "tpu.region"() ({
      %run_scoped3A = tpu.sem_alloc : memref<!tpu.dma_semaphore, #tpu.memory_space<semaphore_mem>>
      %dma_start3A = arith.constant 0 : i32
      %dma_start3A_9 = tpu.memref_slice %arg2[%mul3A_2, %dma_start3A] : memref<4096x64xf32, #tpu.memory_space<hbm>> -> memref<128x64xf32, #tpu.memory_space<hbm>>
      %dma_start3A_10 = arith.constant 0 : i32
      %dma_start3A_11 = tpu.memref_slice %arg2[%mul3A_2, %dma_start3A_10] : memref<4096x64xf32, #tpu.memory_space<hbm>> -> memref<128x64xf32, #tpu.memory_space<hbm>>
      tpu.enqueue_dma source(%dma_start3A_11 : memref<128x64xf32, #tpu.memory_space<hbm>>) target(%arg7 : memref<128x64xf32, #tpu.memory_space<vmem>>) target_semaphore(%run_scoped3A : memref<!tpu.dma_semaphore, #tpu.memory_space<semaphore_mem>>)
      %dma_wait3A = arith.constant 0 : i32
      %dma_wait3A_12 = tpu.memref_slice %arg2[%mul3A_2, %dma_wait3A] : memref<4096x64xf32, #tpu.memory_space<hbm>> -> memref<128x64xf32, #tpu.memory_space<hbm>>
      %dma_wait3A_13 = arith.constant 0 : i32
      %dma_wait3A_14 = tpu.memref_slice %arg2[%mul3A_2, %dma_wait3A_13] : memref<4096x64xf32, #tpu.memory_space<hbm>> -> memref<128x64xf32, #tpu.memory_space<hbm>>
      tpu.wait_dma2 semaphore(%run_scoped3A : memref<!tpu.dma_semaphore, #tpu.memory_space<semaphore_mem>>) src(%dma_wait3A_14 : memref<128x64xf32, #tpu.memory_space<hbm>>) dst(%arg7 : memref<128x64xf32, #tpu.memory_space<vmem>>)
      tpu.yield
    }) : () -> ()
    %iota3A = tpu.iota {dimensions = array<i32: 0>} : vector<16xi32>
    %parallel_loop3A = arith.constant 0 : i32
    %parallel_loop3A_3 = arith.constant 128 : i32
    %parallel_loop3A_4 = arith.constant 1 : i32
    scf.for %parallel_loop3A_9 = %parallel_loop3A to %parallel_loop3A_3 step %parallel_loop3A_4  : i32 {
      %parallel_loop3A_10 = arith.index_cast %parallel_loop3A_9 : i32 to index
      %parallel_loop3A_11 = arith.constant 0 : index
      %parallel_loop3A_12 = tpu.vector_load %arg7[%parallel_loop3A_10, %parallel_loop3A_11] {strides = array<i32>} : memref<128x64xf32, #tpu.memory_space<vmem>>, vector<16xf32>,
      %parallel_loop3A_13 = arith.index_cast %parallel_loop3A_9 : i32 to index
      %parallel_loop3A_14 = arith.constant 16 : index
      %parallel_loop3A_15 = tpu.vector_load %arg7[%parallel_loop3A_13, %parallel_loop3A_14] {strides = array<i32>} : memref<128x64xf32, #tpu.memory_space<vmem>>, vector<16xf32>,
      %parallel_loop3A_16 = arith.index_cast %parallel_loop3A_9 : i32 to index
      %parallel_loop3A_17 = arith.constant 32 : index
      %parallel_loop3A_18 = tpu.vector_load %arg7[%parallel_loop3A_16, %parallel_loop3A_17] {strides = array<i32>} : memref<128x64xf32, #tpu.memory_space<vmem>>, vector<16xf32>,
      %parallel_loop3A_19 = arith.index_cast %parallel_loop3A_9 : i32 to index
      %parallel_loop3A_20 = arith.constant 48 : index
      %parallel_loop3A_21 = tpu.vector_load %arg7[%parallel_loop3A_19, %parallel_loop3A_20] {strides = array<i32>} : memref<128x64xf32, #tpu.memory_space<vmem>>, vector<16xf32>,
      %parallel_loop3A_22 = arith.constant 0 : i32
      %parallel_loop3A_23 = vector.broadcast %parallel_loop3A_22 : i32 to vector<16xi32>
      %parallel_loop3A_24 = arith.addi %iota3A, %parallel_loop3A_23 : vector<16xi32>
      %parallel_loop3A_25 = arith.constant dense<true> : vector<16xi1>
      %parallel_loop3A_26, %parallel_loop3A_27, %parallel_loop3A_28 = tpu.sort %parallel_loop3A_12, %parallel_loop3A_24 masked %parallel_loop3A_25 {descending = true} : (vector<16xf32>, vector<16xi32>, vector<16xi1>) -> (vector<16xi1>, vector<16xf32>, vector<16xi32>)
      %parallel_loop3A_29 = arith.constant 16 : i32
      %parallel_loop3A_30 = vector.broadcast %parallel_loop3A_29 : i32 to vector<16xi32>
      %parallel_loop3A_31 = arith.addi %iota3A, %parallel_loop3A_30 : vector<16xi32>
      %parallel_loop3A_32 = arith.constant dense<true> : vector<16xi1>
      %parallel_loop3A_33, %parallel_loop3A_34, %parallel_loop3A_35 = tpu.sort %parallel_loop3A_15, %parallel_loop3A_31 masked %parallel_loop3A_32 {descending = true} : (vector<16xf32>, vector<16xi32>, vector<16xi1>) -> (vector<16xi1>, vector<16xf32>, vector<16xi32>)
      %parallel_loop3A_36 = arith.constant 32 : i32
      %parallel_loop3A_37 = vector.broadcast %parallel_loop3A_36 : i32 to vector<16xi32>
      %parallel_loop3A_38 = arith.addi %iota3A, %parallel_loop3A_37 : vector<16xi32>
      %parallel_loop3A_39 = arith.constant dense<true> : vector<16xi1>
      %parallel_loop3A_40, %parallel_loop3A_41, %parallel_loop3A_42 = tpu.sort %parallel_loop3A_18, %parallel_loop3A_38 masked %parallel_loop3A_39 {descending = true} : (vector<16xf32>, vector<16xi32>, vector<16xi1>) -> (vector<16xi1>, vector<16xf32>, vector<16xi32>)
      %parallel_loop3A_43 = arith.constant 48 : i32
      %parallel_loop3A_44 = vector.broadcast %parallel_loop3A_43 : i32 to vector<16xi32>
      %parallel_loop3A_45 = arith.addi %iota3A, %parallel_loop3A_44 : vector<16xi32>
      %parallel_loop3A_46 = arith.constant dense<true> : vector<16xi1>
      %parallel_loop3A_47, %parallel_loop3A_48, %parallel_loop3A_49 = tpu.sort %parallel_loop3A_21, %parallel_loop3A_45 masked %parallel_loop3A_46 {descending = true} : (vector<16xf32>, vector<16xi32>, vector<16xi1>) -> (vector<16xi1>, vector<16xf32>, vector<16xi32>)
      %parallel_loop3A_50 = arith.constant 15 : i32
      %parallel_loop3A_51 = vector.broadcast %parallel_loop3A_50 : i32 to vector<16xi32>
      %parallel_loop3A_52 = tpu.iota {dimensions = array<i32: 0>} : vector<16xi32>
      %parallel_loop3A_53 = arith.subi %parallel_loop3A_51, %parallel_loop3A_52 : vector<16xi32>
      %parallel_loop3A_54 = tpu.dynamic_gather %parallel_loop3A_34[%parallel_loop3A_53] in [0] : vector<16xf32>, vector<16xi32> -> vector<16xf32>
      %parallel_loop3A_55 = arith.constant 15 : i32
      %parallel_loop3A_56 = vector.broadcast %parallel_loop3A_55 : i32 to vector<16xi32>
      %parallel_loop3A_57 = tpu.iota {dimensions = array<i32: 0>} : vector<16xi32>
      %parallel_loop3A_58 = arith.subi %parallel_loop3A_56, %parallel_loop3A_57 : vector<16xi32>
      %parallel_loop3A_59 = tpu.dynamic_gather %parallel_loop3A_35[%parallel_loop3A_58] in [0] : vector<16xi32>, vector<16xi32> -> vector<16xi32>
      %parallel_loop3A_60 = arith.cmpf oge, %parallel_loop3A_27, %parallel_loop3A_54 : vector<16xf32>
      %parallel_loop3A_61 = arith.select %parallel_loop3A_60, %parallel_loop3A_27, %parallel_loop3A_54 : vector<16xi1>, vector<16xf32>
      %parallel_loop3A_62 = arith.select %parallel_loop3A_60, %parallel_loop3A_28, %parallel_loop3A_59 : vector<16xi1>, vector<16xi32>
      %parallel_loop3A_63 = arith.select %parallel_loop3A_60, %parallel_loop3A_54, %parallel_loop3A_27 : vector<16xi1>, vector<16xf32>
      %parallel_loop3A_64 = arith.select %parallel_loop3A_60, %parallel_loop3A_59, %parallel_loop3A_28 : vector<16xi1>, vector<16xi32>
      %parallel_loop3A_65 = arith.constant dense<true> : vector<16xi1>
      %parallel_loop3A_66, %parallel_loop3A_67, %parallel_loop3A_68 = tpu.sort %parallel_loop3A_61, %parallel_loop3A_62 masked %parallel_loop3A_65 {descending = true} : (vector<16xf32>, vector<16xi32>, vector<16xi1>) -> (vector<16xi1>, vector<16xf32>, vector<16xi32>)
      %parallel_loop3A_69 = arith.constant dense<true> : vector<16xi1>
      %parallel_loop3A_70, %parallel_loop3A_71, %parallel_loop3A_72 = tpu.sort %parallel_loop3A_63, %parallel_loop3A_64 masked %parallel_loop3A_69 {descending = true} : (vector<16xf32>, vector<16xi32>, vector<16xi1>) -> (vector<16xi1>, vector<16xf32>, vector<16xi32>)
      %parallel_loop3A_73 = arith.constant 15 : i32
      %parallel_loop3A_74 = vector.broadcast %parallel_loop3A_73 : i32 to vector<16xi32>
      %parallel_loop3A_75 = tpu.iota {dimensions = array<i32: 0>} : vector<16xi32>
      %parallel_loop3A_76 = arith.subi %parallel_loop3A_74, %parallel_loop3A_75 : vector<16xi32>
      %parallel_loop3A_77 = tpu.dynamic_gather %parallel_loop3A_48[%parallel_loop3A_76] in [0] : vector<16xf32>, vector<16xi32> -> vector<16xf32>
      %parallel_loop3A_78 = arith.constant 15 : i32
      %parallel_loop3A_79 = vector.broadcast %parallel_loop3A_78 : i32 to vector<16xi32>
      %parallel_loop3A_80 = tpu.iota {dimensions = array<i32: 0>} : vector<16xi32>
      %parallel_loop3A_81 = arith.subi %parallel_loop3A_79, %parallel_loop3A_80 : vector<16xi32>
      %parallel_loop3A_82 = tpu.dynamic_gather %parallel_loop3A_49[%parallel_loop3A_81] in [0] : vector<16xi32>, vector<16xi32> -> vector<16xi32>
      %parallel_loop3A_83 = arith.cmpf oge, %parallel_loop3A_41, %parallel_loop3A_77 : vector<16xf32>
      %parallel_loop3A_84 = arith.select %parallel_loop3A_83, %parallel_loop3A_41, %parallel_loop3A_77 : vector<16xi1>, vector<16xf32>
      %parallel_loop3A_85 = arith.select %parallel_loop3A_83, %parallel_loop3A_42, %parallel_loop3A_82 : vector<16xi1>, vector<16xi32>
      %parallel_loop3A_86 = arith.select %parallel_loop3A_83, %parallel_loop3A_77, %parallel_loop3A_41 : vector<16xi1>, vector<16xf32>
      %parallel_loop3A_87 = arith.select %parallel_loop3A_83, %parallel_loop3A_82, %parallel_loop3A_42 : vector<16xi1>, vector<16xi32>
      %parallel_loop3A_88 = arith.constant dense<true> : vector<16xi1>
      %parallel_loop3A_89, %parallel_loop3A_90, %parallel_loop3A_91 = tpu.sort %parallel_loop3A_84, %parallel_loop3A_85 masked %parallel_loop3A_88 {descending = true} : (vector<16xf32>, vector<16xi32>, vector<16xi1>) -> (vector<16xi1>, vector<16xf32>, vector<16xi32>)
      %parallel_loop3A_92 = arith.constant dense<true> : vector<16xi1>
      %parallel_loop3A_93, %parallel_loop3A_94, %parallel_loop3A_95 = tpu.sort %parallel_loop3A_86, %parallel_loop3A_87 masked %parallel_loop3A_92 {descending = true} : (vector<16xf32>, vector<16xi32>, vector<16xi1>) -> (vector<16xi1>, vector<16xf32>, vector<16xi32>)
      %parallel_loop3A_96 = arith.constant 15 : i32
      %parallel_loop3A_97 = vector.broadcast %parallel_loop3A_96 : i32 to vector<16xi32>
      %parallel_loop3A_98 = tpu.iota {dimensions = array<i32: 0>} : vector<16xi32>
      %parallel_loop3A_99 = arith.subi %parallel_loop3A_97, %parallel_loop3A_98 : vector<16xi32>
      %parallel_loop3A_100 = tpu.dynamic_gather %parallel_loop3A_94[%parallel_loop3A_99] in [0] : vector<16xf32>, vector<16xi32> -> vector<16xf32>
      %parallel_loop3A_101 = arith.constant 15 : i32
      %parallel_loop3A_102 = vector.broadcast %parallel_loop3A_101 : i32 to vector<16xi32>
      %parallel_loop3A_103 = tpu.iota {dimensions = array<i32: 0>} : vector<16xi32>
      %parallel_loop3A_104 = arith.subi %parallel_loop3A_102, %parallel_loop3A_103 : vector<16xi32>
      %parallel_loop3A_105 = tpu.dynamic_gather %parallel_loop3A_95[%parallel_loop3A_104] in [0] : vector<16xi32>, vector<16xi32> -> vector<16xi32>
      %parallel_loop3A_106 = arith.constant 15 : i32
      %parallel_loop3A_107 = vector.broadcast %parallel_loop3A_106 : i32 to vector<16xi32>
      %parallel_loop3A_108 = tpu.iota {dimensions = array<i32: 0>} : vector<16xi32>
      %parallel_loop3A_109 = arith.subi %parallel_loop3A_107, %parallel_loop3A_108 : vector<16xi32>
      %parallel_loop3A_110 = tpu.dynamic_gather %parallel_loop3A_90[%parallel_loop3A_109] in [0] : vector<16xf32>, vector<16xi32> -> vector<16xf32>
      %parallel_loop3A_111 = arith.constant 15 : i32
      %parallel_loop3A_112 = vector.broadcast %parallel_loop3A_111 : i32 to vector<16xi32>
      %parallel_loop3A_113 = tpu.iota {dimensions = array<i32: 0>} : vector<16xi32>
      %parallel_loop3A_114 = arith.subi %parallel_loop3A_112, %parallel_loop3A_113 : vector<16xi32>
      %parallel_loop3A_115 = tpu.dynamic_gather %parallel_loop3A_91[%parallel_loop3A_114] in [0] : vector<16xi32>, vector<16xi32> -> vector<16xi32>
      %parallel_loop3A_116 = arith.cmpf oge, %parallel_loop3A_67, %parallel_loop3A_100 : vector<16xf32>
      %parallel_loop3A_117 = arith.select %parallel_loop3A_116, %parallel_loop3A_67, %parallel_loop3A_100 : vector<16xi1>, vector<16xf32>
      %parallel_loop3A_118 = arith.select %parallel_loop3A_116, %parallel_loop3A_68, %parallel_loop3A_105 : vector<16xi1>, vector<16xi32>
      %parallel_loop3A_119 = arith.cmpf oge, %parallel_loop3A_71, %parallel_loop3A_110 : vector<16xf32>
      %parallel_loop3A_120 = arith.select %parallel_loop3A_119, %parallel_loop3A_71, %parallel_loop3A_110 : vector<16xi1>, vector<16xf32>
      %parallel_loop3A_121 = arith.select %parallel_loop3A_119, %parallel_loop3A_72, %parallel_loop3A_115 : vector<16xi1>, vector<16xi32>
      %parallel_loop3A_122 = arith.cmpf oge, %parallel_loop3A_117, %parallel_loop3A_120 : vector<16xf32>
      %parallel_loop3A_123 = arith.select %parallel_loop3A_122, %parallel_loop3A_117, %parallel_loop3A_120 : vector<16xi1>, vector<16xf32>
      %parallel_loop3A_124 = arith.select %parallel_loop3A_122, %parallel_loop3A_118, %parallel_loop3A_121 : vector<16xi1>, vector<16xi32>
      %parallel_loop3A_125 = arith.select %parallel_loop3A_122, %parallel_loop3A_120, %parallel_loop3A_117 : vector<16xi1>, vector<16xf32>
      %parallel_loop3A_126 = arith.select %parallel_loop3A_122, %parallel_loop3A_121, %parallel_loop3A_118 : vector<16xi1>, vector<16xi32>
      %parallel_loop3A_127 = arith.constant dense<true> : vector<16xi1>
      %parallel_loop3A_128, %parallel_loop3A_129, %parallel_loop3A_130 = tpu.sort %parallel_loop3A_123, %parallel_loop3A_124 masked %parallel_loop3A_127 {descending = true} : (vector<16xf32>, vector<16xi32>, vector<16xi1>) -> (vector<16xi1>, vector<16xf32>, vector<16xi32>)
      %parallel_loop3A_131 = arith.constant dense<true> : vector<16xi1>
      %parallel_loop3A_132, %parallel_loop3A_133, %parallel_loop3A_134 = tpu.sort %parallel_loop3A_125, %parallel_loop3A_126 masked %parallel_loop3A_131 {descending = true} : (vector<16xf32>, vector<16xi32>, vector<16xi1>) -> (vector<16xi1>, vector<16xf32>, vector<16xi32>)
      %parallel_loop3A_135 = arith.constant 0 : i32
      %parallel_loop3A_136 = vector.broadcast %parallel_loop3A_135 : i32 to vector<16xi32>
      %parallel_loop3A_137 = vector.broadcast %parallel_loop3A_9 : i32 to vector<16xi32>
      %parallel_loop3A_138 = arith.addi %parallel_loop3A_136, %parallel_loop3A_137 : vector<16xi32>
      tpu.vector_store_idx %arg9[%iota3A, %parallel_loop3A_138], %parallel_loop3A_129 : memref<32x128xf32, #tpu.memory_space<vmem>>[vector<16xi32>, vector<16xi32>], vector<16xf32>,
      %parallel_loop3A_139 = arith.constant 16 : i32
      %parallel_loop3A_140 = vector.broadcast %parallel_loop3A_139 : i32 to vector<16xi32>
      %parallel_loop3A_141 = arith.addi %iota3A, %parallel_loop3A_140 : vector<16xi32>
      tpu.vector_store_idx %arg9[%parallel_loop3A_141, %parallel_loop3A_138], %parallel_loop3A_133 : memref<32x128xf32, #tpu.memory_space<vmem>>[vector<16xi32>, vector<16xi32>], vector<16xf32>,
      tpu.vector_store_idx %arg8[%iota3A, %parallel_loop3A_138], %parallel_loop3A_130 : memref<32x128xi32, #tpu.memory_space<vmem>>[vector<16xi32>, vector<16xi32>], vector<16xi32>,
      %parallel_loop3A_142 = arith.constant 16 : i32
      %parallel_loop3A_143 = vector.broadcast %parallel_loop3A_142 : i32 to vector<16xi32>
      %parallel_loop3A_144 = arith.addi %iota3A, %parallel_loop3A_143 : vector<16xi32>
      tpu.vector_store_idx %arg8[%parallel_loop3A_144, %parallel_loop3A_138], %parallel_loop3A_134 : memref<32x128xi32, #tpu.memory_space<vmem>>[vector<16xi32>, vector<16xi32>], vector<16xi32>,
    } {sc.loop_unroll_factor = 4 : i64, sc.parallel_access}
    %mul3A_5 = arith.constant 128 : i32
    %mul3A_6 = arith.muli %add3A, %mul3A_5 : i32
    %add3A_7 = arith.constant 12288 : i32
    %add3A_8 = arith.addi %add3A_7, %mul3A_6 : i32
    "tpu.region"() ({
      %run_scoped3A = tpu.sem_alloc : memref<!tpu.dma_semaphore, #tpu.memory_space<semaphore_mem>>
      %dma_start3A = arith.constant 0 : i32
      %dma_start3A_9 = tpu.memref_slice %arg3[%dma_start3A, %add3A_8] : memref<32x16384xi32, #tpu.memory_space<hbm>> -> memref<32x128xi32, #tpu.memory_space<hbm>>
      %dma_start3A_10 = arith.constant 0 : i32
      %dma_start3A_11 = tpu.memref_slice %arg3[%dma_start3A_10, %add3A_8] : memref<32x16384xi32, #tpu.memory_space<hbm>> -> memref<32x128xi32, #tpu.memory_space<hbm>>
      tpu.enqueue_dma source(%arg8 : memref<32x128xi32, #tpu.memory_space<vmem>>) target(%dma_start3A_11 : memref<32x128xi32, #tpu.memory_space<hbm>>) target_semaphore(%run_scoped3A : memref<!tpu.dma_semaphore, #tpu.memory_space<semaphore_mem>>)
      %dma_wait3A = arith.constant 0 : i32
      %dma_wait3A_12 = tpu.memref_slice %arg3[%dma_wait3A, %add3A_8] : memref<32x16384xi32, #tpu.memory_space<hbm>> -> memref<32x128xi32, #tpu.memory_space<hbm>>
      %dma_wait3A_13 = arith.constant 0 : i32
      %dma_wait3A_14 = tpu.memref_slice %arg3[%dma_wait3A_13, %add3A_8] : memref<32x16384xi32, #tpu.memory_space<hbm>> -> memref<32x128xi32, #tpu.memory_space<hbm>>
      tpu.wait_dma2 semaphore(%run_scoped3A : memref<!tpu.dma_semaphore, #tpu.memory_space<semaphore_mem>>) src(%arg8 : memref<32x128xi32, #tpu.memory_space<vmem>>) dst(%dma_wait3A_14 : memref<32x128xi32, #tpu.memory_space<hbm>>)
      tpu.yield
    }) : () -> ()
    "tpu.region"() ({
      %run_scoped3A = tpu.sem_alloc : memref<!tpu.dma_semaphore, #tpu.memory_space<semaphore_mem>>
      %dma_start3A = arith.constant 0 : i32
      %dma_start3A_9 = tpu.memref_slice %arg4[%dma_start3A, %add3A_8] : memref<32x16384xf32, #tpu.memory_space<hbm>> -> memref<32x128xf32, #tpu.memory_space<hbm>>
      %dma_start3A_10 = arith.constant 0 : i32
      %dma_start3A_11 = tpu.memref_slice %arg4[%dma_start3A_10, %add3A_8] : memref<32x16384xf32, #tpu.memory_space<hbm>> -> memref<32x128xf32, #tpu.memory_space<hbm>>
      tpu.enqueue_dma source(%arg9 : memref<32x128xf32, #tpu.memory_space<vmem>>) target(%dma_start3A_11 : memref<32x128xf32, #tpu.memory_space<hbm>>) target_semaphore(%run_scoped3A : memref<!tpu.dma_semaphore, #tpu.memory_space<semaphore_mem>>)
      %dma_wait3A = arith.constant 0 : i32
      %dma_wait3A_12 = tpu.memref_slice %arg4[%dma_wait3A, %add3A_8] : memref<32x16384xf32, #tpu.memory_space<hbm>> -> memref<32x128xf32, #tpu.memory_space<hbm>>
      %dma_wait3A_13 = arith.constant 0 : i32
      %dma_wait3A_14 = tpu.memref_slice %arg4[%dma_wait3A_13, %add3A_8] : memref<32x16384xf32, #tpu.memory_space<hbm>> -> memref<32x128xf32, #tpu.memory_space<hbm>>
      tpu.wait_dma2 semaphore(%run_scoped3A : memref<!tpu.dma_semaphore, #tpu.memory_space<semaphore_mem>>) src(%arg9 : memref<32x128xf32, #tpu.memory_space<vmem>>) dst(%dma_wait3A_14 : memref<32x128xf32, #tpu.memory_space<hbm>>)
      tpu.yield
    }) : () -> ()
    return
  }
}

module attributes {stable_mosaic.version = 14 : i64} {
  func.func @_mm_body_dual(%arg0: i32, %arg1: memref<1024x4096xf32, #tpu.memory_space<vmem>>, %arg2: memref<64x4096xf32, #tpu.memory_space<vmem>>, %arg3: memref<1024x64xf32, #tpu.memory_space<vmem>>, %arg4: memref<1024x64xf32, #tpu.memory_space<vmem>>) attributes {dimension_semantics = [#tpu.dimension_semantics<arbitrary>], iteration_bounds = array<i64: 4>, scalar_prefetch = 0 : i64, scratch_operands = 0 : i64, tpu.core_type = #tpu.core_type<tc>, window_params = [{transform_indices = @transform_0, window_bounds = array<i64: 1024, 4096>}, {pipeline_mode = #tpu.pipeline_mode<synchronous>, transform_indices = @transform_1, window_bounds = array<i64: 64, 4096>}, {transform_indices = @transform_2, window_bounds = array<i64: 1024, 64>}, {transform_indices = @transform_3, window_bounds = array<i64: 1024, 64>}]} {
    %get3A = arith.constant 0 : index
    %get3A_0 = arith.constant 0 : index
    %get3A_1 = vector.load %arg1[%get3A, %get3A_0] : memref<1024x4096xf32, #tpu.memory_space<vmem>>, vector<1024x4096xf32>
    %get3A_2 = arith.constant 0 : index
    %get3A_3 = arith.constant 0 : index
    %get3A_4 = vector.load %arg2[%get3A_2, %get3A_3] : memref<64x4096xf32, #tpu.memory_space<vmem>>, vector<64x4096xf32>
    %transpose3A = tpu.transpose %get3A_4, [1, 0] : vector<64x4096xf32> -> vector<4096x64xf32>
    %dot_general3A = arith.constant dense<0.000000e+00> : vector<1024x64xf32>
    %dot_general3A_5 = tpu.matmul %get3A_1, %transpose3A, %dot_general3A {dimension_numbers = #tpu.dot_dimension_numbers<[1], [0], [0], [1], [0, 0, 1, 1], [], []>, transpose_lhs_hint = false} : vector<1024x4096xf32>, vector<4096x64xf32>, vector<1024x64xf32> -> vector<1024x64xf32>
    %swap3A = arith.constant 0 : index
    %swap3A_6 = arith.constant 0 : index
    %swap3A_7 = vector.load %arg3[%swap3A, %swap3A_6] : memref<1024x64xf32, #tpu.memory_space<vmem>>, vector<1024x64xf32>
    tpu.vector_store %arg3[%swap3A, %swap3A_6], %dot_general3A_5 {strides = array<i32>} : memref<1024x64xf32, #tpu.memory_space<vmem>>, vector<1024x64xf32>,
    %swap3A_8 = arith.constant 0 : index
    %swap3A_9 = arith.constant 0 : index
    %swap3A_10 = vector.load %arg4[%swap3A_8, %swap3A_9] : memref<1024x64xf32, #tpu.memory_space<vmem>>, vector<1024x64xf32>
    tpu.vector_store %arg4[%swap3A_8, %swap3A_9], %dot_general3A_5 {strides = array<i32>} : memref<1024x64xf32, #tpu.memory_space<vmem>>, vector<1024x64xf32>,
    return
  }
  func.func @transform_0(%arg0: i32) -> (i32, i32) {
    %add3A = arith.constant 0 : i32
    %add3A_0 = arith.addi %arg0, %add3A : i32
    %c0_i32 = arith.constant 0 : i32
    %c0_i32_1 = arith.constant 0 : i32
    return %add3A_0, %c0_i32 : i32, i32
  }
  func.func @transform_1(%arg0: i32) -> (i32, i32) {
    %c0_i32 = arith.constant 0 : i32
    %c0_i32_0 = arith.constant 0 : i32
    %c0_i32_1 = arith.constant 0 : i32
    return %c0_i32, %c0_i32_0 : i32, i32
  }
  func.func @transform_2(%arg0: i32) -> (i32, i32) {
    %add3A = arith.constant 0 : i32
    %add3A_0 = arith.addi %arg0, %add3A : i32
    %c0_i32 = arith.constant 0 : i32
    %c0_i32_1 = arith.constant 0 : i32
    return %add3A_0, %c0_i32 : i32, i32
  }
  func.func @transform_3(%arg0: i32) -> (i32, i32) {
    %c0_i32 = arith.constant 0 : i32
    %c0_i32_0 = arith.constant 0 : i32
    return %arg0, %c0_i32 : i32, i32
  }
}

module attributes {stable_mosaic.version = 14 : i64} {
  func.func @_mm_body_dual_alias(%arg0: i32, %arg1: memref<16384x64xf32, #tpu.memory_space<any>>, %arg2: memref<1024x4096xf32, #tpu.memory_space<vmem>>, %arg3: memref<64x4096xf32, #tpu.memory_space<vmem>>, %arg4: memref<1024x64xf32, #tpu.memory_space<vmem>>, %arg5: memref<1024x64xf32, #tpu.memory_space<vmem>>) attributes {dimension_semantics = [#tpu.dimension_semantics<arbitrary>], iteration_bounds = array<i64: 4>, scalar_prefetch = 0 : i64, scratch_operands = 0 : i64, tpu.core_type = #tpu.core_type<tc>, window_params = [{}, {transform_indices = @transform_1, window_bounds = array<i64: 1024, 4096>}, {pipeline_mode = #tpu.pipeline_mode<synchronous>, transform_indices = @transform_2, window_bounds = array<i64: 64, 4096>}, {transform_indices = @transform_3, window_bounds = array<i64: 1024, 64>}, {transform_indices = @transform_4, window_bounds = array<i64: 1024, 64>}]} {
    %get3A = arith.constant 0 : index
    %get3A_0 = arith.constant 0 : index
    %get3A_1 = vector.load %arg2[%get3A, %get3A_0] : memref<1024x4096xf32, #tpu.memory_space<vmem>>, vector<1024x4096xf32>
    %get3A_2 = arith.constant 0 : index
    %get3A_3 = arith.constant 0 : index
    %get3A_4 = vector.load %arg3[%get3A_2, %get3A_3] : memref<64x4096xf32, #tpu.memory_space<vmem>>, vector<64x4096xf32>
    %transpose3A = tpu.transpose %get3A_4, [1, 0] : vector<64x4096xf32> -> vector<4096x64xf32>
    %dot_general3A = arith.constant dense<0.000000e+00> : vector<1024x64xf32>
    %dot_general3A_5 = tpu.matmul %get3A_1, %transpose3A, %dot_general3A {dimension_numbers = #tpu.dot_dimension_numbers<[1], [0], [0], [1], [0, 0, 1, 1], [], []>, transpose_lhs_hint = false} : vector<1024x4096xf32>, vector<4096x64xf32>, vector<1024x64xf32> -> vector<1024x64xf32>
    %swap3A = arith.constant 0 : index
    %swap3A_6 = arith.constant 0 : index
    %swap3A_7 = vector.load %arg4[%swap3A, %swap3A_6] : memref<1024x64xf32, #tpu.memory_space<vmem>>, vector<1024x64xf32>
    tpu.vector_store %arg4[%swap3A, %swap3A_6], %dot_general3A_5 {strides = array<i32>} : memref<1024x64xf32, #tpu.memory_space<vmem>>, vector<1024x64xf32>,
    %swap3A_8 = arith.constant 0 : index
    %swap3A_9 = arith.constant 0 : index
    %swap3A_10 = vector.load %arg5[%swap3A_8, %swap3A_9] : memref<1024x64xf32, #tpu.memory_space<vmem>>, vector<1024x64xf32>
    tpu.vector_store %arg5[%swap3A_8, %swap3A_9], %dot_general3A_5 {strides = array<i32>} : memref<1024x64xf32, #tpu.memory_space<vmem>>, vector<1024x64xf32>,
    return
  }
  func.func @transform_1(%arg0: i32) -> (i32, i32) {
    %add3A = arith.constant 4 : i32
    %add3A_0 = arith.addi %arg0, %add3A : i32
    %c0_i32 = arith.constant 0 : i32
    %c0_i32_1 = arith.constant 0 : i32
    return %add3A_0, %c0_i32 : i32, i32
  }
  func.func @transform_2(%arg0: i32) -> (i32, i32) {
    %c0_i32 = arith.constant 0 : i32
    %c0_i32_0 = arith.constant 0 : i32
    %c0_i32_1 = arith.constant 0 : i32
    return %c0_i32, %c0_i32_0 : i32, i32
  }
  func.func @transform_3(%arg0: i32) -> (i32, i32) {
    %add3A = arith.constant 4 : i32
    %add3A_0 = arith.addi %arg0, %add3A : i32
    %c0_i32 = arith.constant 0 : i32
    %c0_i32_1 = arith.constant 0 : i32
    return %add3A_0, %c0_i32 : i32, i32
  }
  func.func @transform_4(%arg0: i32) -> (i32, i32) {
    %c0_i32 = arith.constant 0 : i32
    %c0_i32_0 = arith.constant 0 : i32
    return %arg0, %c0_i32 : i32, i32
  }
}

module attributes {stable_mosaic.version = 14 : i64} {
  func.func @_mm_body_dual_alias(%arg0: i32, %arg1: memref<16384x64xf32, #tpu.memory_space<any>>, %arg2: memref<1024x4096xf32, #tpu.memory_space<vmem>>, %arg3: memref<64x4096xf32, #tpu.memory_space<vmem>>, %arg4: memref<1024x64xf32, #tpu.memory_space<vmem>>, %arg5: memref<1024x64xf32, #tpu.memory_space<vmem>>) attributes {dimension_semantics = [#tpu.dimension_semantics<arbitrary>], iteration_bounds = array<i64: 4>, scalar_prefetch = 0 : i64, scratch_operands = 0 : i64, tpu.core_type = #tpu.core_type<tc>, window_params = [{}, {transform_indices = @transform_1, window_bounds = array<i64: 1024, 4096>}, {pipeline_mode = #tpu.pipeline_mode<synchronous>, transform_indices = @transform_2, window_bounds = array<i64: 64, 4096>}, {transform_indices = @transform_3, window_bounds = array<i64: 1024, 64>}, {transform_indices = @transform_4, window_bounds = array<i64: 1024, 64>}]} {
    %get3A = arith.constant 0 : index
    %get3A_0 = arith.constant 0 : index
    %get3A_1 = vector.load %arg2[%get3A, %get3A_0] : memref<1024x4096xf32, #tpu.memory_space<vmem>>, vector<1024x4096xf32>
    %get3A_2 = arith.constant 0 : index
    %get3A_3 = arith.constant 0 : index
    %get3A_4 = vector.load %arg3[%get3A_2, %get3A_3] : memref<64x4096xf32, #tpu.memory_space<vmem>>, vector<64x4096xf32>
    %transpose3A = tpu.transpose %get3A_4, [1, 0] : vector<64x4096xf32> -> vector<4096x64xf32>
    %dot_general3A = arith.constant dense<0.000000e+00> : vector<1024x64xf32>
    %dot_general3A_5 = tpu.matmul %get3A_1, %transpose3A, %dot_general3A {dimension_numbers = #tpu.dot_dimension_numbers<[1], [0], [0], [1], [0, 0, 1, 1], [], []>, transpose_lhs_hint = false} : vector<1024x4096xf32>, vector<4096x64xf32>, vector<1024x64xf32> -> vector<1024x64xf32>
    %swap3A = arith.constant 0 : index
    %swap3A_6 = arith.constant 0 : index
    %swap3A_7 = vector.load %arg4[%swap3A, %swap3A_6] : memref<1024x64xf32, #tpu.memory_space<vmem>>, vector<1024x64xf32>
    tpu.vector_store %arg4[%swap3A, %swap3A_6], %dot_general3A_5 {strides = array<i32>} : memref<1024x64xf32, #tpu.memory_space<vmem>>, vector<1024x64xf32>,
    %swap3A_8 = arith.constant 0 : index
    %swap3A_9 = arith.constant 0 : index
    %swap3A_10 = vector.load %arg5[%swap3A_8, %swap3A_9] : memref<1024x64xf32, #tpu.memory_space<vmem>>, vector<1024x64xf32>
    tpu.vector_store %arg5[%swap3A_8, %swap3A_9], %dot_general3A_5 {strides = array<i32>} : memref<1024x64xf32, #tpu.memory_space<vmem>>, vector<1024x64xf32>,
    return
  }
  func.func @transform_1(%arg0: i32) -> (i32, i32) {
    %add3A = arith.constant 8 : i32
    %add3A_0 = arith.addi %arg0, %add3A : i32
    %c0_i32 = arith.constant 0 : i32
    %c0_i32_1 = arith.constant 0 : i32
    return %add3A_0, %c0_i32 : i32, i32
  }
  func.func @transform_2(%arg0: i32) -> (i32, i32) {
    %c0_i32 = arith.constant 0 : i32
    %c0_i32_0 = arith.constant 0 : i32
    %c0_i32_1 = arith.constant 0 : i32
    return %c0_i32, %c0_i32_0 : i32, i32
  }
  func.func @transform_3(%arg0: i32) -> (i32, i32) {
    %add3A = arith.constant 8 : i32
    %add3A_0 = arith.addi %arg0, %add3A : i32
    %c0_i32 = arith.constant 0 : i32
    %c0_i32_1 = arith.constant 0 : i32
    return %add3A_0, %c0_i32 : i32, i32
  }
  func.func @transform_4(%arg0: i32) -> (i32, i32) {
    %c0_i32 = arith.constant 0 : i32
    %c0_i32_0 = arith.constant 0 : i32
    return %arg0, %c0_i32 : i32, i32
  }
}

module attributes {stable_mosaic.version = 14 : i64} {
  func.func @_mm_body_dual_alias(%arg0: i32, %arg1: memref<16384x64xf32, #tpu.memory_space<any>>, %arg2: memref<1024x4096xf32, #tpu.memory_space<vmem>>, %arg3: memref<64x4096xf32, #tpu.memory_space<vmem>>, %arg4: memref<1024x64xf32, #tpu.memory_space<vmem>>, %arg5: memref<1024x64xf32, #tpu.memory_space<vmem>>) attributes {dimension_semantics = [#tpu.dimension_semantics<arbitrary>], iteration_bounds = array<i64: 4>, scalar_prefetch = 0 : i64, scratch_operands = 0 : i64, tpu.core_type = #tpu.core_type<tc>, window_params = [{}, {transform_indices = @transform_1, window_bounds = array<i64: 1024, 4096>}, {pipeline_mode = #tpu.pipeline_mode<synchronous>, transform_indices = @transform_2, window_bounds = array<i64: 64, 4096>}, {transform_indices = @transform_3, window_bounds = array<i64: 1024, 64>}, {transform_indices = @transform_4, window_bounds = array<i64: 1024, 64>}]} {
    %get3A = arith.constant 0 : index
    %get3A_0 = arith.constant 0 : index
    %get3A_1 = vector.load %arg2[%get3A, %get3A_0] : memref<1024x4096xf32, #tpu.memory_space<vmem>>, vector<1024x4096xf32>
    %get3A_2 = arith.constant 0 : index
    %get3A_3 = arith.constant 0 : index
    %get3A_4 = vector.load %arg3[%get3A_2, %get3A_3] : memref<64x4096xf32, #tpu.memory_space<vmem>>, vector<64x4096xf32>
    %transpose3A = tpu.transpose %get3A_4, [1, 0] : vector<64x4096xf32> -> vector<4096x64xf32>
    %dot_general3A = arith.constant dense<0.000000e+00> : vector<1024x64xf32>
    %dot_general3A_5 = tpu.matmul %get3A_1, %transpose3A, %dot_general3A {dimension_numbers = #tpu.dot_dimension_numbers<[1], [0], [0], [1], [0, 0, 1, 1], [], []>, transpose_lhs_hint = false} : vector<1024x4096xf32>, vector<4096x64xf32>, vector<1024x64xf32> -> vector<1024x64xf32>
    %swap3A = arith.constant 0 : index
    %swap3A_6 = arith.constant 0 : index
    %swap3A_7 = vector.load %arg4[%swap3A, %swap3A_6] : memref<1024x64xf32, #tpu.memory_space<vmem>>, vector<1024x64xf32>
    tpu.vector_store %arg4[%swap3A, %swap3A_6], %dot_general3A_5 {strides = array<i32>} : memref<1024x64xf32, #tpu.memory_space<vmem>>, vector<1024x64xf32>,
    %swap3A_8 = arith.constant 0 : index
    %swap3A_9 = arith.constant 0 : index
    %swap3A_10 = vector.load %arg5[%swap3A_8, %swap3A_9] : memref<1024x64xf32, #tpu.memory_space<vmem>>, vector<1024x64xf32>
    tpu.vector_store %arg5[%swap3A_8, %swap3A_9], %dot_general3A_5 {strides = array<i32>} : memref<1024x64xf32, #tpu.memory_space<vmem>>, vector<1024x64xf32>,
    return
  }
  func.func @transform_1(%arg0: i32) -> (i32, i32) {
    %add3A = arith.constant 12 : i32
    %add3A_0 = arith.addi %arg0, %add3A : i32
    %c0_i32 = arith.constant 0 : i32
    %c0_i32_1 = arith.constant 0 : i32
    return %add3A_0, %c0_i32 : i32, i32
  }
  func.func @transform_2(%arg0: i32) -> (i32, i32) {
    %c0_i32 = arith.constant 0 : i32
    %c0_i32_0 = arith.constant 0 : i32
    %c0_i32_1 = arith.constant 0 : i32
    return %c0_i32, %c0_i32_0 : i32, i32
  }
  func.func @transform_3(%arg0: i32) -> (i32, i32) {
    %add3A = arith.constant 12 : i32
    %add3A_0 = arith.addi %arg0, %add3A : i32
    %c0_i32 = arith.constant 0 : i32
    %c0_i32_1 = arith.constant 0 : i32
    return %add3A_0, %c0_i32 : i32, i32
  }
  func.func @transform_4(%arg0: i32) -> (i32, i32) {
    %c0_i32 = arith.constant 0 : i32
    %c0_i32_0 = arith.constant 0 : i32
    return %arg0, %c0_i32 : i32, i32
  }
}

</mosaic_0001>

<sc_bundles>
// kernel: kernel.10.cloned.1.call-start
scs
__scs_entry_jumppad:
0x0: {  	(pc) =	sbr.rel $0x88, $3  }
0x1: {  	(tag) =	ssettag $0x0;
	lr =	simm.s32 $0x1  }
0x2: {  	[smem:$0x3F9F] =	sst lr;
	_ =	strace $0xD0000000  }
0x3: {  	_ = 	snop  }
0x4: {  	_ = 	snop  }
0x5: {  	_ = 	snop  }
0x6: {  	_ = 	snop  }
0x7: {  	_ = 	snop  }
__scs_overlays_trampoline_lowered:
0x8: {  	[smem:$0x3FAE] =	sst s0  }
0x9: {  	[smem:$0x3FAF] =	sst s1  }
0xa: {  	[smem:$0x3FB0] =	sst s2  }
0xb: {  	[smem:$0x3FB1] =	sst s3  }
0xc: {  	[smem:$0x3FB2] =	sst s4  }
0xd: {  	[smem:$0x3FB3] =	sst s5  }
0xe: {  	[smem:$0x3FB4] =	sst s6  }
0xf: {  	[smem:$0x3FB5] =	sst s7  }
0x10: {  	[smem:$0x3FB6] =	sst s8  }
0x11: {  	[smem:$0x3FB7] =	sst s9;
	s0 =	simm.s32 @!p0 $0x0  }
0x12: {  	s1 =	sld [smem:$0x3F9D];
	s0 =	simm.s32 @p0 $0x1  }
0x13: {  	[smem:$0x3FB8] =	sst s0;
	s0 =	simm.s32 @!p1 $0x0  }
0x14: {  	s2 =	sld [smem:$0x3F9C];
	s0 =	simm.s32 @p1 $0x1  }
0x15: {  	[smem:$0x3FB9] =	sst s0;
	s0 =	simm.s32 @!p2 $0x0  }
0x16: {  	s3 =	sld [smem:$0x3FDB];
	s0 =	simm.s32 @p2 $0x1  }
0x17: {  	s4 =	simm.s32 $0x1BF5;
	[smem:$0x3FBB] =	sst s0  }
0x18: {  	s0 =	sld [smem:$0x3F9E];
	_ =	swait.ge [sflag:s4], $0x0  }
0x19: {  	s7 =	sld [smem:$0x3F9F]  }
0x1a: {  	s8 =	sadd.s32 $0xFFFFE003, lr  }
0x1b: {  	s9 =	sadd.s32 $0xFFFFFEF7, lr;
	s5 =	simm.s32 $0xFFFFFFFF;
	p2 =	slt.u32 s8, $0xFFFFF086  }
0x1c: {  	p1 =	slt.u32 s9, $0xF7A;
	s5 =	simm.s32 @!p2 $0x0  }
0x1d: {  	s5 =	simm.s32 @p1 $0x1;
	p0 =	seq.s32 s7, s2  }
0x1e: {  	s7 =	smul.u32 @!p0 $0xF7A, s2;
	p2 =	seq.s32 @!p0 s5, $0x0  }
0x1f: {  	s9 =	smul.u32 $0xF7A, s1;
	s8 =	simm.s32 @!p0 $0x1BF5;
	p2 =	por !p2, p0  }
0x20: {  	[sflag:s8] =	ssyncset.s32 @!p0 $0xFFFFF086;
	s6 =	sadd.s32 @!p0 s3, s7;
	s7 =	simm.s32 @!p0 $0x108  }
0x21: {  	s3 =	sadd.s32 s3, s9;
	s6 =	sadd.s32 @!p0 $0x88, s6;
	s7 =	simm.s32 @p2 $0x1082  }
0x22: {  	[simem:s7], [sflag:s8] =	dma.local @!p0 [hbm:s6], $0xF7A  }
0x23: {  	s9 =	sor.u32 $0xD0000000, s2;
	s6 =	simm.s32 $0x108;
	_ =	swait.ge @!p0 [sflag:s8], $0x0  }
0x24: {  	s3 =	sadd.s32 $0x88, s3;
	s6 =	simm.s32 @!p1 $0x1082;
	[sflag:s4] =	ssyncset.s32 $0xFFFFF086  }
0x25: {  	[simem:s6], [sflag:s4] =	dma.local [hbm:s3], $0xF7A  }
0x26: {  	[smem:$0x3F9F] =	sst s1;
	(tag) =	ssettag s2;
	_ =	strace s9  }
0x27: {  	s1 =	sld [smem:$0x3FAF]  }
0x28: {  	s2 =	sld [smem:$0x3FB0]  }
0x29: {  	s4 =	sld [smem:$0x3FB2]  }
0x2a: {  	p0 =	seq.s32 s5, $0x0;
	s5 =	sld [smem:$0x3FB3]  }
0x2b: {  	s6 =	sld [smem:$0x3FB4]  }
0x2c: {  	s7 =	sld [smem:$0x3FB5]  }
0x2d: {  	s3 =	simm.s32 $0x108;
	s8 =	sld [smem:$0x3FB6]  }
0x2e: {  	s3 =	simm.s32 @!p0 $0x1082;
	s9 =	sld [smem:$0x3FB7]  }
0x2f: {  	lr =	sadd.s32 s0, s3;
	s0 =	sld [smem:$0x3FAE]  }
0x30: {  	s3 =	sld [smem:$0x3FB1]  }
0x31: {  	[smem:$0x3FBA] =	sst s10  }
0x32: {  	s10 =	sld [smem:$0x3FB8];
	_ =	sdelay $0x3  }
0x33: {  	p0 =	seq.s32 s10, $0x1;
	s10 =	sld [smem:$0x3FBA];
	_ =	sdelay $0x3  }
0x34: {  	[smem:$0x3FBA] =	sst s10  }
0x35: {  	s10 =	sld [smem:$0x3FB9];
	_ =	sdelay $0x3  }
0x36: {  	p1 =	seq.s32 s10, $0x1;
	s10 =	sld [smem:$0x3FBA];
	_ =	sdelay $0x3  }
0x37: {  	[smem:$0x3FBA] =	sst s10  }
0x38: {  	s10 =	sld [smem:$0x3FBB]  }
0x39: {  	_ = 	snop;
	(pc) =	sbr.ind lr, $3  }
0x3a: {  	_ = 	snop  }
0x3b: {  	_ = 	snop  }
0x3c: {  	p2 =	seq.s32 s10, $0x1;
	s10 =	sld [smem:$0x3FBA]  }
0x3d: {  	_ =	shalt  }
0x3e: {  	_ =	shalt  }
0x3f: {  	_ =	shalt  }
0x40: {  	_ =	shalt  }
0x41: {  	_ =	shalt  }
0x42: {  	_ =	shalt  }
0x43: {  	_ =	shalt  }
0x44: {  	_ =	shalt  }
0x45: {  	_ =	shalt  }
0x46: {  	_ =	shalt  }
0x47: {  	_ =	shalt  }
0x48: {  	_ =	shalt  }
0x49: {  	_ =	shalt  }
0x4a: {  	_ =	shalt  }
0x4b: {  	_ =	shalt  }
0x4c: {  	_ =	shalt  }
0x4d: {  	_ =	shalt  }
0x4e: {  	_ =	shalt  }
0x4f: {  	_ =	shalt  }
0x50: {  	_ =	shalt  }
0x51: {  	_ =	shalt  }
0x52: {  	_ =	shalt  }
0x53: {  	_ =	shalt  }
0x54: {  	_ =	shalt  }
0x55: {  	_ =	shalt  }
0x56: {  	_ =	shalt  }
0x57: {  	_ =	shalt  }
0x58: {  	_ =	shalt  }
0x59: {  	_ =	shalt  }
0x5a: {  	_ =	shalt  }
0x5b: {  	_ =	shalt  }
0x5c: {  	_ =	shalt  }
0x5d: {  	_ =	shalt  }
0x5e: {  	_ =	shalt  }
0x5f: {  	_ =	shalt  }
0x60: {  	_ =	shalt  }
0x61: {  	_ =	shalt  }
0x62: {  	_ =	shalt  }
0x63: {  	_ =	shalt  }
0x64: {  	_ =	shalt  }
0x65: {  	_ =	shalt  }
0x66: {  	_ =	shalt  }
0x67: {  	_ =	shalt  }
0x68: {  	_ =	shalt  }
0x69: {  	_ =	shalt  }
0x6a: {  	_ =	shalt  }
0x6b: {  	_ =	shalt  }
0x6c: {  	_ =	shalt  }
0x6d: {  	_ =	shalt  }
0x6e: {  	_ =	shalt  }
0x6f: {  	_ =	shalt  }
0x70: {  	_ =	shalt  }
0x71: {  	_ =	shalt  }
0x72: {  	_ =	shalt  }
0x73: {  	_ =	shalt  }
0x74: {  	_ =	shalt  }
0x75: {  	_ =	shalt  }
0x76: {  	_ =	shalt  }
0x77: {  	_ =	shalt  }
0x78: {  	_ =	shalt  }
0x79: {  	_ =	shalt  }
0x7a: {  	_ =	shalt  }
0x7b: {  	_ =	shalt  }
0x7c: {  	_ =	shalt  }
0x7d: {  	_ =	shalt  }
0x7e: {  	_ =	shalt  }
0x7f: {  	_ =	shalt  }
0x80: {  	_ =	shalt  }
0x81: {  	_ =	shalt  }
0x82: {  	_ =	shalt  }
0x83: {  	_ =	shalt  }
0x84: {  	_ =	shalt  }
0x85: {  	_ =	shalt  }
0x86: {  	_ =	shalt  }
0x87: {  	_ =	shalt  }
.Lfunc_end0:
.L_simem_size_0:
called_computation_lowered:
.L_overlay_start_0:
0x88: {  	s2 =	sld [smem:$0x3FD9]  }
0x89: {  	s3 =	sld [smem:$0x3FFE];
	_ =	sdelay $0x1  }
0x8a: {  	s1 =	srdreg.scid  }
0x8b: {  	s0 =	sand.u32 $0x1, s1  }
0x8c: {  	s15 =	sshll.u32 s0, $0xA;
	s2 =	sadd.s32 s3, s2  }
0x8d: {  	s2 =	sadd.s32 s2, s15  }
0x8e: {  	[smem:$0x3FC6] =	sst s2  }
0x8f: {  	_ = 	snop  }
0x90: {  	s2 =	sld [smem:$0x3FD0];
	_ =	sdelay $0x2  }
0x91: {  	s16 =	simm.s32 $0xA;
	s4 =	simm.s32 $0x10  }
0x92: {  	[smem:s4], [sflag:s16] =	dma.local [hbm:s2], $0x1  }
0x93: {  	_ =	swait.eq [sflag:s16], $0x1  }
0x94: {  	s17 =	sld [smem:$0x10];
	[sflag:s16] =	ssyncset.done $0x0  }
0x95: {  	s18 =	sld [smem:$0x11];
	[sflag:s16] =	ssyncadd.s32 $0xFFFFFFFF  }
0x96: {  	s19 =	sld [smem:$0x12];
	(tm) =	ssettm $0x1  }
0x97: {  	s5 =	sld [smem:$0x3FFB];
	_ =	sdelay $0x3  }
0x98: {  	_ =	strace s5  }
0x99: {  	s5 =	sld [smem:$0x3FFC];
	_ =	sdelay $0x3  }
0x9a: {  	_ =	strace s5  }
0x9b: {  	s5 =	sld [smem:$0x3FFD];
	_ =	sdelay $0x3  }
0x9c: {  	_ =	strace s5  }
0x9d: {  	_ =	strace $0x8FFFFFFF  }
0x9e: {  	s20 =	sld [smem:$0x3FDB];
	_ =	sdelay $0x1  }
0x9f: {  	s6 =	simm.s32 $_scs_section_size  }
0xa0: {  	s7 =	simm.s32 $_size__tile_overlayer_lowered;
	s8 =	simm.s32 $_tile_overlayer_lowered  }
0xa1: {  	s23 =	simm.s32 $0x1BFF;
	s22 =	sshll.u32 s8, $0x1;
	s5 =	sadd.s32 s6, s20  }
0xa2: {  	s9 =	simm.s32 $0x0;
	s21 =	sshll.u32 s7, $0x1;
	s7 =	sadd.s32 s22, s5  }
0xa3: {  	[timem:s9], [sflag:s23] =	dma.local [hbm:s7], s21  }
0xa4: {  	_ =	swait.ge [sflag:s23], s21  }
0xa5: {  	s6 =	ssub.s32 $0x0, s21;
	[sflag:s23] =	ssyncset.done $0x0  }
0xa6: {  	[sflag:s23] =	ssyncadd.s32 s6;
	_ =	sdelay $0x1  }
0xa7: {  	s24 =	simm.s32 $0x1B8B  }
0xa8: {  	_ =	swait.ge [sflag:s24], $0x1  }
0xa9: {  	[sflag:s24] =	ssyncset.done $0x0  }
0xaa: {  	s25 =	simm.s32 $0x1B8E;
	[sflag:s24] =	ssyncadd.s32 $0xFFFFFFFF  }
0xab: {  	s26 =	simm.s32 $execute0_lowered;
	[smem:$0x3FD2] =	sst s25  }
0xac: {  	s6 =	sshll.u32 s26, $0x1;
	_ =	strace $0x80000046;
	[dreg:$0x1] =	wrdreg $0xFFFFFFFF  }
0xad: {  	s28 =	simm.s32 $_size_execute0_lowered;
	s5 =	sadd.s32 s5, s6;
	[dreg:$0x0] =	wrdreg $0x0  }
0xae: {  	s6 =	sshll.u32 s28, $0x1;
	[dreg:$0x2] =	wrdreg s5  }
0xaf: {  	[dreg:$0x3] =	wrdreg s6  }
0xb0: {  	[dreg:$0x4] =	wrdreg $0xC0  }
0xb1: {  	_ =	task [dreg:s9], $0x5FFFF  }
0xb2: {  	[dreg:$0x1] =	wrdreg $0xFFFFFFFF  }
0xb3: {  	[dreg:$0x0] =	wrdreg $0x60  }
0xb4: {  	[dreg:$0x2] =	wrdreg s19  }
0xb5: {  	[dreg:$0x3] =	wrdreg s17  }
0xb6: {  	[dreg:$0x4] =	wrdreg s18  }
0xb7: {  	[dreg:$0x5] =	wrdreg $0x9  }
0xb8: {  	_ =	task.clear_ibuf [dreg:s9], $0x6FFFF;
	_ =	strace $0x90000046  }
0xb9: {  	s29 =	simm.s32 $0x9;
	_ =	strace $0x80000048  }
0xba: {  	_ =	swait.ge [sflag:s29], $0x1  }
0xbb: {  	[sflag:s29] =	ssyncadd.s32 $0xFFFFFFFF  }
0xbc: {  	_ =	strace $0x90000048  }
0xbd: {  	_ =	sfence  }
0xbe: {  	s30 =	sld [smem:$0x0];
	_ =	sdelay $0x2  }
0xbf: {  	s31 =	sshll.u32 s1, $0xD;
	s1 =	sshrl.u32 s1, $0x2  }
0xc0: {  	s3 =	sand.u32 $0x4000, s31;
	s1 =	sadd.s32 s1, s30  }
0xc1: {  	s0 =	sor.u32 s3, s0;
	s1 =	sshll.u32 s1, $0x11  }
0xc2: {  	s0 =	sor.u32 s1, s0  }
0xc3: {  	s0 =	sadd.s32 $0x8F2B, s0  }
0xc4: {  	[sflag:s0] =	ssyncadd.remote.s32 $0x1  }
0xc5: {  	_ =	sfence.sel $0xFFFF  }
0xc6: {  	[dreg:$0x0] =	wrdreg $0xFFFFFFFF;
	(pc) =	sbr.abs _section_cstart, $3  }
0xc7: {  	[dreg:$0x1] =	wrdreg $0xFFFFFFFF  }
0xc8: {  	_ =	task.clear_ibuf [dreg:s9], $0x2FFFF;
	_ =	strace $0x9FFFFFFF  }
0xc9: {  	(tm) =	ssettm $0x7FFFFFFF  }
tec
execute0_lowered:
.L_overlay_start_1:
0x0: {  	(tag) =	ssettag $0x1  }
0x1: {  	s3 =	rddreg [dreg:$0x0]  }
0x2: {  	s4 =	rddreg [dreg:$0x1];
	s0 =	srdreg.scid  }
0x3: {  	s5 =	rddreg [dreg:$0x2];
	s1 =	stileid.u32;
	s2 =	simm.s32 $0x0  }
0x4: {  	s10 =	simm.s32 $0x400;
	s11 =	simm.s32 $0x20000;
	s12 =	simm.s32 $0x0  }
0x5: {  	s6 =	sand.u32 $0x1, s0;
	s0 =	rddreg [dreg:$0x3];
	s7 =	sshll.u32 s1, $0x8  }
0x6: {  	[smem:$0x7FF] =	sst s2;
	s8 =	sshll.u32 s6, $0x7;
	s6 =	ssub.s32 $0x2, s6  }
0x7: {  	v0 =	vlaneseq.u32;
	_ =	strace $0x80000047;
	s7 =	sor.u32 s8, s7;
	s31 =	sshrl.u32 s6, $0x1  }
0x8: {  	v5 =	vmul.u32 $0xFFFFFFFF, v0;
	v1 =	vmul.u32 $0x80, v0;
	s8 =	simm.s32 $0x5000;
	s9 =	sshll.u32 s7, $0x4;
	s6 =	ssub.s32 s6, s31  }
0x9: {  	v2 =	vor.u32 $0x10, v0;
	v3 =	vor.u32 $0x20, v0;
	s4 =	sadd.s32 s4, s7;
	s5 =	sadd.s32 s5, s7;
	s7 =	simm.s32 $0x1  }
0xa: {  	v4 =	vor.u32 $0x30, v0;
	v5 =	vadd.s32 $0xF, v5;
	v6 =	vor.u32 $0x800, v1;
	s3 =	sadd.s32 s3, s9;
	s6 =	smax.u32 s6, $0x1;
	s9 =	simm.s32 $0x4000  }
.LBB2_1:
0xb: {  	[tilespmem:s2], [sflag:$0x1] =	stream.linear.gather [hbm4b:s3+s2], $0x4000, $0x38;
	[tilespmem:$0x6000] =	vst v63  }
0xc: {  	_ =	swait.ge [sflag:s7], $0x4000  }
0xd: {  	[sflag:s7] =	ssyncset.done $0x0  }
0xe: {  	s13 =	simm.s32 $0x100;
	[sflag:s7] =	ssyncadd.s32 $0xFFFFC000  }
0xf: {  	v7 =	vld [tilespmem:s13+$0xB0]  }
0x10: {  	v8 =	vld [tilespmem:s13+$0x20]  }
0x11: {  	v9 =	vld [tilespmem:s13+$0xA0]  }
0x12: {  	v10 =	vld [tilespmem:s13+$0x30];
	_ =	sdelay $0x1  }
0x13: {  	(xrf1) =	vsort.dscd.msk.f32 $0xffff, v7, v4  }
0x14: {  	(xrf1) =	vsort.dscd.msk.f32 $0xffff, v8, v3  }
0x15: {  	(xrf1) =	vsort.dscd.msk.f32 $0xffff, v9, v3  }
0x16: {  	(xrf1) =	vsort.dscd.msk.f32 $0xffff, v10, v4  }
0x17: {  	v7 =	vld [tilespmem:s13+$0xFFFFFFB0];
	_ =	sdelay $0x1  }
0x18: {  	v8 =	vld [tilespmem:s13+$0xFFFFFFA0]  }
0x19: {  	v9 =	vld [tilespmem:s13+$0xFFFFFF30]  }
0x1a: {  	v10 =	vld [tilespmem:s13+$0xFFFFFF20]  }
0x1b: {  	(xrf1) =	vsort.dscd.msk.f32 $0xffff, v7, v4;
	v7 =	vld [tilespmem:s13+$0xFFFFFF90]  }
0x1c: {  	v11 =	vld [tilespmem:s13+$0x10]  }
0x1d: {  	(xrf1) =	vsort.dscd.msk.f32 $0xffff, v8, v3;
	v8 =	vld [tilespmem:s13+$0x90]  }
0x1e: {  	(xrf1) =	vsort.dscd.msk.f32 $0xffff, v9, v4;
	v9 =	vld [tilespmem:s13+$0x0]  }
0x1f: {  	(xrf1) =	vsort.dscd.msk.f32 $0xffff, v10, v3  }
0x20: {  	v10 =	vld [tilespmem:s13+$0xFFFFFF80];
	(xrf1) =	vsort.dscd.msk.f32 $0xffff, v7, v2;
	v7, v12, _ =	vpop (xrf1)  }
0x21: {  	(xrf1) =	vsort.dscd.msk.f32 $0xffff, v11, v2;
	v11, v13, _ =	vpop (xrf1)  }
0x22: {  	(xrf1) =	vsort.dscd.msk.f32 $0xffff, v8, v2;
	v8, v14, _ =	vpop (xrf1)  }
0x23: {  	(xrf1) =	vsort.dscd.msk.f32 $0xffff, v9, v0;
	v9, v15, _ =	vpop (xrf1)  }
0x24: {  	v9 =	vperm.xlane v9, v5  }
0x25: {  	v16 =	vld [tilespmem:s13+$0x80];
	(xrf1) =	vsort.dscd.msk.f32 $0xffff, v10, v0;
	v10 =	vperm.xlane v15, v5  }
0x26: {  	vm0 =	vge.f32 v11, v9  }
0x27: {  	v17 =	vsel vm0, v13, v10  }
0x28: {  	v7 =	vperm.xlane v7, v5;
	v15 =	vsel vm0, v11, v9  }
0x29: {  	v12 =	vperm.xlane v12, v5;
	(xrf1) =	vsort.dscd.msk.f32 $0xffff, v15, v17  }
0x2a: {  	vm1 =	vge.f32 v8, v7;
	(xrf1) =	vsort.dscd.msk.f32 $0xffff, v16, v0  }
0x2b: {  	v20 =	vsel vm1, v12, v14;
	v16 =	vld [tilespmem:s13+$0xFFFFFF10];
	v15, v17, _ =	vpop (xrf1)  }
0x2c: {  	v15 =	vperm.xlane v15, v5  }
0x2d: {  	v21 =	vsel vm1, v7, v8;
	v9 =	vsel vm0, v9, v11;
	v17 =	vperm.xlane v17, v5;
	v18, v19, _ =	vpop (xrf1)  }
0x2e: {  	v10 =	vsel vm0, v10, v13;
	(xrf1) =	vsort.dscd.msk.f32 $0xffff, v21, v20;
	v22, v23, _ =	vpop (xrf1);
	vm0 =	vge.f32 v18, v15  }
0x2f: {  	v11 =	vld [tilespmem:s13+$0xFFFFFF00];
	(xrf1) =	vsort.dscd.msk.f32 $0xffff, v9, v10;
	v13, v20, _ =	vpop (xrf1);
	v10 =	vsel vm0, v19, v17  }
0x30: {  	(xrf1) =	vsort.dscd.msk.f32 $0xffff, v16, v2;
	v9 =	vsel vm0, v18, v15;
	v21, v24, _ =	vpop (xrf1);
	v16 =	vsel vm0, v17, v19  }
0x31: {  	v15 =	vsel vm0, v15, v18;
	v17, v18, _ =	vpop (xrf1);
	(xrf1) =	vsort.dscd.msk.f32 $0xffff, v9, v10  }
0x32: {  	v9 =	vsel vm1, v14, v12;
	v10, v12, _ =	vpop (xrf1);
	(xrf1) =	vsort.dscd.msk.f32 $0xffff, v15, v16;
	v15 =	vperm.xlane v17, v5  }
0x33: {  	v7 =	vsel vm1, v8, v7;
	v14 =	vperm.xlane v21, v5;
	v16, v17, _ =	vpop (xrf1)  }
0x34: {  	(xrf1) =	vsort.dscd.msk.f32 $0xffff, v11, v0;
	v11 =	vperm.xlane v18, v5;
	vm0 =	vge.f32 v16, v15  }
0x35: {  	v8 =	vperm.xlane v24, v5;
	v10 =	vperm.xlane v10, v5;
	v18, v19, _ =	vpop (xrf1);
	v21 =	vsel vm0, v15, v16  }
0x36: {  	(xrf1) =	vsort.dscd.msk.f32 $0xffff, v7, v9;
	vm1 =	vge.f32 v18, v14;
	v24 =	vsel vm0, v11, v17  }
0x37: {  	v7 =	vsel vm1, v14, v18;
	v25 =	vsel vm1, v8, v19;
	v14 =	vsel vm1, v18, v14;
	v18, v9, _ =	vpop (xrf1)  }
0x38: {  	(xrf1) =	vsort.dscd.msk.f32 $0xffff, v21, v24;
	v8 =	vsel vm1, v19, v8;
	v19 =	vperm.xlane v22, v5;
	v21, v22, _ =	vpop (xrf1)  }
0x39: {  	v12 =	vperm.xlane v12, v5;
	(xrf1) =	vsort.dscd.msk.f32 $0xffff, v7, v25;
	vm1 =	vge.f32 v21, v10  }
0x3a: {  	(xrf1) =	vsort.dscd.msk.f32 $0xffff, v14, v8;
	v8 =	vperm.xlane v23, v5;
	v7 =	vsel vm1, v10, v21  }
0x3b: {  	vm2 =	vge.f32 v13, v19;
	v14 =	vsel vm1, v12, v22  }
0x3c: {  	v26 =	vsel vm2, v20, v8  }
0x3d: {  	v25 =	vsel vm2, v13, v19;
	v23, v24, _ =	vpop (xrf1)  }
0x3e: {  	(xrf1) =	vsort.dscd.msk.f32 $0xffff, v7, v14;
	v14, v7, _ =	vpop (xrf1)  }
0x3f: {  	v10 =	vsel vm1, v21, v10;
	v12 =	vsel vm1, v22, v12;
	(xrf1) =	vsort.dscd.msk.f32 $0xffff, v25, v26;
	v21, v22, _ =	vpop (xrf1)  }
0x40: {  	v25, v26, _ =	vpop (xrf1);
	(xrf1) =	vsort.dscd.msk.f32 $0xffff, v10, v12;
	v10 =	vsel vm2, v19, v13;
	_ =	sdelay $0x1  }
0x41: {  	v8 =	vsel vm2, v8, v20;
	v12 =	vperm.xlane v21, v5;
	v13, v19, _ =	vpop (xrf1)  }
0x42: {  	(xrf1) =	vsort.dscd.msk.f32 $0xffff, v10, v8;
	v8 =	vperm.xlane v22, v5;
	v10, v20, _ =	vpop (xrf1)  }
0x43: {  	vm1 =	vge.f32 v10, v12  }
0x44: {  	v11 =	vsel vm0, v17, v11;
	v17 =	vsel vm1, v20, v8  }
0x45: {  	v15 =	vsel vm0, v16, v15;
	v16 =	vsel vm1, v10, v12;
	v10 =	vsel vm1, v12, v10  }
0x46: {  	v8 =	vsel vm1, v8, v20  }
0x47: {  	v21 =	vperm.xlane v24, v5;
	v22 =	vperm.xlane v23, v5;
	v23, v24, _ =	vpop (xrf1)  }
0x48: {  	(xrf1) =	vsort.dscd.msk.f32 $0xffff, v16, v17;
	v16, v17, _ =	vpop (xrf1)  }
0x49: {  	v13 =	vperm.xlane v13, v5;
	v12 =	vperm.xlane v25, v5;
	(xrf1) =	vsort.dscd.msk.f32 $0xffff, v10, v8;
	v8, v10, _ =	vpop (xrf1)  }
0x4a: {  	v20 =	vperm.xlane v26, v5;
	v25, v26, _ =	vpop (xrf1)  }
0x4b: {  	v19 =	vperm.xlane v19, v5;
	vm0 =	vge.f32 v8, v12;
	vm1 =	vge.f32 v25, v13  }
0x4c: {  	s29 =	simm.s32 $0x300;
	(xrf1) =	vsort.dscd.msk.f32 $0xffff, v15, v11;
	v8 =	vsel vm0, v8, v12;
	v13 =	vsel vm1, v25, v13  }
0x4d: {  	v12 =	vld [tilespmem:s29+$0xB0];
	v10 =	vsel vm0, v10, v20;
	v11 =	vsel vm1, v26, v19;
	vm1 =	vge.f32 v13, v8  }
0x4e: {  	v20 =	vld [tilespmem:s29+$0x20];
	v27 =	vsel vm1, v11, v10  }
0x4f: {  	v23 =	vperm.xlane v23, v5;
	v25 =	vld [tilespmem:s29+$0xA0];
	v26 =	vsel vm1, v13, v8  }
0x50: {  	v29 =	vld [tilespmem:s29+$0x30];
	v24 =	vperm.xlane v24, v5;
	v15, v19, _ =	vpop (xrf1)  }
0x51: {  	v30 =	vld [tilespmem:s29+$0xFFFFFFB0];
	vm2 =	vge.f32 v15, v23;
	v8 =	vsel vm1, v8, v13;
	v13, v28, _ =	vpop (xrf1);
	(xrf1) =	vsort.dscd.msk.f32 $0xffff, v26, v27  }
0x52: {  	v19 =	vsel vm2, v19, v24;
	v26, v27, _ =	vpop (xrf1);
	(xrf1) =	vsort.dscd.msk.f32 $0xffff, v12, v4;
	v12 =	vld [tilespmem:s29+$0xFFFFFFA0]  }
0x53: {  	s14 =	simm.s32 $0x1;
	v15 =	vsel vm2, v15, v23;
	v23 =	vld [tilespmem:s29+$0xFFFFFF30];
	vm3 =	vge.f32 v26, v22;
	(xrf1) =	vsort.dscd.msk.f32 $0xffff, v20, v3  }
0x54: {  	v10 =	vsel vm1, v10, v11;
	(xrf1) =	vsort.dscd.msk.f32 $0xffff, v25, v3;
	v22 =	vsel vm3, v26, v22;
	v26 =	vmov s14  }
0x55: {  	v28 =	vperm.xlane v28, v5;
	v13 =	vperm.xlane v13, v5;
	v20, v24, _ =	vpop (xrf1);
	v25 =	vld [tilespmem:s29+$0xFFFFFF20];
	(xrf1) =	vsort.dscd.msk.f32 $0xffff, v29, v4  }
0x56: {  	v20 =	vperm.xlane v20, v5;
	v24 =	vperm.xlane v24, v5;
	(xrf1) =	vsort.dscd.msk.f32 $0xffff, v30, v4  }
0x57: {  	v21 =	vsel vm3, v27, v21;
	v11 =	vand.u32 $0x7D, v26;
	vm1 =	vge.f32 v22, v15;
	v26, v27, _ =	vpop (xrf1);
	(xrf1) =	vsort.dscd.msk.f32 $0xffff, v12, v3  }
0x58: {  	v12 =	vsel vm1, v21, v19;
	vm2 =	vge.f32 v26, v20;
	v29, v30, _ =	vpop (xrf1);
	(xrf1) =	vsort.dscd.msk.f32 $0xffff, v23, v4  }
0x59: {  	v24 =	vsel vm2, v27, v24;
	v27 =	vsel vm1, v22, v15;
	vm3 =	vge.f32 v29, v13  }
0x5a: {  	(xrf1) =	vsort.dscd.msk.f32 $0xffff, v25, v3;
	v20 =	vsel vm2, v26, v20;
	v13 =	vsel vm3, v29, v13  }
0x5b: {  	v11 =	vbroadcast v11, $0x0;
	v26 =	vsel vm3, v30, v28;
	(xrf1) =	vsort.dscd.msk.f32 $0xffff, v8, v10;
	vm2 =	vge.f32 v20, v13  }
0x5c: {  	v23 =	vld [tilespmem:s29+$0xFFFFFF90];
	v8 =	vsel vm2, v20, v13;
	v13 =	vsel vm2, v13, v20;
	v20 =	vsel vm2, v26, v24  }
0x5d: {  	v18 =	vperm.xlane v18, v5;
	v15 =	vsel vm1, v15, v22;
	v22 =	vor.u32 v1, v11;
	v25 =	vld [tilespmem:s29+$0x10]  }
0x5e: {  	v14 =	vperm.xlane v14, v5;
	v10 =	vld [tilespmem:s29+$0x90];
	(xrf1) =	vsort.dscd.msk.f32 $0xffff, v27, v12;
	v28 =	vsel vm2, v24, v26  }
0x5f: {  	vm0 =	vge.f32 v16, v18;
	v12, v27, _ =	vpop (xrf1);
	(xrf1) =	vsort.dscd.msk.f32 $0xffff, v8, v28  }
0x60: {  	v9 =	vperm.xlane v9, v5;
	v16 =	vsel vm0, v16, v18;
	(xrf1) =	vsort.dscd.msk.f32 $0xffff, v13, v20;
	v13, v20, _ =	vpop (xrf1)  }
0x61: {  	v29 =	vld [tilespmem:s29+$0x0];
	v8 =	vor.u32 v6, v11;
	v11 =	vsel vm1, v19, v21;
	(xrf1) =	vsort.dscd.msk.f32 $0xffff, v23, v2;
	v18, v21, _ =	vpop (xrf1)  }
0x62: {  	v19 =	vld [tilespmem:s29+$0xFFFFFF80];
	vm2 =	vge.f32 v12, v14;
	[tilespmem:v22+s8+$0x0] =	vst.idx.msk $0xffff, v13;
	(xrf1) =	vsort.dscd.msk.f32 $0xffff, v25, v2;
	v13, v23, _ =	vpop (xrf1)  }
0x63: {  	v7 =	vperm.xlane v7, v5;
	v12 =	vsel vm2, v12, v14;
	(xrf1) =	vsort.dscd.msk.f32 $0xffff, v10, v2;
	v10, v14, _ =	vpop (xrf1)  }
0x64: {  	v9 =	vsel vm0, v17, v9;
	v17, v24, _ =	vpop (xrf1)  }
0x65: {  	s30 =	simm.s32 $0x3;
	v7 =	vsel vm2, v27, v7;
	v21 =	vperm.xlane v21, v5;
	v17 =	vperm.xlane v17, v5  }
0x66: {  	v28 =	vmov s30;
	v25 =	vld [tilespmem:s29+$0x80];
	v18 =	vperm.xlane v18, v5;
	(xrf1) =	vsort.dscd.msk.f32 $0xffff, v29, v0;
	v24 =	vperm.xlane v24, v5  }
0x67: {  	v28 =	vand.u32 $0x7F, v28;
	vm0 =	vge.f32 v12, v16;
	(xrf1) =	vsort.dscd.msk.f32 $0xffff, v19, v0;
	v19, v26, _ =	vpop (xrf1);
	vm3 =	vge.f32 v13, v17  }
0x68: {  	v27 =	vbroadcast v28, $0x0;
	vm1 =	vge.f32 v10, v18;
	v29, v30, _ =	vpop (xrf1);
	(xrf1) =	vsort.dscd.msk.f32 $0xffff, v15, v11;
	v32 =	vsel vm3, v23, v24  }
0x69: {  	v28 =	vsel vm1, v18, v10;
	v19 =	vperm.xlane v19, v5;
	v31 =	vsel vm3, v13, v17  }
0x6a: {  	v11 =	vsel vm1, v14, v21;
	v14 =	vsel vm1, v21, v14;
	v15, v21, _ =	vpop (xrf1);
	(xrf1) =	vsort.dscd.msk.f32 $0xffff, v31, v32  }
0x6b: {  	v10 =	vsel vm1, v10, v18;
	v26 =	vperm.xlane v26, v5;
	(xrf1) =	vsort.dscd.msk.f32 $0xffff, v25, v0  }
0x6c: {  	vm4 =	vge.f32 v29, v19;
	v13 =	vsel vm3, v17, v13;
	v23 =	vsel vm3, v24, v23;
	v31, v32, _ =	vpop (xrf1)  }
0x6d: {  	v33 =	vld [tilespmem:s29+$0xFFFFFF10];
	v24 =	vor.u32 v1, v27;
	v15 =	vperm.xlane v15, v5;
	v21 =	vperm.xlane v21, v5;
	v17, v34, _ =	vpop (xrf1)  }
0x6e: {  	v27 =	vor.u32 v6, v27;
	v25 =	vsel vm4, v29, v19;
	(xrf1) =	vsort.dscd.msk.f32 $0xffff, v28, v14;
	v35, v36, _ =	vpop (xrf1)  }
0x6f: {  	v14 =	vsel vm4, v19, v29;
	v29 =	vsel vm0, v7, v9;
	v7 =	vsel vm0, v9, v7;
	v19, v28, _ =	vpop (xrf1)  }
0x70: {  	v39 =	vld [tilespmem:s29+$0xFFFFFF00];
	v9 =	vsel vm4, v26, v30;
	vm2 =	vge.f32 v31, v15;
	[tilespmem:v8+s8+$0x0] =	vst.idx.msk $0xffff, v17;
	v37, v38, _ =	vpop (xrf1)  }
0x71: {  	(xrf1) =	vsort.dscd.msk.f32 $0xffff, v13, v23;
	v13 =	vsel vm4, v30, v26;
	v26 =	vsel vm0, v16, v12;
	v18, v23, _ =	vpop (xrf1)  }
0x72: {  	v12 =	vsel vm0, v12, v16;
	[tilespmem:v22+s9+$0x0] =	vst.idx.msk $0xffff, v20;
	(xrf1) =	vsort.dscd.msk.f32 $0xffff, v33, v2;
	v30, v58, _ =	vpop (xrf1)  }
0x73: {  	v16 =	vperm.xlane v23, v5;
	(xrf1) =	vsort.dscd.msk.f32 $0xffff, v25, v13;
	v23, v59, _ =	vpop (xrf1);
	v30 =	vperm.xlane v30, v5  }
0x74: {  	v13 =	vperm.xlane v18, v5;
	v33 =	vperm.xlane v58, v5;
	v18, v25, _ =	vpop (xrf1);
	(xrf1) =	vsort.dscd.msk.f32 $0xffff, v14, v9  }
0x75: {  	v14 =	vperm.xlane v23, v5;
	v17, v40, _ =	vpop (xrf1);
	(xrf1) =	vsort.dscd.msk.f32 $0xffff, v39, v0;
	vm0 =	vge.f32 v18, v30  }
0x76: {  	vm1 =	vge.f32 v17, v13;
	v22, v23, _ =	vpop (xrf1);
	(xrf1) =	vsort.dscd.msk.f32 $0xffff, v10, v11;
	v10 =	vsel vm0, v30, v18  }
0x77: {  	v11 =	vsel vm0, v33, v25;
	v20 =	vsel vm1, v17, v13;
	v13 =	vsel vm1, v13, v17  }
0x78: {  	v17 =	vsel vm1, v40, v16;
	v60, v9, _ =	vpop (xrf1);
	(xrf1) =	vsort.dscd.msk.f32 $0xffff, v26, v7;
	v7 =	vsel vm1, v16, v40;
	v16 =	vmov s2  }
0x79: {  	[tilespmem:v24+s8+$0x0] =	vst.idx.msk $0xffff, v35;
	v30 =	vsel vm0, v18, v30;
	v18, v26, _ =	vpop (xrf1);
	(xrf1) =	vsort.dscd.msk.f32 $0xffff, v10, v11;
	v11 =	vand.u32 $0x7C, v16  }
0x7a: {  	v10 =	vperm.xlane v59, v5;
	vm1 =	vge.f32 v18, v14;
	(xrf1) =	vsort.dscd.msk.f32 $0xffff, v13, v7;
	v7 =	vbroadcast v11, $0x0  }
0x7b: {  	[tilespmem:v27+s8+$0x0] =	vst.idx.msk $0xffff, v22;
	v22 =	vsel vm2, v32, v21;
	v11 =	vsel vm1, v18, v14  }
0x7c: {  	(xrf1) =	vsort.dscd.msk.f32 $0xffff, v20, v17;
	v13 =	vsel vm1, v14, v18;
	v14 =	vsel vm1, v10, v26  }
0x7d: {  	(xrf1) =	vsort.dscd.msk.f32 $0xffff, v12, v29  }
0x7e: {  	v17, v18, _ =	vpop (xrf1);
	v20 =	vsel vm2, v31, v15;
	v10 =	vsel vm1, v26, v10;
	(xrf1) =	vsort.dscd.msk.f32 $0xffff, v13, v14  }
0x7f: {  	v16 =	vor.u32 v6, v7;
	v12 =	vor.u32 v1, v7;
	v14, v7, _ =	vpop (xrf1);
	(xrf1) =	vsort.dscd.msk.f32 $0xffff, v20, v22  }
0x80: {  	v13, v22, _ =	vpop (xrf1);
	(xrf1) =	vsort.dscd.msk.f32 $0xffff, v11, v10;
	v11 =	vsel vm2, v15, v31  }
0x81: {  	[tilespmem:v8+s9+$0x0] =	vst.idx.msk $0xffff, v34;
	v10 =	vsel vm2, v21, v32  }
0x82: {  	[tilespmem:v24+s9+$0x0] =	vst.idx.msk $0xffff, v36  }
0x83: {  	[tilespmem:v27+s9+$0x0] =	vst.idx.msk $0xffff, v23;
	v20 =	vsel vm0, v25, v33;
	v21, v23, _ =	vpop (xrf1)  }
0x84: {  	s31 =	simm.s32 $0x2;
	v15 =	vperm.xlane v17, v5;
	v8 =	vperm.xlane v13, v5;
	(xrf1) =	vsort.dscd.msk.f32 $0xffff, v11, v10;
	v10, v11, _ =	vpop (xrf1)  }
0x85: {  	v24 =	vmov s31;
	[tilespmem:v12+s8+$0x0] =	vst.idx.msk $0xffff, v19;
	v19 =	vperm.xlane v22, v5;
	v13 =	vperm.xlane v18, v5;
	v18, v22, _ =	vpop (xrf1)  }
0x86: {  	[tilespmem:v16+s8+$0x0] =	vst.idx.msk $0xffff, v37;
	v25 =	vperm.xlane v10, v5;
	v10 =	vand.u32 $0x7E, v24;
	vm0 =	vge.f32 v18, v8  }
0x87: {  	[tilespmem:v12+s9+$0x0] =	vst.idx.msk $0xffff, v28;
	v12 =	vsel vm0, v18, v8;
	v17 =	vsel vm0, v22, v19  }
0x88: {  	v26, v27, _ =	vpop (xrf1)  }
0x89: {  	[tilespmem:v16+s9+$0x0] =	vst.idx.msk $0xffff, v38;
	v28 =	vperm.xlane v11, v5;
	v8 =	vsel vm0, v8, v18;
	v18, v16, _ =	vpop (xrf1)  }
0x8a: {  	v29 =	vbroadcast v10, $0x0;
	v19 =	vsel vm0, v19, v22;
	v22 =	vperm.xlane v21, v5;
	(xrf1) =	vsort.dscd.msk.f32 $0xffff, v12, v17;
	v12, v10, _ =	vpop (xrf1)  }
0x8b: {  	v11 =	vperm.xlane v14, v5;
	(xrf1) =	vsort.dscd.msk.f32 $0xffff, v8, v19;
	v19 =	vperm.xlane v23, v5;
	v14, v17, _ =	vpop (xrf1)  }
0x8c: {  	vm0 =	vge.f32 v14, v22;
	v23, v62, _ =	vpop (xrf1)  }
0x8d: {  	s15 =	simm.s32 $0x500;
	vm1 =	vge.f32 v23, v25;
	v14 =	vsel vm0, v14, v22  }
0x8e: {  	v35 =	vld [tilespmem:s15+$0x20];
	v61 =	vperm.xlane v27, v5;
	v63 =	vperm.xlane v26, v5;
	v22 =	vsel vm1, v23, v25  }
0x8f: {  	v34 =	vld [tilespmem:s15+$0x30];
	v21 =	vor.u32 v6, v29;
	v29 =	vor.u32 v1, v29;
	(xrf1) =	vsort.dscd.msk.f32 $0xffff, v30, v20;
	v27, v24, _ =	vpop (xrf1)  }
0x90: {  	v31 =	vld [tilespmem:s15+$0xB0];
	v23 =	vsel vm0, v17, v19;
	v25 =	vsel vm1, v62, v28;
	v30, v19, _ =	vpop (xrf1);
	vm1 =	vge.f32 v22, v14  }
0x91: {  	v32 =	vld [tilespmem:s15+$0xFFFFFFB0];
	vm3 =	vge.f32 v30, v63;
	v41 =	vsel vm1, v22, v14;
	v17 =	vsel vm1, v14, v22;
	v22, v14, _ =	vpop (xrf1)  }
0x92: {  	v26 =	vld [tilespmem:s15+$0xA0];
	v42 =	vsel vm1, v25, v23;
	v20 =	vperm.xlane v14, v5;
	v14 =	vperm.xlane v60, v5  }
0x93: {  	s16 =	simm.s32 $0xC;
	v8 =	vld [tilespmem:s15+$0xFFFFFFA0];
	v19 =	vsel vm3, v19, v61;
	v30 =	vsel vm3, v30, v63;
	(xrf1) =	vsort.dscd.msk.f32 $0xffff, v41, v42;
	v36, v33, _ =	vpop (xrf1)  }
0x94: {  	s17 =	simm.s32 $0x700;
	s13 =	simm.s32 $0x8;
	s14 =	simm.s32 $0x4;
	v28 =	vld [tilespmem:s15+$0xFFFFFF30];
	v22 =	vperm.xlane v22, v5;
	vm2 =	vge.f32 v36, v15;
	v38, v37, _ =	vpop (xrf1);
	vm0 =	vge.f32 v12, v14  }
.LBB2_2:
0x95: {  	v39 =	vld [tilespmem:s17+$0xFFFFFFA0];
	p0 =	slt.u32 s16, $0x7C;
	(xrf1) =	vsort.dscd.msk.f32 $0xffff, v31, v4;
	v31 =	vperm.xlane v38, v5;
	[tilespmem:v29+s8+$0x0] =	vst.idx.msk $0xffff, v27;
	s18 =	smov.u32 s16;
	s16 =	sadd.s32 $0x4, s16  }
0x96: {  	v27 =	vperm.xlane v37, v5;
	(xrf1) =	vsort.dscd.msk.f32 $0xffff, v35, v3;
	[tilespmem:v21+s8+$0x0] =	vst.idx.msk $0xffff, v18  }
0x97: {  	s19 =	sadd.s32 $0x1, s14;
	v15 =	vsel vm2, v36, v15;
	(xrf1) =	vsort.dscd.msk.f32 $0xffff, v26, v3;
	[tilespmem:v29+s9+$0x0] =	vst.idx.msk $0xffff, v24  }
0x98: {  	v24 =	vmov s19;
	v26 =	vsel vm2, v33, v13;
	v18 =	vld [tilespmem:s15+$0xFFFFFF20];
	(xrf1) =	vsort.dscd.msk.f32 $0xffff, v34, v4;
	[tilespmem:v21+s9+$0x0] =	vst.idx.msk $0xffff, v16  }
0x99: {  	v16 =	vsel vm1, v23, v25;
	v13 =	vand.u32 $0x7D, v24;
	vm1 =	vge.f32 v15, v30;
	(xrf1) =	vsort.dscd.msk.f32 $0xffff, v32, v4;
	v21, v23, _ =	vpop (xrf1)  }
0x9a: {  	v13 =	vbroadcast v13, $0x0;
	v24 =	vsel vm1, v26, v19;
	(xrf1) =	vsort.dscd.msk.f32 $0xffff, v8, v3;
	vm2 =	vge.f32 v21, v31;
	v25, v29, _ =	vpop (xrf1)  }
0x9b: {  	v8 =	vmovc v39;
	v23 =	vsel vm2, v23, v27;
	v27 =	vsel vm1, v15, v30;
	v30 =	vsel vm1, v30, v15  }
0x9c: {  	vm3 =	vge.f32 v25, v22;
	v15 =	vor.u32 v1, v13;
	(xrf1) =	vsort.dscd.msk.f32 $0xffff, v28, v4  }
0x9d: {  	v13 =	vor.u32 v6, v13;
	v28 =	vld [tilespmem:s15+$0x10];
	(xrf1) =	vsort.dscd.msk.f32 $0xffff, v18, v3;
	v18 =	vsel vm2, v21, v31;
	v21, v31, _ =	vpop (xrf1)  }
0x9e: {  	v19 =	vsel vm1, v19, v26;
	v22 =	vsel vm3, v25, v22;
	v20 =	vsel vm3, v29, v20;
	v32 =	vld [tilespmem:s15+$0xFFFFFF90]  }
0x9f: {  	vm1 =	vge.f32 v18, v22;
	(xrf1) =	vsort.dscd.msk.f32 $0xffff, v17, v16  }
0xa0: {  	v17 =	vsel vm1, v18, v22;
	v25 =	vsel vm1, v23, v20;
	v16 =	vld [tilespmem:s15+$0x90];
	(xrf1) =	vsort.dscd.msk.f32 $0xffff, v27, v24  }
0xa1: {  	v26 =	vsel vm1, v22, v18;
	v27 =	vsel vm1, v20, v23;
	v24 =	vld [tilespmem:s15+$0x0];
	(xrf1) =	vsort.dscd.msk.f32 $0xffff, v17, v25  }
0xa2: {  	v9 =	vperm.xlane v9, v5;
	v12 =	vsel vm0, v12, v14;
	v17 =	vld [tilespmem:s15+$0xFFFFFF80];
	(xrf1) =	vsort.dscd.msk.f32 $0xffff, v26, v27;
	v14, v18, _ =	vpop (xrf1)  }
0xa3: {  	vm2 =	vge.f32 v21, v11;
	(xrf1) =	vsort.dscd.msk.f32 $0xffff, v32, v2;
	v20, v22, _ =	vpop (xrf1);
	[tilespmem:v15+s8+$0x0] =	vst.idx.msk $0xffff, v14  }
0xa4: {  	v11 =	vsel vm2, v21, v11;
	v14 =	vperm.xlane v20, v5;
	(xrf1) =	vsort.dscd.msk.f32 $0xffff, v28, v2;
	v20, v23, _ =	vpop (xrf1)  }
0xa5: {  	v9 =	vsel vm0, v10, v9;
	v21 =	vperm.xlane v22, v5;
	(xrf1) =	vsort.dscd.msk.f32 $0xffff, v16, v2;
	v16, v22, _ =	vpop (xrf1)  }
0xa6: {  	s19 =	sadd.s32 $0x3, s14;
	vm0 =	vge.f32 v11, v12;
	vm1 =	vge.f32 v16, v14;
	(xrf1) =	vsort.dscd.msk.f32 $0xffff, v24, v0;
	v10, v24, _ =	vpop (xrf1)  }
0xa7: {  	v7 =	vperm.xlane v7, v5;
	v27 =	vmov s19;
	v10 =	vperm.xlane v10, v5;
	v25 =	vld [tilespmem:s15+$0x80];
	(xrf1) =	vsort.dscd.msk.f32 $0xffff, v17, v0;
	v17, v26, _ =	vpop (xrf1)  }
0xa8: {  	v24 =	vperm.xlane v24, v5;
	v28 =	vsel vm1, v22, v21;
	v26 =	vperm.xlane v26, v5;
	v29, v32, _ =	vpop (xrf1)  }
0xa9: {  	v21 =	vsel vm1, v21, v22;
	v17 =	vperm.xlane v17, v5;
	vm4 =	vge.f32 v20, v10  }
0xaa: {  	v27 =	vand.u32 $0x7F, v27;
	v22 =	vsel vm4, v20, v10;
	v36 =	vsel vm4, v23, v24;
	v34, v35, _ =	vpop (xrf1);
	(xrf1) =	vsort.dscd.msk.f32 $0xffff, v30, v19  }
0xab: {  	v7 =	vsel vm2, v31, v7;
	vm3 =	vge.f32 v29, v17;
	v19, v30, _ =	vpop (xrf1);
	(xrf1) =	vsort.dscd.msk.f32 $0xffff, v22, v36;
	v22 =	vbroadcast v27, $0x0  }
0xac: {  	v27 =	vsel vm3, v29, v17;
	v36 =	vsel vm1, v14, v16;
	(xrf1) =	vsort.dscd.msk.f32 $0xffff, v25, v0  }
0xad: {  	v10 =	vsel vm4, v10, v20;
	v20 =	vsel vm4, v24, v23;
	v25 =	vld [tilespmem:s15+$0xFFFFFF10];
	v23 =	vor.u32 v1, v22;
	v24, v33, _ =	vpop (xrf1)  }
0xae: {  	v34 =	vperm.xlane v34, v5;
	v35 =	vperm.xlane v35, v5;
	(xrf1) =	vsort.dscd.msk.f32 $0xffff, v36, v21;
	v21, v31, _ =	vpop (xrf1)  }
0xaf: {  	v17 =	vsel vm3, v17, v29;
	v29 =	vsel vm0, v7, v9;
	v7 =	vsel vm0, v9, v7;
	v36, v37, _ =	vpop (xrf1)  }
0xb0: {  	v38 =	vsel vm3, v26, v32;
	v14 =	vsel vm1, v16, v14;
	v9 =	vld [tilespmem:s15+$0xFFFFFF00];
	(xrf1) =	vsort.dscd.msk.f32 $0xffff, v10, v20;
	v10, v16, _ =	vpop (xrf1);
	s15 =	smov.u32 s17  }
0xb1: {  	v39 =	vsel vm0, v12, v11;
	v41 =	vsel vm3, v32, v26;
	v22 =	vor.u32 v6, v22;
	v26, v32, _ =	vpop (xrf1)  }
0xb2: {  	v11 =	vsel vm0, v11, v12;
	(xrf1) =	vsort.dscd.msk.f32 $0xffff, v25, v2;
	v25, v40, _ =	vpop (xrf1);
	[tilespmem:v23+s8+$0x0] =	vst.idx.msk $0xffff, v21  }
0xb3: {  	v12 =	vperm.xlane v32, v5;
	v21 =	vperm.xlane v40, v5;
	(xrf1) =	vsort.dscd.msk.f32 $0xffff, v27, v41;
	v20, v27, _ =	vpop (xrf1)  }
0xb4: {  	v26 =	vperm.xlane v26, v5;
	v25 =	vperm.xlane v25, v5;
	v32, v40, _ =	vpop (xrf1);
	[tilespmem:v13+s8+$0x0] =	vst.idx.msk $0xffff, v24  }
0xb5: {  	v20 =	vperm.xlane v20, v5;
	v24, v41, _ =	vpop (xrf1);
	[tilespmem:v15+s9+$0x0] =	vst.idx.msk $0xffff, v18  }
0xb6: {  	vm1 =	vge.f32 v32, v25;
	vm0 =	vge.f32 v24, v26;
	(xrf1) =	vsort.dscd.msk.f32 $0xffff, v17, v38  }
0xb7: {  	v15 =	vsel vm0, v24, v26;
	v17 =	vsel vm0, v26, v24;
	(xrf1) =	vsort.dscd.msk.f32 $0xffff, v9, v0  }
0xb8: {  	v18 =	vsel vm0, v41, v12;
	v12 =	vsel vm0, v12, v41;
	v24 =	vsel vm1, v25, v32;
	v26, v38, _ =	vpop (xrf1)  }
0xb9: {  	v25 =	vsel vm1, v32, v25;
	v32 =	vsel vm1, v21, v40;
	v41, v9, _ =	vpop (xrf1);
	(xrf1) =	vsort.dscd.msk.f32 $0xffff, v14, v28;
	v14 =	vmov s14  }
0xba: {  	v28 =	vsel vm1, v40, v21;
	v21 =	vperm.xlane v27, v5;
	v27, v40, _ =	vpop (xrf1);
	v14 =	vand.u32 $0x7C, v14;
	(xrf1) =	vsort.dscd.msk.f32 $0xffff, v39, v7  }
0xbb: {  	vm0 =	vge.f32 v27, v20;
	(xrf1) =	vsort.dscd.msk.f32 $0xffff, v24, v32;
	v14 =	vbroadcast v14, $0x0;
	[tilespmem:v22+s8+$0x0] =	vst.idx.msk $0xffff, v26  }
0xbc: {  	v24 =	vsel vm0, v27, v20;
	v26 =	vsel vm0, v40, v21;
	(xrf1) =	vsort.dscd.msk.f32 $0xffff, v17, v12;
	v12, v17, _ =	vpop (xrf1)  }
0xbd: {  	v20 =	vsel vm0, v20, v27;
	v21 =	vsel vm0, v21, v40;
	(xrf1) =	vsort.dscd.msk.f32 $0xffff, v15, v18  }
0xbe: {  	vm0 =	vge.f32 v19, v34;
	v18 =	vor.u32 v6, v14;
	v27, v7, _ =	vpop (xrf1);
	(xrf1) =	vsort.dscd.msk.f32 $0xffff, v11, v29  }
0xbf: {  	v39 =	vsel vm0, v19, v34;
	v15 =	vsel vm0, v30, v35;
	v14 =	vor.u32 v1, v14  }
0xc0: {  	v29 =	vsel vm0, v35, v30;
	v30, v32, _ =	vpop (xrf1);
	(xrf1) =	vsort.dscd.msk.f32 $0xffff, v20, v21;
	[tilespmem:v23+s9+$0x0] =	vst.idx.msk $0xffff, v31  }
0xc1: {  	v19 =	vsel vm0, v34, v19;
	(xrf1) =	vsort.dscd.msk.f32 $0xffff, v39, v15;
	v11, v20, _ =	vpop (xrf1);
	[tilespmem:v22+s9+$0x0] =	vst.idx.msk $0xffff, v38  }
0xc2: {  	v21 =	vperm.xlane v30, v5;
	(xrf1) =	vsort.dscd.msk.f32 $0xffff, v24, v26;
	[tilespmem:v13+s9+$0x0] =	vst.idx.msk $0xffff, v33  }
0xc3: {  	(xrf1) =	vsort.dscd.msk.f32 $0xffff, v19, v29  }
0xc4: {  	s19 =	sadd.s32 $0x2, s14;
	s14 =	smov.u32 s13;
	s13 =	smov.u32 s18;
	v19 =	vperm.xlane v32, v5;
	v22, v23, _ =	vpop (xrf1);
	[tilespmem:v14+s8+$0x0] =	vst.idx.msk $0xffff, v36  }
0xc5: {  	v13 =	vperm.xlane v17, v5;
	v17, v24, _ =	vpop (xrf1);
	[tilespmem:v18+s8+$0x0] =	vst.idx.msk $0xffff, v10;
	v10 =	vmov s19  }
0xc6: {  	v15 =	vperm.xlane v12, v5;
	vm0 =	vge.f32 v17, v21;
	[tilespmem:v14+s9+$0x0] =	vst.idx.msk $0xffff, v37;
	v33 =	vand.u32 $0x7E, v10  }
0xc7: {  	v22 =	vperm.xlane v22, v5;
	v31 =	vsel vm0, v17, v21;
	v14 =	vsel vm0, v24, v19;
	v26, v29, _ =	vpop (xrf1)  }
0xc8: {  	v30 =	vperm.xlane v23, v5;
	v21 =	vsel vm0, v21, v17;
	v32 =	vbroadcast v33, $0x0;
	[tilespmem:v18+s9+$0x0] =	vst.idx.msk $0xffff, v16;
	v18, v16, _ =	vpop (xrf1)  }
0xc9: {  	v23 =	vperm.xlane v11, v5;
	v19 =	vsel vm0, v19, v24;
	(xrf1) =	vsort.dscd.msk.f32 $0xffff, v31, v14;
	v12, v10, _ =	vpop (xrf1)  }
0xca: {  	v11 =	vperm.xlane v27, v5;
	v37 =	vperm.xlane v29, v5;
	(xrf1) =	vsort.dscd.msk.f32 $0xffff, v21, v19;
	v14, v17, _ =	vpop (xrf1)  }
0xcb: {  	v33 =	vperm.xlane v20, v5;
	v21 =	vor.u32 v6, v32;
	vm0 =	vge.f32 v14, v23;
	v20, v29, _ =	vpop (xrf1)  }
0xcc: {  	v39 =	vperm.xlane v26, v5;
	vm1 =	vge.f32 v20, v22;
	v34 =	vsel vm0, v14, v23;
	v27, v24, _ =	vpop (xrf1)  }
0xcd: {  	v23 =	vsel vm0, v17, v33;
	v26 =	vld [tilespmem:s17+$0xA0];
	v20 =	vsel vm1, v20, v22;
	(xrf1) =	vsort.dscd.msk.f32 $0xffff, v25, v28  }
.Ltmp0:
0xce: {  	v25 =	vsel vm1, v29, v30;
	v29 =	vor.u32 v1, v32;
	v31 =	vld [tilespmem:s17+$0xB0];
	vm1 =	vge.f32 v20, v34;
	v30, v19, _ =	vpop (xrf1);
	(pc) =	sbr.rel @p0 .LBB2_2-.Ltmp0, $4  }
0xcf: {  	v35 =	vld [tilespmem:s17+$0x20];
	v40 =	vsel vm1, v20, v34;
	v42 =	vsel vm1, v25, v23;
	v17 =	vsel vm1, v34, v20;
	v22, v14, _ =	vpop (xrf1)  }
0xd0: {  	vm3 =	vge.f32 v30, v39;
	v34 =	vld [tilespmem:s17+$0x30];
	v20 =	vperm.xlane v14, v5;
	v14 =	vperm.xlane v41, v5;
	v36, v33, _ =	vpop (xrf1)  }
0xd1: {  	v22 =	vperm.xlane v22, v5;
	v19 =	vsel vm3, v19, v37;
	v32 =	vld [tilespmem:s17+$0xFFFFFFB0];
	vm2 =	vge.f32 v36, v15;
	v38, v37, _ =	vpop (xrf1)  }
0xd2: {  	v30 =	vsel vm3, v30, v39;
	s17 =	sadd.s32 $0x200, s17;
	v28 =	vld [tilespmem:s15+$0xFFFFFF30];
	vm0 =	vge.f32 v12, v14;
	(xrf1) =	vsort.dscd.msk.f32 $0xffff, v40, v42  }
0xd3: {  	_ =	sdelay $0x2  }
0xd4: {  	(xrf1) =	vsort.dscd.msk.f32 $0xffff, v31, v4  }
0xd5: {  	[tilespmem:v29+s8+$0x0] =	vst.idx.msk $0xffff, v27;
	v61 =	vperm.xlane v38, v5;
	(xrf1) =	vsort.dscd.msk.f32 $0xffff, v35, v3  }
0xd6: {  	v62 =	vperm.xlane v37, v5;
	v15 =	vsel vm2, v36, v15;
	(xrf1) =	vsort.dscd.msk.f32 $0xffff, v26, v3  }
0xd7: {  	v9 =	vperm.xlane v9, v5;
	[tilespmem:v21+s8+$0x0] =	vst.idx.msk $0xffff, v18;
	(xrf1) =	vsort.dscd.msk.f32 $0xffff, v34, v4  }
0xd8: {  	v63 =	vld [tilespmem:s15+$0xFFFFFF20];
	v35 =	vsel vm1, v23, v25;
	vm6 =	vge.f32 v15, v30;
	[tilespmem:v29+s9+$0x0] =	vst.idx.msk $0xffff, v24  }
0xd9: {  	v36 =	vsel vm6, v15, v30;
	[tilespmem:v21+s9+$0x0] =	vst.idx.msk $0xffff, v16;
	(xrf1) =	vsort.dscd.msk.f32 $0xffff, v32, v4;
	v16, v21, _ =	vpop (xrf1)  }
0xda: {  	v37 =	vsel vm6, v30, v15;
	v34 =	vsel vm2, v33, v13;
	(xrf1) =	vsort.dscd.msk.f32 $0xffff, v8, v3;
	v23, v25, _ =	vpop (xrf1)  }
0xdb: {  	s16 =	sadd.s32 $0x1, s14;
	vm7 =	vge.f32 v16, v61;
	v8 =	vsel vm6, v34, v19;
	vm3 =	vge.f32 v23, v22  }
0xdc: {  	v38 =	vmov s16;
	(xrf1) =	vsort.dscd.msk.f32 $0xffff, v28, v4;
	v16 =	vsel vm7, v16, v61;
	v22 =	vsel vm3, v23, v22  }
0xdd: {  	v15 =	vand.u32 $0x7D, v38;
	v21 =	vsel vm7, v21, v62;
	(xrf1) =	vsort.dscd.msk.f32 $0xffff, v63, v3;
	vm2 =	vge.f32 v16, v22  }
0xde: {  	v39 =	vld [tilespmem:s15+$0xFFFFFF90];
	v20 =	vsel vm3, v25, v20;
	v44 =	vsel vm2, v16, v22;
	v22 =	vsel vm2, v22, v16  }
0xdf: {  	v40 =	vld [tilespmem:s15+$0x10];
	(xrf1) =	vsort.dscd.msk.f32 $0xffff, v17, v35;
	v45 =	vsel vm2, v21, v20;
	v20 =	vsel vm2, v20, v21  }
0xe0: {  	v43 =	vld [tilespmem:s15+$0x90];
	v12 =	vsel vm0, v12, v14;
	v41 =	vbroadcast v15, $0x0;
	v42, v25, _ =	vpop (xrf1);
	(xrf1) =	vsort.dscd.msk.f32 $0xffff, v36, v8  }
0xe1: {  	v60 =	vperm.xlane v7, v5;
	v10 =	vsel vm0, v10, v9;
	v8 =	vld [tilespmem:s15+$0x0];
	(xrf1) =	vsort.dscd.msk.f32 $0xffff, v44, v45;
	v46, v15, _ =	vpop (xrf1)  }
0xe2: {  	v48 =	vsel vm6, v19, v34;
	v16 =	vor.u32 v1, v41;
	(xrf1) =	vsort.dscd.msk.f32 $0xffff, v22, v20;
	v20, v22, _ =	vpop (xrf1)  }
0xe3: {  	v47 =	vld [tilespmem:s15+$0xFFFFFF80];
	v13 =	vor.u32 v6, v41;
	vm8 =	vge.f32 v42, v11;
	(xrf1) =	vsort.dscd.msk.f32 $0xffff, v39, v2;
	v50, v49, _ =	vpop (xrf1)  }
0xe4: {  	v11 =	vsel vm8, v42, v11;
	v19 =	vsel vm8, v25, v60;
	(xrf1) =	vsort.dscd.msk.f32 $0xffff, v40, v2;
	v14, v51, _ =	vpop (xrf1)  }
0xe5: {  	vm10 =	vge.f32 v11, v12;
	v20 =	vperm.xlane v20, v5;
	(xrf1) =	vsort.dscd.msk.f32 $0xffff, v43, v2;
	v52, v53, _ =	vpop (xrf1)  }
0xe6: {  	v54 =	vld [tilespmem:s15+$0x80];
	v22 =	vperm.xlane v22, v5;
	(xrf1) =	vsort.dscd.msk.f32 $0xffff, v8, v0;
	v8 =	vperm.xlane v52, v5  }
0xe7: {  	[tilespmem:v16+s8+$0x0] =	vst.idx.msk $0xffff, v46;
	vm9 =	vge.f32 v14, v20;
	v55 =	vperm.xlane v53, v5  }
0xe8: {  	s26 =	sadd.s32 $0x3, s14;
	(xrf1) =	vsort.dscd.msk.f32 $0xffff, v47, v0;
	v41 =	vsel vm9, v22, v51;
	vm11 =	vge.f32 v50, v8  }
0xe9: {  	v7 =	vmov s26;
	v57, v56, _ =	vpop (xrf1);
	(xrf1) =	vsort.dscd.msk.f32 $0xffff, v37, v48;
	v58 =	vsel vm11, v50, v8;
	v59 =	vsel vm11, v49, v55  }
0xea: {  	v7 =	vand.u32 $0x7F, v7;
	v44 =	vsel vm9, v20, v14;
	v22 =	vsel vm9, v51, v22;
	v62, v61, _ =	vpop (xrf1);
	(xrf1) =	vsort.dscd.msk.f32 $0xffff, v58, v59  }
0xeb: {  	v63 =	vld [tilespmem:s15+$0xFFFFFF10];
	v35 =	vbroadcast v7, $0x0;
	v51 =	vsel vm10, v19, v10;
	v10 =	vsel vm10, v10, v19;
	v43, v42, _ =	vpop (xrf1);
	(xrf1) =	vsort.dscd.msk.f32 $0xffff, v54, v0  }
0xec: {  	v14 =	vsel vm9, v14, v20;
	v26 =	vperm.xlane v57, v5;
	v7 =	vsel vm11, v8, v50  }
0xed: {  	v27 =	vperm.xlane v56, v5;
	v37 =	vor.u32 v1, v35;
	v17, v21, _ =	vpop (xrf1);
	v8 =	vsel vm11, v55, v49  }
0xee: {  	v46 =	vld [tilespmem:s15+$0xFFFFFF00];
	v35 =	vor.u32 v6, v35;
	vm4 =	vge.f32 v62, v26;
	v45, v24, _ =	vpop (xrf1);
	(xrf1) =	vsort.dscd.msk.f32 $0xffff, v44, v41  }
0xef: {  	v23 =	vperm.xlane v43, v5;
	v47 =	vsel vm4, v62, v26;
	v48, v36, _ =	vpop (xrf1);
	(xrf1) =	vsort.dscd.msk.f32 $0xffff, v7, v8  }
0xf0: {  	v39 =	vsel vm4, v61, v27;
	v26 =	vsel vm4, v26, v62;
	v38, v7, _ =	vpop (xrf1);
	(xrf1) =	vsort.dscd.msk.f32 $0xffff, v63, v2  }
0xf1: {  	v27 =	vsel vm4, v27, v61;
	v54 =	vsel vm10, v12, v11;
	v9, v8, _ =	vpop (xrf1);
	(xrf1) =	vsort.dscd.msk.f32 $0xffff, v47, v39  }
0xf2: {  	v11 =	vsel vm10, v11, v12;
	[tilespmem:v13+s8+$0x0] =	vst.idx.msk $0xffff, v45;
	v50, v49, _ =	vpop (xrf1);
	(xrf1) =	vsort.dscd.msk.f32 $0xffff, v26, v27  }
0xf3: {  	vm15 =	vge.f32 v17, v23;
	[tilespmem:v37+s8+$0x0] =	vst.idx.msk $0xffff, v48;
	v52, v53, _ =	vpop (xrf1);
	(xrf1) =	vsort.dscd.msk.f32 $0xffff, v46, v0  }
0xf4: {  	[tilespmem:v16+s9+$0x0] =	vst.idx.msk $0xffff, v15;
	v26 =	vperm.xlane v42, v5;
	v57 =	vperm.xlane v50, v5;
	v56, v55, _ =	vpop (xrf1)  }
0xf5: {  	[tilespmem:v13+s9+$0x0] =	vst.idx.msk $0xffff, v24;
	v28 =	vperm.xlane v49, v5;
	v25 =	vperm.xlane v52, v5;
	v29, v32, _ =	vpop (xrf1)  }
0xf6: {  	v31 =	vperm.xlane v53, v5;
	(xrf1) =	vsort.dscd.msk.f32 $0xffff, v14, v22;
	v20 =	vperm.xlane v56, v5;
	v58, v59, _ =	vpop (xrf1)  }
0xf7: {  	(xrf1) =	vsort.dscd.msk.f32 $0xffff, v54, v10;
	v30 =	vperm.xlane v55, v5;
	vm13 =	vge.f32 v29, v25;
	v33, v40, _ =	vpop (xrf1)  }
0xf8: {  	vm12 =	vge.f32 v58, v57;
	v61 =	vsel vm13, v25, v29;
	v62 =	vsel vm13, v31, v32;
	v19, v10, _ =	vpop (xrf1)  }
0xf9: {  	v60 =	vsel vm12, v58, v57;
	v12 =	vsel vm12, v57, v58;
	v41 =	vsel vm12, v59, v28;
	v14, v22, _ =	vpop (xrf1)  }
0xfa: {  	v28 =	vsel vm12, v28, v59;
	(xrf1) =	vsort.dscd.msk.f32 $0xffff, v61, v62;
	vm14 =	vge.f32 v14, v20  }
0xfb: {  	(xrf1) =	vsort.dscd.msk.f32 $0xffff, v12, v28;
	v46 =	vsel vm14, v22, v30;
	v22 =	vsel vm14, v30, v22  }
0xfc: {  	v45, v44, _ =	vpop (xrf1);
	(xrf1) =	vsort.dscd.msk.f32 $0xffff, v60, v41;
	v63 =	vsel vm14, v14, v20;
	v14 =	vsel vm14, v20, v14  }
0xfd: {  	v47 =	vsel vm15, v21, v26;
	v21 =	vsel vm15, v26, v21;
	[tilespmem:v35+s8+$0x0] =	vst.idx.msk $0xffff, v33;
	v20, v39, _ =	vpop (xrf1)  }
0xfe: {  	v50 =	vmov s14;
	[tilespmem:v37+s9+$0x0] =	vst.idx.msk $0xffff, v36;
	v61 =	vsel vm13, v29, v25;
	(xrf1) =	vsort.dscd.msk.f32 $0xffff, v11, v51;
	v49, v48, _ =	vpop (xrf1)  }
0xff: {  	v62 =	vsel vm13, v32, v31;
	v41 =	vand.u32 $0x7C, v50;
	v51 =	vsel vm15, v17, v23;
	(xrf1) =	vsort.dscd.msk.f32 $0xffff, v14, v22;
	v14, v22, _ =	vpop (xrf1)  }
0x100: {  	s28 =	sadd.s32 $0x2, s14;
	[tilespmem:v35+s9+$0x0] =	vst.idx.msk $0xffff, v40;
	v55 =	vbroadcast v41, $0x0;
	v52 =	vperm.xlane v49, v5;
	(xrf1) =	vsort.dscd.msk.f32 $0xffff, v51, v47;
	v53, v54, _ =	vpop (xrf1)  }
0x101: {  	v37 =	vmov s28;
	v17 =	vsel vm15, v23, v17;
	v56 =	vperm.xlane v48, v5;
	(xrf1) =	vsort.dscd.msk.f32 $0xffff, v63, v46;
	v58, v57, _ =	vpop (xrf1)  }
0x102: {  	v15 =	vor.u32 v1, v55;
	v23 =	vor.u32 v6, v55;
	vm4 =	vge.f32 v58, v52  }
0x103: {  	v40 =	vand.u32 $0x7E, v37;
	(xrf1) =	vsort.dscd.msk.f32 $0xffff, v17, v21;
	v59 =	vsel vm4, v58, v52;
	v60 =	vsel vm4, v57, v56  }
0x104: {  	v13 =	vbroadcast v40, $0x0;
	v11 =	vsel vm4, v52, v58;
	v12 =	vsel vm4, v56, v57;
	(xrf1) =	vsort.dscd.msk.f32 $0xffff, v59, v60  }
0x105: {  	v19 =	vperm.xlane v19, v5;
	v10 =	vperm.xlane v10, v5;
	(xrf1) =	vsort.dscd.msk.f32 $0xffff, v11, v12  }
0x106: {  	v18 =	vperm.xlane v45, v5;
	v50 =	vor.u32 v1, v13;
	v40 =	vor.u32 v6, v13;
	v16, v17, _ =	vpop (xrf1)  }
0x107: {  	v63 =	vperm.xlane v44, v5;
	v14 =	vperm.xlane v14, v5;
	[tilespmem:v15+s8+$0x0] =	vst.idx.msk $0xffff, v38;
	v28, v29, _ =	vpop (xrf1)  }
0x108: {  	v22 =	vperm.xlane v22, v5;
	v41 =	vperm.xlane v53, v5;
	[tilespmem:v23+s8+$0x0] =	vst.idx.msk $0xffff, v9;
	v25, v26, _ =	vpop (xrf1)  }
0x109: {  	v27 =	vperm.xlane v54, v5;
	v38 =	vperm.xlane v20, v5;
	[tilespmem:v15+s9+$0x0] =	vst.idx.msk $0xffff, v7;
	v42, v43, _ =	vpop (xrf1)  }
0x10a: {  	v17 =	vperm.xlane v17, v5;
	v16 =	vperm.xlane v16, v5;
	[tilespmem:v23+s9+$0x0] =	vst.idx.msk $0xffff, v8;
	v45, v44, _ =	vpop (xrf1)  }
0x10b: {  	v8 =	vperm.xlane v39, v5;
	vm5 =	vge.f32 v42, v14;
	vm6 =	vge.f32 v45, v41  }
0x10c: {  	(xrf1) =	vsort.dscd.msk.f32 $0xffff, v61, v62;
	v14 =	vsel vm5, v42, v14;
	v46, v34, _ =	vpop (xrf1);
	v24 =	vsel vm6, v45, v41  }
0x10d: {  	v22 =	vsel vm5, v43, v22;
	v47 =	vsel vm6, v44, v27;
	v48, v49, _ =	vpop (xrf1);
	vm7 =	vge.f32 v24, v14  }
0x10e: {  	vm8 =	vge.f32 v48, v16;
	v32 =	vsel vm7, v24, v14;
	v33 =	vsel vm7, v47, v22;
	v52, v51, _ =	vpop (xrf1)  }
0x10f: {  	v14 =	vsel vm7, v14, v24;
	v17 =	vsel vm8, v49, v17;
	v12 =	vsel vm8, v48, v16;
	v36, v37, _ =	vpop (xrf1)  }
0x110: {  	v11 =	vsel vm7, v22, v47;
	(xrf1) =	vsort.dscd.msk.f32 $0xffff, v32, v33;
	vm9 =	vge.f32 v36, v18  }
0x111: {  	v35 =	vperm.xlane v51, v5;
	v24 =	vperm.xlane v52, v5;
	v54, v53, _ =	vpop (xrf1);
	v18 =	vsel vm9, v36, v18  }
0x112: {  	v55 =	vperm.xlane v54, v5;
	v21 =	vsel vm9, v37, v63;
	vm10 =	vge.f32 v18, v12;
	v32, v33, _ =	vpop (xrf1)  }
0x113: {  	(xrf1) =	vsort.dscd.msk.f32 $0xffff, v14, v11;
	v56 =	vperm.xlane v53, v5;
	v37 =	vsel vm10, v21, v17;
	v58, v57, _ =	vpop (xrf1)  }
0x114: {  	v59 =	vsel vm10, v18, v12;
	vm11 =	vge.f32 v32, v55;
	vm12 =	vge.f32 v58, v24  }
0x115: {  	(xrf1) =	vsort.dscd.msk.f32 $0xffff, v59, v37;
	v16 =	vsel vm11, v32, v55;
	v22 =	vsel vm12, v58, v24  }
0x116: {  	v27 =	vsel vm11, v33, v56;
	v60 =	vsel vm12, v57, v35;
	vm1 =	vge.f32 v16, v22  }
0x117: {  	vm13 =	vge.f32 v25, v19;
	v61 =	vsel vm1, v16, v22;
	v62 =	vsel vm1, v27, v60  }
0x118: {  	v16 =	vsel vm1, v22, v16;
	v33 =	vsel vm1, v60, v27;
	(xrf1) =	vsort.dscd.msk.f32 $0xffff, v61, v62  }
0x119: {  	s29 =	sadd.s32 $0x1, s13;
	s30 =	sadd.s32 $0x3, s13;
	v12 =	vsel vm10, v12, v18;
	v36 =	vsel vm10, v17, v21;
	(xrf1) =	vsort.dscd.msk.f32 $0xffff, v16, v33  }
0x11a: {  	v10 =	vsel vm13, v26, v10;
	v43 =	vmov s30;
	v63 =	vmov s29;
	v42, v41, _ =	vpop (xrf1);
	(xrf1) =	vsort.dscd.msk.f32 $0xffff, v12, v36  }
0x11b: {  	v15 =	vand.u32 $0x7F, v43;
	v35 =	vand.u32 $0x7D, v63;
	vm14 =	vge.f32 v42, v38  }
0x11c: {  	v44 =	vsel vm13, v25, v19;
	v37 =	vbroadcast v35, $0x0;
	v11 =	vsel vm14, v42, v38  }
0x11d: {  	v45 =	vbroadcast v15, $0x0;
	v8 =	vsel vm14, v41, v8;
	vm15 =	vge.f32 v11, v44  }
0x11e: {  	v7 =	vor.u32 v1, v37;
	v47 =	vsel vm15, v10, v8;
	v8 =	vsel vm15, v8, v10  }
0x11f: {  	[tilespmem:v50+s8+$0x0] =	vst.idx.msk $0xffff, v46;
	v46 =	vor.u32 v1, v45;
	v48 =	vsel vm15, v44, v11  }
0x120: {  	v49 =	vsel vm15, v11, v44;
	(xrf1) =	vsort.dscd.msk.f32 $0xffff, v48, v47  }
0x121: {  	[tilespmem:v40+s8+$0x0] =	vst.idx.msk $0xffff, v28;
	(xrf1) =	vsort.dscd.msk.f32 $0xffff, v49, v8;
	v8, v10, _ =	vpop (xrf1)  }
0x122: {  	[tilespmem:v50+s9+$0x0] =	vst.idx.msk $0xffff, v34;
	v52 =	vmov s13;
	v9 =	vor.u32 v6, v37;
	v50, v51, _ =	vpop (xrf1)  }
0x123: {  	v15 =	vand.u32 $0x7C, v52;
	[tilespmem:v7+s8+$0x0] =	vst.idx.msk $0xffff, v8;
	v8, v53, _ =	vpop (xrf1)  }
0x124: {  	v13 =	vor.u32 v6, v45;
	[tilespmem:v46+s8+$0x0] =	vst.idx.msk $0xffff, v8;
	v8 =	vbroadcast v15, $0x0;
	_ =	sdelay $0x1  }
0x125: {  	[tilespmem:v40+s9+$0x0] =	vst.idx.msk $0xffff, v29;
	v58 =	vor.u32 v1, v8;
	v55, v54, _ =	vpop (xrf1)  }
0x126: {  	s31 =	sadd.s32 $0x2, s13;
	[tilespmem:v9+s8+$0x0] =	vst.idx.msk $0xffff, v50;
	v57, v56, _ =	vpop (xrf1)  }
0x127: {  	v59 =	vmov s31;
	[tilespmem:v7+s9+$0x0] =	vst.idx.msk $0xffff, v10;
	v7, v10, _ =	vpop (xrf1)  }
0x128: {  	[tilespmem:v13+s8+$0x0] =	vst.idx.msk $0xffff, v7;
	v7 =	vor.u32 v6, v8;
	v8 =	vand.u32 $0x7E, v59  }
0x129: {  	[tilespmem:v9+s9+$0x0] =	vst.idx.msk $0xffff, v51;
	v8 =	vbroadcast v8, $0x0  }
0x12a: {  	[tilespmem:v58+s8+$0x0] =	vst.idx.msk $0xffff, v55  }
0x12b: {  	[tilespmem:v46+s9+$0x0] =	vst.idx.msk $0xffff, v53;
	v60 =	vor.u32 v1, v8  }
0x12c: {  	[tilespmem:v13+s9+$0x0] =	vst.idx.msk $0xffff, v10;
	v8 =	vor.u32 v6, v8  }
0x12d: {  	[tilespmem:v7+s8+$0x0] =	vst.idx.msk $0xffff, v57  }
0x12e: {  	v61, v62, _ =	vpop (xrf1);
	[tilespmem:v58+s9+$0x0] =	vst.idx.msk $0xffff, v54  }
0x12f: {  	[tilespmem:v7+s9+$0x0] =	vst.idx.msk $0xffff, v56;
	v7, v63, _ =	vpop (xrf1)  }
0x130: {  	[tilespmem:v60+s8+$0x0] =	vst.idx.msk $0xffff, v7  }
0x131: {  	[tilespmem:v8+s8+$0x0] =	vst.idx.msk $0xffff, v61  }
0x132: {  	[tilespmem:v60+s9+$0x0] =	vst.idx.msk $0xffff, v63  }
0x133: {  	[tilespmem:v8+s9+$0x0] =	vst.idx.msk $0xffff, v62  }
0x134: {  	[hbm4b:s4+s10] =	stream.strided.scatter [tilespmem:s9], [sflag:$0x1], $0x1000, s11, s10, $0x38;
	[tilespmem:$0x6000] =	vst v63  }
0x135: {  	s12 =	sadd.s32 $0x1, s12;
	_ =	swait.ge [sflag:s7], $0x1000  }
0x136: {  	p0 =	sne.s32 s12, s6;
	[sflag:s7] =	ssyncset.done $0x0  }
.Ltmp1:
0x137: {  	[sflag:s7] =	ssyncadd.s32 $0xFFFFF000;
	(pc) =	sbr.rel @p0 .LBB2_1-.Ltmp1, $4  }
0x138: {  	[hbm4b:s5+s10] =	stream.strided.scatter [tilespmem:s8], [sflag:$0x1], $0x1000, s11, s10, $0x38;
	[tilespmem:$0x6000] =	vst v63  }
0x139: {  	_ =	swait.ge [sflag:s7], $0x1000  }
0x13a: {  	[sflag:s7] =	ssyncset.done $0x0  }
0x13b: {  	[sflag:s7] =	ssyncadd.s32 $0xFFFFF000  }
0x13c: {  	_ =	sfence.sel $0x180000  }
0x13d: {  	[bflag:$0x0] =	sbarrier.arrive $0xFFFF  }
0x13e: {  	p0 =	sne.s32 s1, $0x0;
	_ =	strace $0x90000047  }
0x13f: {  	s0 =	sadd.s32 @!p0 $0x100000, s0;
	[bflag:$0x2] =	sbarrier.arrive $0xFFFF  }
0x140: {  	[sflag:s0] =	ssyncadd.tile.s32 @!p0 $0x1;
	_ =	shalt  }
.Lfunc_end2:
_tile_overlayer_lowered:
.L_overlay_start_2:
0x141: {  	(tag) =	ssettag $0x2  }
0x142: {  	s0 =	rddreg [dreg:$0x0];
	s2 =	stileid.u32  }
0x143: {  	s1 =	rddreg [dreg:$0x1];
	p0 =	sne.s32 s2, $0x0  }
0x144: {  	s3 =	rddreg [dreg:$0x2];
	[bflag:$0x3] =	sbarrier.arrive $0xFFFF;
	s2 =	simm.s32 @!p0 $0x1C01  }
0x145: {  	[timem:s3], [sflag:s2] =	dma.local @!p0 [hbm:s0], s1  }
0x146: {  	s0 =	simm.s32 @!p0 $0x1  }
0x147: {  	_ =	swait.ge @!p0 [sflag:s0], s1  }
0x148: {  	s1 =	ssub.s32 @!p0 $0x0, s1;
	[sflag:s0] =	ssyncset.done @!p0 $0x0  }
0x149: {  	[sflag:s0] =	ssyncadd.s32 @!p0 s1  }
0x14a: {  	[bflag:$0x3] =	sbarrier.arrive $0xFFFF  }
0x14b: {  	_ =	shalt  }

// kernel: kernel.13.cloned.1.call-start
scs
__scs_entry_jumppad:
0x0: {  	(pc) =	sbr.rel $0x88, $3  }
0x1: {  	(tag) =	ssettag $0x0;
	lr =	simm.s32 $0x1  }
0x2: {  	[smem:$0x3F9F] =	sst lr;
	_ =	strace $0xD0000000  }
0x3: {  	_ = 	snop  }
0x4: {  	_ = 	snop  }
0x5: {  	_ = 	snop  }
0x6: {  	_ = 	snop  }
0x7: {  	_ = 	snop  }
__scs_overlays_trampoline_lowered:
0x8: {  	[smem:$0x3FAE] =	sst s0  }
0x9: {  	[smem:$0x3FAF] =	sst s1  }
0xa: {  	[smem:$0x3FB0] =	sst s2  }
0xb: {  	[smem:$0x3FB1] =	sst s3  }
0xc: {  	[smem:$0x3FB2] =	sst s4  }
0xd: {  	[smem:$0x3FB3] =	sst s5  }
0xe: {  	[smem:$0x3FB4] =	sst s6  }
0xf: {  	[smem:$0x3FB5] =	sst s7  }
0x10: {  	[smem:$0x3FB6] =	sst s8  }
0x11: {  	[smem:$0x3FB7] =	sst s9;
	s0 =	simm.s32 @!p0 $0x0  }
0x12: {  	s1 =	sld [smem:$0x3F9D];
	s0 =	simm.s32 @p0 $0x1  }
0x13: {  	[smem:$0x3FB8] =	sst s0;
	s0 =	simm.s32 @!p1 $0x0  }
0x14: {  	s2 =	sld [smem:$0x3F9C];
	s0 =	simm.s32 @p1 $0x1  }
0x15: {  	[smem:$0x3FB9] =	sst s0;
	s0 =	simm.s32 @!p2 $0x0  }
0x16: {  	s3 =	sld [smem:$0x3FDB];
	s0 =	simm.s32 @p2 $0x1  }
0x17: {  	s4 =	simm.s32 $0x1BF5;
	[smem:$0x3FBB] =	sst s0  }
0x18: {  	s0 =	sld [smem:$0x3F9E];
	_ =	swait.ge [sflag:s4], $0x0  }
0x19: {  	s7 =	sld [smem:$0x3F9F]  }
0x1a: {  	s8 =	sadd.s32 $0xFFFFE003, lr  }
0x1b: {  	s9 =	sadd.s32 $0xFFFFFEF7, lr;
	s5 =	simm.s32 $0xFFFFFFFF;
	p2 =	slt.u32 s8, $0xFFFFF086  }
0x1c: {  	p1 =	slt.u32 s9, $0xF7A;
	s5 =	simm.s32 @!p2 $0x0  }
0x1d: {  	s5 =	simm.s32 @p1 $0x1;
	p0 =	seq.s32 s7, s2  }
0x1e: {  	s7 =	smul.u32 @!p0 $0xF7A, s2;
	p2 =	seq.s32 @!p0 s5, $0x0  }
0x1f: {  	s9 =	smul.u32 $0xF7A, s1;
	s8 =	simm.s32 @!p0 $0x1BF5;
	p2 =	por !p2, p0  }
0x20: {  	[sflag:s8] =	ssyncset.s32 @!p0 $0xFFFFF086;
	s6 =	sadd.s32 @!p0 s3, s7;
	s7 =	simm.s32 @!p0 $0x108  }
0x21: {  	s3 =	sadd.s32 s3, s9;
	s6 =	sadd.s32 @!p0 $0x88, s6;
	s7 =	simm.s32 @p2 $0x1082  }
0x22: {  	[simem:s7], [sflag:s8] =	dma.local @!p0 [hbm:s6], $0xF7A  }
0x23: {  	s9 =	sor.u32 $0xD0000000, s2;
	s6 =	simm.s32 $0x108;
	_ =	swait.ge @!p0 [sflag:s8], $0x0  }
0x24: {  	s3 =	sadd.s32 $0x88, s3;
	s6 =	simm.s32 @!p1 $0x1082;
	[sflag:s4] =	ssyncset.s32 $0xFFFFF086  }
0x25: {  	[simem:s6], [sflag:s4] =	dma.local [hbm:s3], $0xF7A  }
0x26: {  	[smem:$0x3F9F] =	sst s1;
	(tag) =	ssettag s2;
	_ =	strace s9  }
0x27: {  	s1 =	sld [smem:$0x3FAF]  }
0x28: {  	s2 =	sld [smem:$0x3FB0]  }
0x29: {  	s4 =	sld [smem:$0x3FB2]  }
0x2a: {  	p0 =	seq.s32 s5, $0x0;
	s5 =	sld [smem:$0x3FB3]  }
0x2b: {  	s6 =	sld [smem:$0x3FB4]  }
0x2c: {  	s7 =	sld [smem:$0x3FB5]  }
0x2d: {  	s3 =	simm.s32 $0x108;
	s8 =	sld [smem:$0x3FB6]  }
0x2e: {  	s3 =	simm.s32 @!p0 $0x1082;
	s9 =	sld [smem:$0x3FB7]  }
0x2f: {  	lr =	sadd.s32 s0, s3;
	s0 =	sld [smem:$0x3FAE]  }
0x30: {  	s3 =	sld [smem:$0x3FB1]  }
0x31: {  	[smem:$0x3FBA] =	sst s10  }
0x32: {  	s10 =	sld [smem:$0x3FB8];
	_ =	sdelay $0x3  }
0x33: {  	p0 =	seq.s32 s10, $0x1;
	s10 =	sld [smem:$0x3FBA];
	_ =	sdelay $0x3  }
0x34: {  	[smem:$0x3FBA] =	sst s10  }
0x35: {  	s10 =	sld [smem:$0x3FB9];
	_ =	sdelay $0x3  }
0x36: {  	p1 =	seq.s32 s10, $0x1;
	s10 =	sld [smem:$0x3FBA];
	_ =	sdelay $0x3  }
0x37: {  	[smem:$0x3FBA] =	sst s10  }
0x38: {  	s10 =	sld [smem:$0x3FBB]  }
0x39: {  	_ = 	snop;
	(pc) =	sbr.ind lr, $3  }
0x3a: {  	_ = 	snop  }
0x3b: {  	_ = 	snop  }
0x3c: {  	p2 =	seq.s32 s10, $0x1;
	s10 =	sld [smem:$0x3FBA]  }
0x3d: {  	_ =	shalt  }
0x3e: {  	_ =	shalt  }
0x3f: {  	_ =	shalt  }
0x40: {  	_ =	shalt  }
0x41: {  	_ =	shalt  }
0x42: {  	_ =	shalt  }
0x43: {  	_ =	shalt  }
0x44: {  	_ =	shalt  }
0x45: {  	_ =	shalt  }
0x46: {  	_ =	shalt  }
0x47: {  	_ =	shalt  }
0x48: {  	_ =	shalt  }
0x49: {  	_ =	shalt  }
0x4a: {  	_ =	shalt  }
0x4b: {  	_ =	shalt  }
0x4c: {  	_ =	shalt  }
0x4d: {  	_ =	shalt  }
0x4e: {  	_ =	shalt  }
0x4f: {  	_ =	shalt  }
0x50: {  	_ =	shalt  }
0x51: {  	_ =	shalt  }
0x52: {  	_ =	shalt  }
0x53: {  	_ =	shalt  }
0x54: {  	_ =	shalt  }
0x55: {  	_ =	shalt  }
0x56: {  	_ =	shalt  }
0x57: {  	_ =	shalt  }
0x58: {  	_ =	shalt  }
0x59: {  	_ =	shalt  }
0x5a: {  	_ =	shalt  }
0x5b: {  	_ =	shalt  }
0x5c: {  	_ =	shalt  }
0x5d: {  	_ =	shalt  }
0x5e: {  	_ =	shalt  }
0x5f: {  	_ =	shalt  }
0x60: {  	_ =	shalt  }
0x61: {  	_ =	shalt  }
0x62: {  	_ =	shalt  }
0x63: {  	_ =	shalt  }
0x64: {  	_ =	shalt  }
0x65: {  	_ =	shalt  }
0x66: {  	_ =	shalt  }
0x67: {  	_ =	shalt  }
0x68: {  	_ =	shalt  }
0x69: {  	_ =	shalt  }
0x6a: {  	_ =	shalt  }
0x6b: {  	_ =	shalt  }
0x6c: {  	_ =	shalt  }
0x6d: {  	_ =	shalt  }
0x6e: {  	_ =	shalt  }
0x6f: {  	_ =	shalt  }
0x70: {  	_ =	shalt  }
0x71: {  	_ =	shalt  }
0x72: {  	_ =	shalt  }
0x73: {  	_ =	shalt  }
0x74: {  	_ =	shalt  }
0x75: {  	_ =	shalt  }
0x76: {  	_ =	shalt  }
0x77: {  	_ =	shalt  }
0x78: {  	_ =	shalt  }
0x79: {  	_ =	shalt  }
0x7a: {  	_ =	shalt  }
0x7b: {  	_ =	shalt  }
0x7c: {  	_ =	shalt  }
0x7d: {  	_ =	shalt  }
0x7e: {  	_ =	shalt  }
0x7f: {  	_ =	shalt  }
0x80: {  	_ =	shalt  }
0x81: {  	_ =	shalt  }
0x82: {  	_ =	shalt  }
0x83: {  	_ =	shalt  }
0x84: {  	_ =	shalt  }
0x85: {  	_ =	shalt  }
0x86: {  	_ =	shalt  }
0x87: {  	_ =	shalt  }
.Lfunc_end0:
.L_simem_size_0:
called_computation.1_lowered:
.L_overlay_start_0:
0x88: {  	s2 =	sld [smem:$0x3FD9]  }
0x89: {  	s3 =	sld [smem:$0x3FFE];
	_ =	sdelay $0x1  }
0x8a: {  	s1 =	srdreg.scid  }
0x8b: {  	s0 =	sand.u32 $0x1, s1  }
0x8c: {  	s14 =	sshll.u32 s0, $0xA;
	s2 =	sadd.s32 s3, s2  }
0x8d: {  	s2 =	sadd.s32 s2, s14  }
0x8e: {  	[smem:$0x3FC6] =	sst s2  }
0x8f: {  	_ = 	snop  }
0x90: {  	s2 =	sld [smem:$0x3FD0];
	_ =	sdelay $0x2  }
0x91: {  	s15 =	simm.s32 $0xA;
	s4 =	simm.s32 $0x10  }
0x92: {  	[smem:s4], [sflag:s15] =	dma.local [hbm:s2], $0x1  }
0x93: {  	_ =	swait.eq [sflag:s15], $0x1  }
0x94: {  	[sflag:s15] =	ssyncset.done $0x0  }
0x95: {  	s16 =	sld [smem:$0x10];
	[sflag:s15] =	ssyncadd.s32 $0xFFFFFFFF  }
0x96: {  	s17 =	sld [smem:$0x11];
	(tm) =	ssettm $0x1  }
0x97: {  	s18 =	sld [smem:$0x3FFB];
	_ =	sdelay $0x3  }
0x98: {  	_ =	strace s18  }
0x99: {  	s4 =	sld [smem:$0x3FFC];
	_ =	sdelay $0x3  }
0x9a: {  	_ =	strace s4  }
0x9b: {  	s4 =	sld [smem:$0x3FFD];
	_ =	sdelay $0x3  }
0x9c: {  	_ =	strace s4  }
0x9d: {  	_ =	strace $0x8FFFFFFF  }
0x9e: {  	s19 =	sld [smem:$0x3FDB];
	_ =	sdelay $0x1  }
0x9f: {  	s5 =	simm.s32 $_scs_section_size  }
0xa0: {  	s6 =	simm.s32 $_size__tile_overlayer_lowered;
	s7 =	simm.s32 $_tile_overlayer_lowered  }
0xa1: {  	s22 =	simm.s32 $0x1BFF;
	s21 =	sshll.u32 s7, $0x1;
	s4 =	sadd.s32 s5, s19  }
0xa2: {  	s8 =	simm.s32 $0x0;
	s20 =	sshll.u32 s6, $0x1;
	s6 =	sadd.s32 s21, s4  }
0xa3: {  	[timem:s8], [sflag:s22] =	dma.local [hbm:s6], s20  }
0xa4: {  	_ =	swait.ge [sflag:s22], s20  }
0xa5: {  	s5 =	ssub.s32 $0x0, s20;
	[sflag:s22] =	ssyncset.done $0x0  }
0xa6: {  	[sflag:s22] =	ssyncadd.s32 s5;
	_ =	sdelay $0x1  }
0xa7: {  	s23 =	simm.s32 $0x1B8B  }
0xa8: {  	_ =	swait.ge [sflag:s23], $0x1  }
0xa9: {  	[sflag:s23] =	ssyncset.done $0x0  }
0xaa: {  	s25 =	simm.s32 $0x1B8E;
	s24 =	sld [smem:$0x3FFE];
	[sflag:s23] =	ssyncadd.s32 $0xFFFFFFFF  }
0xab: {  	s26 =	simm.s32 $execute0_lowered;
	[smem:$0x3FD2] =	sst s25  }
0xac: {  	s6 =	sshll.u32 s26, $0x1;
	_ =	strace $0x80000049;
	[dreg:$0x1] =	wrdreg $0xFFFFFFFF  }
0xad: {  	s28 =	simm.s32 $_size_execute0_lowered;
	s4 =	sadd.s32 s4, s6;
	[dreg:$0x0] =	wrdreg $0x0  }
0xae: {  	s6 =	sshll.u32 s28, $0x1;
	[dreg:$0x2] =	wrdreg s4  }
0xaf: {  	[dreg:$0x3] =	wrdreg s6  }
0xb0: {  	[dreg:$0x4] =	wrdreg $0xC0  }
0xb1: {  	_ =	task [dreg:s8], $0x5FFFF  }
0xb2: {  	[dreg:$0x1] =	wrdreg $0xFFFFFFFF  }
0xb3: {  	[dreg:$0x0] =	wrdreg $0x60  }
0xb4: {  	[dreg:$0x2] =	wrdreg s24  }
0xb5: {  	[dreg:$0x3] =	wrdreg s16  }
0xb6: {  	[dreg:$0x4] =	wrdreg s17  }
0xb7: {  	[dreg:$0x5] =	wrdreg $0x9  }
0xb8: {  	_ =	task.clear_ibuf [dreg:s8], $0x6FFFF;
	_ =	strace $0x90000049  }
0xb9: {  	s29 =	simm.s32 $0x9;
	_ =	strace $0x8000004B  }
0xba: {  	_ =	swait.ge [sflag:s29], $0x1  }
0xbb: {  	[sflag:s29] =	ssyncadd.s32 $0xFFFFFFFF  }
0xbc: {  	_ =	strace $0x9000004B  }
0xbd: {  	_ =	sfence  }
0xbe: {  	s30 =	sld [smem:$0x0];
	_ =	sdelay $0x2  }
0xbf: {  	s31 =	sshll.u32 s1, $0xD;
	s1 =	sshrl.u32 s1, $0x2  }
0xc0: {  	s3 =	sand.u32 $0x4000, s31;
	s1 =	sadd.s32 s1, s30  }
0xc1: {  	s0 =	sor.u32 s3, s0;
	s1 =	sshll.u32 s1, $0x11  }
0xc2: {  	s0 =	sor.u32 s1, s0  }
0xc3: {  	s0 =	sadd.s32 $0x8F2B, s0  }
0xc4: {  	[sflag:s0] =	ssyncadd.remote.s32 $0x1  }
0xc5: {  	_ =	sfence.sel $0xFFFF  }
0xc6: {  	[dreg:$0x0] =	wrdreg $0xFFFFFFFF;
	(pc) =	sbr.abs _section_cstart, $3  }
0xc7: {  	[dreg:$0x1] =	wrdreg $0xFFFFFFFF  }
0xc8: {  	_ =	task.clear_ibuf [dreg:s8], $0x2FFFF;
	_ =	strace $0x9FFFFFFF  }
0xc9: {  	(tm) =	ssettm $0x7FFFFFFF  }
tec
execute0_lowered:
.L_overlay_start_1:
0x0: {  	(tag) =	ssettag $0x1  }
0x1: {  	s3 =	rddreg [dreg:$0x0]  }
0x2: {  	s1 =	srdreg.scid;
	s4 =	rddreg [dreg:$0x1]  }
0x3: {  	s0 =	stileid.u32;
	s6 =	rddreg [dreg:$0x2]  }
0x4: {  	s2 =	simm.s32 $0x0;
	s9 =	simm.s32 $0x4000;
	s10 =	simm.s32 $0x400  }
0x5: {  	s11 =	simm.s32 $0x20000;
	s12 =	simm.s32 $0x0;
	s5 =	sand.u32 $0x1, s1  }
0x6: {  	s7 =	sshll.u32 s0, $0x8;
	s1 =	rddreg [dreg:$0x3];
	s8 =	sshll.u32 s5, $0x7  }
0x7: {  	[smem:$0x7FF] =	sst s2;
	s5 =	ssub.s32 $0x2, s5;
	s7 =	sor.u32 s8, s7  }
0x8: {  	v0 =	vlaneseq.u32;
	_ =	strace $0x8000004A;
	s30 =	sshrl.u32 s5, $0x1;
	s8 =	sshll.u32 s7, $0x4  }
0x9: {  	v5 =	vmul.u32 $0xFFFFFFFF, v0;
	v1 =	vmul.u32 $0x80, v0;
	s31 =	sor.u32 $0x1000, s7;
	s7 =	simm.s32 $0x1;
	s3 =	sadd.s32 s8, s3  }
0xa: {  	v2 =	vor.u32 $0x10, v0;
	v3 =	vor.u32 $0x20, v0;
	s8 =	ssub.s32 s5, s30;
	s4 =	sadd.s32 s4, s31;
	s5 =	sadd.s32 s6, s31  }
0xb: {  	v4 =	vor.u32 $0x30, v0;
	v5 =	vadd.s32 $0xF, v5;
	v6 =	vor.u32 $0x800, v1;
	s3 =	sadd.s32 $0x3200, s3;
	s6 =	smax.u32 s8, $0x1;
	s8 =	simm.s32 $0x5000  }
.LBB2_1:
0xc: {  	[tilespmem:s2], [sflag:$0x1] =	stream.linear.gather [hbm4b:s3+s2], $0x4000, $0x38;
	[tilespmem:$0x6000] =	vst v63  }
0xd: {  	_ =	swait.ge [sflag:s7], $0x4000  }
0xe: {  	[sflag:s7] =	ssyncset.done $0x0  }
0xf: {  	s13 =	simm.s32 $0x100;
	[sflag:s7] =	ssyncadd.s32 $0xFFFFC000  }
0x10: {  	v7 =	vld [tilespmem:s13+$0xB0]  }
0x11: {  	v8 =	vld [tilespmem:s13+$0x20]  }
0x12: {  	v9 =	vld [tilespmem:s13+$0xA0]  }
0x13: {  	v10 =	vld [tilespmem:s13+$0x30];
	_ =	sdelay $0x1  }
0x14: {  	(xrf1) =	vsort.dscd.msk.f32 $0xffff, v7, v4  }
0x15: {  	(xrf1) =	vsort.dscd.msk.f32 $0xffff, v8, v3  }
0x16: {  	(xrf1) =	vsort.dscd.msk.f32 $0xffff, v9, v3  }
0x17: {  	(xrf1) =	vsort.dscd.msk.f32 $0xffff, v10, v4  }
0x18: {  	v7 =	vld [tilespmem:s13+$0xFFFFFFB0];
	_ =	sdelay $0x1  }
0x19: {  	v8 =	vld [tilespmem:s13+$0xFFFFFFA0]  }
0x1a: {  	v9 =	vld [tilespmem:s13+$0xFFFFFF30]  }
0x1b: {  	v10 =	vld [tilespmem:s13+$0xFFFFFF20]  }
0x1c: {  	(xrf1) =	vsort.dscd.msk.f32 $0xffff, v7, v4;
	v7 =	vld [tilespmem:s13+$0xFFFFFF90]  }
0x1d: {  	v11 =	vld [tilespmem:s13+$0x10]  }
0x1e: {  	(xrf1) =	vsort.dscd.msk.f32 $0xffff, v8, v3;
	v8 =	vld [tilespmem:s13+$0x90]  }
0x1f: {  	(xrf1) =	vsort.dscd.msk.f32 $0xffff, v9, v4;
	v9 =	vld [tilespmem:s13+$0x0]  }
0x20: {  	(xrf1) =	vsort.dscd.msk.f32 $0xffff, v10, v3  }
0x21: {  	v10 =	vld [tilespmem:s13+$0xFFFFFF80];
	(xrf1) =	vsort.dscd.msk.f32 $0xffff, v7, v2;
	v7, v12, _ =	vpop (xrf1)  }
0x22: {  	(xrf1) =	vsort.dscd.msk.f32 $0xffff, v11, v2;
	v11, v13, _ =	vpop (xrf1)  }
0x23: {  	(xrf1) =	vsort.dscd.msk.f32 $0xffff, v8, v2;
	v8, v14, _ =	vpop (xrf1)  }
0x24: {  	(xrf1) =	vsort.dscd.msk.f32 $0xffff, v9, v0;
	v9, v15, _ =	vpop (xrf1)  }
0x25: {  	v9 =	vperm.xlane v9, v5  }
0x26: {  	v16 =	vld [tilespmem:s13+$0x80];
	(xrf1) =	vsort.dscd.msk.f32 $0xffff, v10, v0;
	v10 =	vperm.xlane v15, v5  }
0x27: {  	vm0 =	vge.f32 v11, v9  }
0x28: {  	v17 =	vsel vm0, v13, v10  }
0x29: {  	v7 =	vperm.xlane v7, v5;
	v15 =	vsel vm0, v11, v9  }
0x2a: {  	v12 =	vperm.xlane v12, v5;
	(xrf1) =	vsort.dscd.msk.f32 $0xffff, v15, v17  }
0x2b: {  	vm1 =	vge.f32 v8, v7;
	(xrf1) =	vsort.dscd.msk.f32 $0xffff, v16, v0  }
0x2c: {  	v20 =	vsel vm1, v12, v14;
	v16 =	vld [tilespmem:s13+$0xFFFFFF10];
	v15, v17, _ =	vpop (xrf1)  }
0x2d: {  	v15 =	vperm.xlane v15, v5  }
0x2e: {  	v21 =	vsel vm1, v7, v8;
	v9 =	vsel vm0, v9, v11;
	v17 =	vperm.xlane v17, v5;
	v18, v19, _ =	vpop (xrf1)  }
0x2f: {  	v10 =	vsel vm0, v10, v13;
	(xrf1) =	vsort.dscd.msk.f32 $0xffff, v21, v20;
	v22, v23, _ =	vpop (xrf1);
	vm0 =	vge.f32 v18, v15  }
0x30: {  	v11 =	vld [tilespmem:s13+$0xFFFFFF00];
	(xrf1) =	vsort.dscd.msk.f32 $0xffff, v9, v10;
	v13, v20, _ =	vpop (xrf1);
	v10 =	vsel vm0, v19, v17  }
0x31: {  	(xrf1) =	vsort.dscd.msk.f32 $0xffff, v16, v2;
	v9 =	vsel vm0, v18, v15;
	v21, v24, _ =	vpop (xrf1);
	v16 =	vsel vm0, v17, v19  }
0x32: {  	v15 =	vsel vm0, v15, v18;
	v17, v18, _ =	vpop (xrf1);
	(xrf1) =	vsort.dscd.msk.f32 $0xffff, v9, v10  }
0x33: {  	v9 =	vsel vm1, v14, v12;
	v10, v12, _ =	vpop (xrf1);
	(xrf1) =	vsort.dscd.msk.f32 $0xffff, v15, v16;
	v15 =	vperm.xlane v17, v5  }
0x34: {  	v7 =	vsel vm1, v8, v7;
	v14 =	vperm.xlane v21, v5;
	v16, v17, _ =	vpop (xrf1)  }
0x35: {  	(xrf1) =	vsort.dscd.msk.f32 $0xffff, v11, v0;
	v11 =	vperm.xlane v18, v5;
	vm0 =	vge.f32 v16, v15  }
0x36: {  	v8 =	vperm.xlane v24, v5;
	v10 =	vperm.xlane v10, v5;
	v18, v19, _ =	vpop (xrf1);
	v21 =	vsel vm0, v15, v16  }
0x37: {  	(xrf1) =	vsort.dscd.msk.f32 $0xffff, v7, v9;
	vm1 =	vge.f32 v18, v14;
	v24 =	vsel vm0, v11, v17  }
0x38: {  	v7 =	vsel vm1, v14, v18;
	v25 =	vsel vm1, v8, v19;
	v14 =	vsel vm1, v18, v14;
	v18, v9, _ =	vpop (xrf1)  }
0x39: {  	(xrf1) =	vsort.dscd.msk.f32 $0xffff, v21, v24;
	v8 =	vsel vm1, v19, v8;
	v19 =	vperm.xlane v22, v5;
	v21, v22, _ =	vpop (xrf1)  }
0x3a: {  	v12 =	vperm.xlane v12, v5;
	(xrf1) =	vsort.dscd.msk.f32 $0xffff, v7, v25;
	vm1 =	vge.f32 v21, v10  }
0x3b: {  	(xrf1) =	vsort.dscd.msk.f32 $0xffff, v14, v8;
	v8 =	vperm.xlane v23, v5;
	v7 =	vsel vm1, v10, v21  }
0x3c: {  	vm2 =	vge.f32 v13, v19;
	v14 =	vsel vm1, v12, v22  }
0x3d: {  	v26 =	vsel vm2, v20, v8  }
0x3e: {  	v25 =	vsel vm2, v13, v19;
	v23, v24, _ =	vpop (xrf1)  }
0x3f: {  	(xrf1) =	vsort.dscd.msk.f32 $0xffff, v7, v14;
	v14, v7, _ =	vpop (xrf1)  }
0x40: {  	v10 =	vsel vm1, v21, v10;
	v12 =	vsel vm1, v22, v12;
	(xrf1) =	vsort.dscd.msk.f32 $0xffff, v25, v26;
	v21, v22, _ =	vpop (xrf1)  }
0x41: {  	v25, v26, _ =	vpop (xrf1);
	(xrf1) =	vsort.dscd.msk.f32 $0xffff, v10, v12;
	v10 =	vsel vm2, v19, v13;
	_ =	sdelay $0x1  }
0x42: {  	v8 =	vsel vm2, v8, v20;
	v12 =	vperm.xlane v21, v5;
	v13, v19, _ =	vpop (xrf1)  }
0x43: {  	(xrf1) =	vsort.dscd.msk.f32 $0xffff, v10, v8;
	v8 =	vperm.xlane v22, v5;
	v10, v20, _ =	vpop (xrf1)  }
0x44: {  	vm1 =	vge.f32 v10, v12  }
0x45: {  	v11 =	vsel vm0, v17, v11;
	v17 =	vsel vm1, v20, v8  }
0x46: {  	v15 =	vsel vm0, v16, v15;
	v16 =	vsel vm1, v10, v12;
	v10 =	vsel vm1, v12, v10  }
0x47: {  	v8 =	vsel vm1, v8, v20  }
0x48: {  	v21 =	vperm.xlane v24, v5;
	v22 =	vperm.xlane v23, v5;
	v23, v24, _ =	vpop (xrf1)  }
0x49: {  	(xrf1) =	vsort.dscd.msk.f32 $0xffff, v16, v17;
	v16, v17, _ =	vpop (xrf1)  }
0x4a: {  	v13 =	vperm.xlane v13, v5;
	v12 =	vperm.xlane v25, v5;
	(xrf1) =	vsort.dscd.msk.f32 $0xffff, v10, v8;
	v8, v10, _ =	vpop (xrf1)  }
0x4b: {  	v20 =	vperm.xlane v26, v5;
	v25, v26, _ =	vpop (xrf1)  }
0x4c: {  	v19 =	vperm.xlane v19, v5;
	vm0 =	vge.f32 v8, v12;
	vm1 =	vge.f32 v25, v13  }
0x4d: {  	s29 =	simm.s32 $0x300;
	(xrf1) =	vsort.dscd.msk.f32 $0xffff, v15, v11;
	v8 =	vsel vm0, v8, v12;
	v13 =	vsel vm1, v25, v13  }
0x4e: {  	v12 =	vld [tilespmem:s29+$0xB0];
	v10 =	vsel vm0, v10, v20;
	v11 =	vsel vm1, v26, v19;
	vm1 =	vge.f32 v13, v8  }
0x4f: {  	v20 =	vld [tilespmem:s29+$0x20];
	v27 =	vsel vm1, v11, v10  }
0x50: {  	v23 =	vperm.xlane v23, v5;
	v25 =	vld [tilespmem:s29+$0xA0];
	v26 =	vsel vm1, v13, v8  }
0x51: {  	v29 =	vld [tilespmem:s29+$0x30];
	v24 =	vperm.xlane v24, v5;
	v15, v19, _ =	vpop (xrf1)  }
0x52: {  	v30 =	vld [tilespmem:s29+$0xFFFFFFB0];
	vm2 =	vge.f32 v15, v23;
	v8 =	vsel vm1, v8, v13;
	v13, v28, _ =	vpop (xrf1);
	(xrf1) =	vsort.dscd.msk.f32 $0xffff, v26, v27  }
0x53: {  	v19 =	vsel vm2, v19, v24;
	v26, v27, _ =	vpop (xrf1);
	(xrf1) =	vsort.dscd.msk.f32 $0xffff, v12, v4;
	v12 =	vld [tilespmem:s29+$0xFFFFFFA0]  }
0x54: {  	s14 =	simm.s32 $0x1;
	v15 =	vsel vm2, v15, v23;
	v23 =	vld [tilespmem:s29+$0xFFFFFF30];
	vm3 =	vge.f32 v26, v22;
	(xrf1) =	vsort.dscd.msk.f32 $0xffff, v20, v3  }
0x55: {  	v10 =	vsel vm1, v10, v11;
	(xrf1) =	vsort.dscd.msk.f32 $0xffff, v25, v3;
	v22 =	vsel vm3, v26, v22;
	v26 =	vmov s14  }
0x56: {  	v28 =	vperm.xlane v28, v5;
	v13 =	vperm.xlane v13, v5;
	v20, v24, _ =	vpop (xrf1);
	v25 =	vld [tilespmem:s29+$0xFFFFFF20];
	(xrf1) =	vsort.dscd.msk.f32 $0xffff, v29, v4  }
0x57: {  	v20 =	vperm.xlane v20, v5;
	v24 =	vperm.xlane v24, v5;
	(xrf1) =	vsort.dscd.msk.f32 $0xffff, v30, v4  }
0x58: {  	v21 =	vsel vm3, v27, v21;
	v11 =	vand.u32 $0x7D, v26;
	vm1 =	vge.f32 v22, v15;
	v26, v27, _ =	vpop (xrf1);
	(xrf1) =	vsort.dscd.msk.f32 $0xffff, v12, v3  }
0x59: {  	v12 =	vsel vm1, v21, v19;
	vm2 =	vge.f32 v26, v20;
	v29, v30, _ =	vpop (xrf1);
	(xrf1) =	vsort.dscd.msk.f32 $0xffff, v23, v4  }
0x5a: {  	v24 =	vsel vm2, v27, v24;
	v27 =	vsel vm1, v22, v15;
	vm3 =	vge.f32 v29, v13  }
0x5b: {  	(xrf1) =	vsort.dscd.msk.f32 $0xffff, v25, v3;
	v20 =	vsel vm2, v26, v20;
	v13 =	vsel vm3, v29, v13  }
0x5c: {  	v11 =	vbroadcast v11, $0x0;
	v26 =	vsel vm3, v30, v28;
	(xrf1) =	vsort.dscd.msk.f32 $0xffff, v8, v10;
	vm2 =	vge.f32 v20, v13  }
0x5d: {  	v23 =	vld [tilespmem:s29+$0xFFFFFF90];
	v8 =	vsel vm2, v20, v13;
	v13 =	vsel vm2, v13, v20;
	v20 =	vsel vm2, v26, v24  }
0x5e: {  	v18 =	vperm.xlane v18, v5;
	v15 =	vsel vm1, v15, v22;
	v22 =	vor.u32 v1, v11;
	v25 =	vld [tilespmem:s29+$0x10]  }
0x5f: {  	v14 =	vperm.xlane v14, v5;
	v10 =	vld [tilespmem:s29+$0x90];
	(xrf1) =	vsort.dscd.msk.f32 $0xffff, v27, v12;
	v28 =	vsel vm2, v24, v26  }
0x60: {  	vm0 =	vge.f32 v16, v18;
	v12, v27, _ =	vpop (xrf1);
	(xrf1) =	vsort.dscd.msk.f32 $0xffff, v8, v28  }
0x61: {  	v9 =	vperm.xlane v9, v5;
	v16 =	vsel vm0, v16, v18;
	(xrf1) =	vsort.dscd.msk.f32 $0xffff, v13, v20;
	v13, v20, _ =	vpop (xrf1)  }
0x62: {  	v29 =	vld [tilespmem:s29+$0x0];
	v8 =	vor.u32 v6, v11;
	v11 =	vsel vm1, v19, v21;
	(xrf1) =	vsort.dscd.msk.f32 $0xffff, v23, v2;
	v18, v21, _ =	vpop (xrf1)  }
0x63: {  	v19 =	vld [tilespmem:s29+$0xFFFFFF80];
	vm2 =	vge.f32 v12, v14;
	[tilespmem:v22+s8+$0x0] =	vst.idx.msk $0xffff, v13;
	(xrf1) =	vsort.dscd.msk.f32 $0xffff, v25, v2;
	v13, v23, _ =	vpop (xrf1)  }
0x64: {  	v7 =	vperm.xlane v7, v5;
	v12 =	vsel vm2, v12, v14;
	(xrf1) =	vsort.dscd.msk.f32 $0xffff, v10, v2;
	v10, v14, _ =	vpop (xrf1)  }
0x65: {  	v9 =	vsel vm0, v17, v9;
	v17, v24, _ =	vpop (xrf1)  }
0x66: {  	s30 =	simm.s32 $0x3;
	v7 =	vsel vm2, v27, v7;
	v21 =	vperm.xlane v21, v5;
	v17 =	vperm.xlane v17, v5  }
0x67: {  	v28 =	vmov s30;
	v25 =	vld [tilespmem:s29+$0x80];
	v18 =	vperm.xlane v18, v5;
	(xrf1) =	vsort.dscd.msk.f32 $0xffff, v29, v0;
	v24 =	vperm.xlane v24, v5  }
0x68: {  	v28 =	vand.u32 $0x7F, v28;
	vm0 =	vge.f32 v12, v16;
	(xrf1) =	vsort.dscd.msk.f32 $0xffff, v19, v0;
	v19, v26, _ =	vpop (xrf1);
	vm3 =	vge.f32 v13, v17  }
0x69: {  	v27 =	vbroadcast v28, $0x0;
	vm1 =	vge.f32 v10, v18;
	v29, v30, _ =	vpop (xrf1);
	(xrf1) =	vsort.dscd.msk.f32 $0xffff, v15, v11;
	v32 =	vsel vm3, v23, v24  }
0x6a: {  	v28 =	vsel vm1, v18, v10;
	v19 =	vperm.xlane v19, v5;
	v31 =	vsel vm3, v13, v17  }
0x6b: {  	v11 =	vsel vm1, v14, v21;
	v14 =	vsel vm1, v21, v14;
	v15, v21, _ =	vpop (xrf1);
	(xrf1) =	vsort.dscd.msk.f32 $0xffff, v31, v32  }
0x6c: {  	v10 =	vsel vm1, v10, v18;
	v26 =	vperm.xlane v26, v5;
	(xrf1) =	vsort.dscd.msk.f32 $0xffff, v25, v0  }
0x6d: {  	vm4 =	vge.f32 v29, v19;
	v13 =	vsel vm3, v17, v13;
	v23 =	vsel vm3, v24, v23;
	v31, v32, _ =	vpop (xrf1)  }
0x6e: {  	v33 =	vld [tilespmem:s29+$0xFFFFFF10];
	v24 =	vor.u32 v1, v27;
	v15 =	vperm.xlane v15, v5;
	v21 =	vperm.xlane v21, v5;
	v17, v34, _ =	vpop (xrf1)  }
0x6f: {  	v27 =	vor.u32 v6, v27;
	v25 =	vsel vm4, v29, v19;
	(xrf1) =	vsort.dscd.msk.f32 $0xffff, v28, v14;
	v35, v36, _ =	vpop (xrf1)  }
0x70: {  	v14 =	vsel vm4, v19, v29;
	v29 =	vsel vm0, v7, v9;
	v7 =	vsel vm0, v9, v7;
	v19, v28, _ =	vpop (xrf1)  }
0x71: {  	v39 =	vld [tilespmem:s29+$0xFFFFFF00];
	v9 =	vsel vm4, v26, v30;
	vm2 =	vge.f32 v31, v15;
	[tilespmem:v8+s8+$0x0] =	vst.idx.msk $0xffff, v17;
	v37, v38, _ =	vpop (xrf1)  }
0x72: {  	(xrf1) =	vsort.dscd.msk.f32 $0xffff, v13, v23;
	v13 =	vsel vm4, v30, v26;
	v26 =	vsel vm0, v16, v12;
	v18, v23, _ =	vpop (xrf1)  }
0x73: {  	v12 =	vsel vm0, v12, v16;
	[tilespmem:v22+s9+$0x0] =	vst.idx.msk $0xffff, v20;
	(xrf1) =	vsort.dscd.msk.f32 $0xffff, v33, v2;
	v30, v58, _ =	vpop (xrf1)  }
0x74: {  	v16 =	vperm.xlane v23, v5;
	(xrf1) =	vsort.dscd.msk.f32 $0xffff, v25, v13;
	v23, v59, _ =	vpop (xrf1);
	v30 =	vperm.xlane v30, v5  }
0x75: {  	v13 =	vperm.xlane v18, v5;
	v33 =	vperm.xlane v58, v5;
	v18, v25, _ =	vpop (xrf1);
	(xrf1) =	vsort.dscd.msk.f32 $0xffff, v14, v9  }
0x76: {  	v14 =	vperm.xlane v23, v5;
	v17, v40, _ =	vpop (xrf1);
	(xrf1) =	vsort.dscd.msk.f32 $0xffff, v39, v0;
	vm0 =	vge.f32 v18, v30  }
0x77: {  	vm1 =	vge.f32 v17, v13;
	v22, v23, _ =	vpop (xrf1);
	(xrf1) =	vsort.dscd.msk.f32 $0xffff, v10, v11;
	v10 =	vsel vm0, v30, v18  }
0x78: {  	v11 =	vsel vm0, v33, v25;
	v20 =	vsel vm1, v17, v13;
	v13 =	vsel vm1, v13, v17  }
0x79: {  	v17 =	vsel vm1, v40, v16;
	v60, v9, _ =	vpop (xrf1);
	(xrf1) =	vsort.dscd.msk.f32 $0xffff, v26, v7;
	v7 =	vsel vm1, v16, v40;
	v16 =	vmov s2  }
0x7a: {  	[tilespmem:v24+s8+$0x0] =	vst.idx.msk $0xffff, v35;
	v30 =	vsel vm0, v18, v30;
	v18, v26, _ =	vpop (xrf1);
	(xrf1) =	vsort.dscd.msk.f32 $0xffff, v10, v11;
	v11 =	vand.u32 $0x7C, v16  }
0x7b: {  	v10 =	vperm.xlane v59, v5;
	vm1 =	vge.f32 v18, v14;
	(xrf1) =	vsort.dscd.msk.f32 $0xffff, v13, v7;
	v7 =	vbroadcast v11, $0x0  }
0x7c: {  	[tilespmem:v27+s8+$0x0] =	vst.idx.msk $0xffff, v22;
	v22 =	vsel vm2, v32, v21;
	v11 =	vsel vm1, v18, v14  }
0x7d: {  	(xrf1) =	vsort.dscd.msk.f32 $0xffff, v20, v17;
	v13 =	vsel vm1, v14, v18;
	v14 =	vsel vm1, v10, v26  }
0x7e: {  	(xrf1) =	vsort.dscd.msk.f32 $0xffff, v12, v29  }
0x7f: {  	v17, v18, _ =	vpop (xrf1);
	v20 =	vsel vm2, v31, v15;
	v10 =	vsel vm1, v26, v10;
	(xrf1) =	vsort.dscd.msk.f32 $0xffff, v13, v14  }
0x80: {  	v16 =	vor.u32 v6, v7;
	v12 =	vor.u32 v1, v7;
	v14, v7, _ =	vpop (xrf1);
	(xrf1) =	vsort.dscd.msk.f32 $0xffff, v20, v22  }
0x81: {  	v13, v22, _ =	vpop (xrf1);
	(xrf1) =	vsort.dscd.msk.f32 $0xffff, v11, v10;
	v11 =	vsel vm2, v15, v31  }
0x82: {  	[tilespmem:v8+s9+$0x0] =	vst.idx.msk $0xffff, v34;
	v10 =	vsel vm2, v21, v32  }
0x83: {  	[tilespmem:v24+s9+$0x0] =	vst.idx.msk $0xffff, v36  }
0x84: {  	[tilespmem:v27+s9+$0x0] =	vst.idx.msk $0xffff, v23;
	v20 =	vsel vm0, v25, v33;
	v21, v23, _ =	vpop (xrf1)  }
0x85: {  	s31 =	simm.s32 $0x2;
	v15 =	vperm.xlane v17, v5;
	v8 =	vperm.xlane v13, v5;
	(xrf1) =	vsort.dscd.msk.f32 $0xffff, v11, v10;
	v10, v11, _ =	vpop (xrf1)  }
0x86: {  	v24 =	vmov s31;
	[tilespmem:v12+s8+$0x0] =	vst.idx.msk $0xffff, v19;
	v19 =	vperm.xlane v22, v5;
	v13 =	vperm.xlane v18, v5;
	v18, v22, _ =	vpop (xrf1)  }
0x87: {  	[tilespmem:v16+s8+$0x0] =	vst.idx.msk $0xffff, v37;
	v25 =	vperm.xlane v10, v5;
	v10 =	vand.u32 $0x7E, v24;
	vm0 =	vge.f32 v18, v8  }
0x88: {  	[tilespmem:v12+s9+$0x0] =	vst.idx.msk $0xffff, v28;
	v12 =	vsel vm0, v18, v8;
	v17 =	vsel vm0, v22, v19  }
0x89: {  	v26, v27, _ =	vpop (xrf1)  }
0x8a: {  	[tilespmem:v16+s9+$0x0] =	vst.idx.msk $0xffff, v38;
	v28 =	vperm.xlane v11, v5;
	v8 =	vsel vm0, v8, v18;
	v18, v16, _ =	vpop (xrf1)  }
0x8b: {  	v29 =	vbroadcast v10, $0x0;
	v19 =	vsel vm0, v19, v22;
	v22 =	vperm.xlane v21, v5;
	(xrf1) =	vsort.dscd.msk.f32 $0xffff, v12, v17;
	v12, v10, _ =	vpop (xrf1)  }
0x8c: {  	v11 =	vperm.xlane v14, v5;
	(xrf1) =	vsort.dscd.msk.f32 $0xffff, v8, v19;
	v19 =	vperm.xlane v23, v5;
	v14, v17, _ =	vpop (xrf1)  }
0x8d: {  	vm0 =	vge.f32 v14, v22;
	v23, v62, _ =	vpop (xrf1)  }
0x8e: {  	s15 =	simm.s32 $0x500;
	vm1 =	vge.f32 v23, v25;
	v14 =	vsel vm0, v14, v22  }
0x8f: {  	v35 =	vld [tilespmem:s15+$0x20];
	v61 =	vperm.xlane v27, v5;
	v63 =	vperm.xlane v26, v5;
	v22 =	vsel vm1, v23, v25  }
0x90: {  	v34 =	vld [tilespmem:s15+$0x30];
	v21 =	vor.u32 v6, v29;
	v29 =	vor.u32 v1, v29;
	(xrf1) =	vsort.dscd.msk.f32 $0xffff, v30, v20;
	v27, v24, _ =	vpop (xrf1)  }
0x91: {  	v31 =	vld [tilespmem:s15+$0xB0];
	v23 =	vsel vm0, v17, v19;
	v25 =	vsel vm1, v62, v28;
	v30, v19, _ =	vpop (xrf1);
	vm1 =	vge.f32 v22, v14  }
0x92: {  	v32 =	vld [tilespmem:s15+$0xFFFFFFB0];
	vm3 =	vge.f32 v30, v63;
	v41 =	vsel vm1, v22, v14;
	v17 =	vsel vm1, v14, v22;
	v22, v14, _ =	vpop (xrf1)  }
0x93: {  	v26 =	vld [tilespmem:s15+$0xA0];
	v42 =	vsel vm1, v25, v23;
	v20 =	vperm.xlane v14, v5;
	v14 =	vperm.xlane v60, v5  }
0x94: {  	s16 =	simm.s32 $0xC;
	v8 =	vld [tilespmem:s15+$0xFFFFFFA0];
	v19 =	vsel vm3, v19, v61;
	v30 =	vsel vm3, v30, v63;
	(xrf1) =	vsort.dscd.msk.f32 $0xffff, v41, v42;
	v36, v33, _ =	vpop (xrf1)  }
0x95: {  	s17 =	simm.s32 $0x700;
	s13 =	simm.s32 $0x8;
	s14 =	simm.s32 $0x4;
	v28 =	vld [tilespmem:s15+$0xFFFFFF30];
	v22 =	vperm.xlane v22, v5;
	vm2 =	vge.f32 v36, v15;
	v38, v37, _ =	vpop (xrf1);
	vm0 =	vge.f32 v12, v14  }
.LBB2_2:
0x96: {  	v39 =	vld [tilespmem:s17+$0xFFFFFFA0];
	p0 =	slt.u32 s16, $0x7C;
	(xrf1) =	vsort.dscd.msk.f32 $0xffff, v31, v4;
	v31 =	vperm.xlane v38, v5;
	[tilespmem:v29+s8+$0x0] =	vst.idx.msk $0xffff, v27;
	s18 =	smov.u32 s16;
	s16 =	sadd.s32 $0x4, s16  }
0x97: {  	v27 =	vperm.xlane v37, v5;
	(xrf1) =	vsort.dscd.msk.f32 $0xffff, v35, v3;
	[tilespmem:v21+s8+$0x0] =	vst.idx.msk $0xffff, v18  }
0x98: {  	s19 =	sadd.s32 $0x1, s14;
	v15 =	vsel vm2, v36, v15;
	(xrf1) =	vsort.dscd.msk.f32 $0xffff, v26, v3;
	[tilespmem:v29+s9+$0x0] =	vst.idx.msk $0xffff, v24  }
0x99: {  	v24 =	vmov s19;
	v26 =	vsel vm2, v33, v13;
	v18 =	vld [tilespmem:s15+$0xFFFFFF20];
	(xrf1) =	vsort.dscd.msk.f32 $0xffff, v34, v4;
	[tilespmem:v21+s9+$0x0] =	vst.idx.msk $0xffff, v16  }
0x9a: {  	v16 =	vsel vm1, v23, v25;
	v13 =	vand.u32 $0x7D, v24;
	vm1 =	vge.f32 v15, v30;
	(xrf1) =	vsort.dscd.msk.f32 $0xffff, v32, v4;
	v21, v23, _ =	vpop (xrf1)  }
0x9b: {  	v13 =	vbroadcast v13, $0x0;
	v24 =	vsel vm1, v26, v19;
	(xrf1) =	vsort.dscd.msk.f32 $0xffff, v8, v3;
	vm2 =	vge.f32 v21, v31;
	v25, v29, _ =	vpop (xrf1)  }
0x9c: {  	v8 =	vmovc v39;
	v23 =	vsel vm2, v23, v27;
	v27 =	vsel vm1, v15, v30;
	v30 =	vsel vm1, v30, v15  }
0x9d: {  	vm3 =	vge.f32 v25, v22;
	v15 =	vor.u32 v1, v13;
	(xrf1) =	vsort.dscd.msk.f32 $0xffff, v28, v4  }
0x9e: {  	v13 =	vor.u32 v6, v13;
	v28 =	vld [tilespmem:s15+$0x10];
	(xrf1) =	vsort.dscd.msk.f32 $0xffff, v18, v3;
	v18 =	vsel vm2, v21, v31;
	v21, v31, _ =	vpop (xrf1)  }
0x9f: {  	v19 =	vsel vm1, v19, v26;
	v22 =	vsel vm3, v25, v22;
	v20 =	vsel vm3, v29, v20;
	v32 =	vld [tilespmem:s15+$0xFFFFFF90]  }
0xa0: {  	vm1 =	vge.f32 v18, v22;
	(xrf1) =	vsort.dscd.msk.f32 $0xffff, v17, v16  }
0xa1: {  	v17 =	vsel vm1, v18, v22;
	v25 =	vsel vm1, v23, v20;
	v16 =	vld [tilespmem:s15+$0x90];
	(xrf1) =	vsort.dscd.msk.f32 $0xffff, v27, v24  }
0xa2: {  	v26 =	vsel vm1, v22, v18;
	v27 =	vsel vm1, v20, v23;
	v24 =	vld [tilespmem:s15+$0x0];
	(xrf1) =	vsort.dscd.msk.f32 $0xffff, v17, v25  }
0xa3: {  	v9 =	vperm.xlane v9, v5;
	v12 =	vsel vm0, v12, v14;
	v17 =	vld [tilespmem:s15+$0xFFFFFF80];
	(xrf1) =	vsort.dscd.msk.f32 $0xffff, v26, v27;
	v14, v18, _ =	vpop (xrf1)  }
0xa4: {  	vm2 =	vge.f32 v21, v11;
	(xrf1) =	vsort.dscd.msk.f32 $0xffff, v32, v2;
	v20, v22, _ =	vpop (xrf1);
	[tilespmem:v15+s8+$0x0] =	vst.idx.msk $0xffff, v14  }
0xa5: {  	v11 =	vsel vm2, v21, v11;
	v14 =	vperm.xlane v20, v5;
	(xrf1) =	vsort.dscd.msk.f32 $0xffff, v28, v2;
	v20, v23, _ =	vpop (xrf1)  }
0xa6: {  	v9 =	vsel vm0, v10, v9;
	v21 =	vperm.xlane v22, v5;
	(xrf1) =	vsort.dscd.msk.f32 $0xffff, v16, v2;
	v16, v22, _ =	vpop (xrf1)  }
0xa7: {  	s19 =	sadd.s32 $0x3, s14;
	vm0 =	vge.f32 v11, v12;
	vm1 =	vge.f32 v16, v14;
	(xrf1) =	vsort.dscd.msk.f32 $0xffff, v24, v0;
	v10, v24, _ =	vpop (xrf1)  }
0xa8: {  	v7 =	vperm.xlane v7, v5;
	v27 =	vmov s19;
	v10 =	vperm.xlane v10, v5;
	v25 =	vld [tilespmem:s15+$0x80];
	(xrf1) =	vsort.dscd.msk.f32 $0xffff, v17, v0;
	v17, v26, _ =	vpop (xrf1)  }
0xa9: {  	v24 =	vperm.xlane v24, v5;
	v28 =	vsel vm1, v22, v21;
	v26 =	vperm.xlane v26, v5;
	v29, v32, _ =	vpop (xrf1)  }
0xaa: {  	v21 =	vsel vm1, v21, v22;
	v17 =	vperm.xlane v17, v5;
	vm4 =	vge.f32 v20, v10  }
0xab: {  	v27 =	vand.u32 $0x7F, v27;
	v22 =	vsel vm4, v20, v10;
	v36 =	vsel vm4, v23, v24;
	v34, v35, _ =	vpop (xrf1);
	(xrf1) =	vsort.dscd.msk.f32 $0xffff, v30, v19  }
0xac: {  	v7 =	vsel vm2, v31, v7;
	vm3 =	vge.f32 v29, v17;
	v19, v30, _ =	vpop (xrf1);
	(xrf1) =	vsort.dscd.msk.f32 $0xffff, v22, v36;
	v22 =	vbroadcast v27, $0x0  }
0xad: {  	v27 =	vsel vm3, v29, v17;
	v36 =	vsel vm1, v14, v16;
	(xrf1) =	vsort.dscd.msk.f32 $0xffff, v25, v0  }
0xae: {  	v10 =	vsel vm4, v10, v20;
	v20 =	vsel vm4, v24, v23;
	v25 =	vld [tilespmem:s15+$0xFFFFFF10];
	v23 =	vor.u32 v1, v22;
	v24, v33, _ =	vpop (xrf1)  }
0xaf: {  	v34 =	vperm.xlane v34, v5;
	v35 =	vperm.xlane v35, v5;
	(xrf1) =	vsort.dscd.msk.f32 $0xffff, v36, v21;
	v21, v31, _ =	vpop (xrf1)  }
0xb0: {  	v17 =	vsel vm3, v17, v29;
	v29 =	vsel vm0, v7, v9;
	v7 =	vsel vm0, v9, v7;
	v36, v37, _ =	vpop (xrf1)  }
0xb1: {  	v38 =	vsel vm3, v26, v32;
	v14 =	vsel vm1, v16, v14;
	v9 =	vld [tilespmem:s15+$0xFFFFFF00];
	(xrf1) =	vsort.dscd.msk.f32 $0xffff, v10, v20;
	v10, v16, _ =	vpop (xrf1);
	s15 =	smov.u32 s17  }
0xb2: {  	v39 =	vsel vm0, v12, v11;
	v41 =	vsel vm3, v32, v26;
	v22 =	vor.u32 v6, v22;
	v26, v32, _ =	vpop (xrf1)  }
0xb3: {  	v11 =	vsel vm0, v11, v12;
	(xrf1) =	vsort.dscd.msk.f32 $0xffff, v25, v2;
	v25, v40, _ =	vpop (xrf1);
	[tilespmem:v23+s8+$0x0] =	vst.idx.msk $0xffff, v21  }
0xb4: {  	v12 =	vperm.xlane v32, v5;
	v21 =	vperm.xlane v40, v5;
	(xrf1) =	vsort.dscd.msk.f32 $0xffff, v27, v41;
	v20, v27, _ =	vpop (xrf1)  }
0xb5: {  	v26 =	vperm.xlane v26, v5;
	v25 =	vperm.xlane v25, v5;
	v32, v40, _ =	vpop (xrf1);
	[tilespmem:v13+s8+$0x0] =	vst.idx.msk $0xffff, v24  }
0xb6: {  	v20 =	vperm.xlane v20, v5;
	v24, v41, _ =	vpop (xrf1);
	[tilespmem:v15+s9+$0x0] =	vst.idx.msk $0xffff, v18  }
0xb7: {  	vm1 =	vge.f32 v32, v25;
	vm0 =	vge.f32 v24, v26;
	(xrf1) =	vsort.dscd.msk.f32 $0xffff, v17, v38  }
0xb8: {  	v15 =	vsel vm0, v24, v26;
	v17 =	vsel vm0, v26, v24;
	(xrf1) =	vsort.dscd.msk.f32 $0xffff, v9, v0  }
0xb9: {  	v18 =	vsel vm0, v41, v12;
	v12 =	vsel vm0, v12, v41;
	v24 =	vsel vm1, v25, v32;
	v26, v38, _ =	vpop (xrf1)  }
0xba: {  	v25 =	vsel vm1, v32, v25;
	v32 =	vsel vm1, v21, v40;
	v41, v9, _ =	vpop (xrf1);
	(xrf1) =	vsort.dscd.msk.f32 $0xffff, v14, v28;
	v14 =	vmov s14  }
0xbb: {  	v28 =	vsel vm1, v40, v21;
	v21 =	vperm.xlane v27, v5;
	v27, v40, _ =	vpop (xrf1);
	v14 =	vand.u32 $0x7C, v14;
	(xrf1) =	vsort.dscd.msk.f32 $0xffff, v39, v7  }
0xbc: {  	vm0 =	vge.f32 v27, v20;
	(xrf1) =	vsort.dscd.msk.f32 $0xffff, v24, v32;
	v14 =	vbroadcast v14, $0x0;
	[tilespmem:v22+s8+$0x0] =	vst.idx.msk $0xffff, v26  }
0xbd: {  	v24 =	vsel vm0, v27, v20;
	v26 =	vsel vm0, v40, v21;
	(xrf1) =	vsort.dscd.msk.f32 $0xffff, v17, v12;
	v12, v17, _ =	vpop (xrf1)  }
0xbe: {  	v20 =	vsel vm0, v20, v27;
	v21 =	vsel vm0, v21, v40;
	(xrf1) =	vsort.dscd.msk.f32 $0xffff, v15, v18  }
0xbf: {  	vm0 =	vge.f32 v19, v34;
	v18 =	vor.u32 v6, v14;
	v27, v7, _ =	vpop (xrf1);
	(xrf1) =	vsort.dscd.msk.f32 $0xffff, v11, v29  }
0xc0: {  	v39 =	vsel vm0, v19, v34;
	v15 =	vsel vm0, v30, v35;
	v14 =	vor.u32 v1, v14  }
0xc1: {  	v29 =	vsel vm0, v35, v30;
	v30, v32, _ =	vpop (xrf1);
	(xrf1) =	vsort.dscd.msk.f32 $0xffff, v20, v21;
	[tilespmem:v23+s9+$0x0] =	vst.idx.msk $0xffff, v31  }
0xc2: {  	v19 =	vsel vm0, v34, v19;
	(xrf1) =	vsort.dscd.msk.f32 $0xffff, v39, v15;
	v11, v20, _ =	vpop (xrf1);
	[tilespmem:v22+s9+$0x0] =	vst.idx.msk $0xffff, v38  }
0xc3: {  	v21 =	vperm.xlane v30, v5;
	(xrf1) =	vsort.dscd.msk.f32 $0xffff, v24, v26;
	[tilespmem:v13+s9+$0x0] =	vst.idx.msk $0xffff, v33  }
0xc4: {  	(xrf1) =	vsort.dscd.msk.f32 $0xffff, v19, v29  }
0xc5: {  	s19 =	sadd.s32 $0x2, s14;
	s14 =	smov.u32 s13;
	s13 =	smov.u32 s18;
	v19 =	vperm.xlane v32, v5;
	v22, v23, _ =	vpop (xrf1);
	[tilespmem:v14+s8+$0x0] =	vst.idx.msk $0xffff, v36  }
0xc6: {  	v13 =	vperm.xlane v17, v5;
	v17, v24, _ =	vpop (xrf1);
	[tilespmem:v18+s8+$0x0] =	vst.idx.msk $0xffff, v10;
	v10 =	vmov s19  }
0xc7: {  	v15 =	vperm.xlane v12, v5;
	vm0 =	vge.f32 v17, v21;
	[tilespmem:v14+s9+$0x0] =	vst.idx.msk $0xffff, v37;
	v33 =	vand.u32 $0x7E, v10  }
0xc8: {  	v22 =	vperm.xlane v22, v5;
	v31 =	vsel vm0, v17, v21;
	v14 =	vsel vm0, v24, v19;
	v26, v29, _ =	vpop (xrf1)  }
0xc9: {  	v30 =	vperm.xlane v23, v5;
	v21 =	vsel vm0, v21, v17;
	v32 =	vbroadcast v33, $0x0;
	[tilespmem:v18+s9+$0x0] =	vst.idx.msk $0xffff, v16;
	v18, v16, _ =	vpop (xrf1)  }
0xca: {  	v23 =	vperm.xlane v11, v5;
	v19 =	vsel vm0, v19, v24;
	(xrf1) =	vsort.dscd.msk.f32 $0xffff, v31, v14;
	v12, v10, _ =	vpop (xrf1)  }
0xcb: {  	v11 =	vperm.xlane v27, v5;
	v37 =	vperm.xlane v29, v5;
	(xrf1) =	vsort.dscd.msk.f32 $0xffff, v21, v19;
	v14, v17, _ =	vpop (xrf1)  }
0xcc: {  	v33 =	vperm.xlane v20, v5;
	v21 =	vor.u32 v6, v32;
	vm0 =	vge.f32 v14, v23;
	v20, v29, _ =	vpop (xrf1)  }
0xcd: {  	v39 =	vperm.xlane v26, v5;
	vm1 =	vge.f32 v20, v22;
	v34 =	vsel vm0, v14, v23;
	v27, v24, _ =	vpop (xrf1)  }
0xce: {  	v23 =	vsel vm0, v17, v33;
	v26 =	vld [tilespmem:s17+$0xA0];
	v20 =	vsel vm1, v20, v22;
	(xrf1) =	vsort.dscd.msk.f32 $0xffff, v25, v28  }
.Ltmp0:
0xcf: {  	v25 =	vsel vm1, v29, v30;
	v29 =	vor.u32 v1, v32;
	v31 =	vld [tilespmem:s17+$0xB0];
	vm1 =	vge.f32 v20, v34;
	v30, v19, _ =	vpop (xrf1);
	(pc) =	sbr.rel @p0 .LBB2_2-.Ltmp0, $4  }
0xd0: {  	v35 =	vld [tilespmem:s17+$0x20];
	v40 =	vsel vm1, v20, v34;
	v42 =	vsel vm1, v25, v23;
	v17 =	vsel vm1, v34, v20;
	v22, v14, _ =	vpop (xrf1)  }
0xd1: {  	vm3 =	vge.f32 v30, v39;
	v34 =	vld [tilespmem:s17+$0x30];
	v20 =	vperm.xlane v14, v5;
	v14 =	vperm.xlane v41, v5;
	v36, v33, _ =	vpop (xrf1)  }
0xd2: {  	v22 =	vperm.xlane v22, v5;
	v19 =	vsel vm3, v19, v37;
	v32 =	vld [tilespmem:s17+$0xFFFFFFB0];
	vm2 =	vge.f32 v36, v15;
	v38, v37, _ =	vpop (xrf1)  }
0xd3: {  	v30 =	vsel vm3, v30, v39;
	s17 =	sadd.s32 $0x200, s17;
	v28 =	vld [tilespmem:s15+$0xFFFFFF30];
	vm0 =	vge.f32 v12, v14;
	(xrf1) =	vsort.dscd.msk.f32 $0xffff, v40, v42  }
0xd4: {  	_ =	sdelay $0x2  }
0xd5: {  	(xrf1) =	vsort.dscd.msk.f32 $0xffff, v31, v4  }
0xd6: {  	[tilespmem:v29+s8+$0x0] =	vst.idx.msk $0xffff, v27;
	v61 =	vperm.xlane v38, v5;
	(xrf1) =	vsort.dscd.msk.f32 $0xffff, v35, v3  }
0xd7: {  	v62 =	vperm.xlane v37, v5;
	v15 =	vsel vm2, v36, v15;
	(xrf1) =	vsort.dscd.msk.f32 $0xffff, v26, v3  }
0xd8: {  	v9 =	vperm.xlane v9, v5;
	[tilespmem:v21+s8+$0x0] =	vst.idx.msk $0xffff, v18;
	(xrf1) =	vsort.dscd.msk.f32 $0xffff, v34, v4  }
0xd9: {  	v63 =	vld [tilespmem:s15+$0xFFFFFF20];
	v35 =	vsel vm1, v23, v25;
	vm6 =	vge.f32 v15, v30;
	[tilespmem:v29+s9+$0x0] =	vst.idx.msk $0xffff, v24  }
0xda: {  	v36 =	vsel vm6, v15, v30;
	[tilespmem:v21+s9+$0x0] =	vst.idx.msk $0xffff, v16;
	(xrf1) =	vsort.dscd.msk.f32 $0xffff, v32, v4;
	v16, v21, _ =	vpop (xrf1)  }
0xdb: {  	v37 =	vsel vm6, v30, v15;
	v34 =	vsel vm2, v33, v13;
	(xrf1) =	vsort.dscd.msk.f32 $0xffff, v8, v3;
	v23, v25, _ =	vpop (xrf1)  }
0xdc: {  	s16 =	sadd.s32 $0x1, s14;
	vm7 =	vge.f32 v16, v61;
	v8 =	vsel vm6, v34, v19;
	vm3 =	vge.f32 v23, v22  }
0xdd: {  	v38 =	vmov s16;
	(xrf1) =	vsort.dscd.msk.f32 $0xffff, v28, v4;
	v16 =	vsel vm7, v16, v61;
	v22 =	vsel vm3, v23, v22  }
0xde: {  	v15 =	vand.u32 $0x7D, v38;
	v21 =	vsel vm7, v21, v62;
	(xrf1) =	vsort.dscd.msk.f32 $0xffff, v63, v3;
	vm2 =	vge.f32 v16, v22  }
0xdf: {  	v39 =	vld [tilespmem:s15+$0xFFFFFF90];
	v20 =	vsel vm3, v25, v20;
	v44 =	vsel vm2, v16, v22;
	v22 =	vsel vm2, v22, v16  }
0xe0: {  	v40 =	vld [tilespmem:s15+$0x10];
	(xrf1) =	vsort.dscd.msk.f32 $0xffff, v17, v35;
	v45 =	vsel vm2, v21, v20;
	v20 =	vsel vm2, v20, v21  }
0xe1: {  	v43 =	vld [tilespmem:s15+$0x90];
	v12 =	vsel vm0, v12, v14;
	v41 =	vbroadcast v15, $0x0;
	v42, v25, _ =	vpop (xrf1);
	(xrf1) =	vsort.dscd.msk.f32 $0xffff, v36, v8  }
0xe2: {  	v60 =	vperm.xlane v7, v5;
	v10 =	vsel vm0, v10, v9;
	v8 =	vld [tilespmem:s15+$0x0];
	(xrf1) =	vsort.dscd.msk.f32 $0xffff, v44, v45;
	v46, v15, _ =	vpop (xrf1)  }
0xe3: {  	v48 =	vsel vm6, v19, v34;
	v16 =	vor.u32 v1, v41;
	(xrf1) =	vsort.dscd.msk.f32 $0xffff, v22, v20;
	v20, v22, _ =	vpop (xrf1)  }
0xe4: {  	v47 =	vld [tilespmem:s15+$0xFFFFFF80];
	v13 =	vor.u32 v6, v41;
	vm8 =	vge.f32 v42, v11;
	(xrf1) =	vsort.dscd.msk.f32 $0xffff, v39, v2;
	v50, v49, _ =	vpop (xrf1)  }
0xe5: {  	v11 =	vsel vm8, v42, v11;
	v19 =	vsel vm8, v25, v60;
	(xrf1) =	vsort.dscd.msk.f32 $0xffff, v40, v2;
	v14, v51, _ =	vpop (xrf1)  }
0xe6: {  	vm10 =	vge.f32 v11, v12;
	v20 =	vperm.xlane v20, v5;
	(xrf1) =	vsort.dscd.msk.f32 $0xffff, v43, v2;
	v52, v53, _ =	vpop (xrf1)  }
0xe7: {  	v54 =	vld [tilespmem:s15+$0x80];
	v22 =	vperm.xlane v22, v5;
	(xrf1) =	vsort.dscd.msk.f32 $0xffff, v8, v0;
	v8 =	vperm.xlane v52, v5  }
0xe8: {  	[tilespmem:v16+s8+$0x0] =	vst.idx.msk $0xffff, v46;
	vm9 =	vge.f32 v14, v20;
	v55 =	vperm.xlane v53, v5  }
0xe9: {  	s26 =	sadd.s32 $0x3, s14;
	(xrf1) =	vsort.dscd.msk.f32 $0xffff, v47, v0;
	v41 =	vsel vm9, v22, v51;
	vm11 =	vge.f32 v50, v8  }
0xea: {  	v7 =	vmov s26;
	v57, v56, _ =	vpop (xrf1);
	(xrf1) =	vsort.dscd.msk.f32 $0xffff, v37, v48;
	v58 =	vsel vm11, v50, v8;
	v59 =	vsel vm11, v49, v55  }
0xeb: {  	v7 =	vand.u32 $0x7F, v7;
	v44 =	vsel vm9, v20, v14;
	v22 =	vsel vm9, v51, v22;
	v62, v61, _ =	vpop (xrf1);
	(xrf1) =	vsort.dscd.msk.f32 $0xffff, v58, v59  }
0xec: {  	v63 =	vld [tilespmem:s15+$0xFFFFFF10];
	v35 =	vbroadcast v7, $0x0;
	v51 =	vsel vm10, v19, v10;
	v10 =	vsel vm10, v10, v19;
	v43, v42, _ =	vpop (xrf1);
	(xrf1) =	vsort.dscd.msk.f32 $0xffff, v54, v0  }
0xed: {  	v14 =	vsel vm9, v14, v20;
	v26 =	vperm.xlane v57, v5;
	v7 =	vsel vm11, v8, v50  }
0xee: {  	v27 =	vperm.xlane v56, v5;
	v37 =	vor.u32 v1, v35;
	v17, v21, _ =	vpop (xrf1);
	v8 =	vsel vm11, v55, v49  }
0xef: {  	v46 =	vld [tilespmem:s15+$0xFFFFFF00];
	v35 =	vor.u32 v6, v35;
	vm4 =	vge.f32 v62, v26;
	v45, v24, _ =	vpop (xrf1);
	(xrf1) =	vsort.dscd.msk.f32 $0xffff, v44, v41  }
0xf0: {  	v23 =	vperm.xlane v43, v5;
	v47 =	vsel vm4, v62, v26;
	v48, v36, _ =	vpop (xrf1);
	(xrf1) =	vsort.dscd.msk.f32 $0xffff, v7, v8  }
0xf1: {  	v39 =	vsel vm4, v61, v27;
	v26 =	vsel vm4, v26, v62;
	v38, v7, _ =	vpop (xrf1);
	(xrf1) =	vsort.dscd.msk.f32 $0xffff, v63, v2  }
0xf2: {  	v27 =	vsel vm4, v27, v61;
	v54 =	vsel vm10, v12, v11;
	v9, v8, _ =	vpop (xrf1);
	(xrf1) =	vsort.dscd.msk.f32 $0xffff, v47, v39  }
0xf3: {  	v11 =	vsel vm10, v11, v12;
	[tilespmem:v13+s8+$0x0] =	vst.idx.msk $0xffff, v45;
	v50, v49, _ =	vpop (xrf1);
	(xrf1) =	vsort.dscd.msk.f32 $0xffff, v26, v27  }
0xf4: {  	vm15 =	vge.f32 v17, v23;
	[tilespmem:v37+s8+$0x0] =	vst.idx.msk $0xffff, v48;
	v52, v53, _ =	vpop (xrf1);
	(xrf1) =	vsort.dscd.msk.f32 $0xffff, v46, v0  }
0xf5: {  	[tilespmem:v16+s9+$0x0] =	vst.idx.msk $0xffff, v15;
	v26 =	vperm.xlane v42, v5;
	v57 =	vperm.xlane v50, v5;
	v56, v55, _ =	vpop (xrf1)  }
0xf6: {  	[tilespmem:v13+s9+$0x0] =	vst.idx.msk $0xffff, v24;
	v28 =	vperm.xlane v49, v5;
	v25 =	vperm.xlane v52, v5;
	v29, v32, _ =	vpop (xrf1)  }
0xf7: {  	v31 =	vperm.xlane v53, v5;
	(xrf1) =	vsort.dscd.msk.f32 $0xffff, v14, v22;
	v20 =	vperm.xlane v56, v5;
	v58, v59, _ =	vpop (xrf1)  }
0xf8: {  	(xrf1) =	vsort.dscd.msk.f32 $0xffff, v54, v10;
	v30 =	vperm.xlane v55, v5;
	vm13 =	vge.f32 v29, v25;
	v33, v40, _ =	vpop (xrf1)  }
0xf9: {  	vm12 =	vge.f32 v58, v57;
	v61 =	vsel vm13, v25, v29;
	v62 =	vsel vm13, v31, v32;
	v19, v10, _ =	vpop (xrf1)  }
0xfa: {  	v60 =	vsel vm12, v58, v57;
	v12 =	vsel vm12, v57, v58;
	v41 =	vsel vm12, v59, v28;
	v14, v22, _ =	vpop (xrf1)  }
0xfb: {  	v28 =	vsel vm12, v28, v59;
	(xrf1) =	vsort.dscd.msk.f32 $0xffff, v61, v62;
	vm14 =	vge.f32 v14, v20  }
0xfc: {  	(xrf1) =	vsort.dscd.msk.f32 $0xffff, v12, v28;
	v46 =	vsel vm14, v22, v30;
	v22 =	vsel vm14, v30, v22  }
0xfd: {  	v45, v44, _ =	vpop (xrf1);
	(xrf1) =	vsort.dscd.msk.f32 $0xffff, v60, v41;
	v63 =	vsel vm14, v14, v20;
	v14 =	vsel vm14, v20, v14  }
0xfe: {  	v47 =	vsel vm15, v21, v26;
	v21 =	vsel vm15, v26, v21;
	[tilespmem:v35+s8+$0x0] =	vst.idx.msk $0xffff, v33;
	v20, v39, _ =	vpop (xrf1)  }
0xff: {  	v50 =	vmov s14;
	[tilespmem:v37+s9+$0x0] =	vst.idx.msk $0xffff, v36;
	v61 =	vsel vm13, v29, v25;
	(xrf1) =	vsort.dscd.msk.f32 $0xffff, v11, v51;
	v49, v48, _ =	vpop (xrf1)  }
0x100: {  	v62 =	vsel vm13, v32, v31;
	v41 =	vand.u32 $0x7C, v50;
	v51 =	vsel vm15, v17, v23;
	(xrf1) =	vsort.dscd.msk.f32 $0xffff, v14, v22;
	v14, v22, _ =	vpop (xrf1)  }
0x101: {  	s28 =	sadd.s32 $0x2, s14;
	[tilespmem:v35+s9+$0x0] =	vst.idx.msk $0xffff, v40;
	v55 =	vbroadcast v41, $0x0;
	v52 =	vperm.xlane v49, v5;
	(xrf1) =	vsort.dscd.msk.f32 $0xffff, v51, v47;
	v53, v54, _ =	vpop (xrf1)  }
0x102: {  	v37 =	vmov s28;
	v17 =	vsel vm15, v23, v17;
	v56 =	vperm.xlane v48, v5;
	(xrf1) =	vsort.dscd.msk.f32 $0xffff, v63, v46;
	v58, v57, _ =	vpop (xrf1)  }
0x103: {  	v15 =	vor.u32 v1, v55;
	v23 =	vor.u32 v6, v55;
	vm4 =	vge.f32 v58, v52  }
0x104: {  	v40 =	vand.u32 $0x7E, v37;
	(xrf1) =	vsort.dscd.msk.f32 $0xffff, v17, v21;
	v59 =	vsel vm4, v58, v52;
	v60 =	vsel vm4, v57, v56  }
0x105: {  	v13 =	vbroadcast v40, $0x0;
	v11 =	vsel vm4, v52, v58;
	v12 =	vsel vm4, v56, v57;
	(xrf1) =	vsort.dscd.msk.f32 $0xffff, v59, v60  }
0x106: {  	v19 =	vperm.xlane v19, v5;
	v10 =	vperm.xlane v10, v5;
	(xrf1) =	vsort.dscd.msk.f32 $0xffff, v11, v12  }
0x107: {  	v18 =	vperm.xlane v45, v5;
	v50 =	vor.u32 v1, v13;
	v40 =	vor.u32 v6, v13;
	v16, v17, _ =	vpop (xrf1)  }
0x108: {  	v63 =	vperm.xlane v44, v5;
	v14 =	vperm.xlane v14, v5;
	[tilespmem:v15+s8+$0x0] =	vst.idx.msk $0xffff, v38;
	v28, v29, _ =	vpop (xrf1)  }
0x109: {  	v22 =	vperm.xlane v22, v5;
	v41 =	vperm.xlane v53, v5;
	[tilespmem:v23+s8+$0x0] =	vst.idx.msk $0xffff, v9;
	v25, v26, _ =	vpop (xrf1)  }
0x10a: {  	v27 =	vperm.xlane v54, v5;
	v38 =	vperm.xlane v20, v5;
	[tilespmem:v15+s9+$0x0] =	vst.idx.msk $0xffff, v7;
	v42, v43, _ =	vpop (xrf1)  }
0x10b: {  	v17 =	vperm.xlane v17, v5;
	v16 =	vperm.xlane v16, v5;
	[tilespmem:v23+s9+$0x0] =	vst.idx.msk $0xffff, v8;
	v45, v44, _ =	vpop (xrf1)  }
0x10c: {  	v8 =	vperm.xlane v39, v5;
	vm5 =	vge.f32 v42, v14;
	vm6 =	vge.f32 v45, v41  }
0x10d: {  	(xrf1) =	vsort.dscd.msk.f32 $0xffff, v61, v62;
	v14 =	vsel vm5, v42, v14;
	v46, v34, _ =	vpop (xrf1);
	v24 =	vsel vm6, v45, v41  }
0x10e: {  	v22 =	vsel vm5, v43, v22;
	v47 =	vsel vm6, v44, v27;
	v48, v49, _ =	vpop (xrf1);
	vm7 =	vge.f32 v24, v14  }
0x10f: {  	vm8 =	vge.f32 v48, v16;
	v32 =	vsel vm7, v24, v14;
	v33 =	vsel vm7, v47, v22;
	v52, v51, _ =	vpop (xrf1)  }
0x110: {  	v14 =	vsel vm7, v14, v24;
	v17 =	vsel vm8, v49, v17;
	v12 =	vsel vm8, v48, v16;
	v36, v37, _ =	vpop (xrf1)  }
0x111: {  	v11 =	vsel vm7, v22, v47;
	(xrf1) =	vsort.dscd.msk.f32 $0xffff, v32, v33;
	vm9 =	vge.f32 v36, v18  }
0x112: {  	v35 =	vperm.xlane v51, v5;
	v24 =	vperm.xlane v52, v5;
	v54, v53, _ =	vpop (xrf1);
	v18 =	vsel vm9, v36, v18  }
0x113: {  	v55 =	vperm.xlane v54, v5;
	v21 =	vsel vm9, v37, v63;
	vm10 =	vge.f32 v18, v12;
	v32, v33, _ =	vpop (xrf1)  }
0x114: {  	(xrf1) =	vsort.dscd.msk.f32 $0xffff, v14, v11;
	v56 =	vperm.xlane v53, v5;
	v37 =	vsel vm10, v21, v17;
	v58, v57, _ =	vpop (xrf1)  }
0x115: {  	v59 =	vsel vm10, v18, v12;
	vm11 =	vge.f32 v32, v55;
	vm12 =	vge.f32 v58, v24  }
0x116: {  	(xrf1) =	vsort.dscd.msk.f32 $0xffff, v59, v37;
	v16 =	vsel vm11, v32, v55;
	v22 =	vsel vm12, v58, v24  }
0x117: {  	v27 =	vsel vm11, v33, v56;
	v60 =	vsel vm12, v57, v35;
	vm1 =	vge.f32 v16, v22  }
0x118: {  	vm13 =	vge.f32 v25, v19;
	v61 =	vsel vm1, v16, v22;
	v62 =	vsel vm1, v27, v60  }
0x119: {  	v16 =	vsel vm1, v22, v16;
	v33 =	vsel vm1, v60, v27;
	(xrf1) =	vsort.dscd.msk.f32 $0xffff, v61, v62  }
0x11a: {  	s29 =	sadd.s32 $0x1, s13;
	s30 =	sadd.s32 $0x3, s13;
	v12 =	vsel vm10, v12, v18;
	v36 =	vsel vm10, v17, v21;
	(xrf1) =	vsort.dscd.msk.f32 $0xffff, v16, v33  }
0x11b: {  	v10 =	vsel vm13, v26, v10;
	v43 =	vmov s30;
	v63 =	vmov s29;
	v42, v41, _ =	vpop (xrf1);
	(xrf1) =	vsort.dscd.msk.f32 $0xffff, v12, v36  }
0x11c: {  	v15 =	vand.u32 $0x7F, v43;
	v35 =	vand.u32 $0x7D, v63;
	vm14 =	vge.f32 v42, v38  }
0x11d: {  	v44 =	vsel vm13, v25, v19;
	v37 =	vbroadcast v35, $0x0;
	v11 =	vsel vm14, v42, v38  }
0x11e: {  	v45 =	vbroadcast v15, $0x0;
	v8 =	vsel vm14, v41, v8;
	vm15 =	vge.f32 v11, v44  }
0x11f: {  	v7 =	vor.u32 v1, v37;
	v47 =	vsel vm15, v10, v8;
	v8 =	vsel vm15, v8, v10  }
0x120: {  	[tilespmem:v50+s8+$0x0] =	vst.idx.msk $0xffff, v46;
	v46 =	vor.u32 v1, v45;
	v48 =	vsel vm15, v44, v11  }
0x121: {  	v49 =	vsel vm15, v11, v44;
	(xrf1) =	vsort.dscd.msk.f32 $0xffff, v48, v47  }
0x122: {  	[tilespmem:v40+s8+$0x0] =	vst.idx.msk $0xffff, v28;
	(xrf1) =	vsort.dscd.msk.f32 $0xffff, v49, v8;
	v8, v10, _ =	vpop (xrf1)  }
0x123: {  	[tilespmem:v50+s9+$0x0] =	vst.idx.msk $0xffff, v34;
	v52 =	vmov s13;
	v9 =	vor.u32 v6, v37;
	v50, v51, _ =	vpop (xrf1)  }
0x124: {  	v15 =	vand.u32 $0x7C, v52;
	[tilespmem:v7+s8+$0x0] =	vst.idx.msk $0xffff, v8;
	v8, v53, _ =	vpop (xrf1)  }
0x125: {  	v13 =	vor.u32 v6, v45;
	[tilespmem:v46+s8+$0x0] =	vst.idx.msk $0xffff, v8;
	v8 =	vbroadcast v15, $0x0;
	_ =	sdelay $0x1  }
0x126: {  	[tilespmem:v40+s9+$0x0] =	vst.idx.msk $0xffff, v29;
	v58 =	vor.u32 v1, v8;
	v55, v54, _ =	vpop (xrf1)  }
0x127: {  	s31 =	sadd.s32 $0x2, s13;
	[tilespmem:v9+s8+$0x0] =	vst.idx.msk $0xffff, v50;
	v57, v56, _ =	vpop (xrf1)  }
0x128: {  	v59 =	vmov s31;
	[tilespmem:v7+s9+$0x0] =	vst.idx.msk $0xffff, v10;
	v7, v10, _ =	vpop (xrf1)  }
0x129: {  	[tilespmem:v13+s8+$0x0] =	vst.idx.msk $0xffff, v7;
	v7 =	vor.u32 v6, v8;
	v8 =	vand.u32 $0x7E, v59  }
0x12a: {  	[tilespmem:v9+s9+$0x0] =	vst.idx.msk $0xffff, v51;
	v8 =	vbroadcast v8, $0x0  }
0x12b: {  	[tilespmem:v58+s8+$0x0] =	vst.idx.msk $0xffff, v55  }
0x12c: {  	[tilespmem:v46+s9+$0x0] =	vst.idx.msk $0xffff, v53;
	v60 =	vor.u32 v1, v8  }
0x12d: {  	[tilespmem:v13+s9+$0x0] =	vst.idx.msk $0xffff, v10;
	v8 =	vor.u32 v6, v8  }
0x12e: {  	[tilespmem:v7+s8+$0x0] =	vst.idx.msk $0xffff, v57  }
0x12f: {  	v61, v62, _ =	vpop (xrf1);
	[tilespmem:v58+s9+$0x0] =	vst.idx.msk $0xffff, v54  }
0x130: {  	[tilespmem:v7+s9+$0x0] =	vst.idx.msk $0xffff, v56;
	v7, v63, _ =	vpop (xrf1)  }
0x131: {  	[tilespmem:v60+s8+$0x0] =	vst.idx.msk $0xffff, v7  }
0x132: {  	[tilespmem:v8+s8+$0x0] =	vst.idx.msk $0xffff, v61  }
0x133: {  	[tilespmem:v60+s9+$0x0] =	vst.idx.msk $0xffff, v63  }
0x134: {  	[tilespmem:v8+s9+$0x0] =	vst.idx.msk $0xffff, v62  }
0x135: {  	[hbm4b:s4+s10] =	stream.strided.scatter [tilespmem:s9], [sflag:$0x1], $0x1000, s11, s10, $0x38;
	[tilespmem:$0x6000] =	vst v63  }
0x136: {  	s12 =	sadd.s32 $0x1, s12;
	_ =	swait.ge [sflag:s7], $0x1000  }
0x137: {  	p0 =	sne.s32 s12, s6;
	[sflag:s7] =	ssyncset.done $0x0  }
.Ltmp1:
0x138: {  	[sflag:s7] =	ssyncadd.s32 $0xFFFFF000;
	(pc) =	sbr.rel @p0 .LBB2_1-.Ltmp1, $4  }
0x139: {  	[hbm4b:s5+s10] =	stream.strided.scatter [tilespmem:s8], [sflag:$0x1], $0x1000, s11, s10, $0x38;
	[tilespmem:$0x6000] =	vst v63  }
0x13a: {  	_ =	swait.ge [sflag:s7], $0x1000  }
0x13b: {  	[sflag:s7] =	ssyncset.done $0x0  }
0x13c: {  	[sflag:s7] =	ssyncadd.s32 $0xFFFFF000  }
0x13d: {  	_ =	sfence.sel $0x180000  }
0x13e: {  	[bflag:$0x0] =	sbarrier.arrive $0xFFFF  }
0x13f: {  	p0 =	sne.s32 s0, $0x0;
	_ =	strace $0x9000004A  }
0x140: {  	s0 =	sadd.s32 @!p0 $0x100000, s1;
	[bflag:$0x2] =	sbarrier.arrive $0xFFFF  }
0x141: {  	[sflag:s0] =	ssyncadd.tile.s32 @!p0 $0x1;
	_ =	shalt  }
.Lfunc_end2:
_tile_overlayer_lowered:
.L_overlay_start_2:
0x142: {  	(tag) =	ssettag $0x2  }
0x143: {  	s0 =	rddreg [dreg:$0x0];
	s2 =	stileid.u32  }
0x144: {  	s1 =	rddreg [dreg:$0x1];
	p0 =	sne.s32 s2, $0x0  }
0x145: {  	s3 =	rddreg [dreg:$0x2];
	[bflag:$0x3] =	sbarrier.arrive $0xFFFF;
	s2 =	simm.s32 @!p0 $0x1C01  }
0x146: {  	[timem:s3], [sflag:s2] =	dma.local @!p0 [hbm:s0], s1  }
0x147: {  	s0 =	simm.s32 @!p0 $0x1  }
0x148: {  	_ =	swait.ge @!p0 [sflag:s0], s1  }
0x149: {  	s1 =	ssub.s32 @!p0 $0x0, s1;
	[sflag:s0] =	ssyncset.done @!p0 $0x0  }
0x14a: {  	[sflag:s0] =	ssyncadd.s32 @!p0 s1  }
0x14b: {  	[bflag:$0x3] =	sbarrier.arrive $0xFFFF  }
0x14c: {  	_ =	shalt  }

// kernel: kernel.16.cloned.1.call-start
scs
__scs_entry_jumppad:
0x0: {  	(pc) =	sbr.rel $0x88, $3  }
0x1: {  	(tag) =	ssettag $0x0;
	lr =	simm.s32 $0x1  }
0x2: {  	[smem:$0x3F9F] =	sst lr;
	_ =	strace $0xD0000000  }
0x3: {  	_ = 	snop  }
0x4: {  	_ = 	snop  }
0x5: {  	_ = 	snop  }
0x6: {  	_ = 	snop  }
0x7: {  	_ = 	snop  }
__scs_overlays_trampoline_lowered:
0x8: {  	[smem:$0x3FAE] =	sst s0  }
0x9: {  	[smem:$0x3FAF] =	sst s1  }
0xa: {  	[smem:$0x3FB0] =	sst s2  }
0xb: {  	[smem:$0x3FB1] =	sst s3  }
0xc: {  	[smem:$0x3FB2] =	sst s4  }
0xd: {  	[smem:$0x3FB3] =	sst s5  }
0xe: {  	[smem:$0x3FB4] =	sst s6  }
0xf: {  	[smem:$0x3FB5] =	sst s7  }
0x10: {  	[smem:$0x3FB6] =	sst s8  }
0x11: {  	[smem:$0x3FB7] =	sst s9;
	s0 =	simm.s32 @!p0 $0x0  }
0x12: {  	s1 =	sld [smem:$0x3F9D];
	s0 =	simm.s32 @p0 $0x1  }
0x13: {  	[smem:$0x3FB8] =	sst s0;
	s0 =	simm.s32 @!p1 $0x0  }
0x14: {  	s2 =	sld [smem:$0x3F9C];
	s0 =	simm.s32 @p1 $0x1  }
0x15: {  	[smem:$0x3FB9] =	sst s0;
	s0 =	simm.s32 @!p2 $0x0  }
0x16: {  	s3 =	sld [smem:$0x3FDB];
	s0 =	simm.s32 @p2 $0x1  }
0x17: {  	s4 =	simm.s32 $0x1BF5;
	[smem:$0x3FBB] =	sst s0  }
0x18: {  	s0 =	sld [smem:$0x3F9E];
	_ =	swait.ge [sflag:s4], $0x0  }
0x19: {  	s7 =	sld [smem:$0x3F9F]  }
0x1a: {  	s8 =	sadd.s32 $0xFFFFE003, lr  }
0x1b: {  	s9 =	sadd.s32 $0xFFFFFEF7, lr;
	s5 =	simm.s32 $0xFFFFFFFF;
	p2 =	slt.u32 s8, $0xFFFFF086  }
0x1c: {  	p1 =	slt.u32 s9, $0xF7A;
	s5 =	simm.s32 @!p2 $0x0  }
0x1d: {  	s5 =	simm.s32 @p1 $0x1;
	p0 =	seq.s32 s7, s2  }
0x1e: {  	s7 =	smul.u32 @!p0 $0xF7A, s2;
	p2 =	seq.s32 @!p0 s5, $0x0  }
0x1f: {  	s9 =	smul.u32 $0xF7A, s1;
	s8 =	simm.s32 @!p0 $0x1BF5;
	p2 =	por !p2, p0  }
0x20: {  	[sflag:s8] =	ssyncset.s32 @!p0 $0xFFFFF086;
	s6 =	sadd.s32 @!p0 s3, s7;
	s7 =	simm.s32 @!p0 $0x108  }
0x21: {  	s3 =	sadd.s32 s3, s9;
	s6 =	sadd.s32 @!p0 $0x88, s6;
	s7 =	simm.s32 @p2 $0x1082  }
0x22: {  	[simem:s7], [sflag:s8] =	dma.local @!p0 [hbm:s6], $0xF7A  }
0x23: {  	s9 =	sor.u32 $0xD0000000, s2;
	s6 =	simm.s32 $0x108;
	_ =	swait.ge @!p0 [sflag:s8], $0x0  }
0x24: {  	s3 =	sadd.s32 $0x88, s3;
	s6 =	simm.s32 @!p1 $0x1082;
	[sflag:s4] =	ssyncset.s32 $0xFFFFF086  }
0x25: {  	[simem:s6], [sflag:s4] =	dma.local [hbm:s3], $0xF7A  }
0x26: {  	[smem:$0x3F9F] =	sst s1;
	(tag) =	ssettag s2;
	_ =	strace s9  }
0x27: {  	s1 =	sld [smem:$0x3FAF]  }
0x28: {  	s2 =	sld [smem:$0x3FB0]  }
0x29: {  	s4 =	sld [smem:$0x3FB2]  }
0x2a: {  	p0 =	seq.s32 s5, $0x0;
	s5 =	sld [smem:$0x3FB3]  }
0x2b: {  	s6 =	sld [smem:$0x3FB4]  }
0x2c: {  	s7 =	sld [smem:$0x3FB5]  }
0x2d: {  	s3 =	simm.s32 $0x108;
	s8 =	sld [smem:$0x3FB6]  }
0x2e: {  	s3 =	simm.s32 @!p0 $0x1082;
	s9 =	sld [smem:$0x3FB7]  }
0x2f: {  	lr =	sadd.s32 s0, s3;
	s0 =	sld [smem:$0x3FAE]  }
0x30: {  	s3 =	sld [smem:$0x3FB1]  }
0x31: {  	[smem:$0x3FBA] =	sst s10  }
0x32: {  	s10 =	sld [smem:$0x3FB8];
	_ =	sdelay $0x3  }
0x33: {  	p0 =	seq.s32 s10, $0x1;
	s10 =	sld [smem:$0x3FBA];
	_ =	sdelay $0x3  }
0x34: {  	[smem:$0x3FBA] =	sst s10  }
0x35: {  	s10 =	sld [smem:$0x3FB9];
	_ =	sdelay $0x3  }
0x36: {  	p1 =	seq.s32 s10, $0x1;
	s10 =	sld [smem:$0x3FBA];
	_ =	sdelay $0x3  }
0x37: {  	[smem:$0x3FBA] =	sst s10  }
0x38: {  	s10 =	sld [smem:$0x3FBB]  }
0x39: {  	_ = 	snop;
	(pc) =	sbr.ind lr, $3  }
0x3a: {  	_ = 	snop  }
0x3b: {  	_ = 	snop  }
0x3c: {  	p2 =	seq.s32 s10, $0x1;
	s10 =	sld [smem:$0x3FBA]  }
0x3d: {  	_ =	shalt  }
0x3e: {  	_ =	shalt  }
0x3f: {  	_ =	shalt  }
0x40: {  	_ =	shalt  }
0x41: {  	_ =	shalt  }
0x42: {  	_ =	shalt  }
0x43: {  	_ =	shalt  }
0x44: {  	_ =	shalt  }
0x45: {  	_ =	shalt  }
0x46: {  	_ =	shalt  }
0x47: {  	_ =	shalt  }
0x48: {  	_ =	shalt  }
0x49: {  	_ =	shalt  }
0x4a: {  	_ =	shalt  }
0x4b: {  	_ =	shalt  }
0x4c: {  	_ =	shalt  }
0x4d: {  	_ =	shalt  }
0x4e: {  	_ =	shalt  }
0x4f: {  	_ =	shalt  }
0x50: {  	_ =	shalt  }
0x51: {  	_ =	shalt  }
0x52: {  	_ =	shalt  }
0x53: {  	_ =	shalt  }
0x54: {  	_ =	shalt  }
0x55: {  	_ =	shalt  }
0x56: {  	_ =	shalt  }
0x57: {  	_ =	shalt  }
0x58: {  	_ =	shalt  }
0x59: {  	_ =	shalt  }
0x5a: {  	_ =	shalt  }
0x5b: {  	_ =	shalt  }
0x5c: {  	_ =	shalt  }
0x5d: {  	_ =	shalt  }
0x5e: {  	_ =	shalt  }
0x5f: {  	_ =	shalt  }
0x60: {  	_ =	shalt  }
0x61: {  	_ =	shalt  }
0x62: {  	_ =	shalt  }
0x63: {  	_ =	shalt  }
0x64: {  	_ =	shalt  }
0x65: {  	_ =	shalt  }
0x66: {  	_ =	shalt  }
0x67: {  	_ =	shalt  }
0x68: {  	_ =	shalt  }
0x69: {  	_ =	shalt  }
0x6a: {  	_ =	shalt  }
0x6b: {  	_ =	shalt  }
0x6c: {  	_ =	shalt  }
0x6d: {  	_ =	shalt  }
0x6e: {  	_ =	shalt  }
0x6f: {  	_ =	shalt  }
0x70: {  	_ =	shalt  }
0x71: {  	_ =	shalt  }
0x72: {  	_ =	shalt  }
0x73: {  	_ =	shalt  }
0x74: {  	_ =	shalt  }
0x75: {  	_ =	shalt  }
0x76: {  	_ =	shalt  }
0x77: {  	_ =	shalt  }
0x78: {  	_ =	shalt  }
0x79: {  	_ =	shalt  }
0x7a: {  	_ =	shalt  }
0x7b: {  	_ =	shalt  }
0x7c: {  	_ =	shalt  }
0x7d: {  	_ =	shalt  }
0x7e: {  	_ =	shalt  }
0x7f: {  	_ =	shalt  }
0x80: {  	_ =	shalt  }
0x81: {  	_ =	shalt  }
0x82: {  	_ =	shalt  }
0x83: {  	_ =	shalt  }
0x84: {  	_ =	shalt  }
0x85: {  	_ =	shalt  }
0x86: {  	_ =	shalt  }
0x87: {  	_ =	shalt  }
.Lfunc_end0:
.L_simem_size_0:
called_computation.2_lowered:
.L_overlay_start_0:
0x88: {  	s2 =	sld [smem:$0x3FD9]  }
0x89: {  	s3 =	sld [smem:$0x3FFE];
	_ =	sdelay $0x1  }
0x8a: {  	s1 =	srdreg.scid  }
0x8b: {  	s0 =	sand.u32 $0x1, s1  }
0x8c: {  	s15 =	sshll.u32 s0, $0xA;
	s2 =	sadd.s32 s3, s2  }
0x8d: {  	s2 =	sadd.s32 s2, s15  }
0x8e: {  	[smem:$0x3FC6] =	sst s2  }
0x8f: {  	_ = 	snop  }
0x90: {  	s2 =	sld [smem:$0x3FD0];
	_ =	sdelay $0x2  }
0x91: {  	s16 =	simm.s32 $0xA;
	s4 =	simm.s32 $0x10  }
0x92: {  	[smem:s4], [sflag:s16] =	dma.local [hbm:s2], $0x1  }
0x93: {  	_ =	swait.eq [sflag:s16], $0x1  }
0x94: {  	s17 =	sld [smem:$0x10];
	[sflag:s16] =	ssyncset.done $0x0  }
0x95: {  	s18 =	sld [smem:$0x11];
	[sflag:s16] =	ssyncadd.s32 $0xFFFFFFFF  }
0x96: {  	s19 =	sld [smem:$0x12];
	(tm) =	ssettm $0x1  }
0x97: {  	s5 =	sld [smem:$0x3FFB];
	_ =	sdelay $0x3  }
0x98: {  	_ =	strace s5  }
0x99: {  	s5 =	sld [smem:$0x3FFC];
	_ =	sdelay $0x3  }
0x9a: {  	_ =	strace s5  }
0x9b: {  	s5 =	sld [smem:$0x3FFD];
	_ =	sdelay $0x3  }
0x9c: {  	_ =	strace s5  }
0x9d: {  	_ =	strace $0x8FFFFFFF  }
0x9e: {  	s20 =	sld [smem:$0x3FDB];
	_ =	sdelay $0x1  }
0x9f: {  	s6 =	simm.s32 $_scs_section_size  }
0xa0: {  	s7 =	simm.s32 $_size__tile_overlayer_lowered;
	s8 =	simm.s32 $_tile_overlayer_lowered  }
0xa1: {  	s23 =	simm.s32 $0x1BFF;
	s22 =	sshll.u32 s8, $0x1;
	s5 =	sadd.s32 s6, s20  }
0xa2: {  	s9 =	simm.s32 $0x0;
	s21 =	sshll.u32 s7, $0x1;
	s7 =	sadd.s32 s22, s5  }
0xa3: {  	[timem:s9], [sflag:s23] =	dma.local [hbm:s7], s21  }
0xa4: {  	_ =	swait.ge [sflag:s23], s21  }
0xa5: {  	s6 =	ssub.s32 $0x0, s21;
	[sflag:s23] =	ssyncset.done $0x0  }
0xa6: {  	[sflag:s23] =	ssyncadd.s32 s6;
	_ =	sdelay $0x1  }
0xa7: {  	s24 =	simm.s32 $0x1B8B  }
0xa8: {  	_ =	swait.ge [sflag:s24], $0x1  }
0xa9: {  	[sflag:s24] =	ssyncset.done $0x0  }
0xaa: {  	s25 =	simm.s32 $0x1B8E;
	[sflag:s24] =	ssyncadd.s32 $0xFFFFFFFF  }
0xab: {  	s26 =	simm.s32 $execute0_lowered;
	[smem:$0x3FD2] =	sst s25  }
0xac: {  	s6 =	sshll.u32 s26, $0x1;
	_ =	strace $0x8000004C;
	[dreg:$0x1] =	wrdreg $0xFFFFFFFF  }
0xad: {  	s28 =	simm.s32 $_size_execute0_lowered;
	s5 =	sadd.s32 s5, s6;
	[dreg:$0x0] =	wrdreg $0x0  }
0xae: {  	s6 =	sshll.u32 s28, $0x1;
	[dreg:$0x2] =	wrdreg s5  }
0xaf: {  	[dreg:$0x3] =	wrdreg s6  }
0xb0: {  	[dreg:$0x4] =	wrdreg $0xC0  }
0xb1: {  	_ =	task [dreg:s9], $0x5FFFF  }
0xb2: {  	[dreg:$0x1] =	wrdreg $0xFFFFFFFF  }
0xb3: {  	[dreg:$0x0] =	wrdreg $0x60  }
0xb4: {  	[dreg:$0x2] =	wrdreg s19  }
0xb5: {  	[dreg:$0x3] =	wrdreg s17  }
0xb6: {  	[dreg:$0x4] =	wrdreg s18  }
0xb7: {  	[dreg:$0x5] =	wrdreg $0x9  }
0xb8: {  	_ =	task.clear_ibuf [dreg:s9], $0x6FFFF;
	_ =	strace $0x9000004C  }
0xb9: {  	s29 =	simm.s32 $0x9;
	_ =	strace $0x8000004E  }
0xba: {  	_ =	swait.ge [sflag:s29], $0x1  }
0xbb: {  	[sflag:s29] =	ssyncadd.s32 $0xFFFFFFFF  }
0xbc: {  	_ =	strace $0x9000004E  }
0xbd: {  	_ =	sfence  }
0xbe: {  	s30 =	sld [smem:$0x0];
	_ =	sdelay $0x2  }
0xbf: {  	s31 =	sshll.u32 s1, $0xD;
	s1 =	sshrl.u32 s1, $0x2  }
0xc0: {  	s3 =	sand.u32 $0x4000, s31;
	s1 =	sadd.s32 s1, s30  }
0xc1: {  	s0 =	sor.u32 s3, s0;
	s1 =	sshll.u32 s1, $0x11  }
0xc2: {  	s0 =	sor.u32 s1, s0  }
0xc3: {  	s0 =	sadd.s32 $0x8F2B, s0  }
0xc4: {  	[sflag:s0] =	ssyncadd.remote.s32 $0x1  }
0xc5: {  	_ =	sfence.sel $0xFFFF  }
0xc6: {  	[dreg:$0x0] =	wrdreg $0xFFFFFFFF;
	(pc) =	sbr.abs _section_cstart, $3  }
0xc7: {  	[dreg:$0x1] =	wrdreg $0xFFFFFFFF  }
0xc8: {  	_ =	task.clear_ibuf [dreg:s9], $0x2FFFF;
	_ =	strace $0x9FFFFFFF  }
0xc9: {  	(tm) =	ssettm $0x7FFFFFFF  }
tec
execute0_lowered:
.L_overlay_start_1:
0x0: {  	(tag) =	ssettag $0x1  }
0x1: {  	s3 =	rddreg [dreg:$0x0]  }
0x2: {  	s4 =	rddreg [dreg:$0x1]  }
0x3: {  	s5 =	rddreg [dreg:$0x2];
	s2 =	srdreg.scid  }
0x4: {  	s0 =	rddreg [dreg:$0x3];
	s1 =	stileid.u32;
	s10 =	simm.s32 $0x400  }
0x5: {  	s11 =	simm.s32 $0x20000;
	s12 =	simm.s32 $0x0;
	s6 =	sand.u32 $0x1, s2  }
0x6: {  	s2 =	simm.s32 $0x0;
	s7 =	sshll.u32 s1, $0x8;
	s8 =	sshll.u32 s6, $0x7  }
0x7: {  	[smem:$0x7FF] =	sst s2;
	s6 =	ssub.s32 $0x2, s6;
	s7 =	sor.u32 s8, s7  }
0x8: {  	v0 =	vlaneseq.u32;
	_ =	strace $0x8000004D;
	s31 =	sshrl.u32 s6, $0x1;
	s8 =	simm.s32 $0x5000  }
0x9: {  	v5 =	vmul.u32 $0xFFFFFFFF, v0;
	v1 =	vmul.u32 $0x80, v0;
	s9 =	sshll.u32 s7, $0x4;
	s6 =	ssub.s32 s6, s31;
	s7 =	sor.u32 $0x2000, s7  }
0xa: {  	v2 =	vor.u32 $0x10, v0;
	v3 =	vor.u32 $0x20, v0;
	s3 =	sadd.s32 s3, s9;
	s4 =	sadd.s32 s4, s7;
	s5 =	sadd.s32 s5, s7  }
0xb: {  	v4 =	vor.u32 $0x30, v0;
	v5 =	vadd.s32 $0xF, v5;
	v6 =	vor.u32 $0x800, v1;
	s6 =	smax.u32 s6, $0x1;
	s7 =	simm.s32 $0x1;
	s9 =	simm.s32 $0x4000  }
.LBB2_1:
0xc: {  	[tilespmem:s2], [sflag:$0x1] =	stream.linear.gather [hbm4b:s3+s2], $0x4000, $0x38;
	[tilespmem:$0x6000] =	vst v63  }
0xd: {  	_ =	swait.ge [sflag:s7], $0x4000  }
0xe: {  	[sflag:s7] =	ssyncset.done $0x0  }
0xf: {  	s13 =	simm.s32 $0x100;
	[sflag:s7] =	ssyncadd.s32 $0xFFFFC000  }
0x10: {  	v7 =	vld [tilespmem:s13+$0xB0]  }
0x11: {  	v8 =	vld [tilespmem:s13+$0x20]  }
0x12: {  	v9 =	vld [tilespmem:s13+$0xA0]  }
0x13: {  	v10 =	vld [tilespmem:s13+$0x30];
	_ =	sdelay $0x1  }
0x14: {  	(xrf1) =	vsort.dscd.msk.f32 $0xffff, v7, v4  }
0x15: {  	(xrf1) =	vsort.dscd.msk.f32 $0xffff, v8, v3  }
0x16: {  	(xrf1) =	vsort.dscd.msk.f32 $0xffff, v9, v3  }
0x17: {  	(xrf1) =	vsort.dscd.msk.f32 $0xffff, v10, v4  }
0x18: {  	v7 =	vld [tilespmem:s13+$0xFFFFFFB0];
	_ =	sdelay $0x1  }
0x19: {  	v8 =	vld [tilespmem:s13+$0xFFFFFFA0]  }
0x1a: {  	v9 =	vld [tilespmem:s13+$0xFFFFFF30]  }
0x1b: {  	v10 =	vld [tilespmem:s13+$0xFFFFFF20]  }
0x1c: {  	(xrf1) =	vsort.dscd.msk.f32 $0xffff, v7, v4;
	v7 =	vld [tilespmem:s13+$0xFFFFFF90]  }
0x1d: {  	v11 =	vld [tilespmem:s13+$0x10]  }
0x1e: {  	(xrf1) =	vsort.dscd.msk.f32 $0xffff, v8, v3;
	v8 =	vld [tilespmem:s13+$0x90]  }
0x1f: {  	(xrf1) =	vsort.dscd.msk.f32 $0xffff, v9, v4;
	v9 =	vld [tilespmem:s13+$0x0]  }
0x20: {  	(xrf1) =	vsort.dscd.msk.f32 $0xffff, v10, v3  }
0x21: {  	v10 =	vld [tilespmem:s13+$0xFFFFFF80];
	(xrf1) =	vsort.dscd.msk.f32 $0xffff, v7, v2;
	v7, v12, _ =	vpop (xrf1)  }
0x22: {  	(xrf1) =	vsort.dscd.msk.f32 $0xffff, v11, v2;
	v11, v13, _ =	vpop (xrf1)  }
0x23: {  	(xrf1) =	vsort.dscd.msk.f32 $0xffff, v8, v2;
	v8, v14, _ =	vpop (xrf1)  }
0x24: {  	(xrf1) =	vsort.dscd.msk.f32 $0xffff, v9, v0;
	v9, v15, _ =	vpop (xrf1)  }
0x25: {  	v9 =	vperm.xlane v9, v5  }
0x26: {  	v16 =	vld [tilespmem:s13+$0x80];
	(xrf1) =	vsort.dscd.msk.f32 $0xffff, v10, v0;
	v10 =	vperm.xlane v15, v5  }
0x27: {  	vm0 =	vge.f32 v11, v9  }
0x28: {  	v17 =	vsel vm0, v13, v10  }
0x29: {  	v7 =	vperm.xlane v7, v5;
	v15 =	vsel vm0, v11, v9  }
0x2a: {  	v12 =	vperm.xlane v12, v5;
	(xrf1) =	vsort.dscd.msk.f32 $0xffff, v15, v17  }
0x2b: {  	vm1 =	vge.f32 v8, v7;
	(xrf1) =	vsort.dscd.msk.f32 $0xffff, v16, v0  }
0x2c: {  	v20 =	vsel vm1, v12, v14;
	v16 =	vld [tilespmem:s13+$0xFFFFFF10];
	v15, v17, _ =	vpop (xrf1)  }
0x2d: {  	v15 =	vperm.xlane v15, v5  }
0x2e: {  	v21 =	vsel vm1, v7, v8;
	v9 =	vsel vm0, v9, v11;
	v17 =	vperm.xlane v17, v5;
	v18, v19, _ =	vpop (xrf1)  }
0x2f: {  	v10 =	vsel vm0, v10, v13;
	(xrf1) =	vsort.dscd.msk.f32 $0xffff, v21, v20;
	v22, v23, _ =	vpop (xrf1);
	vm0 =	vge.f32 v18, v15  }
0x30: {  	v11 =	vld [tilespmem:s13+$0xFFFFFF00];
	(xrf1) =	vsort.dscd.msk.f32 $0xffff, v9, v10;
	v13, v20, _ =	vpop (xrf1);
	v10 =	vsel vm0, v19, v17  }
0x31: {  	(xrf1) =	vsort.dscd.msk.f32 $0xffff, v16, v2;
	v9 =	vsel vm0, v18, v15;
	v21, v24, _ =	vpop (xrf1);
	v16 =	vsel vm0, v17, v19  }
0x32: {  	v15 =	vsel vm0, v15, v18;
	v17, v18, _ =	vpop (xrf1);
	(xrf1) =	vsort.dscd.msk.f32 $0xffff, v9, v10  }
0x33: {  	v9 =	vsel vm1, v14, v12;
	v10, v12, _ =	vpop (xrf1);
	(xrf1) =	vsort.dscd.msk.f32 $0xffff, v15, v16;
	v15 =	vperm.xlane v17, v5  }
0x34: {  	v7 =	vsel vm1, v8, v7;
	v14 =	vperm.xlane v21, v5;
	v16, v17, _ =	vpop (xrf1)  }
0x35: {  	(xrf1) =	vsort.dscd.msk.f32 $0xffff, v11, v0;
	v11 =	vperm.xlane v18, v5;
	vm0 =	vge.f32 v16, v15  }
0x36: {  	v8 =	vperm.xlane v24, v5;
	v10 =	vperm.xlane v10, v5;
	v18, v19, _ =	vpop (xrf1);
	v21 =	vsel vm0, v15, v16  }
0x37: {  	(xrf1) =	vsort.dscd.msk.f32 $0xffff, v7, v9;
	vm1 =	vge.f32 v18, v14;
	v24 =	vsel vm0, v11, v17  }
0x38: {  	v7 =	vsel vm1, v14, v18;
	v25 =	vsel vm1, v8, v19;
	v14 =	vsel vm1, v18, v14;
	v18, v9, _ =	vpop (xrf1)  }
0x39: {  	(xrf1) =	vsort.dscd.msk.f32 $0xffff, v21, v24;
	v8 =	vsel vm1, v19, v8;
	v19 =	vperm.xlane v22, v5;
	v21, v22, _ =	vpop (xrf1)  }
0x3a: {  	v12 =	vperm.xlane v12, v5;
	(xrf1) =	vsort.dscd.msk.f32 $0xffff, v7, v25;
	vm1 =	vge.f32 v21, v10  }
0x3b: {  	(xrf1) =	vsort.dscd.msk.f32 $0xffff, v14, v8;
	v8 =	vperm.xlane v23, v5;
	v7 =	vsel vm1, v10, v21  }
0x3c: {  	vm2 =	vge.f32 v13, v19;
	v14 =	vsel vm1, v12, v22  }
0x3d: {  	v26 =	vsel vm2, v20, v8  }
0x3e: {  	v25 =	vsel vm2, v13, v19;
	v23, v24, _ =	vpop (xrf1)  }
0x3f: {  	(xrf1) =	vsort.dscd.msk.f32 $0xffff, v7, v14;
	v14, v7, _ =	vpop (xrf1)  }
0x40: {  	v10 =	vsel vm1, v21, v10;
	v12 =	vsel vm1, v22, v12;
	(xrf1) =	vsort.dscd.msk.f32 $0xffff, v25, v26;
	v21, v22, _ =	vpop (xrf1)  }
0x41: {  	v25, v26, _ =	vpop (xrf1);
	(xrf1) =	vsort.dscd.msk.f32 $0xffff, v10, v12;
	v10 =	vsel vm2, v19, v13;
	_ =	sdelay $0x1  }
0x42: {  	v8 =	vsel vm2, v8, v20;
	v12 =	vperm.xlane v21, v5;
	v13, v19, _ =	vpop (xrf1)  }
0x43: {  	(xrf1) =	vsort.dscd.msk.f32 $0xffff, v10, v8;
	v8 =	vperm.xlane v22, v5;
	v10, v20, _ =	vpop (xrf1)  }
0x44: {  	vm1 =	vge.f32 v10, v12  }
0x45: {  	v11 =	vsel vm0, v17, v11;
	v17 =	vsel vm1, v20, v8  }
0x46: {  	v15 =	vsel vm0, v16, v15;
	v16 =	vsel vm1, v10, v12;
	v10 =	vsel vm1, v12, v10  }
0x47: {  	v8 =	vsel vm1, v8, v20  }
0x48: {  	v21 =	vperm.xlane v24, v5;
	v22 =	vperm.xlane v23, v5;
	v23, v24, _ =	vpop (xrf1)  }
0x49: {  	(xrf1) =	vsort.dscd.msk.f32 $0xffff, v16, v17;
	v16, v17, _ =	vpop (xrf1)  }
0x4a: {  	v13 =	vperm.xlane v13, v5;
	v12 =	vperm.xlane v25, v5;
	(xrf1) =	vsort.dscd.msk.f32 $0xffff, v10, v8;
	v8, v10, _ =	vpop (xrf1)  }
0x4b: {  	v20 =	vperm.xlane v26, v5;
	v25, v26, _ =	vpop (xrf1)  }
0x4c: {  	v19 =	vperm.xlane v19, v5;
	vm0 =	vge.f32 v8, v12;
	vm1 =	vge.f32 v25, v13  }
0x4d: {  	s29 =	simm.s32 $0x300;
	(xrf1) =	vsort.dscd.msk.f32 $0xffff, v15, v11;
	v8 =	vsel vm0, v8, v12;
	v13 =	vsel vm1, v25, v13  }
0x4e: {  	v12 =	vld [tilespmem:s29+$0xB0];
	v10 =	vsel vm0, v10, v20;
	v11 =	vsel vm1, v26, v19;
	vm1 =	vge.f32 v13, v8  }
0x4f: {  	v20 =	vld [tilespmem:s29+$0x20];
	v27 =	vsel vm1, v11, v10  }
0x50: {  	v23 =	vperm.xlane v23, v5;
	v25 =	vld [tilespmem:s29+$0xA0];
	v26 =	vsel vm1, v13, v8  }
0x51: {  	v29 =	vld [tilespmem:s29+$0x30];
	v24 =	vperm.xlane v24, v5;
	v15, v19, _ =	vpop (xrf1)  }
0x52: {  	v30 =	vld [tilespmem:s29+$0xFFFFFFB0];
	vm2 =	vge.f32 v15, v23;
	v8 =	vsel vm1, v8, v13;
	v13, v28, _ =	vpop (xrf1);
	(xrf1) =	vsort.dscd.msk.f32 $0xffff, v26, v27  }
0x53: {  	v19 =	vsel vm2, v19, v24;
	v26, v27, _ =	vpop (xrf1);
	(xrf1) =	vsort.dscd.msk.f32 $0xffff, v12, v4;
	v12 =	vld [tilespmem:s29+$0xFFFFFFA0]  }
0x54: {  	s14 =	simm.s32 $0x1;
	v15 =	vsel vm2, v15, v23;
	v23 =	vld [tilespmem:s29+$0xFFFFFF30];
	vm3 =	vge.f32 v26, v22;
	(xrf1) =	vsort.dscd.msk.f32 $0xffff, v20, v3  }
0x55: {  	v10 =	vsel vm1, v10, v11;
	(xrf1) =	vsort.dscd.msk.f32 $0xffff, v25, v3;
	v22 =	vsel vm3, v26, v22;
	v26 =	vmov s14  }
0x56: {  	v28 =	vperm.xlane v28, v5;
	v13 =	vperm.xlane v13, v5;
	v20, v24, _ =	vpop (xrf1);
	v25 =	vld [tilespmem:s29+$0xFFFFFF20];
	(xrf1) =	vsort.dscd.msk.f32 $0xffff, v29, v4  }
0x57: {  	v20 =	vperm.xlane v20, v5;
	v24 =	vperm.xlane v24, v5;
	(xrf1) =	vsort.dscd.msk.f32 $0xffff, v30, v4  }
0x58: {  	v21 =	vsel vm3, v27, v21;
	v11 =	vand.u32 $0x7D, v26;
	vm1 =	vge.f32 v22, v15;
	v26, v27, _ =	vpop (xrf1);
	(xrf1) =	vsort.dscd.msk.f32 $0xffff, v12, v3  }
0x59: {  	v12 =	vsel vm1, v21, v19;
	vm2 =	vge.f32 v26, v20;
	v29, v30, _ =	vpop (xrf1);
	(xrf1) =	vsort.dscd.msk.f32 $0xffff, v23, v4  }
0x5a: {  	v24 =	vsel vm2, v27, v24;
	v27 =	vsel vm1, v22, v15;
	vm3 =	vge.f32 v29, v13  }
0x5b: {  	(xrf1) =	vsort.dscd.msk.f32 $0xffff, v25, v3;
	v20 =	vsel vm2, v26, v20;
	v13 =	vsel vm3, v29, v13  }
0x5c: {  	v11 =	vbroadcast v11, $0x0;
	v26 =	vsel vm3, v30, v28;
	(xrf1) =	vsort.dscd.msk.f32 $0xffff, v8, v10;
	vm2 =	vge.f32 v20, v13  }
0x5d: {  	v23 =	vld [tilespmem:s29+$0xFFFFFF90];
	v8 =	vsel vm2, v20, v13;
	v13 =	vsel vm2, v13, v20;
	v20 =	vsel vm2, v26, v24  }
0x5e: {  	v18 =	vperm.xlane v18, v5;
	v15 =	vsel vm1, v15, v22;
	v22 =	vor.u32 v1, v11;
	v25 =	vld [tilespmem:s29+$0x10]  }
0x5f: {  	v14 =	vperm.xlane v14, v5;
	v10 =	vld [tilespmem:s29+$0x90];
	(xrf1) =	vsort.dscd.msk.f32 $0xffff, v27, v12;
	v28 =	vsel vm2, v24, v26  }
0x60: {  	vm0 =	vge.f32 v16, v18;
	v12, v27, _ =	vpop (xrf1);
	(xrf1) =	vsort.dscd.msk.f32 $0xffff, v8, v28  }
0x61: {  	v9 =	vperm.xlane v9, v5;
	v16 =	vsel vm0, v16, v18;
	(xrf1) =	vsort.dscd.msk.f32 $0xffff, v13, v20;
	v13, v20, _ =	vpop (xrf1)  }
0x62: {  	v29 =	vld [tilespmem:s29+$0x0];
	v8 =	vor.u32 v6, v11;
	v11 =	vsel vm1, v19, v21;
	(xrf1) =	vsort.dscd.msk.f32 $0xffff, v23, v2;
	v18, v21, _ =	vpop (xrf1)  }
0x63: {  	v19 =	vld [tilespmem:s29+$0xFFFFFF80];
	vm2 =	vge.f32 v12, v14;
	[tilespmem:v22+s8+$0x0] =	vst.idx.msk $0xffff, v13;
	(xrf1) =	vsort.dscd.msk.f32 $0xffff, v25, v2;
	v13, v23, _ =	vpop (xrf1)  }
0x64: {  	v7 =	vperm.xlane v7, v5;
	v12 =	vsel vm2, v12, v14;
	(xrf1) =	vsort.dscd.msk.f32 $0xffff, v10, v2;
	v10, v14, _ =	vpop (xrf1)  }
0x65: {  	v9 =	vsel vm0, v17, v9;
	v17, v24, _ =	vpop (xrf1)  }
0x66: {  	s30 =	simm.s32 $0x3;
	v7 =	vsel vm2, v27, v7;
	v21 =	vperm.xlane v21, v5;
	v17 =	vperm.xlane v17, v5  }
0x67: {  	v28 =	vmov s30;
	v25 =	vld [tilespmem:s29+$0x80];
	v18 =	vperm.xlane v18, v5;
	(xrf1) =	vsort.dscd.msk.f32 $0xffff, v29, v0;
	v24 =	vperm.xlane v24, v5  }
0x68: {  	v28 =	vand.u32 $0x7F, v28;
	vm0 =	vge.f32 v12, v16;
	(xrf1) =	vsort.dscd.msk.f32 $0xffff, v19, v0;
	v19, v26, _ =	vpop (xrf1);
	vm3 =	vge.f32 v13, v17  }
0x69: {  	v27 =	vbroadcast v28, $0x0;
	vm1 =	vge.f32 v10, v18;
	v29, v30, _ =	vpop (xrf1);
	(xrf1) =	vsort.dscd.msk.f32 $0xffff, v15, v11;
	v32 =	vsel vm3, v23, v24  }
0x6a: {  	v28 =	vsel vm1, v18, v10;
	v19 =	vperm.xlane v19, v5;
	v31 =	vsel vm3, v13, v17  }
0x6b: {  	v11 =	vsel vm1, v14, v21;
	v14 =	vsel vm1, v21, v14;
	v15, v21, _ =	vpop (xrf1);
	(xrf1) =	vsort.dscd.msk.f32 $0xffff, v31, v32  }
0x6c: {  	v10 =	vsel vm1, v10, v18;
	v26 =	vperm.xlane v26, v5;
	(xrf1) =	vsort.dscd.msk.f32 $0xffff, v25, v0  }
0x6d: {  	vm4 =	vge.f32 v29, v19;
	v13 =	vsel vm3, v17, v13;
	v23 =	vsel vm3, v24, v23;
	v31, v32, _ =	vpop (xrf1)  }
0x6e: {  	v33 =	vld [tilespmem:s29+$0xFFFFFF10];
	v24 =	vor.u32 v1, v27;
	v15 =	vperm.xlane v15, v5;
	v21 =	vperm.xlane v21, v5;
	v17, v34, _ =	vpop (xrf1)  }
0x6f: {  	v27 =	vor.u32 v6, v27;
	v25 =	vsel vm4, v29, v19;
	(xrf1) =	vsort.dscd.msk.f32 $0xffff, v28, v14;
	v35, v36, _ =	vpop (xrf1)  }
0x70: {  	v14 =	vsel vm4, v19, v29;
	v29 =	vsel vm0, v7, v9;
	v7 =	vsel vm0, v9, v7;
	v19, v28, _ =	vpop (xrf1)  }
0x71: {  	v39 =	vld [tilespmem:s29+$0xFFFFFF00];
	v9 =	vsel vm4, v26, v30;
	vm2 =	vge.f32 v31, v15;
	[tilespmem:v8+s8+$0x0] =	vst.idx.msk $0xffff, v17;
	v37, v38, _ =	vpop (xrf1)  }
0x72: {  	(xrf1) =	vsort.dscd.msk.f32 $0xffff, v13, v23;
	v13 =	vsel vm4, v30, v26;
	v26 =	vsel vm0, v16, v12;
	v18, v23, _ =	vpop (xrf1)  }
0x73: {  	v12 =	vsel vm0, v12, v16;
	[tilespmem:v22+s9+$0x0] =	vst.idx.msk $0xffff, v20;
	(xrf1) =	vsort.dscd.msk.f32 $0xffff, v33, v2;
	v30, v58, _ =	vpop (xrf1)  }
0x74: {  	v16 =	vperm.xlane v23, v5;
	(xrf1) =	vsort.dscd.msk.f32 $0xffff, v25, v13;
	v23, v59, _ =	vpop (xrf1);
	v30 =	vperm.xlane v30, v5  }
0x75: {  	v13 =	vperm.xlane v18, v5;
	v33 =	vperm.xlane v58, v5;
	v18, v25, _ =	vpop (xrf1);
	(xrf1) =	vsort.dscd.msk.f32 $0xffff, v14, v9  }
0x76: {  	v14 =	vperm.xlane v23, v5;
	v17, v40, _ =	vpop (xrf1);
	(xrf1) =	vsort.dscd.msk.f32 $0xffff, v39, v0;
	vm0 =	vge.f32 v18, v30  }
0x77: {  	vm1 =	vge.f32 v17, v13;
	v22, v23, _ =	vpop (xrf1);
	(xrf1) =	vsort.dscd.msk.f32 $0xffff, v10, v11;
	v10 =	vsel vm0, v30, v18  }
0x78: {  	v11 =	vsel vm0, v33, v25;
	v20 =	vsel vm1, v17, v13;
	v13 =	vsel vm1, v13, v17  }
0x79: {  	v17 =	vsel vm1, v40, v16;
	v60, v9, _ =	vpop (xrf1);
	(xrf1) =	vsort.dscd.msk.f32 $0xffff, v26, v7;
	v7 =	vsel vm1, v16, v40;
	v16 =	vmov s2  }
0x7a: {  	[tilespmem:v24+s8+$0x0] =	vst.idx.msk $0xffff, v35;
	v30 =	vsel vm0, v18, v30;
	v18, v26, _ =	vpop (xrf1);
	(xrf1) =	vsort.dscd.msk.f32 $0xffff, v10, v11;
	v11 =	vand.u32 $0x7C, v16  }
0x7b: {  	v10 =	vperm.xlane v59, v5;
	vm1 =	vge.f32 v18, v14;
	(xrf1) =	vsort.dscd.msk.f32 $0xffff, v13, v7;
	v7 =	vbroadcast v11, $0x0  }
0x7c: {  	[tilespmem:v27+s8+$0x0] =	vst.idx.msk $0xffff, v22;
	v22 =	vsel vm2, v32, v21;
	v11 =	vsel vm1, v18, v14  }
0x7d: {  	(xrf1) =	vsort.dscd.msk.f32 $0xffff, v20, v17;
	v13 =	vsel vm1, v14, v18;
	v14 =	vsel vm1, v10, v26  }
0x7e: {  	(xrf1) =	vsort.dscd.msk.f32 $0xffff, v12, v29  }
0x7f: {  	v17, v18, _ =	vpop (xrf1);
	v20 =	vsel vm2, v31, v15;
	v10 =	vsel vm1, v26, v10;
	(xrf1) =	vsort.dscd.msk.f32 $0xffff, v13, v14  }
0x80: {  	v16 =	vor.u32 v6, v7;
	v12 =	vor.u32 v1, v7;
	v14, v7, _ =	vpop (xrf1);
	(xrf1) =	vsort.dscd.msk.f32 $0xffff, v20, v22  }
0x81: {  	v13, v22, _ =	vpop (xrf1);
	(xrf1) =	vsort.dscd.msk.f32 $0xffff, v11, v10;
	v11 =	vsel vm2, v15, v31  }
0x82: {  	[tilespmem:v8+s9+$0x0] =	vst.idx.msk $0xffff, v34;
	v10 =	vsel vm2, v21, v32  }
0x83: {  	[tilespmem:v24+s9+$0x0] =	vst.idx.msk $0xffff, v36  }
0x84: {  	[tilespmem:v27+s9+$0x0] =	vst.idx.msk $0xffff, v23;
	v20 =	vsel vm0, v25, v33;
	v21, v23, _ =	vpop (xrf1)  }
0x85: {  	s31 =	simm.s32 $0x2;
	v15 =	vperm.xlane v17, v5;
	v8 =	vperm.xlane v13, v5;
	(xrf1) =	vsort.dscd.msk.f32 $0xffff, v11, v10;
	v10, v11, _ =	vpop (xrf1)  }
0x86: {  	v24 =	vmov s31;
	[tilespmem:v12+s8+$0x0] =	vst.idx.msk $0xffff, v19;
	v19 =	vperm.xlane v22, v5;
	v13 =	vperm.xlane v18, v5;
	v18, v22, _ =	vpop (xrf1)  }
0x87: {  	[tilespmem:v16+s8+$0x0] =	vst.idx.msk $0xffff, v37;
	v25 =	vperm.xlane v10, v5;
	v10 =	vand.u32 $0x7E, v24;
	vm0 =	vge.f32 v18, v8  }
0x88: {  	[tilespmem:v12+s9+$0x0] =	vst.idx.msk $0xffff, v28;
	v12 =	vsel vm0, v18, v8;
	v17 =	vsel vm0, v22, v19  }
0x89: {  	v26, v27, _ =	vpop (xrf1)  }
0x8a: {  	[tilespmem:v16+s9+$0x0] =	vst.idx.msk $0xffff, v38;
	v28 =	vperm.xlane v11, v5;
	v8 =	vsel vm0, v8, v18;
	v18, v16, _ =	vpop (xrf1)  }
0x8b: {  	v29 =	vbroadcast v10, $0x0;
	v19 =	vsel vm0, v19, v22;
	v22 =	vperm.xlane v21, v5;
	(xrf1) =	vsort.dscd.msk.f32 $0xffff, v12, v17;
	v12, v10, _ =	vpop (xrf1)  }
0x8c: {  	v11 =	vperm.xlane v14, v5;
	(xrf1) =	vsort.dscd.msk.f32 $0xffff, v8, v19;
	v19 =	vperm.xlane v23, v5;
	v14, v17, _ =	vpop (xrf1)  }
0x8d: {  	vm0 =	vge.f32 v14, v22;
	v23, v62, _ =	vpop (xrf1)  }
0x8e: {  	s15 =	simm.s32 $0x500;
	vm1 =	vge.f32 v23, v25;
	v14 =	vsel vm0, v14, v22  }
0x8f: {  	v35 =	vld [tilespmem:s15+$0x20];
	v61 =	vperm.xlane v27, v5;
	v63 =	vperm.xlane v26, v5;
	v22 =	vsel vm1, v23, v25  }
0x90: {  	v34 =	vld [tilespmem:s15+$0x30];
	v21 =	vor.u32 v6, v29;
	v29 =	vor.u32 v1, v29;
	(xrf1) =	vsort.dscd.msk.f32 $0xffff, v30, v20;
	v27, v24, _ =	vpop (xrf1)  }
0x91: {  	v31 =	vld [tilespmem:s15+$0xB0];
	v23 =	vsel vm0, v17, v19;
	v25 =	vsel vm1, v62, v28;
	v30, v19, _ =	vpop (xrf1);
	vm1 =	vge.f32 v22, v14  }
0x92: {  	v32 =	vld [tilespmem:s15+$0xFFFFFFB0];
	vm3 =	vge.f32 v30, v63;
	v41 =	vsel vm1, v22, v14;
	v17 =	vsel vm1, v14, v22;
	v22, v14, _ =	vpop (xrf1)  }
0x93: {  	v26 =	vld [tilespmem:s15+$0xA0];
	v42 =	vsel vm1, v25, v23;
	v20 =	vperm.xlane v14, v5;
	v14 =	vperm.xlane v60, v5  }
0x94: {  	s16 =	simm.s32 $0xC;
	v8 =	vld [tilespmem:s15+$0xFFFFFFA0];
	v19 =	vsel vm3, v19, v61;
	v30 =	vsel vm3, v30, v63;
	(xrf1) =	vsort.dscd.msk.f32 $0xffff, v41, v42;
	v36, v33, _ =	vpop (xrf1)  }
0x95: {  	s17 =	simm.s32 $0x700;
	s13 =	simm.s32 $0x8;
	s14 =	simm.s32 $0x4;
	v28 =	vld [tilespmem:s15+$0xFFFFFF30];
	v22 =	vperm.xlane v22, v5;
	vm2 =	vge.f32 v36, v15;
	v38, v37, _ =	vpop (xrf1);
	vm0 =	vge.f32 v12, v14  }
.LBB2_2:
0x96: {  	v39 =	vld [tilespmem:s17+$0xFFFFFFA0];
	p0 =	slt.u32 s16, $0x7C;
	(xrf1) =	vsort.dscd.msk.f32 $0xffff, v31, v4;
	v31 =	vperm.xlane v38, v5;
	[tilespmem:v29+s8+$0x0] =	vst.idx.msk $0xffff, v27;
	s18 =	smov.u32 s16;
	s16 =	sadd.s32 $0x4, s16  }
0x97: {  	v27 =	vperm.xlane v37, v5;
	(xrf1) =	vsort.dscd.msk.f32 $0xffff, v35, v3;
	[tilespmem:v21+s8+$0x0] =	vst.idx.msk $0xffff, v18  }
0x98: {  	s19 =	sadd.s32 $0x1, s14;
	v15 =	vsel vm2, v36, v15;
	(xrf1) =	vsort.dscd.msk.f32 $0xffff, v26, v3;
	[tilespmem:v29+s9+$0x0] =	vst.idx.msk $0xffff, v24  }
0x99: {  	v24 =	vmov s19;
	v26 =	vsel vm2, v33, v13;
	v18 =	vld [tilespmem:s15+$0xFFFFFF20];
	(xrf1) =	vsort.dscd.msk.f32 $0xffff, v34, v4;
	[tilespmem:v21+s9+$0x0] =	vst.idx.msk $0xffff, v16  }
0x9a: {  	v16 =	vsel vm1, v23, v25;
	v13 =	vand.u32 $0x7D, v24;
	vm1 =	vge.f32 v15, v30;
	(xrf1) =	vsort.dscd.msk.f32 $0xffff, v32, v4;
	v21, v23, _ =	vpop (xrf1)  }
0x9b: {  	v13 =	vbroadcast v13, $0x0;
	v24 =	vsel vm1, v26, v19;
	(xrf1) =	vsort.dscd.msk.f32 $0xffff, v8, v3;
	vm2 =	vge.f32 v21, v31;
	v25, v29, _ =	vpop (xrf1)  }
0x9c: {  	v8 =	vmovc v39;
	v23 =	vsel vm2, v23, v27;
	v27 =	vsel vm1, v15, v30;
	v30 =	vsel vm1, v30, v15  }
0x9d: {  	vm3 =	vge.f32 v25, v22;
	v15 =	vor.u32 v1, v13;
	(xrf1) =	vsort.dscd.msk.f32 $0xffff, v28, v4  }
0x9e: {  	v13 =	vor.u32 v6, v13;
	v28 =	vld [tilespmem:s15+$0x10];
	(xrf1) =	vsort.dscd.msk.f32 $0xffff, v18, v3;
	v18 =	vsel vm2, v21, v31;
	v21, v31, _ =	vpop (xrf1)  }
0x9f: {  	v19 =	vsel vm1, v19, v26;
	v22 =	vsel vm3, v25, v22;
	v20 =	vsel vm3, v29, v20;
	v32 =	vld [tilespmem:s15+$0xFFFFFF90]  }
0xa0: {  	vm1 =	vge.f32 v18, v22;
	(xrf1) =	vsort.dscd.msk.f32 $0xffff, v17, v16  }
0xa1: {  	v17 =	vsel vm1, v18, v22;
	v25 =	vsel vm1, v23, v20;
	v16 =	vld [tilespmem:s15+$0x90];
	(xrf1) =	vsort.dscd.msk.f32 $0xffff, v27, v24  }
0xa2: {  	v26 =	vsel vm1, v22, v18;
	v27 =	vsel vm1, v20, v23;
	v24 =	vld [tilespmem:s15+$0x0];
	(xrf1) =	vsort.dscd.msk.f32 $0xffff, v17, v25  }
0xa3: {  	v9 =	vperm.xlane v9, v5;
	v12 =	vsel vm0, v12, v14;
	v17 =	vld [tilespmem:s15+$0xFFFFFF80];
	(xrf1) =	vsort.dscd.msk.f32 $0xffff, v26, v27;
	v14, v18, _ =	vpop (xrf1)  }
0xa4: {  	vm2 =	vge.f32 v21, v11;
	(xrf1) =	vsort.dscd.msk.f32 $0xffff, v32, v2;
	v20, v22, _ =	vpop (xrf1);
	[tilespmem:v15+s8+$0x0] =	vst.idx.msk $0xffff, v14  }
0xa5: {  	v11 =	vsel vm2, v21, v11;
	v14 =	vperm.xlane v20, v5;
	(xrf1) =	vsort.dscd.msk.f32 $0xffff, v28, v2;
	v20, v23, _ =	vpop (xrf1)  }
0xa6: {  	v9 =	vsel vm0, v10, v9;
	v21 =	vperm.xlane v22, v5;
	(xrf1) =	vsort.dscd.msk.f32 $0xffff, v16, v2;
	v16, v22, _ =	vpop (xrf1)  }
0xa7: {  	s19 =	sadd.s32 $0x3, s14;
	vm0 =	vge.f32 v11, v12;
	vm1 =	vge.f32 v16, v14;
	(xrf1) =	vsort.dscd.msk.f32 $0xffff, v24, v0;
	v10, v24, _ =	vpop (xrf1)  }
0xa8: {  	v7 =	vperm.xlane v7, v5;
	v27 =	vmov s19;
	v10 =	vperm.xlane v10, v5;
	v25 =	vld [tilespmem:s15+$0x80];
	(xrf1) =	vsort.dscd.msk.f32 $0xffff, v17, v0;
	v17, v26, _ =	vpop (xrf1)  }
0xa9: {  	v24 =	vperm.xlane v24, v5;
	v28 =	vsel vm1, v22, v21;
	v26 =	vperm.xlane v26, v5;
	v29, v32, _ =	vpop (xrf1)  }
0xaa: {  	v21 =	vsel vm1, v21, v22;
	v17 =	vperm.xlane v17, v5;
	vm4 =	vge.f32 v20, v10  }
0xab: {  	v27 =	vand.u32 $0x7F, v27;
	v22 =	vsel vm4, v20, v10;
	v36 =	vsel vm4, v23, v24;
	v34, v35, _ =	vpop (xrf1);
	(xrf1) =	vsort.dscd.msk.f32 $0xffff, v30, v19  }
0xac: {  	v7 =	vsel vm2, v31, v7;
	vm3 =	vge.f32 v29, v17;
	v19, v30, _ =	vpop (xrf1);
	(xrf1) =	vsort.dscd.msk.f32 $0xffff, v22, v36;
	v22 =	vbroadcast v27, $0x0  }
0xad: {  	v27 =	vsel vm3, v29, v17;
	v36 =	vsel vm1, v14, v16;
	(xrf1) =	vsort.dscd.msk.f32 $0xffff, v25, v0  }
0xae: {  	v10 =	vsel vm4, v10, v20;
	v20 =	vsel vm4, v24, v23;
	v25 =	vld [tilespmem:s15+$0xFFFFFF10];
	v23 =	vor.u32 v1, v22;
	v24, v33, _ =	vpop (xrf1)  }
0xaf: {  	v34 =	vperm.xlane v34, v5;
	v35 =	vperm.xlane v35, v5;
	(xrf1) =	vsort.dscd.msk.f32 $0xffff, v36, v21;
	v21, v31, _ =	vpop (xrf1)  }
0xb0: {  	v17 =	vsel vm3, v17, v29;
	v29 =	vsel vm0, v7, v9;
	v7 =	vsel vm0, v9, v7;
	v36, v37, _ =	vpop (xrf1)  }
0xb1: {  	v38 =	vsel vm3, v26, v32;
	v14 =	vsel vm1, v16, v14;
	v9 =	vld [tilespmem:s15+$0xFFFFFF00];
	(xrf1) =	vsort.dscd.msk.f32 $0xffff, v10, v20;
	v10, v16, _ =	vpop (xrf1);
	s15 =	smov.u32 s17  }
0xb2: {  	v39 =	vsel vm0, v12, v11;
	v41 =	vsel vm3, v32, v26;
	v22 =	vor.u32 v6, v22;
	v26, v32, _ =	vpop (xrf1)  }
0xb3: {  	v11 =	vsel vm0, v11, v12;
	(xrf1) =	vsort.dscd.msk.f32 $0xffff, v25, v2;
	v25, v40, _ =	vpop (xrf1);
	[tilespmem:v23+s8+$0x0] =	vst.idx.msk $0xffff, v21  }
0xb4: {  	v12 =	vperm.xlane v32, v5;
	v21 =	vperm.xlane v40, v5;
	(xrf1) =	vsort.dscd.msk.f32 $0xffff, v27, v41;
	v20, v27, _ =	vpop (xrf1)  }
0xb5: {  	v26 =	vperm.xlane v26, v5;
	v25 =	vperm.xlane v25, v5;
	v32, v40, _ =	vpop (xrf1);
	[tilespmem:v13+s8+$0x0] =	vst.idx.msk $0xffff, v24  }
0xb6: {  	v20 =	vperm.xlane v20, v5;
	v24, v41, _ =	vpop (xrf1);
	[tilespmem:v15+s9+$0x0] =	vst.idx.msk $0xffff, v18  }
0xb7: {  	vm1 =	vge.f32 v32, v25;
	vm0 =	vge.f32 v24, v26;
	(xrf1) =	vsort.dscd.msk.f32 $0xffff, v17, v38  }
0xb8: {  	v15 =	vsel vm0, v24, v26;
	v17 =	vsel vm0, v26, v24;
	(xrf1) =	vsort.dscd.msk.f32 $0xffff, v9, v0  }
0xb9: {  	v18 =	vsel vm0, v41, v12;
	v12 =	vsel vm0, v12, v41;
	v24 =	vsel vm1, v25, v32;
	v26, v38, _ =	vpop (xrf1)  }
0xba: {  	v25 =	vsel vm1, v32, v25;
	v32 =	vsel vm1, v21, v40;
	v41, v9, _ =	vpop (xrf1);
	(xrf1) =	vsort.dscd.msk.f32 $0xffff, v14, v28;
	v14 =	vmov s14  }
0xbb: {  	v28 =	vsel vm1, v40, v21;
	v21 =	vperm.xlane v27, v5;
	v27, v40, _ =	vpop (xrf1);
	v14 =	vand.u32 $0x7C, v14;
	(xrf1) =	vsort.dscd.msk.f32 $0xffff, v39, v7  }
0xbc: {  	vm0 =	vge.f32 v27, v20;
	(xrf1) =	vsort.dscd.msk.f32 $0xffff, v24, v32;
	v14 =	vbroadcast v14, $0x0;
	[tilespmem:v22+s8+$0x0] =	vst.idx.msk $0xffff, v26  }
0xbd: {  	v24 =	vsel vm0, v27, v20;
	v26 =	vsel vm0, v40, v21;
	(xrf1) =	vsort.dscd.msk.f32 $0xffff, v17, v12;
	v12, v17, _ =	vpop (xrf1)  }
0xbe: {  	v20 =	vsel vm0, v20, v27;
	v21 =	vsel vm0, v21, v40;
	(xrf1) =	vsort.dscd.msk.f32 $0xffff, v15, v18  }
0xbf: {  	vm0 =	vge.f32 v19, v34;
	v18 =	vor.u32 v6, v14;
	v27, v7, _ =	vpop (xrf1);
	(xrf1) =	vsort.dscd.msk.f32 $0xffff, v11, v29  }
0xc0: {  	v39 =	vsel vm0, v19, v34;
	v15 =	vsel vm0, v30, v35;
	v14 =	vor.u32 v1, v14  }
0xc1: {  	v29 =	vsel vm0, v35, v30;
	v30, v32, _ =	vpop (xrf1);
	(xrf1) =	vsort.dscd.msk.f32 $0xffff, v20, v21;
	[tilespmem:v23+s9+$0x0] =	vst.idx.msk $0xffff, v31  }
0xc2: {  	v19 =	vsel vm0, v34, v19;
	(xrf1) =	vsort.dscd.msk.f32 $0xffff, v39, v15;
	v11, v20, _ =	vpop (xrf1);
	[tilespmem:v22+s9+$0x0] =	vst.idx.msk $0xffff, v38  }
0xc3: {  	v21 =	vperm.xlane v30, v5;
	(xrf1) =	vsort.dscd.msk.f32 $0xffff, v24, v26;
	[tilespmem:v13+s9+$0x0] =	vst.idx.msk $0xffff, v33  }
0xc4: {  	(xrf1) =	vsort.dscd.msk.f32 $0xffff, v19, v29  }
0xc5: {  	s19 =	sadd.s32 $0x2, s14;
	s14 =	smov.u32 s13;
	s13 =	smov.u32 s18;
	v19 =	vperm.xlane v32, v5;
	v22, v23, _ =	vpop (xrf1);
	[tilespmem:v14+s8+$0x0] =	vst.idx.msk $0xffff, v36  }
0xc6: {  	v13 =	vperm.xlane v17, v5;
	v17, v24, _ =	vpop (xrf1);
	[tilespmem:v18+s8+$0x0] =	vst.idx.msk $0xffff, v10;
	v10 =	vmov s19  }
0xc7: {  	v15 =	vperm.xlane v12, v5;
	vm0 =	vge.f32 v17, v21;
	[tilespmem:v14+s9+$0x0] =	vst.idx.msk $0xffff, v37;
	v33 =	vand.u32 $0x7E, v10  }
0xc8: {  	v22 =	vperm.xlane v22, v5;
	v31 =	vsel vm0, v17, v21;
	v14 =	vsel vm0, v24, v19;
	v26, v29, _ =	vpop (xrf1)  }
0xc9: {  	v30 =	vperm.xlane v23, v5;
	v21 =	vsel vm0, v21, v17;
	v32 =	vbroadcast v33, $0x0;
	[tilespmem:v18+s9+$0x0] =	vst.idx.msk $0xffff, v16;
	v18, v16, _ =	vpop (xrf1)  }
0xca: {  	v23 =	vperm.xlane v11, v5;
	v19 =	vsel vm0, v19, v24;
	(xrf1) =	vsort.dscd.msk.f32 $0xffff, v31, v14;
	v12, v10, _ =	vpop (xrf1)  }
0xcb: {  	v11 =	vperm.xlane v27, v5;
	v37 =	vperm.xlane v29, v5;
	(xrf1) =	vsort.dscd.msk.f32 $0xffff, v21, v19;
	v14, v17, _ =	vpop (xrf1)  }
0xcc: {  	v33 =	vperm.xlane v20, v5;
	v21 =	vor.u32 v6, v32;
	vm0 =	vge.f32 v14, v23;
	v20, v29, _ =	vpop (xrf1)  }
0xcd: {  	v39 =	vperm.xlane v26, v5;
	vm1 =	vge.f32 v20, v22;
	v34 =	vsel vm0, v14, v23;
	v27, v24, _ =	vpop (xrf1)  }
0xce: {  	v23 =	vsel vm0, v17, v33;
	v26 =	vld [tilespmem:s17+$0xA0];
	v20 =	vsel vm1, v20, v22;
	(xrf1) =	vsort.dscd.msk.f32 $0xffff, v25, v28  }
.Ltmp0:
0xcf: {  	v25 =	vsel vm1, v29, v30;
	v29 =	vor.u32 v1, v32;
	v31 =	vld [tilespmem:s17+$0xB0];
	vm1 =	vge.f32 v20, v34;
	v30, v19, _ =	vpop (xrf1);
	(pc) =	sbr.rel @p0 .LBB2_2-.Ltmp0, $4  }
0xd0: {  	v35 =	vld [tilespmem:s17+$0x20];
	v40 =	vsel vm1, v20, v34;
	v42 =	vsel vm1, v25, v23;
	v17 =	vsel vm1, v34, v20;
	v22, v14, _ =	vpop (xrf1)  }
0xd1: {  	vm3 =	vge.f32 v30, v39;
	v34 =	vld [tilespmem:s17+$0x30];
	v20 =	vperm.xlane v14, v5;
	v14 =	vperm.xlane v41, v5;
	v36, v33, _ =	vpop (xrf1)  }
0xd2: {  	v22 =	vperm.xlane v22, v5;
	v19 =	vsel vm3, v19, v37;
	v32 =	vld [tilespmem:s17+$0xFFFFFFB0];
	vm2 =	vge.f32 v36, v15;
	v38, v37, _ =	vpop (xrf1)  }
0xd3: {  	v30 =	vsel vm3, v30, v39;
	s17 =	sadd.s32 $0x200, s17;
	v28 =	vld [tilespmem:s15+$0xFFFFFF30];
	vm0 =	vge.f32 v12, v14;
	(xrf1) =	vsort.dscd.msk.f32 $0xffff, v40, v42  }
0xd4: {  	_ =	sdelay $0x2  }
0xd5: {  	(xrf1) =	vsort.dscd.msk.f32 $0xffff, v31, v4  }
0xd6: {  	[tilespmem:v29+s8+$0x0] =	vst.idx.msk $0xffff, v27;
	v61 =	vperm.xlane v38, v5;
	(xrf1) =	vsort.dscd.msk.f32 $0xffff, v35, v3  }
0xd7: {  	v62 =	vperm.xlane v37, v5;
	v15 =	vsel vm2, v36, v15;
	(xrf1) =	vsort.dscd.msk.f32 $0xffff, v26, v3  }
0xd8: {  	v9 =	vperm.xlane v9, v5;
	[tilespmem:v21+s8+$0x0] =	vst.idx.msk $0xffff, v18;
	(xrf1) =	vsort.dscd.msk.f32 $0xffff, v34, v4  }
0xd9: {  	v63 =	vld [tilespmem:s15+$0xFFFFFF20];
	v35 =	vsel vm1, v23, v25;
	vm6 =	vge.f32 v15, v30;
	[tilespmem:v29+s9+$0x0] =	vst.idx.msk $0xffff, v24  }
0xda: {  	v36 =	vsel vm6, v15, v30;
	[tilespmem:v21+s9+$0x0] =	vst.idx.msk $0xffff, v16;
	(xrf1) =	vsort.dscd.msk.f32 $0xffff, v32, v4;
	v16, v21, _ =	vpop (xrf1)  }
0xdb: {  	v37 =	vsel vm6, v30, v15;
	v34 =	vsel vm2, v33, v13;
	(xrf1) =	vsort.dscd.msk.f32 $0xffff, v8, v3;
	v23, v25, _ =	vpop (xrf1)  }
0xdc: {  	s16 =	sadd.s32 $0x1, s14;
	vm7 =	vge.f32 v16, v61;
	v8 =	vsel vm6, v34, v19;
	vm3 =	vge.f32 v23, v22  }
0xdd: {  	v38 =	vmov s16;
	(xrf1) =	vsort.dscd.msk.f32 $0xffff, v28, v4;
	v16 =	vsel vm7, v16, v61;
	v22 =	vsel vm3, v23, v22  }
0xde: {  	v15 =	vand.u32 $0x7D, v38;
	v21 =	vsel vm7, v21, v62;
	(xrf1) =	vsort.dscd.msk.f32 $0xffff, v63, v3;
	vm2 =	vge.f32 v16, v22  }
0xdf: {  	v39 =	vld [tilespmem:s15+$0xFFFFFF90];
	v20 =	vsel vm3, v25, v20;
	v44 =	vsel vm2, v16, v22;
	v22 =	vsel vm2, v22, v16  }
0xe0: {  	v40 =	vld [tilespmem:s15+$0x10];
	(xrf1) =	vsort.dscd.msk.f32 $0xffff, v17, v35;
	v45 =	vsel vm2, v21, v20;
	v20 =	vsel vm2, v20, v21  }
0xe1: {  	v43 =	vld [tilespmem:s15+$0x90];
	v12 =	vsel vm0, v12, v14;
	v41 =	vbroadcast v15, $0x0;
	v42, v25, _ =	vpop (xrf1);
	(xrf1) =	vsort.dscd.msk.f32 $0xffff, v36, v8  }
0xe2: {  	v60 =	vperm.xlane v7, v5;
	v10 =	vsel vm0, v10, v9;
	v8 =	vld [tilespmem:s15+$0x0];
	(xrf1) =	vsort.dscd.msk.f32 $0xffff, v44, v45;
	v46, v15, _ =	vpop (xrf1)  }
0xe3: {  	v48 =	vsel vm6, v19, v34;
	v16 =	vor.u32 v1, v41;
	(xrf1) =	vsort.dscd.msk.f32 $0xffff, v22, v20;
	v20, v22, _ =	vpop (xrf1)  }
0xe4: {  	v47 =	vld [tilespmem:s15+$0xFFFFFF80];
	v13 =	vor.u32 v6, v41;
	vm8 =	vge.f32 v42, v11;
	(xrf1) =	vsort.dscd.msk.f32 $0xffff, v39, v2;
	v50, v49, _ =	vpop (xrf1)  }
0xe5: {  	v11 =	vsel vm8, v42, v11;
	v19 =	vsel vm8, v25, v60;
	(xrf1) =	vsort.dscd.msk.f32 $0xffff, v40, v2;
	v14, v51, _ =	vpop (xrf1)  }
0xe6: {  	vm10 =	vge.f32 v11, v12;
	v20 =	vperm.xlane v20, v5;
	(xrf1) =	vsort.dscd.msk.f32 $0xffff, v43, v2;
	v52, v53, _ =	vpop (xrf1)  }
0xe7: {  	v54 =	vld [tilespmem:s15+$0x80];
	v22 =	vperm.xlane v22, v5;
	(xrf1) =	vsort.dscd.msk.f32 $0xffff, v8, v0;
	v8 =	vperm.xlane v52, v5  }
0xe8: {  	[tilespmem:v16+s8+$0x0] =	vst.idx.msk $0xffff, v46;
	vm9 =	vge.f32 v14, v20;
	v55 =	vperm.xlane v53, v5  }
0xe9: {  	s26 =	sadd.s32 $0x3, s14;
	(xrf1) =	vsort.dscd.msk.f32 $0xffff, v47, v0;
	v41 =	vsel vm9, v22, v51;
	vm11 =	vge.f32 v50, v8  }
0xea: {  	v7 =	vmov s26;
	v57, v56, _ =	vpop (xrf1);
	(xrf1) =	vsort.dscd.msk.f32 $0xffff, v37, v48;
	v58 =	vsel vm11, v50, v8;
	v59 =	vsel vm11, v49, v55  }
0xeb: {  	v7 =	vand.u32 $0x7F, v7;
	v44 =	vsel vm9, v20, v14;
	v22 =	vsel vm9, v51, v22;
	v62, v61, _ =	vpop (xrf1);
	(xrf1) =	vsort.dscd.msk.f32 $0xffff, v58, v59  }
0xec: {  	v63 =	vld [tilespmem:s15+$0xFFFFFF10];
	v35 =	vbroadcast v7, $0x0;
	v51 =	vsel vm10, v19, v10;
	v10 =	vsel vm10, v10, v19;
	v43, v42, _ =	vpop (xrf1);
	(xrf1) =	vsort.dscd.msk.f32 $0xffff, v54, v0  }
0xed: {  	v14 =	vsel vm9, v14, v20;
	v26 =	vperm.xlane v57, v5;
	v7 =	vsel vm11, v8, v50  }
0xee: {  	v27 =	vperm.xlane v56, v5;
	v37 =	vor.u32 v1, v35;
	v17, v21, _ =	vpop (xrf1);
	v8 =	vsel vm11, v55, v49  }
0xef: {  	v46 =	vld [tilespmem:s15+$0xFFFFFF00];
	v35 =	vor.u32 v6, v35;
	vm4 =	vge.f32 v62, v26;
	v45, v24, _ =	vpop (xrf1);
	(xrf1) =	vsort.dscd.msk.f32 $0xffff, v44, v41  }
0xf0: {  	v23 =	vperm.xlane v43, v5;
	v47 =	vsel vm4, v62, v26;
	v48, v36, _ =	vpop (xrf1);
	(xrf1) =	vsort.dscd.msk.f32 $0xffff, v7, v8  }
0xf1: {  	v39 =	vsel vm4, v61, v27;
	v26 =	vsel vm4, v26, v62;
	v38, v7, _ =	vpop (xrf1);
	(xrf1) =	vsort.dscd.msk.f32 $0xffff, v63, v2  }
0xf2: {  	v27 =	vsel vm4, v27, v61;
	v54 =	vsel vm10, v12, v11;
	v9, v8, _ =	vpop (xrf1);
	(xrf1) =	vsort.dscd.msk.f32 $0xffff, v47, v39  }
0xf3: {  	v11 =	vsel vm10, v11, v12;
	[tilespmem:v13+s8+$0x0] =	vst.idx.msk $0xffff, v45;
	v50, v49, _ =	vpop (xrf1);
	(xrf1) =	vsort.dscd.msk.f32 $0xffff, v26, v27  }
0xf4: {  	vm15 =	vge.f32 v17, v23;
	[tilespmem:v37+s8+$0x0] =	vst.idx.msk $0xffff, v48;
	v52, v53, _ =	vpop (xrf1);
	(xrf1) =	vsort.dscd.msk.f32 $0xffff, v46, v0  }
0xf5: {  	[tilespmem:v16+s9+$0x0] =	vst.idx.msk $0xffff, v15;
	v26 =	vperm.xlane v42, v5;
	v57 =	vperm.xlane v50, v5;
	v56, v55, _ =	vpop (xrf1)  }
0xf6: {  	[tilespmem:v13+s9+$0x0] =	vst.idx.msk $0xffff, v24;
	v28 =	vperm.xlane v49, v5;
	v25 =	vperm.xlane v52, v5;
	v29, v32, _ =	vpop (xrf1)  }
0xf7: {  	v31 =	vperm.xlane v53, v5;
	(xrf1) =	vsort.dscd.msk.f32 $0xffff, v14, v22;
	v20 =	vperm.xlane v56, v5;
	v58, v59, _ =	vpop (xrf1)  }
0xf8: {  	(xrf1) =	vsort.dscd.msk.f32 $0xffff, v54, v10;
	v30 =	vperm.xlane v55, v5;
	vm13 =	vge.f32 v29, v25;
	v33, v40, _ =	vpop (xrf1)  }
0xf9: {  	vm12 =	vge.f32 v58, v57;
	v61 =	vsel vm13, v25, v29;
	v62 =	vsel vm13, v31, v32;
	v19, v10, _ =	vpop (xrf1)  }
0xfa: {  	v60 =	vsel vm12, v58, v57;
	v12 =	vsel vm12, v57, v58;
	v41 =	vsel vm12, v59, v28;
	v14, v22, _ =	vpop (xrf1)  }
0xfb: {  	v28 =	vsel vm12, v28, v59;
	(xrf1) =	vsort.dscd.msk.f32 $0xffff, v61, v62;
	vm14 =	vge.f32 v14, v20  }
0xfc: {  	(xrf1) =	vsort.dscd.msk.f32 $0xffff, v12, v28;
	v46 =	vsel vm14, v22, v30;
	v22 =	vsel vm14, v30, v22  }
0xfd: {  	v45, v44, _ =	vpop (xrf1);
	(xrf1) =	vsort.dscd.msk.f32 $0xffff, v60, v41;
	v63 =	vsel vm14, v14, v20;
	v14 =	vsel vm14, v20, v14  }
0xfe: {  	v47 =	vsel vm15, v21, v26;
	v21 =	vsel vm15, v26, v21;
	[tilespmem:v35+s8+$0x0] =	vst.idx.msk $0xffff, v33;
	v20, v39, _ =	vpop (xrf1)  }
0xff: {  	v50 =	vmov s14;
	[tilespmem:v37+s9+$0x0] =	vst.idx.msk $0xffff, v36;
	v61 =	vsel vm13, v29, v25;
	(xrf1) =	vsort.dscd.msk.f32 $0xffff, v11, v51;
	v49, v48, _ =	vpop (xrf1)  }
0x100: {  	v62 =	vsel vm13, v32, v31;
	v41 =	vand.u32 $0x7C, v50;
	v51 =	vsel vm15, v17, v23;
	(xrf1) =	vsort.dscd.msk.f32 $0xffff, v14, v22;
	v14, v22, _ =	vpop (xrf1)  }
0x101: {  	s28 =	sadd.s32 $0x2, s14;
	[tilespmem:v35+s9+$0x0] =	vst.idx.msk $0xffff, v40;
	v55 =	vbroadcast v41, $0x0;
	v52 =	vperm.xlane v49, v5;
	(xrf1) =	vsort.dscd.msk.f32 $0xffff, v51, v47;
	v53, v54, _ =	vpop (xrf1)  }
0x102: {  	v37 =	vmov s28;
	v17 =	vsel vm15, v23, v17;
	v56 =	vperm.xlane v48, v5;
	(xrf1) =	vsort.dscd.msk.f32 $0xffff, v63, v46;
	v58, v57, _ =	vpop (xrf1)  }
0x103: {  	v15 =	vor.u32 v1, v55;
	v23 =	vor.u32 v6, v55;
	vm4 =	vge.f32 v58, v52  }
0x104: {  	v40 =	vand.u32 $0x7E, v37;
	(xrf1) =	vsort.dscd.msk.f32 $0xffff, v17, v21;
	v59 =	vsel vm4, v58, v52;
	v60 =	vsel vm4, v57, v56  }
0x105: {  	v13 =	vbroadcast v40, $0x0;
	v11 =	vsel vm4, v52, v58;
	v12 =	vsel vm4, v56, v57;
	(xrf1) =	vsort.dscd.msk.f32 $0xffff, v59, v60  }
0x106: {  	v19 =	vperm.xlane v19, v5;
	v10 =	vperm.xlane v10, v5;
	(xrf1) =	vsort.dscd.msk.f32 $0xffff, v11, v12  }
0x107: {  	v18 =	vperm.xlane v45, v5;
	v50 =	vor.u32 v1, v13;
	v40 =	vor.u32 v6, v13;
	v16, v17, _ =	vpop (xrf1)  }
0x108: {  	v63 =	vperm.xlane v44, v5;
	v14 =	vperm.xlane v14, v5;
	[tilespmem:v15+s8+$0x0] =	vst.idx.msk $0xffff, v38;
	v28, v29, _ =	vpop (xrf1)  }
0x109: {  	v22 =	vperm.xlane v22, v5;
	v41 =	vperm.xlane v53, v5;
	[tilespmem:v23+s8+$0x0] =	vst.idx.msk $0xffff, v9;
	v25, v26, _ =	vpop (xrf1)  }
0x10a: {  	v27 =	vperm.xlane v54, v5;
	v38 =	vperm.xlane v20, v5;
	[tilespmem:v15+s9+$0x0] =	vst.idx.msk $0xffff, v7;
	v42, v43, _ =	vpop (xrf1)  }
0x10b: {  	v17 =	vperm.xlane v17, v5;
	v16 =	vperm.xlane v16, v5;
	[tilespmem:v23+s9+$0x0] =	vst.idx.msk $0xffff, v8;
	v45, v44, _ =	vpop (xrf1)  }
0x10c: {  	v8 =	vperm.xlane v39, v5;
	vm5 =	vge.f32 v42, v14;
	vm6 =	vge.f32 v45, v41  }
0x10d: {  	(xrf1) =	vsort.dscd.msk.f32 $0xffff, v61, v62;
	v14 =	vsel vm5, v42, v14;
	v46, v34, _ =	vpop (xrf1);
	v24 =	vsel vm6, v45, v41  }
0x10e: {  	v22 =	vsel vm5, v43, v22;
	v47 =	vsel vm6, v44, v27;
	v48, v49, _ =	vpop (xrf1);
	vm7 =	vge.f32 v24, v14  }
0x10f: {  	vm8 =	vge.f32 v48, v16;
	v32 =	vsel vm7, v24, v14;
	v33 =	vsel vm7, v47, v22;
	v52, v51, _ =	vpop (xrf1)  }
0x110: {  	v14 =	vsel vm7, v14, v24;
	v17 =	vsel vm8, v49, v17;
	v12 =	vsel vm8, v48, v16;
	v36, v37, _ =	vpop (xrf1)  }
0x111: {  	v11 =	vsel vm7, v22, v47;
	(xrf1) =	vsort.dscd.msk.f32 $0xffff, v32, v33;
	vm9 =	vge.f32 v36, v18  }
0x112: {  	v35 =	vperm.xlane v51, v5;
	v24 =	vperm.xlane v52, v5;
	v54, v53, _ =	vpop (xrf1);
	v18 =	vsel vm9, v36, v18  }
0x113: {  	v55 =	vperm.xlane v54, v5;
	v21 =	vsel vm9, v37, v63;
	vm10 =	vge.f32 v18, v12;
	v32, v33, _ =	vpop (xrf1)  }
0x114: {  	(xrf1) =	vsort.dscd.msk.f32 $0xffff, v14, v11;
	v56 =	vperm.xlane v53, v5;
	v37 =	vsel vm10, v21, v17;
	v58, v57, _ =	vpop (xrf1)  }
0x115: {  	v59 =	vsel vm10, v18, v12;
	vm11 =	vge.f32 v32, v55;
	vm12 =	vge.f32 v58, v24  }
0x116: {  	(xrf1) =	vsort.dscd.msk.f32 $0xffff, v59, v37;
	v16 =	vsel vm11, v32, v55;
	v22 =	vsel vm12, v58, v24  }
0x117: {  	v27 =	vsel vm11, v33, v56;
	v60 =	vsel vm12, v57, v35;
	vm1 =	vge.f32 v16, v22  }
0x118: {  	vm13 =	vge.f32 v25, v19;
	v61 =	vsel vm1, v16, v22;
	v62 =	vsel vm1, v27, v60  }
0x119: {  	v16 =	vsel vm1, v22, v16;
	v33 =	vsel vm1, v60, v27;
	(xrf1) =	vsort.dscd.msk.f32 $0xffff, v61, v62  }
0x11a: {  	s29 =	sadd.s32 $0x1, s13;
	s30 =	sadd.s32 $0x3, s13;
	v12 =	vsel vm10, v12, v18;
	v36 =	vsel vm10, v17, v21;
	(xrf1) =	vsort.dscd.msk.f32 $0xffff, v16, v33  }
0x11b: {  	v10 =	vsel vm13, v26, v10;
	v43 =	vmov s30;
	v63 =	vmov s29;
	v42, v41, _ =	vpop (xrf1);
	(xrf1) =	vsort.dscd.msk.f32 $0xffff, v12, v36  }
0x11c: {  	v15 =	vand.u32 $0x7F, v43;
	v35 =	vand.u32 $0x7D, v63;
	vm14 =	vge.f32 v42, v38  }
0x11d: {  	v44 =	vsel vm13, v25, v19;
	v37 =	vbroadcast v35, $0x0;
	v11 =	vsel vm14, v42, v38  }
0x11e: {  	v45 =	vbroadcast v15, $0x0;
	v8 =	vsel vm14, v41, v8;
	vm15 =	vge.f32 v11, v44  }
0x11f: {  	v7 =	vor.u32 v1, v37;
	v47 =	vsel vm15, v10, v8;
	v8 =	vsel vm15, v8, v10  }
0x120: {  	[tilespmem:v50+s8+$0x0] =	vst.idx.msk $0xffff, v46;
	v46 =	vor.u32 v1, v45;
	v48 =	vsel vm15, v44, v11  }
0x121: {  	v49 =	vsel vm15, v11, v44;
	(xrf1) =	vsort.dscd.msk.f32 $0xffff, v48, v47  }
0x122: {  	[tilespmem:v40+s8+$0x0] =	vst.idx.msk $0xffff, v28;
	(xrf1) =	vsort.dscd.msk.f32 $0xffff, v49, v8;
	v8, v10, _ =	vpop (xrf1)  }
0x123: {  	[tilespmem:v50+s9+$0x0] =	vst.idx.msk $0xffff, v34;
	v52 =	vmov s13;
	v9 =	vor.u32 v6, v37;
	v50, v51, _ =	vpop (xrf1)  }
0x124: {  	v15 =	vand.u32 $0x7C, v52;
	[tilespmem:v7+s8+$0x0] =	vst.idx.msk $0xffff, v8;
	v8, v53, _ =	vpop (xrf1)  }
0x125: {  	v13 =	vor.u32 v6, v45;
	[tilespmem:v46+s8+$0x0] =	vst.idx.msk $0xffff, v8;
	v8 =	vbroadcast v15, $0x0;
	_ =	sdelay $0x1  }
0x126: {  	[tilespmem:v40+s9+$0x0] =	vst.idx.msk $0xffff, v29;
	v58 =	vor.u32 v1, v8;
	v55, v54, _ =	vpop (xrf1)  }
0x127: {  	s31 =	sadd.s32 $0x2, s13;
	[tilespmem:v9+s8+$0x0] =	vst.idx.msk $0xffff, v50;
	v57, v56, _ =	vpop (xrf1)  }
0x128: {  	v59 =	vmov s31;
	[tilespmem:v7+s9+$0x0] =	vst.idx.msk $0xffff, v10;
	v7, v10, _ =	vpop (xrf1)  }
0x129: {  	[tilespmem:v13+s8+$0x0] =	vst.idx.msk $0xffff, v7;
	v7 =	vor.u32 v6, v8;
	v8 =	vand.u32 $0x7E, v59  }
0x12a: {  	[tilespmem:v9+s9+$0x0] =	vst.idx.msk $0xffff, v51;
	v8 =	vbroadcast v8, $0x0  }
0x12b: {  	[tilespmem:v58+s8+$0x0] =	vst.idx.msk $0xffff, v55  }
0x12c: {  	[tilespmem:v46+s9+$0x0] =	vst.idx.msk $0xffff, v53;
	v60 =	vor.u32 v1, v8  }
0x12d: {  	[tilespmem:v13+s9+$0x0] =	vst.idx.msk $0xffff, v10;
	v8 =	vor.u32 v6, v8  }
0x12e: {  	[tilespmem:v7+s8+$0x0] =	vst.idx.msk $0xffff, v57  }
0x12f: {  	v61, v62, _ =	vpop (xrf1);
	[tilespmem:v58+s9+$0x0] =	vst.idx.msk $0xffff, v54  }
0x130: {  	[tilespmem:v7+s9+$0x0] =	vst.idx.msk $0xffff, v56;
	v7, v63, _ =	vpop (xrf1)  }
0x131: {  	[tilespmem:v60+s8+$0x0] =	vst.idx.msk $0xffff, v7  }
0x132: {  	[tilespmem:v8+s8+$0x0] =	vst.idx.msk $0xffff, v61  }
0x133: {  	[tilespmem:v60+s9+$0x0] =	vst.idx.msk $0xffff, v63  }
0x134: {  	[tilespmem:v8+s9+$0x0] =	vst.idx.msk $0xffff, v62  }
0x135: {  	[hbm4b:s4+s10] =	stream.strided.scatter [tilespmem:s9], [sflag:$0x1], $0x1000, s11, s10, $0x38;
	[tilespmem:$0x6000] =	vst v63  }
0x136: {  	s12 =	sadd.s32 $0x1, s12;
	_ =	swait.ge [sflag:s7], $0x1000  }
0x137: {  	p0 =	sne.s32 s12, s6;
	[sflag:s7] =	ssyncset.done $0x0  }
.Ltmp1:
0x138: {  	[sflag:s7] =	ssyncadd.s32 $0xFFFFF000;
	(pc) =	sbr.rel @p0 .LBB2_1-.Ltmp1, $4  }
0x139: {  	[hbm4b:s5+s10] =	stream.strided.scatter [tilespmem:s8], [sflag:$0x1], $0x1000, s11, s10, $0x38;
	[tilespmem:$0x6000] =	vst v63  }
0x13a: {  	_ =	swait.ge [sflag:s7], $0x1000  }
0x13b: {  	[sflag:s7] =	ssyncset.done $0x0  }
0x13c: {  	[sflag:s7] =	ssyncadd.s32 $0xFFFFF000  }
0x13d: {  	_ =	sfence.sel $0x180000  }
0x13e: {  	[bflag:$0x0] =	sbarrier.arrive $0xFFFF  }
0x13f: {  	p0 =	sne.s32 s1, $0x0;
	_ =	strace $0x9000004D  }
0x140: {  	s0 =	sadd.s32 @!p0 $0x100000, s0;
	[bflag:$0x2] =	sbarrier.arrive $0xFFFF  }
0x141: {  	[sflag:s0] =	ssyncadd.tile.s32 @!p0 $0x1;
	_ =	shalt  }
.Lfunc_end2:
_tile_overlayer_lowered:
.L_overlay_start_2:
0x142: {  	(tag) =	ssettag $0x2  }
0x143: {  	s0 =	rddreg [dreg:$0x0];
	s2 =	stileid.u32  }
0x144: {  	s1 =	rddreg [dreg:$0x1];
	p0 =	sne.s32 s2, $0x0  }
0x145: {  	s3 =	rddreg [dreg:$0x2];
	[bflag:$0x3] =	sbarrier.arrive $0xFFFF;
	s2 =	simm.s32 @!p0 $0x1C01  }
0x146: {  	[timem:s3], [sflag:s2] =	dma.local @!p0 [hbm:s0], s1  }
0x147: {  	s0 =	simm.s32 @!p0 $0x1  }
0x148: {  	_ =	swait.ge @!p0 [sflag:s0], s1  }
0x149: {  	s1 =	ssub.s32 @!p0 $0x0, s1;
	[sflag:s0] =	ssyncset.done @!p0 $0x0  }
0x14a: {  	[sflag:s0] =	ssyncadd.s32 @!p0 s1  }
0x14b: {  	[bflag:$0x3] =	sbarrier.arrive $0xFFFF  }
0x14c: {  	_ =	shalt  }

// kernel: kernel.19.cloned.1.call-start
scs
__scs_entry_jumppad:
0x0: {  	(pc) =	sbr.rel $0x88, $3  }
0x1: {  	(tag) =	ssettag $0x0;
	lr =	simm.s32 $0x1  }
0x2: {  	[smem:$0x3F9F] =	sst lr;
	_ =	strace $0xD0000000  }
0x3: {  	_ = 	snop  }
0x4: {  	_ = 	snop  }
0x5: {  	_ = 	snop  }
0x6: {  	_ = 	snop  }
0x7: {  	_ = 	snop  }
__scs_overlays_trampoline_lowered:
0x8: {  	[smem:$0x3FAE] =	sst s0  }
0x9: {  	[smem:$0x3FAF] =	sst s1  }
0xa: {  	[smem:$0x3FB0] =	sst s2  }
0xb: {  	[smem:$0x3FB1] =	sst s3  }
0xc: {  	[smem:$0x3FB2] =	sst s4  }
0xd: {  	[smem:$0x3FB3] =	sst s5  }
0xe: {  	[smem:$0x3FB4] =	sst s6  }
0xf: {  	[smem:$0x3FB5] =	sst s7  }
0x10: {  	[smem:$0x3FB6] =	sst s8  }
0x11: {  	[smem:$0x3FB7] =	sst s9;
	s0 =	simm.s32 @!p0 $0x0  }
0x12: {  	s1 =	sld [smem:$0x3F9D];
	s0 =	simm.s32 @p0 $0x1  }
0x13: {  	[smem:$0x3FB8] =	sst s0;
	s0 =	simm.s32 @!p1 $0x0  }
0x14: {  	s2 =	sld [smem:$0x3F9C];
	s0 =	simm.s32 @p1 $0x1  }
0x15: {  	[smem:$0x3FB9] =	sst s0;
	s0 =	simm.s32 @!p2 $0x0  }
0x16: {  	s3 =	sld [smem:$0x3FDB];
	s0 =	simm.s32 @p2 $0x1  }
0x17: {  	s4 =	simm.s32 $0x1BF5;
	[smem:$0x3FBB] =	sst s0  }
0x18: {  	s0 =	sld [smem:$0x3F9E];
	_ =	swait.ge [sflag:s4], $0x0  }
0x19: {  	s7 =	sld [smem:$0x3F9F]  }
0x1a: {  	s8 =	sadd.s32 $0xFFFFE003, lr  }
0x1b: {  	s9 =	sadd.s32 $0xFFFFFEF7, lr;
	s5 =	simm.s32 $0xFFFFFFFF;
	p2 =	slt.u32 s8, $0xFFFFF086  }
0x1c: {  	p1 =	slt.u32 s9, $0xF7A;
	s5 =	simm.s32 @!p2 $0x0  }
0x1d: {  	s5 =	simm.s32 @p1 $0x1;
	p0 =	seq.s32 s7, s2  }
0x1e: {  	s7 =	smul.u32 @!p0 $0xF7A, s2;
	p2 =	seq.s32 @!p0 s5, $0x0  }
0x1f: {  	s9 =	smul.u32 $0xF7A, s1;
	s8 =	simm.s32 @!p0 $0x1BF5;
	p2 =	por !p2, p0  }
0x20: {  	[sflag:s8] =	ssyncset.s32 @!p0 $0xFFFFF086;
	s6 =	sadd.s32 @!p0 s3, s7;
	s7 =	simm.s32 @!p0 $0x108  }
0x21: {  	s3 =	sadd.s32 s3, s9;
	s6 =	sadd.s32 @!p0 $0x88, s6;
	s7 =	simm.s32 @p2 $0x1082  }
0x22: {  	[simem:s7], [sflag:s8] =	dma.local @!p0 [hbm:s6], $0xF7A  }
0x23: {  	s9 =	sor.u32 $0xD0000000, s2;
	s6 =	simm.s32 $0x108;
	_ =	swait.ge @!p0 [sflag:s8], $0x0  }
0x24: {  	s3 =	sadd.s32 $0x88, s3;
	s6 =	simm.s32 @!p1 $0x1082;
	[sflag:s4] =	ssyncset.s32 $0xFFFFF086  }
0x25: {  	[simem:s6], [sflag:s4] =	dma.local [hbm:s3], $0xF7A  }
0x26: {  	[smem:$0x3F9F] =	sst s1;
	(tag) =	ssettag s2;
	_ =	strace s9  }
0x27: {  	s1 =	sld [smem:$0x3FAF]  }
0x28: {  	s2 =	sld [smem:$0x3FB0]  }
0x29: {  	s4 =	sld [smem:$0x3FB2]  }
0x2a: {  	p0 =	seq.s32 s5, $0x0;
	s5 =	sld [smem:$0x3FB3]  }
0x2b: {  	s6 =	sld [smem:$0x3FB4]  }
0x2c: {  	s7 =	sld [smem:$0x3FB5]  }
0x2d: {  	s3 =	simm.s32 $0x108;
	s8 =	sld [smem:$0x3FB6]  }
0x2e: {  	s3 =	simm.s32 @!p0 $0x1082;
	s9 =	sld [smem:$0x3FB7]  }
0x2f: {  	lr =	sadd.s32 s0, s3;
	s0 =	sld [smem:$0x3FAE]  }
0x30: {  	s3 =	sld [smem:$0x3FB1]  }
0x31: {  	[smem:$0x3FBA] =	sst s10  }
0x32: {  	s10 =	sld [smem:$0x3FB8];
	_ =	sdelay $0x3  }
0x33: {  	p0 =	seq.s32 s10, $0x1;
	s10 =	sld [smem:$0x3FBA];
	_ =	sdelay $0x3  }
0x34: {  	[smem:$0x3FBA] =	sst s10  }
0x35: {  	s10 =	sld [smem:$0x3FB9];
	_ =	sdelay $0x3  }
0x36: {  	p1 =	seq.s32 s10, $0x1;
	s10 =	sld [smem:$0x3FBA];
	_ =	sdelay $0x3  }
0x37: {  	[smem:$0x3FBA] =	sst s10  }
0x38: {  	s10 =	sld [smem:$0x3FBB]  }
0x39: {  	_ = 	snop;
	(pc) =	sbr.ind lr, $3  }
0x3a: {  	_ = 	snop  }
0x3b: {  	_ = 	snop  }
0x3c: {  	p2 =	seq.s32 s10, $0x1;
	s10 =	sld [smem:$0x3FBA]  }
0x3d: {  	_ =	shalt  }
0x3e: {  	_ =	shalt  }
0x3f: {  	_ =	shalt  }
0x40: {  	_ =	shalt  }
0x41: {  	_ =	shalt  }
0x42: {  	_ =	shalt  }
0x43: {  	_ =	shalt  }
0x44: {  	_ =	shalt  }
0x45: {  	_ =	shalt  }
0x46: {  	_ =	shalt  }
0x47: {  	_ =	shalt  }
0x48: {  	_ =	shalt  }
0x49: {  	_ =	shalt  }
0x4a: {  	_ =	shalt  }
0x4b: {  	_ =	shalt  }
0x4c: {  	_ =	shalt  }
0x4d: {  	_ =	shalt  }
0x4e: {  	_ =	shalt  }
0x4f: {  	_ =	shalt  }
0x50: {  	_ =	shalt  }
0x51: {  	_ =	shalt  }
0x52: {  	_ =	shalt  }
0x53: {  	_ =	shalt  }
0x54: {  	_ =	shalt  }
0x55: {  	_ =	shalt  }
0x56: {  	_ =	shalt  }
0x57: {  	_ =	shalt  }
0x58: {  	_ =	shalt  }
0x59: {  	_ =	shalt  }
0x5a: {  	_ =	shalt  }
0x5b: {  	_ =	shalt  }
0x5c: {  	_ =	shalt  }
0x5d: {  	_ =	shalt  }
0x5e: {  	_ =	shalt  }
0x5f: {  	_ =	shalt  }
0x60: {  	_ =	shalt  }
0x61: {  	_ =	shalt  }
0x62: {  	_ =	shalt  }
0x63: {  	_ =	shalt  }
0x64: {  	_ =	shalt  }
0x65: {  	_ =	shalt  }
0x66: {  	_ =	shalt  }
0x67: {  	_ =	shalt  }
0x68: {  	_ =	shalt  }
0x69: {  	_ =	shalt  }
0x6a: {  	_ =	shalt  }
0x6b: {  	_ =	shalt  }
0x6c: {  	_ =	shalt  }
0x6d: {  	_ =	shalt  }
0x6e: {  	_ =	shalt  }
0x6f: {  	_ =	shalt  }
0x70: {  	_ =	shalt  }
0x71: {  	_ =	shalt  }
0x72: {  	_ =	shalt  }
0x73: {  	_ =	shalt  }
0x74: {  	_ =	shalt  }
0x75: {  	_ =	shalt  }
0x76: {  	_ =	shalt  }
0x77: {  	_ =	shalt  }
0x78: {  	_ =	shalt  }
0x79: {  	_ =	shalt  }
0x7a: {  	_ =	shalt  }
0x7b: {  	_ =	shalt  }
0x7c: {  	_ =	shalt  }
0x7d: {  	_ =	shalt  }
0x7e: {  	_ =	shalt  }
0x7f: {  	_ =	shalt  }
0x80: {  	_ =	shalt  }
0x81: {  	_ =	shalt  }
0x82: {  	_ =	shalt  }
0x83: {  	_ =	shalt  }
0x84: {  	_ =	shalt  }
0x85: {  	_ =	shalt  }
0x86: {  	_ =	shalt  }
0x87: {  	_ =	shalt  }
.Lfunc_end0:
.L_simem_size_0:
called_computation.3_lowered:
.L_overlay_start_0:
0x88: {  	s2 =	sld [smem:$0x3FD9]  }
0x89: {  	s3 =	sld [smem:$0x3FFE];
	_ =	sdelay $0x1  }
0x8a: {  	s1 =	srdreg.scid  }
0x8b: {  	s0 =	sand.u32 $0x1, s1  }
0x8c: {  	s14 =	sshll.u32 s0, $0xA;
	s2 =	sadd.s32 s3, s2  }
0x8d: {  	s2 =	sadd.s32 s2, s14  }
0x8e: {  	[smem:$0x3FC6] =	sst s2  }
0x8f: {  	_ = 	snop  }
0x90: {  	s2 =	sld [smem:$0x3FD0];
	_ =	sdelay $0x2  }
0x91: {  	s15 =	simm.s32 $0xA;
	s4 =	simm.s32 $0x10  }
0x92: {  	[smem:s4], [sflag:s15] =	dma.local [hbm:s2], $0x1  }
0x93: {  	_ =	swait.eq [sflag:s15], $0x1  }
0x94: {  	[sflag:s15] =	ssyncset.done $0x0  }
0x95: {  	s16 =	sld [smem:$0x10];
	[sflag:s15] =	ssyncadd.s32 $0xFFFFFFFF  }
0x96: {  	s17 =	sld [smem:$0x11];
	(tm) =	ssettm $0x1  }
0x97: {  	s18 =	sld [smem:$0x3FFB];
	_ =	sdelay $0x3  }
0x98: {  	_ =	strace s18  }
0x99: {  	s4 =	sld [smem:$0x3FFC];
	_ =	sdelay $0x3  }
0x9a: {  	_ =	strace s4  }
0x9b: {  	s4 =	sld [smem:$0x3FFD];
	_ =	sdelay $0x3  }
0x9c: {  	_ =	strace s4  }
0x9d: {  	_ =	strace $0x8FFFFFFF  }
0x9e: {  	s19 =	sld [smem:$0x3FDB];
	_ =	sdelay $0x1  }
0x9f: {  	s5 =	simm.s32 $_scs_section_size  }
0xa0: {  	s6 =	simm.s32 $_size__tile_overlayer_lowered;
	s7 =	simm.s32 $_tile_overlayer_lowered  }
0xa1: {  	s22 =	simm.s32 $0x1BFF;
	s21 =	sshll.u32 s7, $0x1;
	s4 =	sadd.s32 s5, s19  }
0xa2: {  	s8 =	simm.s32 $0x0;
	s20 =	sshll.u32 s6, $0x1;
	s6 =	sadd.s32 s21, s4  }
0xa3: {  	[timem:s8], [sflag:s22] =	dma.local [hbm:s6], s20  }
0xa4: {  	_ =	swait.ge [sflag:s22], s20  }
0xa5: {  	s5 =	ssub.s32 $0x0, s20;
	[sflag:s22] =	ssyncset.done $0x0  }
0xa6: {  	[sflag:s22] =	ssyncadd.s32 s5;
	_ =	sdelay $0x1  }
0xa7: {  	s23 =	simm.s32 $0x1B8B  }
0xa8: {  	_ =	swait.ge [sflag:s23], $0x1  }
0xa9: {  	[sflag:s23] =	ssyncset.done $0x0  }
0xaa: {  	s25 =	simm.s32 $0x1B8E;
	s24 =	sld [smem:$0x3FFE];
	[sflag:s23] =	ssyncadd.s32 $0xFFFFFFFF  }
0xab: {  	s26 =	simm.s32 $execute0_lowered;
	[smem:$0x3FD2] =	sst s25  }
0xac: {  	s6 =	sshll.u32 s26, $0x1;
	_ =	strace $0x8000004F;
	[dreg:$0x1] =	wrdreg $0xFFFFFFFF  }
0xad: {  	s28 =	simm.s32 $_size_execute0_lowered;
	s4 =	sadd.s32 s4, s6;
	[dreg:$0x0] =	wrdreg $0x0  }
0xae: {  	s6 =	sshll.u32 s28, $0x1;
	[dreg:$0x2] =	wrdreg s4  }
0xaf: {  	[dreg:$0x3] =	wrdreg s6  }
0xb0: {  	[dreg:$0x4] =	wrdreg $0xC0  }
0xb1: {  	_ =	task [dreg:s8], $0x5FFFF  }
0xb2: {  	[dreg:$0x1] =	wrdreg $0xFFFFFFFF  }
0xb3: {  	[dreg:$0x0] =	wrdreg $0x60  }
0xb4: {  	[dreg:$0x2] =	wrdreg s24  }
0xb5: {  	[dreg:$0x3] =	wrdreg s16  }
0xb6: {  	[dreg:$0x4] =	wrdreg s17  }
0xb7: {  	[dreg:$0x5] =	wrdreg $0x9  }
0xb8: {  	_ =	task.clear_ibuf [dreg:s8], $0x6FFFF;
	_ =	strace $0x9000004F  }
0xb9: {  	s29 =	simm.s32 $0x9;
	_ =	strace $0x80000051  }
0xba: {  	_ =	swait.ge [sflag:s29], $0x1  }
0xbb: {  	[sflag:s29] =	ssyncadd.s32 $0xFFFFFFFF  }
0xbc: {  	_ =	strace $0x90000051  }
0xbd: {  	_ =	sfence  }
0xbe: {  	s30 =	sld [smem:$0x0];
	_ =	sdelay $0x2  }
0xbf: {  	s31 =	sshll.u32 s1, $0xD;
	s1 =	sshrl.u32 s1, $0x2  }
0xc0: {  	s3 =	sand.u32 $0x4000, s31;
	s1 =	sadd.s32 s1, s30  }
0xc1: {  	s0 =	sor.u32 s3, s0;
	s1 =	sshll.u32 s1, $0x11  }
0xc2: {  	s0 =	sor.u32 s1, s0  }
0xc3: {  	s0 =	sadd.s32 $0x8F2B, s0  }
0xc4: {  	[sflag:s0] =	ssyncadd.remote.s32 $0x1  }
0xc5: {  	_ =	sfence.sel $0xFFFF  }
0xc6: {  	[dreg:$0x0] =	wrdreg $0xFFFFFFFF;
	(pc) =	sbr.abs _section_cstart, $3  }
0xc7: {  	[dreg:$0x1] =	wrdreg $0xFFFFFFFF  }
0xc8: {  	_ =	task.clear_ibuf [dreg:s8], $0x2FFFF;
	_ =	strace $0x9FFFFFFF  }
0xc9: {  	(tm) =	ssettm $0x7FFFFFFF  }
tec
execute0_lowered:
.L_overlay_start_1:
0x0: {  	(tag) =	ssettag $0x1  }
0x1: {  	s3 =	rddreg [dreg:$0x0]  }
0x2: {  	s1 =	srdreg.scid;
	s4 =	rddreg [dreg:$0x1]  }
0x3: {  	s0 =	stileid.u32;
	s6 =	rddreg [dreg:$0x2]  }
0x4: {  	s2 =	simm.s32 $0x0;
	s9 =	simm.s32 $0x4000;
	s10 =	simm.s32 $0x400  }
0x5: {  	s11 =	simm.s32 $0x20000;
	s12 =	simm.s32 $0x0;
	s5 =	sand.u32 $0x1, s1  }
0x6: {  	s7 =	sshll.u32 s0, $0x8;
	s1 =	rddreg [dreg:$0x3];
	s8 =	sshll.u32 s5, $0x7  }
0x7: {  	[smem:$0x7FF] =	sst s2;
	s5 =	ssub.s32 $0x2, s5;
	s7 =	sor.u32 s8, s7  }
0x8: {  	v0 =	vlaneseq.u32;
	_ =	strace $0x80000050;
	s30 =	sshrl.u32 s5, $0x1;
	s8 =	sshll.u32 s7, $0x4  }
0x9: {  	v5 =	vmul.u32 $0xFFFFFFFF, v0;
	v1 =	vmul.u32 $0x80, v0;
	s31 =	sor.u32 $0x3000, s7;
	s7 =	simm.s32 $0x1;
	s3 =	sadd.s32 s8, s3  }
0xa: {  	v2 =	vor.u32 $0x10, v0;
	v3 =	vor.u32 $0x20, v0;
	s8 =	ssub.s32 s5, s30;
	s4 =	sadd.s32 s4, s31;
	s5 =	sadd.s32 s6, s31  }
0xb: {  	v4 =	vor.u32 $0x30, v0;
	v5 =	vadd.s32 $0xF, v5;
	v6 =	vor.u32 $0x800, v1;
	s3 =	sadd.s32 $0x3200, s3;
	s6 =	smax.u32 s8, $0x1;
	s8 =	simm.s32 $0x5000  }
.LBB2_1:
0xc: {  	[tilespmem:s2], [sflag:$0x1] =	stream.linear.gather [hbm4b:s3+s2], $0x4000, $0x38;
	[tilespmem:$0x6000] =	vst v63  }
0xd: {  	_ =	swait.ge [sflag:s7], $0x4000  }
0xe: {  	[sflag:s7] =	ssyncset.done $0x0  }
0xf: {  	s13 =	simm.s32 $0x100;
	[sflag:s7] =	ssyncadd.s32 $0xFFFFC000  }
0x10: {  	v7 =	vld [tilespmem:s13+$0xB0]  }
0x11: {  	v8 =	vld [tilespmem:s13+$0x20]  }
0x12: {  	v9 =	vld [tilespmem:s13+$0xA0]  }
0x13: {  	v10 =	vld [tilespmem:s13+$0x30];
	_ =	sdelay $0x1  }
0x14: {  	(xrf1) =	vsort.dscd.msk.f32 $0xffff, v7, v4  }
0x15: {  	(xrf1) =	vsort.dscd.msk.f32 $0xffff, v8, v3  }
0x16: {  	(xrf1) =	vsort.dscd.msk.f32 $0xffff, v9, v3  }
0x17: {  	(xrf1) =	vsort.dscd.msk.f32 $0xffff, v10, v4  }
0x18: {  	v7 =	vld [tilespmem:s13+$0xFFFFFFB0];
	_ =	sdelay $0x1  }
0x19: {  	v8 =	vld [tilespmem:s13+$0xFFFFFFA0]  }
0x1a: {  	v9 =	vld [tilespmem:s13+$0xFFFFFF30]  }
0x1b: {  	v10 =	vld [tilespmem:s13+$0xFFFFFF20]  }
0x1c: {  	(xrf1) =	vsort.dscd.msk.f32 $0xffff, v7, v4;
	v7 =	vld [tilespmem:s13+$0xFFFFFF90]  }
0x1d: {  	v11 =	vld [tilespmem:s13+$0x10]  }
0x1e: {  	(xrf1) =	vsort.dscd.msk.f32 $0xffff, v8, v3;
	v8 =	vld [tilespmem:s13+$0x90]  }
0x1f: {  	(xrf1) =	vsort.dscd.msk.f32 $0xffff, v9, v4;
	v9 =	vld [tilespmem:s13+$0x0]  }
0x20: {  	(xrf1) =	vsort.dscd.msk.f32 $0xffff, v10, v3  }
0x21: {  	v10 =	vld [tilespmem:s13+$0xFFFFFF80];
	(xrf1) =	vsort.dscd.msk.f32 $0xffff, v7, v2;
	v7, v12, _ =	vpop (xrf1)  }
0x22: {  	(xrf1) =	vsort.dscd.msk.f32 $0xffff, v11, v2;
	v11, v13, _ =	vpop (xrf1)  }
0x23: {  	(xrf1) =	vsort.dscd.msk.f32 $0xffff, v8, v2;
	v8, v14, _ =	vpop (xrf1)  }
0x24: {  	(xrf1) =	vsort.dscd.msk.f32 $0xffff, v9, v0;
	v9, v15, _ =	vpop (xrf1)  }
0x25: {  	v9 =	vperm.xlane v9, v5  }
0x26: {  	v16 =	vld [tilespmem:s13+$0x80];
	(xrf1) =	vsort.dscd.msk.f32 $0xffff, v10, v0;
	v10 =	vperm.xlane v15, v5  }
0x27: {  	vm0 =	vge.f32 v11, v9  }
0x28: {  	v17 =	vsel vm0, v13, v10  }
0x29: {  	v7 =	vperm.xlane v7, v5;
	v15 =	vsel vm0, v11, v9  }
0x2a: {  	v12 =	vperm.xlane v12, v5;
	(xrf1) =	vsort.dscd.msk.f32 $0xffff, v15, v17  }
0x2b: {  	vm1 =	vge.f32 v8, v7;
	(xrf1) =	vsort.dscd.msk.f32 $0xffff, v16, v0  }
0x2c: {  	v20 =	vsel vm1, v12, v14;
	v16 =	vld [tilespmem:s13+$0xFFFFFF10];
	v15, v17, _ =	vpop (xrf1)  }
0x2d: {  	v15 =	vperm.xlane v15, v5  }
0x2e: {  	v21 =	vsel vm1, v7, v8;
	v9 =	vsel vm0, v9, v11;
	v17 =	vperm.xlane v17, v5;
	v18, v19, _ =	vpop (xrf1)  }
0x2f: {  	v10 =	vsel vm0, v10, v13;
	(xrf1) =	vsort.dscd.msk.f32 $0xffff, v21, v20;
	v22, v23, _ =	vpop (xrf1);
	vm0 =	vge.f32 v18, v15  }
0x30: {  	v11 =	vld [tilespmem:s13+$0xFFFFFF00];
	(xrf1) =	vsort.dscd.msk.f32 $0xffff, v9, v10;
	v13, v20, _ =	vpop (xrf1);
	v10 =	vsel vm0, v19, v17  }
0x31: {  	(xrf1) =	vsort.dscd.msk.f32 $0xffff, v16, v2;
	v9 =	vsel vm0, v18, v15;
	v21, v24, _ =	vpop (xrf1);
	v16 =	vsel vm0, v17, v19  }
0x32: {  	v15 =	vsel vm0, v15, v18;
	v17, v18, _ =	vpop (xrf1);
	(xrf1) =	vsort.dscd.msk.f32 $0xffff, v9, v10  }
0x33: {  	v9 =	vsel vm1, v14, v12;
	v10, v12, _ =	vpop (xrf1);
	(xrf1) =	vsort.dscd.msk.f32 $0xffff, v15, v16;
	v15 =	vperm.xlane v17, v5  }
0x34: {  	v7 =	vsel vm1, v8, v7;
	v14 =	vperm.xlane v21, v5;
	v16, v17, _ =	vpop (xrf1)  }
0x35: {  	(xrf1) =	vsort.dscd.msk.f32 $0xffff, v11, v0;
	v11 =	vperm.xlane v18, v5;
	vm0 =	vge.f32 v16, v15  }
0x36: {  	v8 =	vperm.xlane v24, v5;
	v10 =	vperm.xlane v10, v5;
	v18, v19, _ =	vpop (xrf1);
	v21 =	vsel vm0, v15, v16  }
0x37: {  	(xrf1) =	vsort.dscd.msk.f32 $0xffff, v7, v9;
	vm1 =	vge.f32 v18, v14;
	v24 =	vsel vm0, v11, v17  }
0x38: {  	v7 =	vsel vm1, v14, v18;
	v25 =	vsel vm1, v8, v19;
	v14 =	vsel vm1, v18, v14;
	v18, v9, _ =	vpop (xrf1)  }
0x39: {  	(xrf1) =	vsort.dscd.msk.f32 $0xffff, v21, v24;
	v8 =	vsel vm1, v19, v8;
	v19 =	vperm.xlane v22, v5;
	v21, v22, _ =	vpop (xrf1)  }
0x3a: {  	v12 =	vperm.xlane v12, v5;
	(xrf1) =	vsort.dscd.msk.f32 $0xffff, v7, v25;
	vm1 =	vge.f32 v21, v10  }
0x3b: {  	(xrf1) =	vsort.dscd.msk.f32 $0xffff, v14, v8;
	v8 =	vperm.xlane v23, v5;
	v7 =	vsel vm1, v10, v21  }
0x3c: {  	vm2 =	vge.f32 v13, v19;
	v14 =	vsel vm1, v12, v22  }
0x3d: {  	v26 =	vsel vm2, v20, v8  }
0x3e: {  	v25 =	vsel vm2, v13, v19;
	v23, v24, _ =	vpop (xrf1)  }
0x3f: {  	(xrf1) =	vsort.dscd.msk.f32 $0xffff, v7, v14;
	v14, v7, _ =	vpop (xrf1)  }
0x40: {  	v10 =	vsel vm1, v21, v10;
	v12 =	vsel vm1, v22, v12;
	(xrf1) =	vsort.dscd.msk.f32 $0xffff, v25, v26;
	v21, v22, _ =	vpop (xrf1)  }
0x41: {  	v25, v26, _ =	vpop (xrf1);
	(xrf1) =	vsort.dscd.msk.f32 $0xffff, v10, v12;
	v10 =	vsel vm2, v19, v13;
	_ =	sdelay $0x1  }
0x42: {  	v8 =	vsel vm2, v8, v20;
	v12 =	vperm.xlane v21, v5;
	v13, v19, _ =	vpop (xrf1)  }
0x43: {  	(xrf1) =	vsort.dscd.msk.f32 $0xffff, v10, v8;
	v8 =	vperm.xlane v22, v5;
	v10, v20, _ =	vpop (xrf1)  }
0x44: {  	vm1 =	vge.f32 v10, v12  }
0x45: {  	v11 =	vsel vm0, v17, v11;
	v17 =	vsel vm1, v20, v8  }
0x46: {  	v15 =	vsel vm0, v16, v15;
	v16 =	vsel vm1, v10, v12;
	v10 =	vsel vm1, v12, v10  }
0x47: {  	v8 =	vsel vm1, v8, v20  }
0x48: {  	v21 =	vperm.xlane v24, v5;
	v22 =	vperm.xlane v23, v5;
	v23, v24, _ =	vpop (xrf1)  }
0x49: {  	(xrf1) =	vsort.dscd.msk.f32 $0xffff, v16, v17;
	v16, v17, _ =	vpop (xrf1)  }
0x4a: {  	v13 =	vperm.xlane v13, v5;
	v12 =	vperm.xlane v25, v5;
	(xrf1) =	vsort.dscd.msk.f32 $0xffff, v10, v8;
	v8, v10, _ =	vpop (xrf1)  }
0x4b: {  	v20 =	vperm.xlane v26, v5;
	v25, v26, _ =	vpop (xrf1)  }
0x4c: {  	v19 =	vperm.xlane v19, v5;
	vm0 =	vge.f32 v8, v12;
	vm1 =	vge.f32 v25, v13  }
0x4d: {  	s29 =	simm.s32 $0x300;
	(xrf1) =	vsort.dscd.msk.f32 $0xffff, v15, v11;
	v8 =	vsel vm0, v8, v12;
	v13 =	vsel vm1, v25, v13  }
0x4e: {  	v12 =	vld [tilespmem:s29+$0xB0];
	v10 =	vsel vm0, v10, v20;
	v11 =	vsel vm1, v26, v19;
	vm1 =	vge.f32 v13, v8  }
0x4f: {  	v20 =	vld [tilespmem:s29+$0x20];
	v27 =	vsel vm1, v11, v10  }
0x50: {  	v23 =	vperm.xlane v23, v5;
	v25 =	vld [tilespmem:s29+$0xA0];
	v26 =	vsel vm1, v13, v8  }
0x51: {  	v29 =	vld [tilespmem:s29+$0x30];
	v24 =	vperm.xlane v24, v5;
	v15, v19, _ =	vpop (xrf1)  }
0x52: {  	v30 =	vld [tilespmem:s29+$0xFFFFFFB0];
	vm2 =	vge.f32 v15, v23;
	v8 =	vsel vm1, v8, v13;
	v13, v28, _ =	vpop (xrf1);
	(xrf1) =	vsort.dscd.msk.f32 $0xffff, v26, v27  }
0x53: {  	v19 =	vsel vm2, v19, v24;
	v26, v27, _ =	vpop (xrf1);
	(xrf1) =	vsort.dscd.msk.f32 $0xffff, v12, v4;
	v12 =	vld [tilespmem:s29+$0xFFFFFFA0]  }
0x54: {  	s14 =	simm.s32 $0x1;
	v15 =	vsel vm2, v15, v23;
	v23 =	vld [tilespmem:s29+$0xFFFFFF30];
	vm3 =	vge.f32 v26, v22;
	(xrf1) =	vsort.dscd.msk.f32 $0xffff, v20, v3  }
0x55: {  	v10 =	vsel vm1, v10, v11;
	(xrf1) =	vsort.dscd.msk.f32 $0xffff, v25, v3;
	v22 =	vsel vm3, v26, v22;
	v26 =	vmov s14  }
0x56: {  	v28 =	vperm.xlane v28, v5;
	v13 =	vperm.xlane v13, v5;
	v20, v24, _ =	vpop (xrf1);
	v25 =	vld [tilespmem:s29+$0xFFFFFF20];
	(xrf1) =	vsort.dscd.msk.f32 $0xffff, v29, v4  }
0x57: {  	v20 =	vperm.xlane v20, v5;
	v24 =	vperm.xlane v24, v5;
	(xrf1) =	vsort.dscd.msk.f32 $0xffff, v30, v4  }
0x58: {  	v21 =	vsel vm3, v27, v21;
	v11 =	vand.u32 $0x7D, v26;
	vm1 =	vge.f32 v22, v15;
	v26, v27, _ =	vpop (xrf1);
	(xrf1) =	vsort.dscd.msk.f32 $0xffff, v12, v3  }
0x59: {  	v12 =	vsel vm1, v21, v19;
	vm2 =	vge.f32 v26, v20;
	v29, v30, _ =	vpop (xrf1);
	(xrf1) =	vsort.dscd.msk.f32 $0xffff, v23, v4  }
0x5a: {  	v24 =	vsel vm2, v27, v24;
	v27 =	vsel vm1, v22, v15;
	vm3 =	vge.f32 v29, v13  }
0x5b: {  	(xrf1) =	vsort.dscd.msk.f32 $0xffff, v25, v3;
	v20 =	vsel vm2, v26, v20;
	v13 =	vsel vm3, v29, v13  }
0x5c: {  	v11 =	vbroadcast v11, $0x0;
	v26 =	vsel vm3, v30, v28;
	(xrf1) =	vsort.dscd.msk.f32 $0xffff, v8, v10;
	vm2 =	vge.f32 v20, v13  }
0x5d: {  	v23 =	vld [tilespmem:s29+$0xFFFFFF90];
	v8 =	vsel vm2, v20, v13;
	v13 =	vsel vm2, v13, v20;
	v20 =	vsel vm2, v26, v24  }
0x5e: {  	v18 =	vperm.xlane v18, v5;
	v15 =	vsel vm1, v15, v22;
	v22 =	vor.u32 v1, v11;
	v25 =	vld [tilespmem:s29+$0x10]  }
0x5f: {  	v14 =	vperm.xlane v14, v5;
	v10 =	vld [tilespmem:s29+$0x90];
	(xrf1) =	vsort.dscd.msk.f32 $0xffff, v27, v12;
	v28 =	vsel vm2, v24, v26  }
0x60: {  	vm0 =	vge.f32 v16, v18;
	v12, v27, _ =	vpop (xrf1);
	(xrf1) =	vsort.dscd.msk.f32 $0xffff, v8, v28  }
0x61: {  	v9 =	vperm.xlane v9, v5;
	v16 =	vsel vm0, v16, v18;
	(xrf1) =	vsort.dscd.msk.f32 $0xffff, v13, v20;
	v13, v20, _ =	vpop (xrf1)  }
0x62: {  	v29 =	vld [tilespmem:s29+$0x0];
	v8 =	vor.u32 v6, v11;
	v11 =	vsel vm1, v19, v21;
	(xrf1) =	vsort.dscd.msk.f32 $0xffff, v23, v2;
	v18, v21, _ =	vpop (xrf1)  }
0x63: {  	v19 =	vld [tilespmem:s29+$0xFFFFFF80];
	vm2 =	vge.f32 v12, v14;
	[tilespmem:v22+s8+$0x0] =	vst.idx.msk $0xffff, v13;
	(xrf1) =	vsort.dscd.msk.f32 $0xffff, v25, v2;
	v13, v23, _ =	vpop (xrf1)  }
0x64: {  	v7 =	vperm.xlane v7, v5;
	v12 =	vsel vm2, v12, v14;
	(xrf1) =	vsort.dscd.msk.f32 $0xffff, v10, v2;
	v10, v14, _ =	vpop (xrf1)  }
0x65: {  	v9 =	vsel vm0, v17, v9;
	v17, v24, _ =	vpop (xrf1)  }
0x66: {  	s30 =	simm.s32 $0x3;
	v7 =	vsel vm2, v27, v7;
	v21 =	vperm.xlane v21, v5;
	v17 =	vperm.xlane v17, v5  }
0x67: {  	v28 =	vmov s30;
	v25 =	vld [tilespmem:s29+$0x80];
	v18 =	vperm.xlane v18, v5;
	(xrf1) =	vsort.dscd.msk.f32 $0xffff, v29, v0;
	v24 =	vperm.xlane v24, v5  }
0x68: {  	v28 =	vand.u32 $0x7F, v28;
	vm0 =	vge.f32 v12, v16;
	(xrf1) =	vsort.dscd.msk.f32 $0xffff, v19, v0;
	v19, v26, _ =	vpop (xrf1);
	vm3 =	vge.f32 v13, v17  }
0x69: {  	v27 =	vbroadcast v28, $0x0;
	vm1 =	vge.f32 v10, v18;
	v29, v30, _ =	vpop (xrf1);
	(xrf1) =	vsort.dscd.msk.f32 $0xffff, v15, v11;
	v32 =	vsel vm3, v23, v24  }
0x6a: {  	v28 =	vsel vm1, v18, v10;
	v19 =	vperm.xlane v19, v5;
	v31 =	vsel vm3, v13, v17  }
0x6b: {  	v11 =	vsel vm1, v14, v21;
	v14 =	vsel vm1, v21, v14;
	v15, v21, _ =	vpop (xrf1);
	(xrf1) =	vsort.dscd.msk.f32 $0xffff, v31, v32  }
0x6c: {  	v10 =	vsel vm1, v10, v18;
	v26 =	vperm.xlane v26, v5;
	(xrf1) =	vsort.dscd.msk.f32 $0xffff, v25, v0  }
0x6d: {  	vm4 =	vge.f32 v29, v19;
	v13 =	vsel vm3, v17, v13;
	v23 =	vsel vm3, v24, v23;
	v31, v32, _ =	vpop (xrf1)  }
0x6e: {  	v33 =	vld [tilespmem:s29+$0xFFFFFF10];
	v24 =	vor.u32 v1, v27;
	v15 =	vperm.xlane v15, v5;
	v21 =	vperm.xlane v21, v5;
	v17, v34, _ =	vpop (xrf1)  }
0x6f: {  	v27 =	vor.u32 v6, v27;
	v25 =	vsel vm4, v29, v19;
	(xrf1) =	vsort.dscd.msk.f32 $0xffff, v28, v14;
	v35, v36, _ =	vpop (xrf1)  }
0x70: {  	v14 =	vsel vm4, v19, v29;
	v29 =	vsel vm0, v7, v9;
	v7 =	vsel vm0, v9, v7;
	v19, v28, _ =	vpop (xrf1)  }
0x71: {  	v39 =	vld [tilespmem:s29+$0xFFFFFF00];
	v9 =	vsel vm4, v26, v30;
	vm2 =	vge.f32 v31, v15;
	[tilespmem:v8+s8+$0x0] =	vst.idx.msk $0xffff, v17;
	v37, v38, _ =	vpop (xrf1)  }
0x72: {  	(xrf1) =	vsort.dscd.msk.f32 $0xffff, v13, v23;
	v13 =	vsel vm4, v30, v26;
	v26 =	vsel vm0, v16, v12;
	v18, v23, _ =	vpop (xrf1)  }
0x73: {  	v12 =	vsel vm0, v12, v16;
	[tilespmem:v22+s9+$0x0] =	vst.idx.msk $0xffff, v20;
	(xrf1) =	vsort.dscd.msk.f32 $0xffff, v33, v2;
	v30, v58, _ =	vpop (xrf1)  }
0x74: {  	v16 =	vperm.xlane v23, v5;
	(xrf1) =	vsort.dscd.msk.f32 $0xffff, v25, v13;
	v23, v59, _ =	vpop (xrf1);
	v30 =	vperm.xlane v30, v5  }
0x75: {  	v13 =	vperm.xlane v18, v5;
	v33 =	vperm.xlane v58, v5;
	v18, v25, _ =	vpop (xrf1);
	(xrf1) =	vsort.dscd.msk.f32 $0xffff, v14, v9  }
0x76: {  	v14 =	vperm.xlane v23, v5;
	v17, v40, _ =	vpop (xrf1);
	(xrf1) =	vsort.dscd.msk.f32 $0xffff, v39, v0;
	vm0 =	vge.f32 v18, v30  }
0x77: {  	vm1 =	vge.f32 v17, v13;
	v22, v23, _ =	vpop (xrf1);
	(xrf1) =	vsort.dscd.msk.f32 $0xffff, v10, v11;
	v10 =	vsel vm0, v30, v18  }
0x78: {  	v11 =	vsel vm0, v33, v25;
	v20 =	vsel vm1, v17, v13;
	v13 =	vsel vm1, v13, v17  }
0x79: {  	v17 =	vsel vm1, v40, v16;
	v60, v9, _ =	vpop (xrf1);
	(xrf1) =	vsort.dscd.msk.f32 $0xffff, v26, v7;
	v7 =	vsel vm1, v16, v40;
	v16 =	vmov s2  }
0x7a: {  	[tilespmem:v24+s8+$0x0] =	vst.idx.msk $0xffff, v35;
	v30 =	vsel vm0, v18, v30;
	v18, v26, _ =	vpop (xrf1);
	(xrf1) =	vsort.dscd.msk.f32 $0xffff, v10, v11;
	v11 =	vand.u32 $0x7C, v16  }
0x7b: {  	v10 =	vperm.xlane v59, v5;
	vm1 =	vge.f32 v18, v14;
	(xrf1) =	vsort.dscd.msk.f32 $0xffff, v13, v7;
	v7 =	vbroadcast v11, $0x0  }
0x7c: {  	[tilespmem:v27+s8+$0x0] =	vst.idx.msk $0xffff, v22;
	v22 =	vsel vm2, v32, v21;
	v11 =	vsel vm1, v18, v14  }
0x7d: {  	(xrf1) =	vsort.dscd.msk.f32 $0xffff, v20, v17;
	v13 =	vsel vm1, v14, v18;
	v14 =	vsel vm1, v10, v26  }
0x7e: {  	(xrf1) =	vsort.dscd.msk.f32 $0xffff, v12, v29  }
0x7f: {  	v17, v18, _ =	vpop (xrf1);
	v20 =	vsel vm2, v31, v15;
	v10 =	vsel vm1, v26, v10;
	(xrf1) =	vsort.dscd.msk.f32 $0xffff, v13, v14  }
0x80: {  	v16 =	vor.u32 v6, v7;
	v12 =	vor.u32 v1, v7;
	v14, v7, _ =	vpop (xrf1);
	(xrf1) =	vsort.dscd.msk.f32 $0xffff, v20, v22  }
0x81: {  	v13, v22, _ =	vpop (xrf1);
	(xrf1) =	vsort.dscd.msk.f32 $0xffff, v11, v10;
	v11 =	vsel vm2, v15, v31  }
0x82: {  	[tilespmem:v8+s9+$0x0] =	vst.idx.msk $0xffff, v34;
	v10 =	vsel vm2, v21, v32  }
0x83: {  	[tilespmem:v24+s9+$0x0] =	vst.idx.msk $0xffff, v36  }
0x84: {  	[tilespmem:v27+s9+$0x0] =	vst.idx.msk $0xffff, v23;
	v20 =	vsel vm0, v25, v33;
	v21, v23, _ =	vpop (xrf1)  }
0x85: {  	s31 =	simm.s32 $0x2;
	v15 =	vperm.xlane v17, v5;
	v8 =	vperm.xlane v13, v5;
	(xrf1) =	vsort.dscd.msk.f32 $0xffff, v11, v10;
	v10, v11, _ =	vpop (xrf1)  }
0x86: {  	v24 =	vmov s31;
	[tilespmem:v12+s8+$0x0] =	vst.idx.msk $0xffff, v19;
	v19 =	vperm.xlane v22, v5;
	v13 =	vperm.xlane v18, v5;
	v18, v22, _ =	vpop (xrf1)  }
0x87: {  	[tilespmem:v16+s8+$0x0] =	vst.idx.msk $0xffff, v37;
	v25 =	vperm.xlane v10, v5;
	v10 =	vand.u32 $0x7E, v24;
	vm0 =	vge.f32 v18, v8  }
0x88: {  	[tilespmem:v12+s9+$0x0] =	vst.idx.msk $0xffff, v28;
	v12 =	vsel vm0, v18, v8;
	v17 =	vsel vm0, v22, v19  }
0x89: {  	v26, v27, _ =	vpop (xrf1)  }
0x8a: {  	[tilespmem:v16+s9+$0x0] =	vst.idx.msk $0xffff, v38;
	v28 =	vperm.xlane v11, v5;
	v8 =	vsel vm0, v8, v18;
	v18, v16, _ =	vpop (xrf1)  }
0x8b: {  	v29 =	vbroadcast v10, $0x0;
	v19 =	vsel vm0, v19, v22;
	v22 =	vperm.xlane v21, v5;
	(xrf1) =	vsort.dscd.msk.f32 $0xffff, v12, v17;
	v12, v10, _ =	vpop (xrf1)  }
0x8c: {  	v11 =	vperm.xlane v14, v5;
	(xrf1) =	vsort.dscd.msk.f32 $0xffff, v8, v19;
	v19 =	vperm.xlane v23, v5;
	v14, v17, _ =	vpop (xrf1)  }
0x8d: {  	vm0 =	vge.f32 v14, v22;
	v23, v62, _ =	vpop (xrf1)  }
0x8e: {  	s15 =	simm.s32 $0x500;
	vm1 =	vge.f32 v23, v25;
	v14 =	vsel vm0, v14, v22  }
0x8f: {  	v35 =	vld [tilespmem:s15+$0x20];
	v61 =	vperm.xlane v27, v5;
	v63 =	vperm.xlane v26, v5;
	v22 =	vsel vm1, v23, v25  }
0x90: {  	v34 =	vld [tilespmem:s15+$0x30];
	v21 =	vor.u32 v6, v29;
	v29 =	vor.u32 v1, v29;
	(xrf1) =	vsort.dscd.msk.f32 $0xffff, v30, v20;
	v27, v24, _ =	vpop (xrf1)  }
0x91: {  	v31 =	vld [tilespmem:s15+$0xB0];
	v23 =	vsel vm0, v17, v19;
	v25 =	vsel vm1, v62, v28;
	v30, v19, _ =	vpop (xrf1);
	vm1 =	vge.f32 v22, v14  }
0x92: {  	v32 =	vld [tilespmem:s15+$0xFFFFFFB0];
	vm3 =	vge.f32 v30, v63;
	v41 =	vsel vm1, v22, v14;
	v17 =	vsel vm1, v14, v22;
	v22, v14, _ =	vpop (xrf1)  }
0x93: {  	v26 =	vld [tilespmem:s15+$0xA0];
	v42 =	vsel vm1, v25, v23;
	v20 =	vperm.xlane v14, v5;
	v14 =	vperm.xlane v60, v5  }
0x94: {  	s16 =	simm.s32 $0xC;
	v8 =	vld [tilespmem:s15+$0xFFFFFFA0];
	v19 =	vsel vm3, v19, v61;
	v30 =	vsel vm3, v30, v63;
	(xrf1) =	vsort.dscd.msk.f32 $0xffff, v41, v42;
	v36, v33, _ =	vpop (xrf1)  }
0x95: {  	s17 =	simm.s32 $0x700;
	s13 =	simm.s32 $0x8;
	s14 =	simm.s32 $0x4;
	v28 =	vld [tilespmem:s15+$0xFFFFFF30];
	v22 =	vperm.xlane v22, v5;
	vm2 =	vge.f32 v36, v15;
	v38, v37, _ =	vpop (xrf1);
	vm0 =	vge.f32 v12, v14  }
.LBB2_2:
0x96: {  	v39 =	vld [tilespmem:s17+$0xFFFFFFA0];
	p0 =	slt.u32 s16, $0x7C;
	(xrf1) =	vsort.dscd.msk.f32 $0xffff, v31, v4;
	v31 =	vperm.xlane v38, v5;
	[tilespmem:v29+s8+$0x0] =	vst.idx.msk $0xffff, v27;
	s18 =	smov.u32 s16;
	s16 =	sadd.s32 $0x4, s16  }
0x97: {  	v27 =	vperm.xlane v37, v5;
	(xrf1) =	vsort.dscd.msk.f32 $0xffff, v35, v3;
	[tilespmem:v21+s8+$0x0] =	vst.idx.msk $0xffff, v18  }
0x98: {  	s19 =	sadd.s32 $0x1, s14;
	v15 =	vsel vm2, v36, v15;
	(xrf1) =	vsort.dscd.msk.f32 $0xffff, v26, v3;
	[tilespmem:v29+s9+$0x0] =	vst.idx.msk $0xffff, v24  }
0x99: {  	v24 =	vmov s19;
	v26 =	vsel vm2, v33, v13;
	v18 =	vld [tilespmem:s15+$0xFFFFFF20];
	(xrf1) =	vsort.dscd.msk.f32 $0xffff, v34, v4;
	[tilespmem:v21+s9+$0x0] =	vst.idx.msk $0xffff, v16  }
0x9a: {  	v16 =	vsel vm1, v23, v25;
	v13 =	vand.u32 $0x7D, v24;
	vm1 =	vge.f32 v15, v30;
	(xrf1) =	vsort.dscd.msk.f32 $0xffff, v32, v4;
	v21, v23, _ =	vpop (xrf1)  }
0x9b: {  	v13 =	vbroadcast v13, $0x0;
	v24 =	vsel vm1, v26, v19;
	(xrf1) =	vsort.dscd.msk.f32 $0xffff, v8, v3;
	vm2 =	vge.f32 v21, v31;
	v25, v29, _ =	vpop (xrf1)  }
0x9c: {  	v8 =	vmovc v39;
	v23 =	vsel vm2, v23, v27;
	v27 =	vsel vm1, v15, v30;
	v30 =	vsel vm1, v30, v15  }
0x9d: {  	vm3 =	vge.f32 v25, v22;
	v15 =	vor.u32 v1, v13;
	(xrf1) =	vsort.dscd.msk.f32 $0xffff, v28, v4  }
0x9e: {  	v13 =	vor.u32 v6, v13;
	v28 =	vld [tilespmem:s15+$0x10];
	(xrf1) =	vsort.dscd.msk.f32 $0xffff, v18, v3;
	v18 =	vsel vm2, v21, v31;
	v21, v31, _ =	vpop (xrf1)  }
0x9f: {  	v19 =	vsel vm1, v19, v26;
	v22 =	vsel vm3, v25, v22;
	v20 =	vsel vm3, v29, v20;
	v32 =	vld [tilespmem:s15+$0xFFFFFF90]  }
0xa0: {  	vm1 =	vge.f32 v18, v22;
	(xrf1) =	vsort.dscd.msk.f32 $0xffff, v17, v16  }
0xa1: {  	v17 =	vsel vm1, v18, v22;
	v25 =	vsel vm1, v23, v20;
	v16 =	vld [tilespmem:s15+$0x90];
	(xrf1) =	vsort.dscd.msk.f32 $0xffff, v27, v24  }
0xa2: {  	v26 =	vsel vm1, v22, v18;
	v27 =	vsel vm1, v20, v23;
	v24 =	vld [tilespmem:s15+$0x0];
	(xrf1) =	vsort.dscd.msk.f32 $0xffff, v17, v25  }
0xa3: {  	v9 =	vperm.xlane v9, v5;
	v12 =	vsel vm0, v12, v14;
	v17 =	vld [tilespmem:s15+$0xFFFFFF80];
	(xrf1) =	vsort.dscd.msk.f32 $0xffff, v26, v27;
	v14, v18, _ =	vpop (xrf1)  }
0xa4: {  	vm2 =	vge.f32 v21, v11;
	(xrf1) =	vsort.dscd.msk.f32 $0xffff, v32, v2;
	v20, v22, _ =	vpop (xrf1);
	[tilespmem:v15+s8+$0x0] =	vst.idx.msk $0xffff, v14  }
0xa5: {  	v11 =	vsel vm2, v21, v11;
	v14 =	vperm.xlane v20, v5;
	(xrf1) =	vsort.dscd.msk.f32 $0xffff, v28, v2;
	v20, v23, _ =	vpop (xrf1)  }
0xa6: {  	v9 =	vsel vm0, v10, v9;
	v21 =	vperm.xlane v22, v5;
	(xrf1) =	vsort.dscd.msk.f32 $0xffff, v16, v2;
	v16, v22, _ =	vpop (xrf1)  }
0xa7: {  	s19 =	sadd.s32 $0x3, s14;
	vm0 =	vge.f32 v11, v12;
	vm1 =	vge.f32 v16, v14;
	(xrf1) =	vsort.dscd.msk.f32 $0xffff, v24, v0;
	v10, v24, _ =	vpop (xrf1)  }
0xa8: {  	v7 =	vperm.xlane v7, v5;
	v27 =	vmov s19;
	v10 =	vperm.xlane v10, v5;
	v25 =	vld [tilespmem:s15+$0x80];
	(xrf1) =	vsort.dscd.msk.f32 $0xffff, v17, v0;
	v17, v26, _ =	vpop (xrf1)  }
0xa9: {  	v24 =	vperm.xlane v24, v5;
	v28 =	vsel vm1, v22, v21;
	v26 =	vperm.xlane v26, v5;
	v29, v32, _ =	vpop (xrf1)  }
0xaa: {  	v21 =	vsel vm1, v21, v22;
	v17 =	vperm.xlane v17, v5;
	vm4 =	vge.f32 v20, v10  }
0xab: {  	v27 =	vand.u32 $0x7F, v27;
	v22 =	vsel vm4, v20, v10;
	v36 =	vsel vm4, v23, v24;
	v34, v35, _ =	vpop (xrf1);
	(xrf1) =	vsort.dscd.msk.f32 $0xffff, v30, v19  }
0xac: {  	v7 =	vsel vm2, v31, v7;
	vm3 =	vge.f32 v29, v17;
	v19, v30, _ =	vpop (xrf1);
	(xrf1) =	vsort.dscd.msk.f32 $0xffff, v22, v36;
	v22 =	vbroadcast v27, $0x0  }
0xad: {  	v27 =	vsel vm3, v29, v17;
	v36 =	vsel vm1, v14, v16;
	(xrf1) =	vsort.dscd.msk.f32 $0xffff, v25, v0  }
0xae: {  	v10 =	vsel vm4, v10, v20;
	v20 =	vsel vm4, v24, v23;
	v25 =	vld [tilespmem:s15+$0xFFFFFF10];
	v23 =	vor.u32 v1, v22;
	v24, v33, _ =	vpop (xrf1)  }
0xaf: {  	v34 =	vperm.xlane v34, v5;
	v35 =	vperm.xlane v35, v5;
	(xrf1) =	vsort.dscd.msk.f32 $0xffff, v36, v21;
	v21, v31, _ =	vpop (xrf1)  }
0xb0: {  	v17 =	vsel vm3, v17, v29;
	v29 =	vsel vm0, v7, v9;
	v7 =	vsel vm0, v9, v7;
	v36, v37, _ =	vpop (xrf1)  }
0xb1: {  	v38 =	vsel vm3, v26, v32;
	v14 =	vsel vm1, v16, v14;
	v9 =	vld [tilespmem:s15+$0xFFFFFF00];
	(xrf1) =	vsort.dscd.msk.f32 $0xffff, v10, v20;
	v10, v16, _ =	vpop (xrf1);
	s15 =	smov.u32 s17  }
0xb2: {  	v39 =	vsel vm0, v12, v11;
	v41 =	vsel vm3, v32, v26;
	v22 =	vor.u32 v6, v22;
	v26, v32, _ =	vpop (xrf1)  }
0xb3: {  	v11 =	vsel vm0, v11, v12;
	(xrf1) =	vsort.dscd.msk.f32 $0xffff, v25, v2;
	v25, v40, _ =	vpop (xrf1);
	[tilespmem:v23+s8+$0x0] =	vst.idx.msk $0xffff, v21  }
0xb4: {  	v12 =	vperm.xlane v32, v5;
	v21 =	vperm.xlane v40, v5;
	(xrf1) =	vsort.dscd.msk.f32 $0xffff, v27, v41;
	v20, v27, _ =	vpop (xrf1)  }
0xb5: {  	v26 =	vperm.xlane v26, v5;
	v25 =	vperm.xlane v25, v5;
	v32, v40, _ =	vpop (xrf1);
	[tilespmem:v13+s8+$0x0] =	vst.idx.msk $0xffff, v24  }
0xb6: {  	v20 =	vperm.xlane v20, v5;
	v24, v41, _ =	vpop (xrf1);
	[tilespmem:v15+s9+$0x0] =	vst.idx.msk $0xffff, v18  }
0xb7: {  	vm1 =	vge.f32 v32, v25;
	vm0 =	vge.f32 v24, v26;
	(xrf1) =	vsort.dscd.msk.f32 $0xffff, v17, v38  }
0xb8: {  	v15 =	vsel vm0, v24, v26;
	v17 =	vsel vm0, v26, v24;
	(xrf1) =	vsort.dscd.msk.f32 $0xffff, v9, v0  }
0xb9: {  	v18 =	vsel vm0, v41, v12;
	v12 =	vsel vm0, v12, v41;
	v24 =	vsel vm1, v25, v32;
	v26, v38, _ =	vpop (xrf1)  }
0xba: {  	v25 =	vsel vm1, v32, v25;
	v32 =	vsel vm1, v21, v40;
	v41, v9, _ =	vpop (xrf1);
	(xrf1) =	vsort.dscd.msk.f32 $0xffff, v14, v28;
	v14 =	vmov s14  }
0xbb: {  	v28 =	vsel vm1, v40, v21;
	v21 =	vperm.xlane v27, v5;
	v27, v40, _ =	vpop (xrf1);
	v14 =	vand.u32 $0x7C, v14;
	(xrf1) =	vsort.dscd.msk.f32 $0xffff, v39, v7  }
0xbc: {  	vm0 =	vge.f32 v27, v20;
	(xrf1) =	vsort.dscd.msk.f32 $0xffff, v24, v32;
	v14 =	vbroadcast v14, $0x0;
	[tilespmem:v22+s8+$0x0] =	vst.idx.msk $0xffff, v26  }
0xbd: {  	v24 =	vsel vm0, v27, v20;
	v26 =	vsel vm0, v40, v21;
	(xrf1) =	vsort.dscd.msk.f32 $0xffff, v17, v12;
	v12, v17, _ =	vpop (xrf1)  }
0xbe: {  	v20 =	vsel vm0, v20, v27;
	v21 =	vsel vm0, v21, v40;
	(xrf1) =	vsort.dscd.msk.f32 $0xffff, v15, v18  }
0xbf: {  	vm0 =	vge.f32 v19, v34;
	v18 =	vor.u32 v6, v14;
	v27, v7, _ =	vpop (xrf1);
	(xrf1) =	vsort.dscd.msk.f32 $0xffff, v11, v29  }
0xc0: {  	v39 =	vsel vm0, v19, v34;
	v15 =	vsel vm0, v30, v35;
	v14 =	vor.u32 v1, v14  }
0xc1: {  	v29 =	vsel vm0, v35, v30;
	v30, v32, _ =	vpop (xrf1);
	(xrf1) =	vsort.dscd.msk.f32 $0xffff, v20, v21;
	[tilespmem:v23+s9+$0x0] =	vst.idx.msk $0xffff, v31  }
0xc2: {  	v19 =	vsel vm0, v34, v19;
	(xrf1) =	vsort.dscd.msk.f32 $0xffff, v39, v15;
	v11, v20, _ =	vpop (xrf1);
	[tilespmem:v22+s9+$0x0] =	vst.idx.msk $0xffff, v38  }
0xc3: {  	v21 =	vperm.xlane v30, v5;
	(xrf1) =	vsort.dscd.msk.f32 $0xffff, v24, v26;
	[tilespmem:v13+s9+$0x0] =	vst.idx.msk $0xffff, v33  }
0xc4: {  	(xrf1) =	vsort.dscd.msk.f32 $0xffff, v19, v29  }
0xc5: {  	s19 =	sadd.s32 $0x2, s14;
	s14 =	smov.u32 s13;
	s13 =	smov.u32 s18;
	v19 =	vperm.xlane v32, v5;
	v22, v23, _ =	vpop (xrf1);
	[tilespmem:v14+s8+$0x0] =	vst.idx.msk $0xffff, v36  }
0xc6: {  	v13 =	vperm.xlane v17, v5;
	v17, v24, _ =	vpop (xrf1);
	[tilespmem:v18+s8+$0x0] =	vst.idx.msk $0xffff, v10;
	v10 =	vmov s19  }
0xc7: {  	v15 =	vperm.xlane v12, v5;
	vm0 =	vge.f32 v17, v21;
	[tilespmem:v14+s9+$0x0] =	vst.idx.msk $0xffff, v37;
	v33 =	vand.u32 $0x7E, v10  }
0xc8: {  	v22 =	vperm.xlane v22, v5;
	v31 =	vsel vm0, v17, v21;
	v14 =	vsel vm0, v24, v19;
	v26, v29, _ =	vpop (xrf1)  }
0xc9: {  	v30 =	vperm.xlane v23, v5;
	v21 =	vsel vm0, v21, v17;
	v32 =	vbroadcast v33, $0x0;
	[tilespmem:v18+s9+$0x0] =	vst.idx.msk $0xffff, v16;
	v18, v16, _ =	vpop (xrf1)  }
0xca: {  	v23 =	vperm.xlane v11, v5;
	v19 =	vsel vm0, v19, v24;
	(xrf1) =	vsort.dscd.msk.f32 $0xffff, v31, v14;
	v12, v10, _ =	vpop (xrf1)  }
0xcb: {  	v11 =	vperm.xlane v27, v5;
	v37 =	vperm.xlane v29, v5;
	(xrf1) =	vsort.dscd.msk.f32 $0xffff, v21, v19;
	v14, v17, _ =	vpop (xrf1)  }
0xcc: {  	v33 =	vperm.xlane v20, v5;
	v21 =	vor.u32 v6, v32;
	vm0 =	vge.f32 v14, v23;
	v20, v29, _ =	vpop (xrf1)  }
0xcd: {  	v39 =	vperm.xlane v26, v5;
	vm1 =	vge.f32 v20, v22;
	v34 =	vsel vm0, v14, v23;
	v27, v24, _ =	vpop (xrf1)  }
0xce: {  	v23 =	vsel vm0, v17, v33;
	v26 =	vld [tilespmem:s17+$0xA0];
	v20 =	vsel vm1, v20, v22;
	(xrf1) =	vsort.dscd.msk.f32 $0xffff, v25, v28  }
.Ltmp0:
0xcf: {  	v25 =	vsel vm1, v29, v30;
	v29 =	vor.u32 v1, v32;
	v31 =	vld [tilespmem:s17+$0xB0];
	vm1 =	vge.f32 v20, v34;
	v30, v19, _ =	vpop (xrf1);
	(pc) =	sbr.rel @p0 .LBB2_2-.Ltmp0, $4  }
0xd0: {  	v35 =	vld [tilespmem:s17+$0x20];
	v40 =	vsel vm1, v20, v34;
	v42 =	vsel vm1, v25, v23;
	v17 =	vsel vm1, v34, v20;
	v22, v14, _ =	vpop (xrf1)  }
0xd1: {  	vm3 =	vge.f32 v30, v39;
	v34 =	vld [tilespmem:s17+$0x30];
	v20 =	vperm.xlane v14, v5;
	v14 =	vperm.xlane v41, v5;
	v36, v33, _ =	vpop (xrf1)  }
0xd2: {  	v22 =	vperm.xlane v22, v5;
	v19 =	vsel vm3, v19, v37;
	v32 =	vld [tilespmem:s17+$0xFFFFFFB0];
	vm2 =	vge.f32 v36, v15;
	v38, v37, _ =	vpop (xrf1)  }
0xd3: {  	v30 =	vsel vm3, v30, v39;
	s17 =	sadd.s32 $0x200, s17;
	v28 =	vld [tilespmem:s15+$0xFFFFFF30];
	vm0 =	vge.f32 v12, v14;
	(xrf1) =	vsort.dscd.msk.f32 $0xffff, v40, v42  }
0xd4: {  	_ =	sdelay $0x2  }
0xd5: {  	(xrf1) =	vsort.dscd.msk.f32 $0xffff, v31, v4  }
0xd6: {  	[tilespmem:v29+s8+$0x0] =	vst.idx.msk $0xffff, v27;
	v61 =	vperm.xlane v38, v5;
	(xrf1) =	vsort.dscd.msk.f32 $0xffff, v35, v3  }
0xd7: {  	v62 =	vperm.xlane v37, v5;
	v15 =	vsel vm2, v36, v15;
	(xrf1) =	vsort.dscd.msk.f32 $0xffff, v26, v3  }
0xd8: {  	v9 =	vperm.xlane v9, v5;
	[tilespmem:v21+s8+$0x0] =	vst.idx.msk $0xffff, v18;
	(xrf1) =	vsort.dscd.msk.f32 $0xffff, v34, v4  }
0xd9: {  	v63 =	vld [tilespmem:s15+$0xFFFFFF20];
	v35 =	vsel vm1, v23, v25;
	vm6 =	vge.f32 v15, v30;
	[tilespmem:v29+s9+$0x0] =	vst.idx.msk $0xffff, v24  }
0xda: {  	v36 =	vsel vm6, v15, v30;
	[tilespmem:v21+s9+$0x0] =	vst.idx.msk $0xffff, v16;
	(xrf1) =	vsort.dscd.msk.f32 $0xffff, v32, v4;
	v16, v21, _ =	vpop (xrf1)  }
0xdb: {  	v37 =	vsel vm6, v30, v15;
	v34 =	vsel vm2, v33, v13;
	(xrf1) =	vsort.dscd.msk.f32 $0xffff, v8, v3;
	v23, v25, _ =	vpop (xrf1)  }
0xdc: {  	s16 =	sadd.s32 $0x1, s14;
	vm7 =	vge.f32 v16, v61;
	v8 =	vsel vm6, v34, v19;
	vm3 =	vge.f32 v23, v22  }
0xdd: {  	v38 =	vmov s16;
	(xrf1) =	vsort.dscd.msk.f32 $0xffff, v28, v4;
	v16 =	vsel vm7, v16, v61;
	v22 =	vsel vm3, v23, v22  }
0xde: {  	v15 =	vand.u32 $0x7D, v38;
	v21 =	vsel vm7, v21, v62;
	(xrf1) =	vsort.dscd.msk.f32 $0xffff, v63, v3;
	vm2 =	vge.f32 v16, v22  }
0xdf: {  	v39 =	vld [tilespmem:s15+$0xFFFFFF90];
	v20 =	vsel vm3, v25, v20;
	v44 =	vsel vm2, v16, v22;
	v22 =	vsel vm2, v22, v16  }
0xe0: {  	v40 =	vld [tilespmem:s15+$0x10];
	(xrf1) =	vsort.dscd.msk.f32 $0xffff, v17, v35;
	v45 =	vsel vm2, v21, v20;
	v20 =	vsel vm2, v20, v21  }
0xe1: {  	v43 =	vld [tilespmem:s15+$0x90];
	v12 =	vsel vm0, v12, v14;
	v41 =	vbroadcast v15, $0x0;
	v42, v25, _ =	vpop (xrf1);
	(xrf1) =	vsort.dscd.msk.f32 $0xffff, v36, v8  }
0xe2: {  	v60 =	vperm.xlane v7, v5;
	v10 =	vsel vm0, v10, v9;
	v8 =	vld [tilespmem:s15+$0x0];
	(xrf1) =	vsort.dscd.msk.f32 $0xffff, v44, v45;
	v46, v15, _ =	vpop (xrf1)  }
0xe3: {  	v48 =	vsel vm6, v19, v34;
	v16 =	vor.u32 v1, v41;
	(xrf1) =	vsort.dscd.msk.f32 $0xffff, v22, v20;
	v20, v22, _ =	vpop (xrf1)  }
0xe4: {  	v47 =	vld [tilespmem:s15+$0xFFFFFF80];
	v13 =	vor.u32 v6, v41;
	vm8 =	vge.f32 v42, v11;
	(xrf1) =	vsort.dscd.msk.f32 $0xffff, v39, v2;
	v50, v49, _ =	vpop (xrf1)  }
0xe5: {  	v11 =	vsel vm8, v42, v11;
	v19 =	vsel vm8, v25, v60;
	(xrf1) =	vsort.dscd.msk.f32 $0xffff, v40, v2;
	v14, v51, _ =	vpop (xrf1)  }
0xe6: {  	vm10 =	vge.f32 v11, v12;
	v20 =	vperm.xlane v20, v5;
	(xrf1) =	vsort.dscd.msk.f32 $0xffff, v43, v2;
	v52, v53, _ =	vpop (xrf1)  }
0xe7: {  	v54 =	vld [tilespmem:s15+$0x80];
	v22 =	vperm.xlane v22, v5;
	(xrf1) =	vsort.dscd.msk.f32 $0xffff, v8, v0;
	v8 =	vperm.xlane v52, v5  }
0xe8: {  	[tilespmem:v16+s8+$0x0] =	vst.idx.msk $0xffff, v46;
	vm9 =	vge.f32 v14, v20;
	v55 =	vperm.xlane v53, v5  }
0xe9: {  	s26 =	sadd.s32 $0x3, s14;
	(xrf1) =	vsort.dscd.msk.f32 $0xffff, v47, v0;
	v41 =	vsel vm9, v22, v51;
	vm11 =	vge.f32 v50, v8  }
0xea: {  	v7 =	vmov s26;
	v57, v56, _ =	vpop (xrf1);
	(xrf1) =	vsort.dscd.msk.f32 $0xffff, v37, v48;
	v58 =	vsel vm11, v50, v8;
	v59 =	vsel vm11, v49, v55  }
0xeb: {  	v7 =	vand.u32 $0x7F, v7;
	v44 =	vsel vm9, v20, v14;
	v22 =	vsel vm9, v51, v22;
	v62, v61, _ =	vpop (xrf1);
	(xrf1) =	vsort.dscd.msk.f32 $0xffff, v58, v59  }
0xec: {  	v63 =	vld [tilespmem:s15+$0xFFFFFF10];
	v35 =	vbroadcast v7, $0x0;
	v51 =	vsel vm10, v19, v10;
	v10 =	vsel vm10, v10, v19;
	v43, v42, _ =	vpop (xrf1);
	(xrf1) =	vsort.dscd.msk.f32 $0xffff, v54, v0  }
0xed: {  	v14 =	vsel vm9, v14, v20;
	v26 =	vperm.xlane v57, v5;
	v7 =	vsel vm11, v8, v50  }
0xee: {  	v27 =	vperm.xlane v56, v5;
	v37 =	vor.u32 v1, v35;
	v17, v21, _ =	vpop (xrf1);
	v8 =	vsel vm11, v55, v49  }
0xef: {  	v46 =	vld [tilespmem:s15+$0xFFFFFF00];
	v35 =	vor.u32 v6, v35;
	vm4 =	vge.f32 v62, v26;
	v45, v24, _ =	vpop (xrf1);
	(xrf1) =	vsort.dscd.msk.f32 $0xffff, v44, v41  }
0xf0: {  	v23 =	vperm.xlane v43, v5;
	v47 =	vsel vm4, v62, v26;
	v48, v36, _ =	vpop (xrf1);
	(xrf1) =	vsort.dscd.msk.f32 $0xffff, v7, v8  }
0xf1: {  	v39 =	vsel vm4, v61, v27;
	v26 =	vsel vm4, v26, v62;
	v38, v7, _ =	vpop (xrf1);
	(xrf1) =	vsort.dscd.msk.f32 $0xffff, v63, v2  }
0xf2: {  	v27 =	vsel vm4, v27, v61;
	v54 =	vsel vm10, v12, v11;
	v9, v8, _ =	vpop (xrf1);
	(xrf1) =	vsort.dscd.msk.f32 $0xffff, v47, v39  }
0xf3: {  	v11 =	vsel vm10, v11, v12;
	[tilespmem:v13+s8+$0x0] =	vst.idx.msk $0xffff, v45;
	v50, v49, _ =	vpop (xrf1);
	(xrf1) =	vsort.dscd.msk.f32 $0xffff, v26, v27  }
0xf4: {  	vm15 =	vge.f32 v17, v23;
	[tilespmem:v37+s8+$0x0] =	vst.idx.msk $0xffff, v48;
	v52, v53, _ =	vpop (xrf1);
	(xrf1) =	vsort.dscd.msk.f32 $0xffff, v46, v0  }
0xf5: {  	[tilespmem:v16+s9+$0x0] =	vst.idx.msk $0xffff, v15;
	v26 =	vperm.xlane v42, v5;
	v57 =	vperm.xlane v50, v5;
	v56, v55, _ =	vpop (xrf1)  }
0xf6: {  	[tilespmem:v13+s9+$0x0] =	vst.idx.msk $0xffff, v24;
	v28 =	vperm.xlane v49, v5;
	v25 =	vperm.xlane v52, v5;
	v29, v32, _ =	vpop (xrf1)  }
0xf7: {  	v31 =	vperm.xlane v53, v5;
	(xrf1) =	vsort.dscd.msk.f32 $0xffff, v14, v22;
	v20 =	vperm.xlane v56, v5;
	v58, v59, _ =	vpop (xrf1)  }
0xf8: {  	(xrf1) =	vsort.dscd.msk.f32 $0xffff, v54, v10;
	v30 =	vperm.xlane v55, v5;
	vm13 =	vge.f32 v29, v25;
	v33, v40, _ =	vpop (xrf1)  }
0xf9: {  	vm12 =	vge.f32 v58, v57;
	v61 =	vsel vm13, v25, v29;
	v62 =	vsel vm13, v31, v32;
	v19, v10, _ =	vpop (xrf1)  }
0xfa: {  	v60 =	vsel vm12, v58, v57;
	v12 =	vsel vm12, v57, v58;
	v41 =	vsel vm12, v59, v28;
	v14, v22, _ =	vpop (xrf1)  }
0xfb: {  	v28 =	vsel vm12, v28, v59;
	(xrf1) =	vsort.dscd.msk.f32 $0xffff, v61, v62;
	vm14 =	vge.f32 v14, v20  }
0xfc: {  	(xrf1) =	vsort.dscd.msk.f32 $0xffff, v12, v28;
	v46 =	vsel vm14, v22, v30;
	v22 =	vsel vm14, v30, v22  }
0xfd: {  	v45, v44, _ =	vpop (xrf1);
	(xrf1) =	vsort.dscd.msk.f32 $0xffff, v60, v41;
	v63 =	vsel vm14, v14, v20;
	v14 =	vsel vm14, v20, v14  }
0xfe: {  	v47 =	vsel vm15, v21, v26;
	v21 =	vsel vm15, v26, v21;
	[tilespmem:v35+s8+$0x0] =	vst.idx.msk $0xffff, v33;
	v20, v39, _ =	vpop (xrf1)  }
0xff: {  	v50 =	vmov s14;
	[tilespmem:v37+s9+$0x0] =	vst.idx.msk $0xffff, v36;
	v61 =	vsel vm13, v29, v25;
	(xrf1) =	vsort.dscd.msk.f32 $0xffff, v11, v51;
	v49, v48, _ =	vpop (xrf1)  }
0x100: {  	v62 =	vsel vm13, v32, v31;
	v41 =	vand.u32 $0x7C, v50;
	v51 =	vsel vm15, v17, v23;
	(xrf1) =	vsort.dscd.msk.f32 $0xffff, v14, v22;
	v14, v22, _ =	vpop (xrf1)  }
0x101: {  	s28 =	sadd.s32 $0x2, s14;
	[tilespmem:v35+s9+$0x0] =	vst.idx.msk $0xffff, v40;
	v55 =	vbroadcast v41, $0x0;
	v52 =	vperm.xlane v49, v5;
	(xrf1) =	vsort.dscd.msk.f32 $0xffff, v51, v47;
	v53, v54, _ =	vpop (xrf1)  }
0x102: {  	v37 =	vmov s28;
	v17 =	vsel vm15, v23, v17;
	v56 =	vperm.xlane v48, v5;
	(xrf1) =	vsort.dscd.msk.f32 $0xffff, v63, v46;
	v58, v57, _ =	vpop (xrf1)  }
0x103: {  	v15 =	vor.u32 v1, v55;
	v23 =	vor.u32 v6, v55;
	vm4 =	vge.f32 v58, v52  }
0x104: {  	v40 =	vand.u32 $0x7E, v37;
	(xrf1) =	vsort.dscd.msk.f32 $0xffff, v17, v21;
	v59 =	vsel vm4, v58, v52;
	v60 =	vsel vm4, v57, v56  }
0x105: {  	v13 =	vbroadcast v40, $0x0;
	v11 =	vsel vm4, v52, v58;
	v12 =	vsel vm4, v56, v57;
	(xrf1) =	vsort.dscd.msk.f32 $0xffff, v59, v60  }
0x106: {  	v19 =	vperm.xlane v19, v5;
	v10 =	vperm.xlane v10, v5;
	(xrf1) =	vsort.dscd.msk.f32 $0xffff, v11, v12  }
0x107: {  	v18 =	vperm.xlane v45, v5;
	v50 =	vor.u32 v1, v13;
	v40 =	vor.u32 v6, v13;
	v16, v17, _ =	vpop (xrf1)  }
0x108: {  	v63 =	vperm.xlane v44, v5;
	v14 =	vperm.xlane v14, v5;
	[tilespmem:v15+s8+$0x0] =	vst.idx.msk $0xffff, v38;
	v28, v29, _ =	vpop (xrf1)  }
0x109: {  	v22 =	vperm.xlane v22, v5;
	v41 =	vperm.xlane v53, v5;
	[tilespmem:v23+s8+$0x0] =	vst.idx.msk $0xffff, v9;
	v25, v26, _ =	vpop (xrf1)  }
0x10a: {  	v27 =	vperm.xlane v54, v5;
	v38 =	vperm.xlane v20, v5;
	[tilespmem:v15+s9+$0x0] =	vst.idx.msk $0xffff, v7;
	v42, v43, _ =	vpop (xrf1)  }
0x10b: {  	v17 =	vperm.xlane v17, v5;
	v16 =	vperm.xlane v16, v5;
	[tilespmem:v23+s9+$0x0] =	vst.idx.msk $0xffff, v8;
	v45, v44, _ =	vpop (xrf1)  }
0x10c: {  	v8 =	vperm.xlane v39, v5;
	vm5 =	vge.f32 v42, v14;
	vm6 =	vge.f32 v45, v41  }
0x10d: {  	(xrf1) =	vsort.dscd.msk.f32 $0xffff, v61, v62;
	v14 =	vsel vm5, v42, v14;
	v46, v34, _ =	vpop (xrf1);
	v24 =	vsel vm6, v45, v41  }
0x10e: {  	v22 =	vsel vm5, v43, v22;
	v47 =	vsel vm6, v44, v27;
	v48, v49, _ =	vpop (xrf1);
	vm7 =	vge.f32 v24, v14  }
0x10f: {  	vm8 =	vge.f32 v48, v16;
	v32 =	vsel vm7, v24, v14;
	v33 =	vsel vm7, v47, v22;
	v52, v51, _ =	vpop (xrf1)  }
0x110: {  	v14 =	vsel vm7, v14, v24;
	v17 =	vsel vm8, v49, v17;
	v12 =	vsel vm8, v48, v16;
	v36, v37, _ =	vpop (xrf1)  }
0x111: {  	v11 =	vsel vm7, v22, v47;
	(xrf1) =	vsort.dscd.msk.f32 $0xffff, v32, v33;
	vm9 =	vge.f32 v36, v18  }
0x112: {  	v35 =	vperm.xlane v51, v5;
	v24 =	vperm.xlane v52, v5;
	v54, v53, _ =	vpop (xrf1);
	v18 =	vsel vm9, v36, v18  }
0x113: {  	v55 =	vperm.xlane v54, v5;
	v21 =	vsel vm9, v37, v63;
	vm10 =	vge.f32 v18, v12;
	v32, v33, _ =	vpop (xrf1)  }
0x114: {  	(xrf1) =	vsort.dscd.msk.f32 $0xffff, v14, v11;
	v56 =	vperm.xlane v53, v5;
	v37 =	vsel vm10, v21, v17;
	v58, v57, _ =	vpop (xrf1)  }
0x115: {  	v59 =	vsel vm10, v18, v12;
	vm11 =	vge.f32 v32, v55;
	vm12 =	vge.f32 v58, v24  }
0x116: {  	(xrf1) =	vsort.dscd.msk.f32 $0xffff, v59, v37;
	v16 =	vsel vm11, v32, v55;
	v22 =	vsel vm12, v58, v24  }
0x117: {  	v27 =	vsel vm11, v33, v56;
	v60 =	vsel vm12, v57, v35;
	vm1 =	vge.f32 v16, v22  }
0x118: {  	vm13 =	vge.f32 v25, v19;
	v61 =	vsel vm1, v16, v22;
	v62 =	vsel vm1, v27, v60  }
0x119: {  	v16 =	vsel vm1, v22, v16;
	v33 =	vsel vm1, v60, v27;
	(xrf1) =	vsort.dscd.msk.f32 $0xffff, v61, v62  }
0x11a: {  	s29 =	sadd.s32 $0x1, s13;
	s30 =	sadd.s32 $0x3, s13;
	v12 =	vsel vm10, v12, v18;
	v36 =	vsel vm10, v17, v21;
	(xrf1) =	vsort.dscd.msk.f32 $0xffff, v16, v33  }
0x11b: {  	v10 =	vsel vm13, v26, v10;
	v43 =	vmov s30;
	v63 =	vmov s29;
	v42, v41, _ =	vpop (xrf1);
	(xrf1) =	vsort.dscd.msk.f32 $0xffff, v12, v36  }
0x11c: {  	v15 =	vand.u32 $0x7F, v43;
	v35 =	vand.u32 $0x7D, v63;
	vm14 =	vge.f32 v42, v38  }
0x11d: {  	v44 =	vsel vm13, v25, v19;
	v37 =	vbroadcast v35, $0x0;
	v11 =	vsel vm14, v42, v38  }
0x11e: {  	v45 =	vbroadcast v15, $0x0;
	v8 =	vsel vm14, v41, v8;
	vm15 =	vge.f32 v11, v44  }
0x11f: {  	v7 =	vor.u32 v1, v37;
	v47 =	vsel vm15, v10, v8;
	v8 =	vsel vm15, v8, v10  }
0x120: {  	[tilespmem:v50+s8+$0x0] =	vst.idx.msk $0xffff, v46;
	v46 =	vor.u32 v1, v45;
	v48 =	vsel vm15, v44, v11  }
0x121: {  	v49 =	vsel vm15, v11, v44;
	(xrf1) =	vsort.dscd.msk.f32 $0xffff, v48, v47  }
0x122: {  	[tilespmem:v40+s8+$0x0] =	vst.idx.msk $0xffff, v28;
	(xrf1) =	vsort.dscd.msk.f32 $0xffff, v49, v8;
	v8, v10, _ =	vpop (xrf1)  }
0x123: {  	[tilespmem:v50+s9+$0x0] =	vst.idx.msk $0xffff, v34;
	v52 =	vmov s13;
	v9 =	vor.u32 v6, v37;
	v50, v51, _ =	vpop (xrf1)  }
0x124: {  	v15 =	vand.u32 $0x7C, v52;
	[tilespmem:v7+s8+$0x0] =	vst.idx.msk $0xffff, v8;
	v8, v53, _ =	vpop (xrf1)  }
0x125: {  	v13 =	vor.u32 v6, v45;
	[tilespmem:v46+s8+$0x0] =	vst.idx.msk $0xffff, v8;
	v8 =	vbroadcast v15, $0x0;
	_ =	sdelay $0x1  }
0x126: {  	[tilespmem:v40+s9+$0x0] =	vst.idx.msk $0xffff, v29;
	v58 =	vor.u32 v1, v8;
	v55, v54, _ =	vpop (xrf1)  }
0x127: {  	s31 =	sadd.s32 $0x2, s13;
	[tilespmem:v9+s8+$0x0] =	vst.idx.msk $0xffff, v50;
	v57, v56, _ =	vpop (xrf1)  }
0x128: {  	v59 =	vmov s31;
	[tilespmem:v7+s9+$0x0] =	vst.idx.msk $0xffff, v10;
	v7, v10, _ =	vpop (xrf1)  }
0x129: {  	[tilespmem:v13+s8+$0x0] =	vst.idx.msk $0xffff, v7;
	v7 =	vor.u32 v6, v8;
	v8 =	vand.u32 $0x7E, v59  }
0x12a: {  	[tilespmem:v9+s9+$0x0] =	vst.idx.msk $0xffff, v51;
	v8 =	vbroadcast v8, $0x0  }
0x12b: {  	[tilespmem:v58+s8+$0x0] =	vst.idx.msk $0xffff, v55  }
0x12c: {  	[tilespmem:v46+s9+$0x0] =	vst.idx.msk $0xffff, v53;
	v60 =	vor.u32 v1, v8  }
0x12d: {  	[tilespmem:v13+s9+$0x0] =	vst.idx.msk $0xffff, v10;
	v8 =	vor.u32 v6, v8  }
0x12e: {  	[tilespmem:v7+s8+$0x0] =	vst.idx.msk $0xffff, v57  }
0x12f: {  	v61, v62, _ =	vpop (xrf1);
	[tilespmem:v58+s9+$0x0] =	vst.idx.msk $0xffff, v54  }
0x130: {  	[tilespmem:v7+s9+$0x0] =	vst.idx.msk $0xffff, v56;
	v7, v63, _ =	vpop (xrf1)  }
0x131: {  	[tilespmem:v60+s8+$0x0] =	vst.idx.msk $0xffff, v7  }
0x132: {  	[tilespmem:v8+s8+$0x0] =	vst.idx.msk $0xffff, v61  }
0x133: {  	[tilespmem:v60+s9+$0x0] =	vst.idx.msk $0xffff, v63  }
0x134: {  	[tilespmem:v8+s9+$0x0] =	vst.idx.msk $0xffff, v62  }
0x135: {  	[hbm4b:s4+s10] =	stream.strided.scatter [tilespmem:s9], [sflag:$0x1], $0x1000, s11, s10, $0x38;
	[tilespmem:$0x6000] =	vst v63  }
0x136: {  	s12 =	sadd.s32 $0x1, s12;
	_ =	swait.ge [sflag:s7], $0x1000  }
0x137: {  	p0 =	sne.s32 s12, s6;
	[sflag:s7] =	ssyncset.done $0x0  }
.Ltmp1:
0x138: {  	[sflag:s7] =	ssyncadd.s32 $0xFFFFF000;
	(pc) =	sbr.rel @p0 .LBB2_1-.Ltmp1, $4  }
0x139: {  	[hbm4b:s5+s10] =	stream.strided.scatter [tilespmem:s8], [sflag:$0x1], $0x1000, s11, s10, $0x38;
	[tilespmem:$0x6000] =	vst v63  }
0x13a: {  	_ =	swait.ge [sflag:s7], $0x1000  }
0x13b: {  	[sflag:s7] =	ssyncset.done $0x0  }
0x13c: {  	[sflag:s7] =	ssyncadd.s32 $0xFFFFF000  }
0x13d: {  	_ =	sfence.sel $0x180000  }
0x13e: {  	[bflag:$0x0] =	sbarrier.arrive $0xFFFF  }
0x13f: {  	p0 =	sne.s32 s0, $0x0;
	_ =	strace $0x90000050  }
0x140: {  	s0 =	sadd.s32 @!p0 $0x100000, s1;
	[bflag:$0x2] =	sbarrier.arrive $0xFFFF  }
0x141: {  	[sflag:s0] =	ssyncadd.tile.s32 @!p0 $0x1;
	_ =	shalt  }
.Lfunc_end2:
_tile_overlayer_lowered:
.L_overlay_start_2:
0x142: {  	(tag) =	ssettag $0x2  }
0x143: {  	s0 =	rddreg [dreg:$0x0];
	s2 =	stileid.u32  }
0x144: {  	s1 =	rddreg [dreg:$0x1];
	p0 =	sne.s32 s2, $0x0  }
0x145: {  	s3 =	rddreg [dreg:$0x2];
	[bflag:$0x3] =	sbarrier.arrive $0xFFFF;
	s2 =	simm.s32 @!p0 $0x1C01  }
0x146: {  	[timem:s3], [sflag:s2] =	dma.local @!p0 [hbm:s0], s1  }
0x147: {  	s0 =	simm.s32 @!p0 $0x1  }
0x148: {  	_ =	swait.ge @!p0 [sflag:s0], s1  }
0x149: {  	s1 =	ssub.s32 @!p0 $0x0, s1;
	[sflag:s0] =	ssyncset.done @!p0 $0x0  }
0x14a: {  	[sflag:s0] =	ssyncadd.s32 @!p0 s1  }
0x14b: {  	[bflag:$0x3] =	sbarrier.arrive $0xFFFF  }
0x14c: {  	_ =	shalt  }

</sc_bundles>
